<compile_context>
chip_gen: v7x
topology: tpu7x:2x2x1
jax: 0.10.2.dev20260603
libtpu: 0.0.44.dev20260713+nightly
codegen_flags: <defaults>
</compile_context>

<pallas_src>
import functools

import jax
import jax.numpy as jnp
from jax import lax
from jax.experimental import pallas as pl
from jax.experimental.pallas import tpu as pltpu
from jax.experimental.pallas import tpu_sc as plsc

_TOKENS = 8192
_NE = 64
_K = 2
_NC = 2
_NS = 16
_NW = _NC * _NS
_TPW = _TOKENS // _NW
_L = 16
_GROUPS = _TPW // _L
_XCOLS = 128


@functools.partial(
    pl.kernel,
    mesh=plsc.VectorSubcoreMesh(core_axis_name="c", subcore_axis_name="s"),
    compiler_params=pltpu.CompilerParams(needs_layout_passes=False),
    out_type=(
        jax.ShapeDtypeStruct((_TOKENS, _K), jnp.int32),
        jax.ShapeDtypeStruct((_TOKENS, _K), jnp.float32),
    ),
    scratch_types=[
        pltpu.VMEM((_TPW, _XCOLS), jnp.float32),
        pltpu.VMEM((_NE,), jnp.float32),
        pltpu.VMEM((_TPW, _K), jnp.int32),
        pltpu.VMEM((_TPW, _K), jnp.float32),
    ],
)
def _gate_topk(inp_hbm, b_hbm, idx_hbm, val_hbm, x_v, b_v, idx_v, val_v):
    wid = lax.axis_index("s") * _NC + lax.axis_index("c")
    base = wid * _TPW
    pltpu.sync_copy(inp_hbm.at[pl.ds(base, _TPW), pl.ds(0, _XCOLS)], x_v)
    pltpu.sync_copy(b_hbm, b_v)

    lanes = lax.iota(jnp.int32, _L)
    neg_inf = jnp.full((_L,), -jnp.inf, jnp.float32)
    zero_i = jnp.zeros((_L,), jnp.int32)

    def group(g, carry):
        rows = jnp.full((_L,), g * _L, jnp.int32) + lanes
        max1 = neg_inf
        idx1 = zero_i
        max2 = neg_inf
        idx2 = zero_i
        for e in range(_NE):
            col = (lanes + jnp.full((_L,), e, jnp.int32)) \
                & jnp.full((_L,), _NE - 1, jnp.int32)
            x = plsc.load_gather(x_v, [rows, col])
            u = plsc.bitcast(x, jnp.int32)
            u = (u + jnp.full((_L,), 0x7FFF, jnp.int32)
                 + ((u >> jnp.full((_L,), 16, jnp.int32))
                    & jnp.full((_L,), 1, jnp.int32)))
            u = u & jnp.full((_L,), -65536, jnp.int32)
            v = plsc.bitcast(u, jnp.float32) + plsc.load_gather(b_v, [col])
            m1 = (v > max1) | ((v == max1) & (col < idx1))
            dem_v = jnp.where(m1, max1, v)
            dem_i = jnp.where(m1, idx1, col)
            max1 = jnp.where(m1, v, max1)
            idx1 = jnp.where(m1, col, idx1)
            m2 = (dem_v > max2) | ((dem_v == max2) & (dem_i < idx2))
            max2 = jnp.where(m2, dem_v, max2)
            idx2 = jnp.where(m2, dem_i, idx2)
        one_i = jnp.full((_L,), 1, jnp.int32)
        plsc.store_scatter(val_v, [rows, zero_i], max1)
        plsc.store_scatter(val_v, [rows, one_i], max2)
        plsc.store_scatter(idx_v, [rows, zero_i], idx1)
        plsc.store_scatter(idx_v, [rows, one_i], idx2)
        return carry

    lax.fori_loop(0, _GROUPS, group, 0)
    pltpu.sync_copy(idx_v, idx_hbm.at[pl.ds(base, _TPW)])
    pltpu.sync_copy(val_v, val_hbm.at[pl.ds(base, _TPW)])


def kernel(inp, W, b):
    del W
    return _gate_topk(inp, b)

# --- scband reference (transcript-rebuilt; emitter-appended) ---
"""Pipeline reference for scband-naive-gate-29738353558216 (READ-ONLY COPY).

The authoritative reference and input builder live on the scoring server;
editing this copy changes nothing except your own understanding.
"""

import jax, jax.numpy as jnp
import numpy as np

D_MODEL = 4096
TOT_EXPERT = 64  # num_expert * world_size
TOP_K = 2
TOKENS = 8192


def setup_inputs(seed: int = 0) -> dict:
    key = jax.random.key(seed)
    k1, k2 = jax.random.split(key)
    inp = jax.random.normal(k1, (TOKENS, D_MODEL), dtype=jnp.float32)
    # wg_init: weight zeroed then fill_diagonal_(1)
    W = jnp.zeros((TOT_EXPERT, D_MODEL), dtype=jnp.float32)
    d = jnp.arange(TOT_EXPERT)
    W = W.at[d, d].set(1.0)
    # nn.Linear default bias init: U(-1/sqrt(fan_in), 1/sqrt(fan_in))
    bound = 1.0 / np.sqrt(D_MODEL)
    b = jax.random.uniform(k2, (TOT_EXPERT,), dtype=jnp.float32, minval=-bound, maxval=bound)
    return {"inp": inp, "W": W, "b": b}


def reference(inp, W, b):
    # gate = self.gate(inp)
    gate = inp @ W.T + b
    # torch.topk(gate, k=top_k, dim=-1, largest=True)
    gate_top_k_val, gate_top_k_idx = jax.lax.top_k(gate, TOP_K)
    gate_top_k_val = gate_top_k_val.reshape(-1, TOP_K)
    # gate_score (softmax) is computed in the original but not returned
    return (gate_top_k_idx, gate_top_k_val)

if __name__ == "__main__":
    import jax
    _d = setup_inputs()
    print(jax.jit(kernel)(*tuple(_d.values())))

</pallas_src>

<mosaic_0001>
#map = affine_map<(d0, d1) -> (0, 0)>
#map1 = affine_map<(d0, d1) -> (0)>
module attributes {stable_mosaic.version = 14 : i64} {
  func.func @_gate_topk(%arg0: i32, %arg1: i32, %arg2: memref<8192x4096xf32, #tpu.memory_space<hbm>>, %arg3: memref<64xf32, #tpu.memory_space<hbm>>, %arg4: memref<8192x2xi32, #tpu.memory_space<hbm>>, %arg5: memref<8192x2xf32, #tpu.memory_space<hbm>>, %arg6: memref<256x128xf32, #tpu.memory_space<vmem>>, %arg7: memref<64xf32, #tpu.memory_space<vmem>>, %arg8: memref<256x2xi32, #tpu.memory_space<vmem>>, %arg9: memref<256x2xf32, #tpu.memory_space<vmem>>) attributes {dimension_semantics = [#tpu.dimension_semantics<core_parallel>, #tpu.dimension_semantics<subcore_parallel>], iteration_bounds = array<i64: 2, 16>, scalar_prefetch = 0 : i64, scratch_operands = 4 : i64, tpu.core_type = #tpu.core_type<sc_vector_subcore>, window_params = [{transform_indices = #map}, {transform_indices = #map1}, {transform_indices = #map}, {transform_indices = #map}]} {
    %mul3A = arith.constant 2 : i32
    %mul3A_0 = arith.muli %arg1, %mul3A : i32
    %add3A = arith.addi %mul3A_0, %arg0 : i32
    %mul3A_1 = arith.constant 256 : i32
    %mul3A_2 = arith.muli %add3A, %mul3A_1 : i32
    "tpu.region"() ({
      %run_scoped3A = tpu.sem_alloc : memref<!tpu.dma_semaphore, #tpu.memory_space<semaphore_mem>>
      %dma_start3A = arith.constant 0 : i32
      %dma_start3A_11 = tpu.memref_slice %arg2[%mul3A_2, %dma_start3A] : memref<8192x4096xf32, #tpu.memory_space<hbm>> -> memref<256x128xf32, #tpu.memory_space<hbm>>
      %dma_start3A_12 = arith.constant 0 : i32
      %dma_start3A_13 = tpu.memref_slice %arg2[%mul3A_2, %dma_start3A_12] : memref<8192x4096xf32, #tpu.memory_space<hbm>> -> memref<256x128xf32, #tpu.memory_space<hbm>>
      tpu.enqueue_dma source(%dma_start3A_13 : memref<256x128xf32, #tpu.memory_space<hbm>>) target(%arg6 : memref<256x128xf32, #tpu.memory_space<vmem>>) target_semaphore(%run_scoped3A : memref<!tpu.dma_semaphore, #tpu.memory_space<semaphore_mem>>)
      %dma_wait3A = arith.constant 0 : i32
      %dma_wait3A_14 = tpu.memref_slice %arg2[%mul3A_2, %dma_wait3A] : memref<8192x4096xf32, #tpu.memory_space<hbm>> -> memref<256x128xf32, #tpu.memory_space<hbm>>
      %dma_wait3A_15 = arith.constant 0 : i32
      %dma_wait3A_16 = tpu.memref_slice %arg2[%mul3A_2, %dma_wait3A_15] : memref<8192x4096xf32, #tpu.memory_space<hbm>> -> memref<256x128xf32, #tpu.memory_space<hbm>>
      tpu.wait_dma2 semaphore(%run_scoped3A : memref<!tpu.dma_semaphore, #tpu.memory_space<semaphore_mem>>) src(%dma_wait3A_16 : memref<256x128xf32, #tpu.memory_space<hbm>>) dst(%arg6 : memref<256x128xf32, #tpu.memory_space<vmem>>)
      tpu.yield
    }) : () -> ()
    "tpu.region"() ({
      %run_scoped3A = tpu.sem_alloc : memref<!tpu.dma_semaphore, #tpu.memory_space<semaphore_mem>>
      tpu.enqueue_dma source(%arg3 : memref<64xf32, #tpu.memory_space<hbm>>) target(%arg7 : memref<64xf32, #tpu.memory_space<vmem>>) target_semaphore(%run_scoped3A : memref<!tpu.dma_semaphore, #tpu.memory_space<semaphore_mem>>)
      tpu.wait_dma2 semaphore(%run_scoped3A : memref<!tpu.dma_semaphore, #tpu.memory_space<semaphore_mem>>) src(%arg3 : memref<64xf32, #tpu.memory_space<hbm>>) dst(%arg7 : memref<64xf32, #tpu.memory_space<vmem>>)
      tpu.yield
    }) : () -> ()
    %iota3A = tpu.iota {dimensions = array<i32: 0>} : vector<16xi32>
    %broadcast_in_dim3A = arith.constant 0xFF800000 : f32
    %broadcast_in_dim3A_3 = vector.broadcast %broadcast_in_dim3A : f32 to vector<16xf32>
    %broadcast_in_dim3A_4 = arith.constant 0 : i32
    %broadcast_in_dim3A_5 = vector.broadcast %broadcast_in_dim3A_4 : i32 to vector<16xi32>
    %scan3A = arith.constant 0 : i32
    %scan3A_6 = arith.constant 0 : i32
    %scan3A_7 = arith.constant 16 : i32
    %scan3A_8 = arith.addi %scan3A_6, %scan3A_7 : i32
    %scan3A_9 = arith.constant 1 : i32
    scf.for %scan3A_11 = %scan3A_6 to %scan3A_8 step %scan3A_9  : i32 {
      %mul3A_12 = arith.constant 16 : i32
      %mul3A_13 = arith.muli %scan3A_11, %mul3A_12 : i32
      %broadcast_in_dim3A_14 = vector.broadcast %mul3A_13 : i32 to vector<16xi32>
      %add3A_15 = arith.addi %broadcast_in_dim3A_14, %iota3A : vector<16xi32>
      %broadcast_in_dim3A_16 = arith.constant 0 : i32
      %broadcast_in_dim3A_17 = vector.broadcast %broadcast_in_dim3A_16 : i32 to vector<16xi32>
      %add3A_18 = arith.addi %iota3A, %broadcast_in_dim3A_17 : vector<16xi32>
      %broadcast_in_dim3A_19 = arith.constant 63 : i32
      %broadcast_in_dim3A_20 = vector.broadcast %broadcast_in_dim3A_19 : i32 to vector<16xi32>
      %and3A = arith.andi %add3A_18, %broadcast_in_dim3A_20 : vector<16xi32>
      %gather3A = tpu.vector_load_idx %arg6[%add3A_15, %and3A] : memref<256x128xf32, #tpu.memory_space<vmem>>[vector<16xi32>, vector<16xi32>], vector<16xf32>,
      %bitcast3A = vector.bitcast %gather3A : vector<16xf32> to vector<16xi32>
      %broadcast_in_dim3A_21 = arith.constant 32767 : i32
      %broadcast_in_dim3A_22 = vector.broadcast %broadcast_in_dim3A_21 : i32 to vector<16xi32>
      %add3A_23 = arith.addi %bitcast3A, %broadcast_in_dim3A_22 : vector<16xi32>
      %broadcast_in_dim3A_24 = arith.constant 16 : i32
      %broadcast_in_dim3A_25 = vector.broadcast %broadcast_in_dim3A_24 : i32 to vector<16xi32>
      %shift_right_arithmetic3A = arith.shrsi %bitcast3A, %broadcast_in_dim3A_25 : vector<16xi32>
      %broadcast_in_dim3A_26 = arith.constant 1 : i32
      %broadcast_in_dim3A_27 = vector.broadcast %broadcast_in_dim3A_26 : i32 to vector<16xi32>
      %and3A_28 = arith.andi %shift_right_arithmetic3A, %broadcast_in_dim3A_27 : vector<16xi32>
      %add3A_29 = arith.addi %add3A_23, %and3A_28 : vector<16xi32>
      %broadcast_in_dim3A_30 = arith.constant -65536 : i32
      %broadcast_in_dim3A_31 = vector.broadcast %broadcast_in_dim3A_30 : i32 to vector<16xi32>
      %and3A_32 = arith.andi %add3A_29, %broadcast_in_dim3A_31 : vector<16xi32>
      %bitcast3A_33 = vector.bitcast %and3A_32 : vector<16xi32> to vector<16xf32>
      %gather3A_34 = tpu.vector_load_idx %arg7[%and3A] : memref<64xf32, #tpu.memory_space<vmem>>[vector<16xi32>], vector<16xf32>,
      %add3A_35 = arith.addf %bitcast3A_33, %gather3A_34 : vector<16xf32>
      %gt3A = arith.cmpf ogt, %add3A_35, %broadcast_in_dim3A_3 : vector<16xf32>
      %eq3A = arith.cmpf oeq, %add3A_35, %broadcast_in_dim3A_3 : vector<16xf32>
      %lt3A = arith.cmpi slt, %and3A, %broadcast_in_dim3A_5 : vector<16xi32>
      %and3A_36 = arith.andi %eq3A, %lt3A : vector<16xi1>
      %or3A = arith.ori %gt3A, %and3A_36 : vector<16xi1>
      %select_n3A = arith.select %or3A, %broadcast_in_dim3A_3, %add3A_35 : vector<16xi1>, vector<16xf32>
      %select_n3A_37 = arith.select %or3A, %broadcast_in_dim3A_5, %and3A : vector<16xi1>, vector<16xi32>
      %select_n3A_38 = arith.select %or3A, %add3A_35, %broadcast_in_dim3A_3 : vector<16xi1>, vector<16xf32>
      %select_n3A_39 = arith.select %or3A, %and3A, %broadcast_in_dim3A_5 : vector<16xi1>, vector<16xi32>
      %gt3A_40 = arith.cmpf ogt, %select_n3A, %broadcast_in_dim3A_3 : vector<16xf32>
      %eq3A_41 = arith.cmpf oeq, %select_n3A, %broadcast_in_dim3A_3 : vector<16xf32>
      %lt3A_42 = arith.cmpi slt, %select_n3A_37, %broadcast_in_dim3A_5 : vector<16xi32>
      %and3A_43 = arith.andi %eq3A_41, %lt3A_42 : vector<16xi1>
      %or3A_44 = arith.ori %gt3A_40, %and3A_43 : vector<16xi1>
      %select_n3A_45 = arith.select %or3A_44, %select_n3A, %broadcast_in_dim3A_3 : vector<16xi1>, vector<16xf32>
      %select_n3A_46 = arith.select %or3A_44, %select_n3A_37, %broadcast_in_dim3A_5 : vector<16xi1>, vector<16xi32>
      %broadcast_in_dim3A_47 = arith.constant 1 : i32
      %broadcast_in_dim3A_48 = vector.broadcast %broadcast_in_dim3A_47 : i32 to vector<16xi32>
      %add3A_49 = arith.addi %iota3A, %broadcast_in_dim3A_48 : vector<16xi32>
      %broadcast_in_dim3A_50 = arith.constant 63 : i32
      %broadcast_in_dim3A_51 = vector.broadcast %broadcast_in_dim3A_50 : i32 to vector<16xi32>
      %and3A_52 = arith.andi %add3A_49, %broadcast_in_dim3A_51 : vector<16xi32>
      %gather3A_53 = tpu.vector_load_idx %arg6[%add3A_15, %and3A_52] : memref<256x128xf32, #tpu.memory_space<vmem>>[vector<16xi32>, vector<16xi32>], vector<16xf32>,
      %bitcast3A_54 = vector.bitcast %gather3A_53 : vector<16xf32> to vector<16xi32>
      %broadcast_in_dim3A_55 = arith.constant 32767 : i32
      %broadcast_in_dim3A_56 = vector.broadcast %broadcast_in_dim3A_55 : i32 to vector<16xi32>
      %add3A_57 = arith.addi %bitcast3A_54, %broadcast_in_dim3A_56 : vector<16xi32>
      %broadcast_in_dim3A_58 = arith.constant 16 : i32
      %broadcast_in_dim3A_59 = vector.broadcast %broadcast_in_dim3A_58 : i32 to vector<16xi32>
      %shift_right_arithmetic3A_60 = arith.shrsi %bitcast3A_54, %broadcast_in_dim3A_59 : vector<16xi32>
      %broadcast_in_dim3A_61 = arith.constant 1 : i32
      %broadcast_in_dim3A_62 = vector.broadcast %broadcast_in_dim3A_61 : i32 to vector<16xi32>
      %and3A_63 = arith.andi %shift_right_arithmetic3A_60, %broadcast_in_dim3A_62 : vector<16xi32>
      %add3A_64 = arith.addi %add3A_57, %and3A_63 : vector<16xi32>
      %broadcast_in_dim3A_65 = arith.constant -65536 : i32
      %broadcast_in_dim3A_66 = vector.broadcast %broadcast_in_dim3A_65 : i32 to vector<16xi32>
      %and3A_67 = arith.andi %add3A_64, %broadcast_in_dim3A_66 : vector<16xi32>
      %bitcast3A_68 = vector.bitcast %and3A_67 : vector<16xi32> to vector<16xf32>
      %gather3A_69 = tpu.vector_load_idx %arg7[%and3A_52] : memref<64xf32, #tpu.memory_space<vmem>>[vector<16xi32>], vector<16xf32>,
      %add3A_70 = arith.addf %bitcast3A_68, %gather3A_69 : vector<16xf32>
      %gt3A_71 = arith.cmpf ogt, %add3A_70, %select_n3A_38 : vector<16xf32>
      %eq3A_72 = arith.cmpf oeq, %add3A_70, %select_n3A_38 : vector<16xf32>
      %lt3A_73 = arith.cmpi slt, %and3A_52, %select_n3A_39 : vector<16xi32>
      %and3A_74 = arith.andi %eq3A_72, %lt3A_73 : vector<16xi1>
      %or3A_75 = arith.ori %gt3A_71, %and3A_74 : vector<16xi1>
      %select_n3A_76 = arith.select %or3A_75, %select_n3A_38, %add3A_70 : vector<16xi1>, vector<16xf32>
      %select_n3A_77 = arith.select %or3A_75, %select_n3A_39, %and3A_52 : vector<16xi1>, vector<16xi32>
      %select_n3A_78 = arith.select %or3A_75, %add3A_70, %select_n3A_38 : vector<16xi1>, vector<16xf32>
      %select_n3A_79 = arith.select %or3A_75, %and3A_52, %select_n3A_39 : vector<16xi1>, vector<16xi32>
      %gt3A_80 = arith.cmpf ogt, %select_n3A_76, %select_n3A_45 : vector<16xf32>
      %eq3A_81 = arith.cmpf oeq, %select_n3A_76, %select_n3A_45 : vector<16xf32>
      %lt3A_82 = arith.cmpi slt, %select_n3A_77, %select_n3A_46 : vector<16xi32>
      %and3A_83 = arith.andi %eq3A_81, %lt3A_82 : vector<16xi1>
      %or3A_84 = arith.ori %gt3A_80, %and3A_83 : vector<16xi1>
      %select_n3A_85 = arith.select %or3A_84, %select_n3A_76, %select_n3A_45 : vector<16xi1>, vector<16xf32>
      %select_n3A_86 = arith.select %or3A_84, %select_n3A_77, %select_n3A_46 : vector<16xi1>, vector<16xi32>
      %broadcast_in_dim3A_87 = arith.constant 2 : i32
      %broadcast_in_dim3A_88 = vector.broadcast %broadcast_in_dim3A_87 : i32 to vector<16xi32>
      %add3A_89 = arith.addi %iota3A, %broadcast_in_dim3A_88 : vector<16xi32>
      %broadcast_in_dim3A_90 = arith.constant 63 : i32
      %broadcast_in_dim3A_91 = vector.broadcast %broadcast_in_dim3A_90 : i32 to vector<16xi32>
      %and3A_92 = arith.andi %add3A_89, %broadcast_in_dim3A_91 : vector<16xi32>
      %gather3A_93 = tpu.vector_load_idx %arg6[%add3A_15, %and3A_92] : memref<256x128xf32, #tpu.memory_space<vmem>>[vector<16xi32>, vector<16xi32>], vector<16xf32>,
      %bitcast3A_94 = vector.bitcast %gather3A_93 : vector<16xf32> to vector<16xi32>
      %broadcast_in_dim3A_95 = arith.constant 32767 : i32
      %broadcast_in_dim3A_96 = vector.broadcast %broadcast_in_dim3A_95 : i32 to vector<16xi32>
      %add3A_97 = arith.addi %bitcast3A_94, %broadcast_in_dim3A_96 : vector<16xi32>
      %broadcast_in_dim3A_98 = arith.constant 16 : i32
      %broadcast_in_dim3A_99 = vector.broadcast %broadcast_in_dim3A_98 : i32 to vector<16xi32>
      %shift_right_arithmetic3A_100 = arith.shrsi %bitcast3A_94, %broadcast_in_dim3A_99 : vector<16xi32>
      %broadcast_in_dim3A_101 = arith.constant 1 : i32
      %broadcast_in_dim3A_102 = vector.broadcast %broadcast_in_dim3A_101 : i32 to vector<16xi32>
      %and3A_103 = arith.andi %shift_right_arithmetic3A_100, %broadcast_in_dim3A_102 : vector<16xi32>
      %add3A_104 = arith.addi %add3A_97, %and3A_103 : vector<16xi32>
      %broadcast_in_dim3A_105 = arith.constant -65536 : i32
      %broadcast_in_dim3A_106 = vector.broadcast %broadcast_in_dim3A_105 : i32 to vector<16xi32>
      %and3A_107 = arith.andi %add3A_104, %broadcast_in_dim3A_106 : vector<16xi32>
      %bitcast3A_108 = vector.bitcast %and3A_107 : vector<16xi32> to vector<16xf32>
      %gather3A_109 = tpu.vector_load_idx %arg7[%and3A_92] : memref<64xf32, #tpu.memory_space<vmem>>[vector<16xi32>], vector<16xf32>,
      %add3A_110 = arith.addf %bitcast3A_108, %gather3A_109 : vector<16xf32>
      %gt3A_111 = arith.cmpf ogt, %add3A_110, %select_n3A_78 : vector<16xf32>
      %eq3A_112 = arith.cmpf oeq, %add3A_110, %select_n3A_78 : vector<16xf32>
      %lt3A_113 = arith.cmpi slt, %and3A_92, %select_n3A_79 : vector<16xi32>
      %and3A_114 = arith.andi %eq3A_112, %lt3A_113 : vector<16xi1>
      %or3A_115 = arith.ori %gt3A_111, %and3A_114 : vector<16xi1>
      %select_n3A_116 = arith.select %or3A_115, %select_n3A_78, %add3A_110 : vector<16xi1>, vector<16xf32>
      %select_n3A_117 = arith.select %or3A_115, %select_n3A_79, %and3A_92 : vector<16xi1>, vector<16xi32>
      %select_n3A_118 = arith.select %or3A_115, %add3A_110, %select_n3A_78 : vector<16xi1>, vector<16xf32>
      %select_n3A_119 = arith.select %or3A_115, %and3A_92, %select_n3A_79 : vector<16xi1>, vector<16xi32>
      %gt3A_120 = arith.cmpf ogt, %select_n3A_116, %select_n3A_85 : vector<16xf32>
      %eq3A_121 = arith.cmpf oeq, %select_n3A_116, %select_n3A_85 : vector<16xf32>
      %lt3A_122 = arith.cmpi slt, %select_n3A_117, %select_n3A_86 : vector<16xi32>
      %and3A_123 = arith.andi %eq3A_121, %lt3A_122 : vector<16xi1>
      %or3A_124 = arith.ori %gt3A_120, %and3A_123 : vector<16xi1>
      %select_n3A_125 = arith.select %or3A_124, %select_n3A_116, %select_n3A_85 : vector<16xi1>, vector<16xf32>
      %select_n3A_126 = arith.select %or3A_124, %select_n3A_117, %select_n3A_86 : vector<16xi1>, vector<16xi32>
      %broadcast_in_dim3A_127 = arith.constant 3 : i32
      %broadcast_in_dim3A_128 = vector.broadcast %broadcast_in_dim3A_127 : i32 to vector<16xi32>
      %add3A_129 = arith.addi %iota3A, %broadcast_in_dim3A_128 : vector<16xi32>
      %broadcast_in_dim3A_130 = arith.constant 63 : i32
      %broadcast_in_dim3A_131 = vector.broadcast %broadcast_in_dim3A_130 : i32 to vector<16xi32>
      %and3A_132 = arith.andi %add3A_129, %broadcast_in_dim3A_131 : vector<16xi32>
      %gather3A_133 = tpu.vector_load_idx %arg6[%add3A_15, %and3A_132] : memref<256x128xf32, #tpu.memory_space<vmem>>[vector<16xi32>, vector<16xi32>], vector<16xf32>,
      %bitcast3A_134 = vector.bitcast %gather3A_133 : vector<16xf32> to vector<16xi32>
      %broadcast_in_dim3A_135 = arith.constant 32767 : i32
      %broadcast_in_dim3A_136 = vector.broadcast %broadcast_in_dim3A_135 : i32 to vector<16xi32>
      %add3A_137 = arith.addi %bitcast3A_134, %broadcast_in_dim3A_136 : vector<16xi32>
      %broadcast_in_dim3A_138 = arith.constant 16 : i32
      %broadcast_in_dim3A_139 = vector.broadcast %broadcast_in_dim3A_138 : i32 to vector<16xi32>
      %shift_right_arithmetic3A_140 = arith.shrsi %bitcast3A_134, %broadcast_in_dim3A_139 : vector<16xi32>
      %broadcast_in_dim3A_141 = arith.constant 1 : i32
      %broadcast_in_dim3A_142 = vector.broadcast %broadcast_in_dim3A_141 : i32 to vector<16xi32>
      %and3A_143 = arith.andi %shift_right_arithmetic3A_140, %broadcast_in_dim3A_142 : vector<16xi32>
      %add3A_144 = arith.addi %add3A_137, %and3A_143 : vector<16xi32>
      %broadcast_in_dim3A_145 = arith.constant -65536 : i32
      %broadcast_in_dim3A_146 = vector.broadcast %broadcast_in_dim3A_145 : i32 to vector<16xi32>
      %and3A_147 = arith.andi %add3A_144, %broadcast_in_dim3A_146 : vector<16xi32>
      %bitcast3A_148 = vector.bitcast %and3A_147 : vector<16xi32> to vector<16xf32>
      %gather3A_149 = tpu.vector_load_idx %arg7[%and3A_132] : memref<64xf32, #tpu.memory_space<vmem>>[vector<16xi32>], vector<16xf32>,
      %add3A_150 = arith.addf %bitcast3A_148, %gather3A_149 : vector<16xf32>
      %gt3A_151 = arith.cmpf ogt, %add3A_150, %select_n3A_118 : vector<16xf32>
      %eq3A_152 = arith.cmpf oeq, %add3A_150, %select_n3A_118 : vector<16xf32>
      %lt3A_153 = arith.cmpi slt, %and3A_132, %select_n3A_119 : vector<16xi32>
      %and3A_154 = arith.andi %eq3A_152, %lt3A_153 : vector<16xi1>
      %or3A_155 = arith.ori %gt3A_151, %and3A_154 : vector<16xi1>
      %select_n3A_156 = arith.select %or3A_155, %select_n3A_118, %add3A_150 : vector<16xi1>, vector<16xf32>
      %select_n3A_157 = arith.select %or3A_155, %select_n3A_119, %and3A_132 : vector<16xi1>, vector<16xi32>
      %select_n3A_158 = arith.select %or3A_155, %add3A_150, %select_n3A_118 : vector<16xi1>, vector<16xf32>
      %select_n3A_159 = arith.select %or3A_155, %and3A_132, %select_n3A_119 : vector<16xi1>, vector<16xi32>
      %gt3A_160 = arith.cmpf ogt, %select_n3A_156, %select_n3A_125 : vector<16xf32>
      %eq3A_161 = arith.cmpf oeq, %select_n3A_156, %select_n3A_125 : vector<16xf32>
      %lt3A_162 = arith.cmpi slt, %select_n3A_157, %select_n3A_126 : vector<16xi32>
      %and3A_163 = arith.andi %eq3A_161, %lt3A_162 : vector<16xi1>
      %or3A_164 = arith.ori %gt3A_160, %and3A_163 : vector<16xi1>
      %select_n3A_165 = arith.select %or3A_164, %select_n3A_156, %select_n3A_125 : vector<16xi1>, vector<16xf32>
      %select_n3A_166 = arith.select %or3A_164, %select_n3A_157, %select_n3A_126 : vector<16xi1>, vector<16xi32>
      %broadcast_in_dim3A_167 = arith.constant 4 : i32
      %broadcast_in_dim3A_168 = vector.broadcast %broadcast_in_dim3A_167 : i32 to vector<16xi32>
      %add3A_169 = arith.addi %iota3A, %broadcast_in_dim3A_168 : vector<16xi32>
      %broadcast_in_dim3A_170 = arith.constant 63 : i32
      %broadcast_in_dim3A_171 = vector.broadcast %broadcast_in_dim3A_170 : i32 to vector<16xi32>
      %and3A_172 = arith.andi %add3A_169, %broadcast_in_dim3A_171 : vector<16xi32>
      %gather3A_173 = tpu.vector_load_idx %arg6[%add3A_15, %and3A_172] : memref<256x128xf32, #tpu.memory_space<vmem>>[vector<16xi32>, vector<16xi32>], vector<16xf32>,
      %bitcast3A_174 = vector.bitcast %gather3A_173 : vector<16xf32> to vector<16xi32>
      %broadcast_in_dim3A_175 = arith.constant 32767 : i32
      %broadcast_in_dim3A_176 = vector.broadcast %broadcast_in_dim3A_175 : i32 to vector<16xi32>
      %add3A_177 = arith.addi %bitcast3A_174, %broadcast_in_dim3A_176 : vector<16xi32>
      %broadcast_in_dim3A_178 = arith.constant 16 : i32
      %broadcast_in_dim3A_179 = vector.broadcast %broadcast_in_dim3A_178 : i32 to vector<16xi32>
      %shift_right_arithmetic3A_180 = arith.shrsi %bitcast3A_174, %broadcast_in_dim3A_179 : vector<16xi32>
      %broadcast_in_dim3A_181 = arith.constant 1 : i32
      %broadcast_in_dim3A_182 = vector.broadcast %broadcast_in_dim3A_181 : i32 to vector<16xi32>
      %and3A_183 = arith.andi %shift_right_arithmetic3A_180, %broadcast_in_dim3A_182 : vector<16xi32>
      %add3A_184 = arith.addi %add3A_177, %and3A_183 : vector<16xi32>
      %broadcast_in_dim3A_185 = arith.constant -65536 : i32
      %broadcast_in_dim3A_186 = vector.broadcast %broadcast_in_dim3A_185 : i32 to vector<16xi32>
      %and3A_187 = arith.andi %add3A_184, %broadcast_in_dim3A_186 : vector<16xi32>
      %bitcast3A_188 = vector.bitcast %and3A_187 : vector<16xi32> to vector<16xf32>
      %gather3A_189 = tpu.vector_load_idx %arg7[%and3A_172] : memref<64xf32, #tpu.memory_space<vmem>>[vector<16xi32>], vector<16xf32>,
      %add3A_190 = arith.addf %bitcast3A_188, %gather3A_189 : vector<16xf32>
      %gt3A_191 = arith.cmpf ogt, %add3A_190, %select_n3A_158 : vector<16xf32>
      %eq3A_192 = arith.cmpf oeq, %add3A_190, %select_n3A_158 : vector<16xf32>
      %lt3A_193 = arith.cmpi slt, %and3A_172, %select_n3A_159 : vector<16xi32>
      %and3A_194 = arith.andi %eq3A_192, %lt3A_193 : vector<16xi1>
      %or3A_195 = arith.ori %gt3A_191, %and3A_194 : vector<16xi1>
      %select_n3A_196 = arith.select %or3A_195, %select_n3A_158, %add3A_190 : vector<16xi1>, vector<16xf32>
      %select_n3A_197 = arith.select %or3A_195, %select_n3A_159, %and3A_172 : vector<16xi1>, vector<16xi32>
      %select_n3A_198 = arith.select %or3A_195, %add3A_190, %select_n3A_158 : vector<16xi1>, vector<16xf32>
      %select_n3A_199 = arith.select %or3A_195, %and3A_172, %select_n3A_159 : vector<16xi1>, vector<16xi32>
      %gt3A_200 = arith.cmpf ogt, %select_n3A_196, %select_n3A_165 : vector<16xf32>
      %eq3A_201 = arith.cmpf oeq, %select_n3A_196, %select_n3A_165 : vector<16xf32>
      %lt3A_202 = arith.cmpi slt, %select_n3A_197, %select_n3A_166 : vector<16xi32>
      %and3A_203 = arith.andi %eq3A_201, %lt3A_202 : vector<16xi1>
      %or3A_204 = arith.ori %gt3A_200, %and3A_203 : vector<16xi1>
      %select_n3A_205 = arith.select %or3A_204, %select_n3A_196, %select_n3A_165 : vector<16xi1>, vector<16xf32>
      %select_n3A_206 = arith.select %or3A_204, %select_n3A_197, %select_n3A_166 : vector<16xi1>, vector<16xi32>
      %broadcast_in_dim3A_207 = arith.constant 5 : i32
      %broadcast_in_dim3A_208 = vector.broadcast %broadcast_in_dim3A_207 : i32 to vector<16xi32>
      %add3A_209 = arith.addi %iota3A, %broadcast_in_dim3A_208 : vector<16xi32>
      %broadcast_in_dim3A_210 = arith.constant 63 : i32
      %broadcast_in_dim3A_211 = vector.broadcast %broadcast_in_dim3A_210 : i32 to vector<16xi32>
      %and3A_212 = arith.andi %add3A_209, %broadcast_in_dim3A_211 : vector<16xi32>
      %gather3A_213 = tpu.vector_load_idx %arg6[%add3A_15, %and3A_212] : memref<256x128xf32, #tpu.memory_space<vmem>>[vector<16xi32>, vector<16xi32>], vector<16xf32>,
      %bitcast3A_214 = vector.bitcast %gather3A_213 : vector<16xf32> to vector<16xi32>
      %broadcast_in_dim3A_215 = arith.constant 32767 : i32
      %broadcast_in_dim3A_216 = vector.broadcast %broadcast_in_dim3A_215 : i32 to vector<16xi32>
      %add3A_217 = arith.addi %bitcast3A_214, %broadcast_in_dim3A_216 : vector<16xi32>
      %broadcast_in_dim3A_218 = arith.constant 16 : i32
      %broadcast_in_dim3A_219 = vector.broadcast %broadcast_in_dim3A_218 : i32 to vector<16xi32>
      %shift_right_arithmetic3A_220 = arith.shrsi %bitcast3A_214, %broadcast_in_dim3A_219 : vector<16xi32>
      %broadcast_in_dim3A_221 = arith.constant 1 : i32
      %broadcast_in_dim3A_222 = vector.broadcast %broadcast_in_dim3A_221 : i32 to vector<16xi32>
      %and3A_223 = arith.andi %shift_right_arithmetic3A_220, %broadcast_in_dim3A_222 : vector<16xi32>
      %add3A_224 = arith.addi %add3A_217, %and3A_223 : vector<16xi32>
      %broadcast_in_dim3A_225 = arith.constant -65536 : i32
      %broadcast_in_dim3A_226 = vector.broadcast %broadcast_in_dim3A_225 : i32 to vector<16xi32>
      %and3A_227 = arith.andi %add3A_224, %broadcast_in_dim3A_226 : vector<16xi32>
      %bitcast3A_228 = vector.bitcast %and3A_227 : vector<16xi32> to vector<16xf32>
      %gather3A_229 = tpu.vector_load_idx %arg7[%and3A_212] : memref<64xf32, #tpu.memory_space<vmem>>[vector<16xi32>], vector<16xf32>,
      %add3A_230 = arith.addf %bitcast3A_228, %gather3A_229 : vector<16xf32>
      %gt3A_231 = arith.cmpf ogt, %add3A_230, %select_n3A_198 : vector<16xf32>
      %eq3A_232 = arith.cmpf oeq, %add3A_230, %select_n3A_198 : vector<16xf32>
      %lt3A_233 = arith.cmpi slt, %and3A_212, %select_n3A_199 : vector<16xi32>
      %and3A_234 = arith.andi %eq3A_232, %lt3A_233 : vector<16xi1>
      %or3A_235 = arith.ori %gt3A_231, %and3A_234 : vector<16xi1>
      %select_n3A_236 = arith.select %or3A_235, %select_n3A_198, %add3A_230 : vector<16xi1>, vector<16xf32>
      %select_n3A_237 = arith.select %or3A_235, %select_n3A_199, %and3A_212 : vector<16xi1>, vector<16xi32>
      %select_n3A_238 = arith.select %or3A_235, %add3A_230, %select_n3A_198 : vector<16xi1>, vector<16xf32>
      %select_n3A_239 = arith.select %or3A_235, %and3A_212, %select_n3A_199 : vector<16xi1>, vector<16xi32>
      %gt3A_240 = arith.cmpf ogt, %select_n3A_236, %select_n3A_205 : vector<16xf32>
      %eq3A_241 = arith.cmpf oeq, %select_n3A_236, %select_n3A_205 : vector<16xf32>
      %lt3A_242 = arith.cmpi slt, %select_n3A_237, %select_n3A_206 : vector<16xi32>
      %and3A_243 = arith.andi %eq3A_241, %lt3A_242 : vector<16xi1>
      %or3A_244 = arith.ori %gt3A_240, %and3A_243 : vector<16xi1>
      %select_n3A_245 = arith.select %or3A_244, %select_n3A_236, %select_n3A_205 : vector<16xi1>, vector<16xf32>
      %select_n3A_246 = arith.select %or3A_244, %select_n3A_237, %select_n3A_206 : vector<16xi1>, vector<16xi32>
      %broadcast_in_dim3A_247 = arith.constant 6 : i32
      %broadcast_in_dim3A_248 = vector.broadcast %broadcast_in_dim3A_247 : i32 to vector<16xi32>
      %add3A_249 = arith.addi %iota3A, %broadcast_in_dim3A_248 : vector<16xi32>
      %broadcast_in_dim3A_250 = arith.constant 63 : i32
      %broadcast_in_dim3A_251 = vector.broadcast %broadcast_in_dim3A_250 : i32 to vector<16xi32>
      %and3A_252 = arith.andi %add3A_249, %broadcast_in_dim3A_251 : vector<16xi32>
      %gather3A_253 = tpu.vector_load_idx %arg6[%add3A_15, %and3A_252] : memref<256x128xf32, #tpu.memory_space<vmem>>[vector<16xi32>, vector<16xi32>], vector<16xf32>,
      %bitcast3A_254 = vector.bitcast %gather3A_253 : vector<16xf32> to vector<16xi32>
      %broadcast_in_dim3A_255 = arith.constant 32767 : i32
      %broadcast_in_dim3A_256 = vector.broadcast %broadcast_in_dim3A_255 : i32 to vector<16xi32>
      %add3A_257 = arith.addi %bitcast3A_254, %broadcast_in_dim3A_256 : vector<16xi32>
      %broadcast_in_dim3A_258 = arith.constant 16 : i32
      %broadcast_in_dim3A_259 = vector.broadcast %broadcast_in_dim3A_258 : i32 to vector<16xi32>
      %shift_right_arithmetic3A_260 = arith.shrsi %bitcast3A_254, %broadcast_in_dim3A_259 : vector<16xi32>
      %broadcast_in_dim3A_261 = arith.constant 1 : i32
      %broadcast_in_dim3A_262 = vector.broadcast %broadcast_in_dim3A_261 : i32 to vector<16xi32>
      %and3A_263 = arith.andi %shift_right_arithmetic3A_260, %broadcast_in_dim3A_262 : vector<16xi32>
      %add3A_264 = arith.addi %add3A_257, %and3A_263 : vector<16xi32>
      %broadcast_in_dim3A_265 = arith.constant -65536 : i32
      %broadcast_in_dim3A_266 = vector.broadcast %broadcast_in_dim3A_265 : i32 to vector<16xi32>
      %and3A_267 = arith.andi %add3A_264, %broadcast_in_dim3A_266 : vector<16xi32>
      %bitcast3A_268 = vector.bitcast %and3A_267 : vector<16xi32> to vector<16xf32>
      %gather3A_269 = tpu.vector_load_idx %arg7[%and3A_252] : memref<64xf32, #tpu.memory_space<vmem>>[vector<16xi32>], vector<16xf32>,
      %add3A_270 = arith.addf %bitcast3A_268, %gather3A_269 : vector<16xf32>
      %gt3A_271 = arith.cmpf ogt, %add3A_270, %select_n3A_238 : vector<16xf32>
      %eq3A_272 = arith.cmpf oeq, %add3A_270, %select_n3A_238 : vector<16xf32>
      %lt3A_273 = arith.cmpi slt, %and3A_252, %select_n3A_239 : vector<16xi32>
      %and3A_274 = arith.andi %eq3A_272, %lt3A_273 : vector<16xi1>
      %or3A_275 = arith.ori %gt3A_271, %and3A_274 : vector<16xi1>
      %select_n3A_276 = arith.select %or3A_275, %select_n3A_238, %add3A_270 : vector<16xi1>, vector<16xf32>
      %select_n3A_277 = arith.select %or3A_275, %select_n3A_239, %and3A_252 : vector<16xi1>, vector<16xi32>
      %select_n3A_278 = arith.select %or3A_275, %add3A_270, %select_n3A_238 : vector<16xi1>, vector<16xf32>
      %select_n3A_279 = arith.select %or3A_275, %and3A_252, %select_n3A_239 : vector<16xi1>, vector<16xi32>
      %gt3A_280 = arith.cmpf ogt, %select_n3A_276, %select_n3A_245 : vector<16xf32>
      %eq3A_281 = arith.cmpf oeq, %select_n3A_276, %select_n3A_245 : vector<16xf32>
      %lt3A_282 = arith.cmpi slt, %select_n3A_277, %select_n3A_246 : vector<16xi32>
      %and3A_283 = arith.andi %eq3A_281, %lt3A_282 : vector<16xi1>
      %or3A_284 = arith.ori %gt3A_280, %and3A_283 : vector<16xi1>
      %select_n3A_285 = arith.select %or3A_284, %select_n3A_276, %select_n3A_245 : vector<16xi1>, vector<16xf32>
      %select_n3A_286 = arith.select %or3A_284, %select_n3A_277, %select_n3A_246 : vector<16xi1>, vector<16xi32>
      %broadcast_in_dim3A_287 = arith.constant 7 : i32
      %broadcast_in_dim3A_288 = vector.broadcast %broadcast_in_dim3A_287 : i32 to vector<16xi32>
      %add3A_289 = arith.addi %iota3A, %broadcast_in_dim3A_288 : vector<16xi32>
      %broadcast_in_dim3A_290 = arith.constant 63 : i32
      %broadcast_in_dim3A_291 = vector.broadcast %broadcast_in_dim3A_290 : i32 to vector<16xi32>
      %and3A_292 = arith.andi %add3A_289, %broadcast_in_dim3A_291 : vector<16xi32>
      %gather3A_293 = tpu.vector_load_idx %arg6[%add3A_15, %and3A_292] : memref<256x128xf32, #tpu.memory_space<vmem>>[vector<16xi32>, vector<16xi32>], vector<16xf32>,
      %bitcast3A_294 = vector.bitcast %gather3A_293 : vector<16xf32> to vector<16xi32>
      %broadcast_in_dim3A_295 = arith.constant 32767 : i32
      %broadcast_in_dim3A_296 = vector.broadcast %broadcast_in_dim3A_295 : i32 to vector<16xi32>
      %add3A_297 = arith.addi %bitcast3A_294, %broadcast_in_dim3A_296 : vector<16xi32>
      %broadcast_in_dim3A_298 = arith.constant 16 : i32
      %broadcast_in_dim3A_299 = vector.broadcast %broadcast_in_dim3A_298 : i32 to vector<16xi32>
      %shift_right_arithmetic3A_300 = arith.shrsi %bitcast3A_294, %broadcast_in_dim3A_299 : vector<16xi32>
      %broadcast_in_dim3A_301 = arith.constant 1 : i32
      %broadcast_in_dim3A_302 = vector.broadcast %broadcast_in_dim3A_301 : i32 to vector<16xi32>
      %and3A_303 = arith.andi %shift_right_arithmetic3A_300, %broadcast_in_dim3A_302 : vector<16xi32>
      %add3A_304 = arith.addi %add3A_297, %and3A_303 : vector<16xi32>
      %broadcast_in_dim3A_305 = arith.constant -65536 : i32
      %broadcast_in_dim3A_306 = vector.broadcast %broadcast_in_dim3A_305 : i32 to vector<16xi32>
      %and3A_307 = arith.andi %add3A_304, %broadcast_in_dim3A_306 : vector<16xi32>
      %bitcast3A_308 = vector.bitcast %and3A_307 : vector<16xi32> to vector<16xf32>
      %gather3A_309 = tpu.vector_load_idx %arg7[%and3A_292] : memref<64xf32, #tpu.memory_space<vmem>>[vector<16xi32>], vector<16xf32>,
      %add3A_310 = arith.addf %bitcast3A_308, %gather3A_309 : vector<16xf32>
      %gt3A_311 = arith.cmpf ogt, %add3A_310, %select_n3A_278 : vector<16xf32>
      %eq3A_312 = arith.cmpf oeq, %add3A_310, %select_n3A_278 : vector<16xf32>
      %lt3A_313 = arith.cmpi slt, %and3A_292, %select_n3A_279 : vector<16xi32>
      %and3A_314 = arith.andi %eq3A_312, %lt3A_313 : vector<16xi1>
      %or3A_315 = arith.ori %gt3A_311, %and3A_314 : vector<16xi1>
      %select_n3A_316 = arith.select %or3A_315, %select_n3A_278, %add3A_310 : vector<16xi1>, vector<16xf32>
      %select_n3A_317 = arith.select %or3A_315, %select_n3A_279, %and3A_292 : vector<16xi1>, vector<16xi32>
      %select_n3A_318 = arith.select %or3A_315, %add3A_310, %select_n3A_278 : vector<16xi1>, vector<16xf32>
      %select_n3A_319 = arith.select %or3A_315, %and3A_292, %select_n3A_279 : vector<16xi1>, vector<16xi32>
      %gt3A_320 = arith.cmpf ogt, %select_n3A_316, %select_n3A_285 : vector<16xf32>
      %eq3A_321 = arith.cmpf oeq, %select_n3A_316, %select_n3A_285 : vector<16xf32>
      %lt3A_322 = arith.cmpi slt, %select_n3A_317, %select_n3A_286 : vector<16xi32>
      %and3A_323 = arith.andi %eq3A_321, %lt3A_322 : vector<16xi1>
      %or3A_324 = arith.ori %gt3A_320, %and3A_323 : vector<16xi1>
      %select_n3A_325 = arith.select %or3A_324, %select_n3A_316, %select_n3A_285 : vector<16xi1>, vector<16xf32>
      %select_n3A_326 = arith.select %or3A_324, %select_n3A_317, %select_n3A_286 : vector<16xi1>, vector<16xi32>
      %broadcast_in_dim3A_327 = arith.constant 8 : i32
      %broadcast_in_dim3A_328 = vector.broadcast %broadcast_in_dim3A_327 : i32 to vector<16xi32>
      %add3A_329 = arith.addi %iota3A, %broadcast_in_dim3A_328 : vector<16xi32>
      %broadcast_in_dim3A_330 = arith.constant 63 : i32
      %broadcast_in_dim3A_331 = vector.broadcast %broadcast_in_dim3A_330 : i32 to vector<16xi32>
      %and3A_332 = arith.andi %add3A_329, %broadcast_in_dim3A_331 : vector<16xi32>
      %gather3A_333 = tpu.vector_load_idx %arg6[%add3A_15, %and3A_332] : memref<256x128xf32, #tpu.memory_space<vmem>>[vector<16xi32>, vector<16xi32>], vector<16xf32>,
      %bitcast3A_334 = vector.bitcast %gather3A_333 : vector<16xf32> to vector<16xi32>
      %broadcast_in_dim3A_335 = arith.constant 32767 : i32
      %broadcast_in_dim3A_336 = vector.broadcast %broadcast_in_dim3A_335 : i32 to vector<16xi32>
      %add3A_337 = arith.addi %bitcast3A_334, %broadcast_in_dim3A_336 : vector<16xi32>
      %broadcast_in_dim3A_338 = arith.constant 16 : i32
      %broadcast_in_dim3A_339 = vector.broadcast %broadcast_in_dim3A_338 : i32 to vector<16xi32>
      %shift_right_arithmetic3A_340 = arith.shrsi %bitcast3A_334, %broadcast_in_dim3A_339 : vector<16xi32>
      %broadcast_in_dim3A_341 = arith.constant 1 : i32
      %broadcast_in_dim3A_342 = vector.broadcast %broadcast_in_dim3A_341 : i32 to vector<16xi32>
      %and3A_343 = arith.andi %shift_right_arithmetic3A_340, %broadcast_in_dim3A_342 : vector<16xi32>
      %add3A_344 = arith.addi %add3A_337, %and3A_343 : vector<16xi32>
      %broadcast_in_dim3A_345 = arith.constant -65536 : i32
      %broadcast_in_dim3A_346 = vector.broadcast %broadcast_in_dim3A_345 : i32 to vector<16xi32>
      %and3A_347 = arith.andi %add3A_344, %broadcast_in_dim3A_346 : vector<16xi32>
      %bitcast3A_348 = vector.bitcast %and3A_347 : vector<16xi32> to vector<16xf32>
      %gather3A_349 = tpu.vector_load_idx %arg7[%and3A_332] : memref<64xf32, #tpu.memory_space<vmem>>[vector<16xi32>], vector<16xf32>,
      %add3A_350 = arith.addf %bitcast3A_348, %gather3A_349 : vector<16xf32>
      %gt3A_351 = arith.cmpf ogt, %add3A_350, %select_n3A_318 : vector<16xf32>
      %eq3A_352 = arith.cmpf oeq, %add3A_350, %select_n3A_318 : vector<16xf32>
      %lt3A_353 = arith.cmpi slt, %and3A_332, %select_n3A_319 : vector<16xi32>
      %and3A_354 = arith.andi %eq3A_352, %lt3A_353 : vector<16xi1>
      %or3A_355 = arith.ori %gt3A_351, %and3A_354 : vector<16xi1>
      %select_n3A_356 = arith.select %or3A_355, %select_n3A_318, %add3A_350 : vector<16xi1>, vector<16xf32>
      %select_n3A_357 = arith.select %or3A_355, %select_n3A_319, %and3A_332 : vector<16xi1>, vector<16xi32>
      %select_n3A_358 = arith.select %or3A_355, %add3A_350, %select_n3A_318 : vector<16xi1>, vector<16xf32>
      %select_n3A_359 = arith.select %or3A_355, %and3A_332, %select_n3A_319 : vector<16xi1>, vector<16xi32>
      %gt3A_360 = arith.cmpf ogt, %select_n3A_356, %select_n3A_325 : vector<16xf32>
      %eq3A_361 = arith.cmpf oeq, %select_n3A_356, %select_n3A_325 : vector<16xf32>
      %lt3A_362 = arith.cmpi slt, %select_n3A_357, %select_n3A_326 : vector<16xi32>
      %and3A_363 = arith.andi %eq3A_361, %lt3A_362 : vector<16xi1>
      %or3A_364 = arith.ori %gt3A_360, %and3A_363 : vector<16xi1>
      %select_n3A_365 = arith.select %or3A_364, %select_n3A_356, %select_n3A_325 : vector<16xi1>, vector<16xf32>
      %select_n3A_366 = arith.select %or3A_364, %select_n3A_357, %select_n3A_326 : vector<16xi1>, vector<16xi32>
      %broadcast_in_dim3A_367 = arith.constant 9 : i32
      %broadcast_in_dim3A_368 = vector.broadcast %broadcast_in_dim3A_367 : i32 to vector<16xi32>
      %add3A_369 = arith.addi %iota3A, %broadcast_in_dim3A_368 : vector<16xi32>
      %broadcast_in_dim3A_370 = arith.constant 63 : i32
      %broadcast_in_dim3A_371 = vector.broadcast %broadcast_in_dim3A_370 : i32 to vector<16xi32>
      %and3A_372 = arith.andi %add3A_369, %broadcast_in_dim3A_371 : vector<16xi32>
      %gather3A_373 = tpu.vector_load_idx %arg6[%add3A_15, %and3A_372] : memref<256x128xf32, #tpu.memory_space<vmem>>[vector<16xi32>, vector<16xi32>], vector<16xf32>,
      %bitcast3A_374 = vector.bitcast %gather3A_373 : vector<16xf32> to vector<16xi32>
      %broadcast_in_dim3A_375 = arith.constant 32767 : i32
      %broadcast_in_dim3A_376 = vector.broadcast %broadcast_in_dim3A_375 : i32 to vector<16xi32>
      %add3A_377 = arith.addi %bitcast3A_374, %broadcast_in_dim3A_376 : vector<16xi32>
      %broadcast_in_dim3A_378 = arith.constant 16 : i32
      %broadcast_in_dim3A_379 = vector.broadcast %broadcast_in_dim3A_378 : i32 to vector<16xi32>
      %shift_right_arithmetic3A_380 = arith.shrsi %bitcast3A_374, %broadcast_in_dim3A_379 : vector<16xi32>
      %broadcast_in_dim3A_381 = arith.constant 1 : i32
      %broadcast_in_dim3A_382 = vector.broadcast %broadcast_in_dim3A_381 : i32 to vector<16xi32>
      %and3A_383 = arith.andi %shift_right_arithmetic3A_380, %broadcast_in_dim3A_382 : vector<16xi32>
      %add3A_384 = arith.addi %add3A_377, %and3A_383 : vector<16xi32>
      %broadcast_in_dim3A_385 = arith.constant -65536 : i32
      %broadcast_in_dim3A_386 = vector.broadcast %broadcast_in_dim3A_385 : i32 to vector<16xi32>
      %and3A_387 = arith.andi %add3A_384, %broadcast_in_dim3A_386 : vector<16xi32>
      %bitcast3A_388 = vector.bitcast %and3A_387 : vector<16xi32> to vector<16xf32>
      %gather3A_389 = tpu.vector_load_idx %arg7[%and3A_372] : memref<64xf32, #tpu.memory_space<vmem>>[vector<16xi32>], vector<16xf32>,
      %add3A_390 = arith.addf %bitcast3A_388, %gather3A_389 : vector<16xf32>
      %gt3A_391 = arith.cmpf ogt, %add3A_390, %select_n3A_358 : vector<16xf32>
      %eq3A_392 = arith.cmpf oeq, %add3A_390, %select_n3A_358 : vector<16xf32>
      %lt3A_393 = arith.cmpi slt, %and3A_372, %select_n3A_359 : vector<16xi32>
      %and3A_394 = arith.andi %eq3A_392, %lt3A_393 : vector<16xi1>
      %or3A_395 = arith.ori %gt3A_391, %and3A_394 : vector<16xi1>
      %select_n3A_396 = arith.select %or3A_395, %select_n3A_358, %add3A_390 : vector<16xi1>, vector<16xf32>
      %select_n3A_397 = arith.select %or3A_395, %select_n3A_359, %and3A_372 : vector<16xi1>, vector<16xi32>
      %select_n3A_398 = arith.select %or3A_395, %add3A_390, %select_n3A_358 : vector<16xi1>, vector<16xf32>
      %select_n3A_399 = arith.select %or3A_395, %and3A_372, %select_n3A_359 : vector<16xi1>, vector<16xi32>
      %gt3A_400 = arith.cmpf ogt, %select_n3A_396, %select_n3A_365 : vector<16xf32>
      %eq3A_401 = arith.cmpf oeq, %select_n3A_396, %select_n3A_365 : vector<16xf32>
      %lt3A_402 = arith.cmpi slt, %select_n3A_397, %select_n3A_366 : vector<16xi32>
      %and3A_403 = arith.andi %eq3A_401, %lt3A_402 : vector<16xi1>
      %or3A_404 = arith.ori %gt3A_400, %and3A_403 : vector<16xi1>
      %select_n3A_405 = arith.select %or3A_404, %select_n3A_396, %select_n3A_365 : vector<16xi1>, vector<16xf32>
      %select_n3A_406 = arith.select %or3A_404, %select_n3A_397, %select_n3A_366 : vector<16xi1>, vector<16xi32>
      %broadcast_in_dim3A_407 = arith.constant 10 : i32
      %broadcast_in_dim3A_408 = vector.broadcast %broadcast_in_dim3A_407 : i32 to vector<16xi32>
      %add3A_409 = arith.addi %iota3A, %broadcast_in_dim3A_408 : vector<16xi32>
      %broadcast_in_dim3A_410 = arith.constant 63 : i32
      %broadcast_in_dim3A_411 = vector.broadcast %broadcast_in_dim3A_410 : i32 to vector<16xi32>
      %and3A_412 = arith.andi %add3A_409, %broadcast_in_dim3A_411 : vector<16xi32>
      %gather3A_413 = tpu.vector_load_idx %arg6[%add3A_15, %and3A_412] : memref<256x128xf32, #tpu.memory_space<vmem>>[vector<16xi32>, vector<16xi32>], vector<16xf32>,
      %bitcast3A_414 = vector.bitcast %gather3A_413 : vector<16xf32> to vector<16xi32>
      %broadcast_in_dim3A_415 = arith.constant 32767 : i32
      %broadcast_in_dim3A_416 = vector.broadcast %broadcast_in_dim3A_415 : i32 to vector<16xi32>
      %add3A_417 = arith.addi %bitcast3A_414, %broadcast_in_dim3A_416 : vector<16xi32>
      %broadcast_in_dim3A_418 = arith.constant 16 : i32
      %broadcast_in_dim3A_419 = vector.broadcast %broadcast_in_dim3A_418 : i32 to vector<16xi32>
      %shift_right_arithmetic3A_420 = arith.shrsi %bitcast3A_414, %broadcast_in_dim3A_419 : vector<16xi32>
      %broadcast_in_dim3A_421 = arith.constant 1 : i32
      %broadcast_in_dim3A_422 = vector.broadcast %broadcast_in_dim3A_421 : i32 to vector<16xi32>
      %and3A_423 = arith.andi %shift_right_arithmetic3A_420, %broadcast_in_dim3A_422 : vector<16xi32>
      %add3A_424 = arith.addi %add3A_417, %and3A_423 : vector<16xi32>
      %broadcast_in_dim3A_425 = arith.constant -65536 : i32
      %broadcast_in_dim3A_426 = vector.broadcast %broadcast_in_dim3A_425 : i32 to vector<16xi32>
      %and3A_427 = arith.andi %add3A_424, %broadcast_in_dim3A_426 : vector<16xi32>
      %bitcast3A_428 = vector.bitcast %and3A_427 : vector<16xi32> to vector<16xf32>
      %gather3A_429 = tpu.vector_load_idx %arg7[%and3A_412] : memref<64xf32, #tpu.memory_space<vmem>>[vector<16xi32>], vector<16xf32>,
      %add3A_430 = arith.addf %bitcast3A_428, %gather3A_429 : vector<16xf32>
      %gt3A_431 = arith.cmpf ogt, %add3A_430, %select_n3A_398 : vector<16xf32>
      %eq3A_432 = arith.cmpf oeq, %add3A_430, %select_n3A_398 : vector<16xf32>
      %lt3A_433 = arith.cmpi slt, %and3A_412, %select_n3A_399 : vector<16xi32>
      %and3A_434 = arith.andi %eq3A_432, %lt3A_433 : vector<16xi1>
      %or3A_435 = arith.ori %gt3A_431, %and3A_434 : vector<16xi1>
      %select_n3A_436 = arith.select %or3A_435, %select_n3A_398, %add3A_430 : vector<16xi1>, vector<16xf32>
      %select_n3A_437 = arith.select %or3A_435, %select_n3A_399, %and3A_412 : vector<16xi1>, vector<16xi32>
      %select_n3A_438 = arith.select %or3A_435, %add3A_430, %select_n3A_398 : vector<16xi1>, vector<16xf32>
      %select_n3A_439 = arith.select %or3A_435, %and3A_412, %select_n3A_399 : vector<16xi1>, vector<16xi32>
      %gt3A_440 = arith.cmpf ogt, %select_n3A_436, %select_n3A_405 : vector<16xf32>
      %eq3A_441 = arith.cmpf oeq, %select_n3A_436, %select_n3A_405 : vector<16xf32>
      %lt3A_442 = arith.cmpi slt, %select_n3A_437, %select_n3A_406 : vector<16xi32>
      %and3A_443 = arith.andi %eq3A_441, %lt3A_442 : vector<16xi1>
      %or3A_444 = arith.ori %gt3A_440, %and3A_443 : vector<16xi1>
      %select_n3A_445 = arith.select %or3A_444, %select_n3A_436, %select_n3A_405 : vector<16xi1>, vector<16xf32>
      %select_n3A_446 = arith.select %or3A_444, %select_n3A_437, %select_n3A_406 : vector<16xi1>, vector<16xi32>
      %broadcast_in_dim3A_447 = arith.constant 11 : i32
      %broadcast_in_dim3A_448 = vector.broadcast %broadcast_in_dim3A_447 : i32 to vector<16xi32>
      %add3A_449 = arith.addi %iota3A, %broadcast_in_dim3A_448 : vector<16xi32>
      %broadcast_in_dim3A_450 = arith.constant 63 : i32
      %broadcast_in_dim3A_451 = vector.broadcast %broadcast_in_dim3A_450 : i32 to vector<16xi32>
      %and3A_452 = arith.andi %add3A_449, %broadcast_in_dim3A_451 : vector<16xi32>
      %gather3A_453 = tpu.vector_load_idx %arg6[%add3A_15, %and3A_452] : memref<256x128xf32, #tpu.memory_space<vmem>>[vector<16xi32>, vector<16xi32>], vector<16xf32>,
      %bitcast3A_454 = vector.bitcast %gather3A_453 : vector<16xf32> to vector<16xi32>
      %broadcast_in_dim3A_455 = arith.constant 32767 : i32
      %broadcast_in_dim3A_456 = vector.broadcast %broadcast_in_dim3A_455 : i32 to vector<16xi32>
      %add3A_457 = arith.addi %bitcast3A_454, %broadcast_in_dim3A_456 : vector<16xi32>
      %broadcast_in_dim3A_458 = arith.constant 16 : i32
      %broadcast_in_dim3A_459 = vector.broadcast %broadcast_in_dim3A_458 : i32 to vector<16xi32>
      %shift_right_arithmetic3A_460 = arith.shrsi %bitcast3A_454, %broadcast_in_dim3A_459 : vector<16xi32>
      %broadcast_in_dim3A_461 = arith.constant 1 : i32
      %broadcast_in_dim3A_462 = vector.broadcast %broadcast_in_dim3A_461 : i32 to vector<16xi32>
      %and3A_463 = arith.andi %shift_right_arithmetic3A_460, %broadcast_in_dim3A_462 : vector<16xi32>
      %add3A_464 = arith.addi %add3A_457, %and3A_463 : vector<16xi32>
      %broadcast_in_dim3A_465 = arith.constant -65536 : i32
      %broadcast_in_dim3A_466 = vector.broadcast %broadcast_in_dim3A_465 : i32 to vector<16xi32>
      %and3A_467 = arith.andi %add3A_464, %broadcast_in_dim3A_466 : vector<16xi32>
      %bitcast3A_468 = vector.bitcast %and3A_467 : vector<16xi32> to vector<16xf32>
      %gather3A_469 = tpu.vector_load_idx %arg7[%and3A_452] : memref<64xf32, #tpu.memory_space<vmem>>[vector<16xi32>], vector<16xf32>,
      %add3A_470 = arith.addf %bitcast3A_468, %gather3A_469 : vector<16xf32>
      %gt3A_471 = arith.cmpf ogt, %add3A_470, %select_n3A_438 : vector<16xf32>
      %eq3A_472 = arith.cmpf oeq, %add3A_470, %select_n3A_438 : vector<16xf32>
      %lt3A_473 = arith.cmpi slt, %and3A_452, %select_n3A_439 : vector<16xi32>
      %and3A_474 = arith.andi %eq3A_472, %lt3A_473 : vector<16xi1>
      %or3A_475 = arith.ori %gt3A_471, %and3A_474 : vector<16xi1>
      %select_n3A_476 = arith.select %or3A_475, %select_n3A_438, %add3A_470 : vector<16xi1>, vector<16xf32>
      %select_n3A_477 = arith.select %or3A_475, %select_n3A_439, %and3A_452 : vector<16xi1>, vector<16xi32>
      %select_n3A_478 = arith.select %or3A_475, %add3A_470, %select_n3A_438 : vector<16xi1>, vector<16xf32>
      %select_n3A_479 = arith.select %or3A_475, %and3A_452, %select_n3A_439 : vector<16xi1>, vector<16xi32>
      %gt3A_480 = arith.cmpf ogt, %select_n3A_476, %select_n3A_445 : vector<16xf32>
      %eq3A_481 = arith.cmpf oeq, %select_n3A_476, %select_n3A_445 : vector<16xf32>
      %lt3A_482 = arith.cmpi slt, %select_n3A_477, %select_n3A_446 : vector<16xi32>
      %and3A_483 = arith.andi %eq3A_481, %lt3A_482 : vector<16xi1>
      %or3A_484 = arith.ori %gt3A_480, %and3A_483 : vector<16xi1>
      %select_n3A_485 = arith.select %or3A_484, %select_n3A_476, %select_n3A_445 : vector<16xi1>, vector<16xf32>
      %select_n3A_486 = arith.select %or3A_484, %select_n3A_477, %select_n3A_446 : vector<16xi1>, vector<16xi32>
      %broadcast_in_dim3A_487 = arith.constant 12 : i32
      %broadcast_in_dim3A_488 = vector.broadcast %broadcast_in_dim3A_487 : i32 to vector<16xi32>
      %add3A_489 = arith.addi %iota3A, %broadcast_in_dim3A_488 : vector<16xi32>
      %broadcast_in_dim3A_490 = arith.constant 63 : i32
      %broadcast_in_dim3A_491 = vector.broadcast %broadcast_in_dim3A_490 : i32 to vector<16xi32>
      %and3A_492 = arith.andi %add3A_489, %broadcast_in_dim3A_491 : vector<16xi32>
      %gather3A_493 = tpu.vector_load_idx %arg6[%add3A_15, %and3A_492] : memref<256x128xf32, #tpu.memory_space<vmem>>[vector<16xi32>, vector<16xi32>], vector<16xf32>,
      %bitcast3A_494 = vector.bitcast %gather3A_493 : vector<16xf32> to vector<16xi32>
      %broadcast_in_dim3A_495 = arith.constant 32767 : i32
      %broadcast_in_dim3A_496 = vector.broadcast %broadcast_in_dim3A_495 : i32 to vector<16xi32>
      %add3A_497 = arith.addi %bitcast3A_494, %broadcast_in_dim3A_496 : vector<16xi32>
      %broadcast_in_dim3A_498 = arith.constant 16 : i32
      %broadcast_in_dim3A_499 = vector.broadcast %broadcast_in_dim3A_498 : i32 to vector<16xi32>
      %shift_right_arithmetic3A_500 = arith.shrsi %bitcast3A_494, %broadcast_in_dim3A_499 : vector<16xi32>
      %broadcast_in_dim3A_501 = arith.constant 1 : i32
      %broadcast_in_dim3A_502 = vector.broadcast %broadcast_in_dim3A_501 : i32 to vector<16xi32>
      %and3A_503 = arith.andi %shift_right_arithmetic3A_500, %broadcast_in_dim3A_502 : vector<16xi32>
      %add3A_504 = arith.addi %add3A_497, %and3A_503 : vector<16xi32>
      %broadcast_in_dim3A_505 = arith.constant -65536 : i32
      %broadcast_in_dim3A_506 = vector.broadcast %broadcast_in_dim3A_505 : i32 to vector<16xi32>
      %and3A_507 = arith.andi %add3A_504, %broadcast_in_dim3A_506 : vector<16xi32>
      %bitcast3A_508 = vector.bitcast %and3A_507 : vector<16xi32> to vector<16xf32>
      %gather3A_509 = tpu.vector_load_idx %arg7[%and3A_492] : memref<64xf32, #tpu.memory_space<vmem>>[vector<16xi32>], vector<16xf32>,
      %add3A_510 = arith.addf %bitcast3A_508, %gather3A_509 : vector<16xf32>
      %gt3A_511 = arith.cmpf ogt, %add3A_510, %select_n3A_478 : vector<16xf32>
      %eq3A_512 = arith.cmpf oeq, %add3A_510, %select_n3A_478 : vector<16xf32>
      %lt3A_513 = arith.cmpi slt, %and3A_492, %select_n3A_479 : vector<16xi32>
      %and3A_514 = arith.andi %eq3A_512, %lt3A_513 : vector<16xi1>
      %or3A_515 = arith.ori %gt3A_511, %and3A_514 : vector<16xi1>
      %select_n3A_516 = arith.select %or3A_515, %select_n3A_478, %add3A_510 : vector<16xi1>, vector<16xf32>
      %select_n3A_517 = arith.select %or3A_515, %select_n3A_479, %and3A_492 : vector<16xi1>, vector<16xi32>
      %select_n3A_518 = arith.select %or3A_515, %add3A_510, %select_n3A_478 : vector<16xi1>, vector<16xf32>
      %select_n3A_519 = arith.select %or3A_515, %and3A_492, %select_n3A_479 : vector<16xi1>, vector<16xi32>
      %gt3A_520 = arith.cmpf ogt, %select_n3A_516, %select_n3A_485 : vector<16xf32>
      %eq3A_521 = arith.cmpf oeq, %select_n3A_516, %select_n3A_485 : vector<16xf32>
      %lt3A_522 = arith.cmpi slt, %select_n3A_517, %select_n3A_486 : vector<16xi32>
      %and3A_523 = arith.andi %eq3A_521, %lt3A_522 : vector<16xi1>
      %or3A_524 = arith.ori %gt3A_520, %and3A_523 : vector<16xi1>
      %select_n3A_525 = arith.select %or3A_524, %select_n3A_516, %select_n3A_485 : vector<16xi1>, vector<16xf32>
      %select_n3A_526 = arith.select %or3A_524, %select_n3A_517, %select_n3A_486 : vector<16xi1>, vector<16xi32>
      %broadcast_in_dim3A_527 = arith.constant 13 : i32
      %broadcast_in_dim3A_528 = vector.broadcast %broadcast_in_dim3A_527 : i32 to vector<16xi32>
      %add3A_529 = arith.addi %iota3A, %broadcast_in_dim3A_528 : vector<16xi32>
      %broadcast_in_dim3A_530 = arith.constant 63 : i32
      %broadcast_in_dim3A_531 = vector.broadcast %broadcast_in_dim3A_530 : i32 to vector<16xi32>
      %and3A_532 = arith.andi %add3A_529, %broadcast_in_dim3A_531 : vector<16xi32>
      %gather3A_533 = tpu.vector_load_idx %arg6[%add3A_15, %and3A_532] : memref<256x128xf32, #tpu.memory_space<vmem>>[vector<16xi32>, vector<16xi32>], vector<16xf32>,
      %bitcast3A_534 = vector.bitcast %gather3A_533 : vector<16xf32> to vector<16xi32>
      %broadcast_in_dim3A_535 = arith.constant 32767 : i32
      %broadcast_in_dim3A_536 = vector.broadcast %broadcast_in_dim3A_535 : i32 to vector<16xi32>
      %add3A_537 = arith.addi %bitcast3A_534, %broadcast_in_dim3A_536 : vector<16xi32>
      %broadcast_in_dim3A_538 = arith.constant 16 : i32
      %broadcast_in_dim3A_539 = vector.broadcast %broadcast_in_dim3A_538 : i32 to vector<16xi32>
      %shift_right_arithmetic3A_540 = arith.shrsi %bitcast3A_534, %broadcast_in_dim3A_539 : vector<16xi32>
      %broadcast_in_dim3A_541 = arith.constant 1 : i32
      %broadcast_in_dim3A_542 = vector.broadcast %broadcast_in_dim3A_541 : i32 to vector<16xi32>
      %and3A_543 = arith.andi %shift_right_arithmetic3A_540, %broadcast_in_dim3A_542 : vector<16xi32>
      %add3A_544 = arith.addi %add3A_537, %and3A_543 : vector<16xi32>
      %broadcast_in_dim3A_545 = arith.constant -65536 : i32
      %broadcast_in_dim3A_546 = vector.broadcast %broadcast_in_dim3A_545 : i32 to vector<16xi32>
      %and3A_547 = arith.andi %add3A_544, %broadcast_in_dim3A_546 : vector<16xi32>
      %bitcast3A_548 = vector.bitcast %and3A_547 : vector<16xi32> to vector<16xf32>
      %gather3A_549 = tpu.vector_load_idx %arg7[%and3A_532] : memref<64xf32, #tpu.memory_space<vmem>>[vector<16xi32>], vector<16xf32>,
      %add3A_550 = arith.addf %bitcast3A_548, %gather3A_549 : vector<16xf32>
      %gt3A_551 = arith.cmpf ogt, %add3A_550, %select_n3A_518 : vector<16xf32>
      %eq3A_552 = arith.cmpf oeq, %add3A_550, %select_n3A_518 : vector<16xf32>
      %lt3A_553 = arith.cmpi slt, %and3A_532, %select_n3A_519 : vector<16xi32>
      %and3A_554 = arith.andi %eq3A_552, %lt3A_553 : vector<16xi1>
      %or3A_555 = arith.ori %gt3A_551, %and3A_554 : vector<16xi1>
      %select_n3A_556 = arith.select %or3A_555, %select_n3A_518, %add3A_550 : vector<16xi1>, vector<16xf32>
      %select_n3A_557 = arith.select %or3A_555, %select_n3A_519, %and3A_532 : vector<16xi1>, vector<16xi32>
      %select_n3A_558 = arith.select %or3A_555, %add3A_550, %select_n3A_518 : vector<16xi1>, vector<16xf32>
      %select_n3A_559 = arith.select %or3A_555, %and3A_532, %select_n3A_519 : vector<16xi1>, vector<16xi32>
      %gt3A_560 = arith.cmpf ogt, %select_n3A_556, %select_n3A_525 : vector<16xf32>
      %eq3A_561 = arith.cmpf oeq, %select_n3A_556, %select_n3A_525 : vector<16xf32>
      %lt3A_562 = arith.cmpi slt, %select_n3A_557, %select_n3A_526 : vector<16xi32>
      %and3A_563 = arith.andi %eq3A_561, %lt3A_562 : vector<16xi1>
      %or3A_564 = arith.ori %gt3A_560, %and3A_563 : vector<16xi1>
      %select_n3A_565 = arith.select %or3A_564, %select_n3A_556, %select_n3A_525 : vector<16xi1>, vector<16xf32>
      %select_n3A_566 = arith.select %or3A_564, %select_n3A_557, %select_n3A_526 : vector<16xi1>, vector<16xi32>
      %broadcast_in_dim3A_567 = arith.constant 14 : i32
      %broadcast_in_dim3A_568 = vector.broadcast %broadcast_in_dim3A_567 : i32 to vector<16xi32>
      %add3A_569 = arith.addi %iota3A, %broadcast_in_dim3A_568 : vector<16xi32>
      %broadcast_in_dim3A_570 = arith.constant 63 : i32
      %broadcast_in_dim3A_571 = vector.broadcast %broadcast_in_dim3A_570 : i32 to vector<16xi32>
      %and3A_572 = arith.andi %add3A_569, %broadcast_in_dim3A_571 : vector<16xi32>
      %gather3A_573 = tpu.vector_load_idx %arg6[%add3A_15, %and3A_572] : memref<256x128xf32, #tpu.memory_space<vmem>>[vector<16xi32>, vector<16xi32>], vector<16xf32>,
      %bitcast3A_574 = vector.bitcast %gather3A_573 : vector<16xf32> to vector<16xi32>
      %broadcast_in_dim3A_575 = arith.constant 32767 : i32
      %broadcast_in_dim3A_576 = vector.broadcast %broadcast_in_dim3A_575 : i32 to vector<16xi32>
      %add3A_577 = arith.addi %bitcast3A_574, %broadcast_in_dim3A_576 : vector<16xi32>
      %broadcast_in_dim3A_578 = arith.constant 16 : i32
      %broadcast_in_dim3A_579 = vector.broadcast %broadcast_in_dim3A_578 : i32 to vector<16xi32>
      %shift_right_arithmetic3A_580 = arith.shrsi %bitcast3A_574, %broadcast_in_dim3A_579 : vector<16xi32>
      %broadcast_in_dim3A_581 = arith.constant 1 : i32
      %broadcast_in_dim3A_582 = vector.broadcast %broadcast_in_dim3A_581 : i32 to vector<16xi32>
      %and3A_583 = arith.andi %shift_right_arithmetic3A_580, %broadcast_in_dim3A_582 : vector<16xi32>
      %add3A_584 = arith.addi %add3A_577, %and3A_583 : vector<16xi32>
      %broadcast_in_dim3A_585 = arith.constant -65536 : i32
      %broadcast_in_dim3A_586 = vector.broadcast %broadcast_in_dim3A_585 : i32 to vector<16xi32>
      %and3A_587 = arith.andi %add3A_584, %broadcast_in_dim3A_586 : vector<16xi32>
      %bitcast3A_588 = vector.bitcast %and3A_587 : vector<16xi32> to vector<16xf32>
      %gather3A_589 = tpu.vector_load_idx %arg7[%and3A_572] : memref<64xf32, #tpu.memory_space<vmem>>[vector<16xi32>], vector<16xf32>,
      %add3A_590 = arith.addf %bitcast3A_588, %gather3A_589 : vector<16xf32>
      %gt3A_591 = arith.cmpf ogt, %add3A_590, %select_n3A_558 : vector<16xf32>
      %eq3A_592 = arith.cmpf oeq, %add3A_590, %select_n3A_558 : vector<16xf32>
      %lt3A_593 = arith.cmpi slt, %and3A_572, %select_n3A_559 : vector<16xi32>
      %and3A_594 = arith.andi %eq3A_592, %lt3A_593 : vector<16xi1>
      %or3A_595 = arith.ori %gt3A_591, %and3A_594 : vector<16xi1>
      %select_n3A_596 = arith.select %or3A_595, %select_n3A_558, %add3A_590 : vector<16xi1>, vector<16xf32>
      %select_n3A_597 = arith.select %or3A_595, %select_n3A_559, %and3A_572 : vector<16xi1>, vector<16xi32>
      %select_n3A_598 = arith.select %or3A_595, %add3A_590, %select_n3A_558 : vector<16xi1>, vector<16xf32>
      %select_n3A_599 = arith.select %or3A_595, %and3A_572, %select_n3A_559 : vector<16xi1>, vector<16xi32>
      %gt3A_600 = arith.cmpf ogt, %select_n3A_596, %select_n3A_565 : vector<16xf32>
      %eq3A_601 = arith.cmpf oeq, %select_n3A_596, %select_n3A_565 : vector<16xf32>
      %lt3A_602 = arith.cmpi slt, %select_n3A_597, %select_n3A_566 : vector<16xi32>
      %and3A_603 = arith.andi %eq3A_601, %lt3A_602 : vector<16xi1>
      %or3A_604 = arith.ori %gt3A_600, %and3A_603 : vector<16xi1>
      %select_n3A_605 = arith.select %or3A_604, %select_n3A_596, %select_n3A_565 : vector<16xi1>, vector<16xf32>
      %select_n3A_606 = arith.select %or3A_604, %select_n3A_597, %select_n3A_566 : vector<16xi1>, vector<16xi32>
      %broadcast_in_dim3A_607 = arith.constant 15 : i32
      %broadcast_in_dim3A_608 = vector.broadcast %broadcast_in_dim3A_607 : i32 to vector<16xi32>
      %add3A_609 = arith.addi %iota3A, %broadcast_in_dim3A_608 : vector<16xi32>
      %broadcast_in_dim3A_610 = arith.constant 63 : i32
      %broadcast_in_dim3A_611 = vector.broadcast %broadcast_in_dim3A_610 : i32 to vector<16xi32>
      %and3A_612 = arith.andi %add3A_609, %broadcast_in_dim3A_611 : vector<16xi32>
      %gather3A_613 = tpu.vector_load_idx %arg6[%add3A_15, %and3A_612] : memref<256x128xf32, #tpu.memory_space<vmem>>[vector<16xi32>, vector<16xi32>], vector<16xf32>,
      %bitcast3A_614 = vector.bitcast %gather3A_613 : vector<16xf32> to vector<16xi32>
      %broadcast_in_dim3A_615 = arith.constant 32767 : i32
      %broadcast_in_dim3A_616 = vector.broadcast %broadcast_in_dim3A_615 : i32 to vector<16xi32>
      %add3A_617 = arith.addi %bitcast3A_614, %broadcast_in_dim3A_616 : vector<16xi32>
      %broadcast_in_dim3A_618 = arith.constant 16 : i32
      %broadcast_in_dim3A_619 = vector.broadcast %broadcast_in_dim3A_618 : i32 to vector<16xi32>
      %shift_right_arithmetic3A_620 = arith.shrsi %bitcast3A_614, %broadcast_in_dim3A_619 : vector<16xi32>
      %broadcast_in_dim3A_621 = arith.constant 1 : i32
      %broadcast_in_dim3A_622 = vector.broadcast %broadcast_in_dim3A_621 : i32 to vector<16xi32>
      %and3A_623 = arith.andi %shift_right_arithmetic3A_620, %broadcast_in_dim3A_622 : vector<16xi32>
      %add3A_624 = arith.addi %add3A_617, %and3A_623 : vector<16xi32>
      %broadcast_in_dim3A_625 = arith.constant -65536 : i32
      %broadcast_in_dim3A_626 = vector.broadcast %broadcast_in_dim3A_625 : i32 to vector<16xi32>
      %and3A_627 = arith.andi %add3A_624, %broadcast_in_dim3A_626 : vector<16xi32>
      %bitcast3A_628 = vector.bitcast %and3A_627 : vector<16xi32> to vector<16xf32>
      %gather3A_629 = tpu.vector_load_idx %arg7[%and3A_612] : memref<64xf32, #tpu.memory_space<vmem>>[vector<16xi32>], vector<16xf32>,
      %add3A_630 = arith.addf %bitcast3A_628, %gather3A_629 : vector<16xf32>
      %gt3A_631 = arith.cmpf ogt, %add3A_630, %select_n3A_598 : vector<16xf32>
      %eq3A_632 = arith.cmpf oeq, %add3A_630, %select_n3A_598 : vector<16xf32>
      %lt3A_633 = arith.cmpi slt, %and3A_612, %select_n3A_599 : vector<16xi32>
      %and3A_634 = arith.andi %eq3A_632, %lt3A_633 : vector<16xi1>
      %or3A_635 = arith.ori %gt3A_631, %and3A_634 : vector<16xi1>
      %select_n3A_636 = arith.select %or3A_635, %select_n3A_598, %add3A_630 : vector<16xi1>, vector<16xf32>
      %select_n3A_637 = arith.select %or3A_635, %select_n3A_599, %and3A_612 : vector<16xi1>, vector<16xi32>
      %select_n3A_638 = arith.select %or3A_635, %add3A_630, %select_n3A_598 : vector<16xi1>, vector<16xf32>
      %select_n3A_639 = arith.select %or3A_635, %and3A_612, %select_n3A_599 : vector<16xi1>, vector<16xi32>
      %gt3A_640 = arith.cmpf ogt, %select_n3A_636, %select_n3A_605 : vector<16xf32>
      %eq3A_641 = arith.cmpf oeq, %select_n3A_636, %select_n3A_605 : vector<16xf32>
      %lt3A_642 = arith.cmpi slt, %select_n3A_637, %select_n3A_606 : vector<16xi32>
      %and3A_643 = arith.andi %eq3A_641, %lt3A_642 : vector<16xi1>
      %or3A_644 = arith.ori %gt3A_640, %and3A_643 : vector<16xi1>
      %select_n3A_645 = arith.select %or3A_644, %select_n3A_636, %select_n3A_605 : vector<16xi1>, vector<16xf32>
      %select_n3A_646 = arith.select %or3A_644, %select_n3A_637, %select_n3A_606 : vector<16xi1>, vector<16xi32>
      %broadcast_in_dim3A_647 = arith.constant 16 : i32
      %broadcast_in_dim3A_648 = vector.broadcast %broadcast_in_dim3A_647 : i32 to vector<16xi32>
      %add3A_649 = arith.addi %iota3A, %broadcast_in_dim3A_648 : vector<16xi32>
      %broadcast_in_dim3A_650 = arith.constant 63 : i32
      %broadcast_in_dim3A_651 = vector.broadcast %broadcast_in_dim3A_650 : i32 to vector<16xi32>
      %and3A_652 = arith.andi %add3A_649, %broadcast_in_dim3A_651 : vector<16xi32>
      %gather3A_653 = tpu.vector_load_idx %arg6[%add3A_15, %and3A_652] : memref<256x128xf32, #tpu.memory_space<vmem>>[vector<16xi32>, vector<16xi32>], vector<16xf32>,
      %bitcast3A_654 = vector.bitcast %gather3A_653 : vector<16xf32> to vector<16xi32>
      %broadcast_in_dim3A_655 = arith.constant 32767 : i32
      %broadcast_in_dim3A_656 = vector.broadcast %broadcast_in_dim3A_655 : i32 to vector<16xi32>
      %add3A_657 = arith.addi %bitcast3A_654, %broadcast_in_dim3A_656 : vector<16xi32>
      %broadcast_in_dim3A_658 = arith.constant 16 : i32
      %broadcast_in_dim3A_659 = vector.broadcast %broadcast_in_dim3A_658 : i32 to vector<16xi32>
      %shift_right_arithmetic3A_660 = arith.shrsi %bitcast3A_654, %broadcast_in_dim3A_659 : vector<16xi32>
      %broadcast_in_dim3A_661 = arith.constant 1 : i32
      %broadcast_in_dim3A_662 = vector.broadcast %broadcast_in_dim3A_661 : i32 to vector<16xi32>
      %and3A_663 = arith.andi %shift_right_arithmetic3A_660, %broadcast_in_dim3A_662 : vector<16xi32>
      %add3A_664 = arith.addi %add3A_657, %and3A_663 : vector<16xi32>
      %broadcast_in_dim3A_665 = arith.constant -65536 : i32
      %broadcast_in_dim3A_666 = vector.broadcast %broadcast_in_dim3A_665 : i32 to vector<16xi32>
      %and3A_667 = arith.andi %add3A_664, %broadcast_in_dim3A_666 : vector<16xi32>
      %bitcast3A_668 = vector.bitcast %and3A_667 : vector<16xi32> to vector<16xf32>
      %gather3A_669 = tpu.vector_load_idx %arg7[%and3A_652] : memref<64xf32, #tpu.memory_space<vmem>>[vector<16xi32>], vector<16xf32>,
      %add3A_670 = arith.addf %bitcast3A_668, %gather3A_669 : vector<16xf32>
      %gt3A_671 = arith.cmpf ogt, %add3A_670, %select_n3A_638 : vector<16xf32>
      %eq3A_672 = arith.cmpf oeq, %add3A_670, %select_n3A_638 : vector<16xf32>
      %lt3A_673 = arith.cmpi slt, %and3A_652, %select_n3A_639 : vector<16xi32>
      %and3A_674 = arith.andi %eq3A_672, %lt3A_673 : vector<16xi1>
      %or3A_675 = arith.ori %gt3A_671, %and3A_674 : vector<16xi1>
      %select_n3A_676 = arith.select %or3A_675, %select_n3A_638, %add3A_670 : vector<16xi1>, vector<16xf32>
      %select_n3A_677 = arith.select %or3A_675, %select_n3A_639, %and3A_652 : vector<16xi1>, vector<16xi32>
      %select_n3A_678 = arith.select %or3A_675, %add3A_670, %select_n3A_638 : vector<16xi1>, vector<16xf32>
      %select_n3A_679 = arith.select %or3A_675, %and3A_652, %select_n3A_639 : vector<16xi1>, vector<16xi32>
      %gt3A_680 = arith.cmpf ogt, %select_n3A_676, %select_n3A_645 : vector<16xf32>
      %eq3A_681 = arith.cmpf oeq, %select_n3A_676, %select_n3A_645 : vector<16xf32>
      %lt3A_682 = arith.cmpi slt, %select_n3A_677, %select_n3A_646 : vector<16xi32>
      %and3A_683 = arith.andi %eq3A_681, %lt3A_682 : vector<16xi1>
      %or3A_684 = arith.ori %gt3A_680, %and3A_683 : vector<16xi1>
      %select_n3A_685 = arith.select %or3A_684, %select_n3A_676, %select_n3A_645 : vector<16xi1>, vector<16xf32>
      %select_n3A_686 = arith.select %or3A_684, %select_n3A_677, %select_n3A_646 : vector<16xi1>, vector<16xi32>
      %broadcast_in_dim3A_687 = arith.constant 17 : i32
      %broadcast_in_dim3A_688 = vector.broadcast %broadcast_in_dim3A_687 : i32 to vector<16xi32>
      %add3A_689 = arith.addi %iota3A, %broadcast_in_dim3A_688 : vector<16xi32>
      %broadcast_in_dim3A_690 = arith.constant 63 : i32
      %broadcast_in_dim3A_691 = vector.broadcast %broadcast_in_dim3A_690 : i32 to vector<16xi32>
      %and3A_692 = arith.andi %add3A_689, %broadcast_in_dim3A_691 : vector<16xi32>
      %gather3A_693 = tpu.vector_load_idx %arg6[%add3A_15, %and3A_692] : memref<256x128xf32, #tpu.memory_space<vmem>>[vector<16xi32>, vector<16xi32>], vector<16xf32>,
      %bitcast3A_694 = vector.bitcast %gather3A_693 : vector<16xf32> to vector<16xi32>
      %broadcast_in_dim3A_695 = arith.constant 32767 : i32
      %broadcast_in_dim3A_696 = vector.broadcast %broadcast_in_dim3A_695 : i32 to vector<16xi32>
      %add3A_697 = arith.addi %bitcast3A_694, %broadcast_in_dim3A_696 : vector<16xi32>
      %broadcast_in_dim3A_698 = arith.constant 16 : i32
      %broadcast_in_dim3A_699 = vector.broadcast %broadcast_in_dim3A_698 : i32 to vector<16xi32>
      %shift_right_arithmetic3A_700 = arith.shrsi %bitcast3A_694, %broadcast_in_dim3A_699 : vector<16xi32>
      %broadcast_in_dim3A_701 = arith.constant 1 : i32
      %broadcast_in_dim3A_702 = vector.broadcast %broadcast_in_dim3A_701 : i32 to vector<16xi32>
      %and3A_703 = arith.andi %shift_right_arithmetic3A_700, %broadcast_in_dim3A_702 : vector<16xi32>
      %add3A_704 = arith.addi %add3A_697, %and3A_703 : vector<16xi32>
      %broadcast_in_dim3A_705 = arith.constant -65536 : i32
      %broadcast_in_dim3A_706 = vector.broadcast %broadcast_in_dim3A_705 : i32 to vector<16xi32>
      %and3A_707 = arith.andi %add3A_704, %broadcast_in_dim3A_706 : vector<16xi32>
      %bitcast3A_708 = vector.bitcast %and3A_707 : vector<16xi32> to vector<16xf32>
      %gather3A_709 = tpu.vector_load_idx %arg7[%and3A_692] : memref<64xf32, #tpu.memory_space<vmem>>[vector<16xi32>], vector<16xf32>,
      %add3A_710 = arith.addf %bitcast3A_708, %gather3A_709 : vector<16xf32>
      %gt3A_711 = arith.cmpf ogt, %add3A_710, %select_n3A_678 : vector<16xf32>
      %eq3A_712 = arith.cmpf oeq, %add3A_710, %select_n3A_678 : vector<16xf32>
      %lt3A_713 = arith.cmpi slt, %and3A_692, %select_n3A_679 : vector<16xi32>
      %and3A_714 = arith.andi %eq3A_712, %lt3A_713 : vector<16xi1>
      %or3A_715 = arith.ori %gt3A_711, %and3A_714 : vector<16xi1>
      %select_n3A_716 = arith.select %or3A_715, %select_n3A_678, %add3A_710 : vector<16xi1>, vector<16xf32>
      %select_n3A_717 = arith.select %or3A_715, %select_n3A_679, %and3A_692 : vector<16xi1>, vector<16xi32>
      %select_n3A_718 = arith.select %or3A_715, %add3A_710, %select_n3A_678 : vector<16xi1>, vector<16xf32>
      %select_n3A_719 = arith.select %or3A_715, %and3A_692, %select_n3A_679 : vector<16xi1>, vector<16xi32>
      %gt3A_720 = arith.cmpf ogt, %select_n3A_716, %select_n3A_685 : vector<16xf32>
      %eq3A_721 = arith.cmpf oeq, %select_n3A_716, %select_n3A_685 : vector<16xf32>
      %lt3A_722 = arith.cmpi slt, %select_n3A_717, %select_n3A_686 : vector<16xi32>
      %and3A_723 = arith.andi %eq3A_721, %lt3A_722 : vector<16xi1>
      %or3A_724 = arith.ori %gt3A_720, %and3A_723 : vector<16xi1>
      %select_n3A_725 = arith.select %or3A_724, %select_n3A_716, %select_n3A_685 : vector<16xi1>, vector<16xf32>
      %select_n3A_726 = arith.select %or3A_724, %select_n3A_717, %select_n3A_686 : vector<16xi1>, vector<16xi32>
      %broadcast_in_dim3A_727 = arith.constant 18 : i32
      %broadcast_in_dim3A_728 = vector.broadcast %broadcast_in_dim3A_727 : i32 to vector<16xi32>
      %add3A_729 = arith.addi %iota3A, %broadcast_in_dim3A_728 : vector<16xi32>
      %broadcast_in_dim3A_730 = arith.constant 63 : i32
      %broadcast_in_dim3A_731 = vector.broadcast %broadcast_in_dim3A_730 : i32 to vector<16xi32>
      %and3A_732 = arith.andi %add3A_729, %broadcast_in_dim3A_731 : vector<16xi32>
      %gather3A_733 = tpu.vector_load_idx %arg6[%add3A_15, %and3A_732] : memref<256x128xf32, #tpu.memory_space<vmem>>[vector<16xi32>, vector<16xi32>], vector<16xf32>,
      %bitcast3A_734 = vector.bitcast %gather3A_733 : vector<16xf32> to vector<16xi32>
      %broadcast_in_dim3A_735 = arith.constant 32767 : i32
      %broadcast_in_dim3A_736 = vector.broadcast %broadcast_in_dim3A_735 : i32 to vector<16xi32>
      %add3A_737 = arith.addi %bitcast3A_734, %broadcast_in_dim3A_736 : vector<16xi32>
      %broadcast_in_dim3A_738 = arith.constant 16 : i32
      %broadcast_in_dim3A_739 = vector.broadcast %broadcast_in_dim3A_738 : i32 to vector<16xi32>
      %shift_right_arithmetic3A_740 = arith.shrsi %bitcast3A_734, %broadcast_in_dim3A_739 : vector<16xi32>
      %broadcast_in_dim3A_741 = arith.constant 1 : i32
      %broadcast_in_dim3A_742 = vector.broadcast %broadcast_in_dim3A_741 : i32 to vector<16xi32>
      %and3A_743 = arith.andi %shift_right_arithmetic3A_740, %broadcast_in_dim3A_742 : vector<16xi32>
      %add3A_744 = arith.addi %add3A_737, %and3A_743 : vector<16xi32>
      %broadcast_in_dim3A_745 = arith.constant -65536 : i32
      %broadcast_in_dim3A_746 = vector.broadcast %broadcast_in_dim3A_745 : i32 to vector<16xi32>
      %and3A_747 = arith.andi %add3A_744, %broadcast_in_dim3A_746 : vector<16xi32>
      %bitcast3A_748 = vector.bitcast %and3A_747 : vector<16xi32> to vector<16xf32>
      %gather3A_749 = tpu.vector_load_idx %arg7[%and3A_732] : memref<64xf32, #tpu.memory_space<vmem>>[vector<16xi32>], vector<16xf32>,
      %add3A_750 = arith.addf %bitcast3A_748, %gather3A_749 : vector<16xf32>
      %gt3A_751 = arith.cmpf ogt, %add3A_750, %select_n3A_718 : vector<16xf32>
      %eq3A_752 = arith.cmpf oeq, %add3A_750, %select_n3A_718 : vector<16xf32>
      %lt3A_753 = arith.cmpi slt, %and3A_732, %select_n3A_719 : vector<16xi32>
      %and3A_754 = arith.andi %eq3A_752, %lt3A_753 : vector<16xi1>
      %or3A_755 = arith.ori %gt3A_751, %and3A_754 : vector<16xi1>
      %select_n3A_756 = arith.select %or3A_755, %select_n3A_718, %add3A_750 : vector<16xi1>, vector<16xf32>
      %select_n3A_757 = arith.select %or3A_755, %select_n3A_719, %and3A_732 : vector<16xi1>, vector<16xi32>
      %select_n3A_758 = arith.select %or3A_755, %add3A_750, %select_n3A_718 : vector<16xi1>, vector<16xf32>
      %select_n3A_759 = arith.select %or3A_755, %and3A_732, %select_n3A_719 : vector<16xi1>, vector<16xi32>
      %gt3A_760 = arith.cmpf ogt, %select_n3A_756, %select_n3A_725 : vector<16xf32>
      %eq3A_761 = arith.cmpf oeq, %select_n3A_756, %select_n3A_725 : vector<16xf32>
      %lt3A_762 = arith.cmpi slt, %select_n3A_757, %select_n3A_726 : vector<16xi32>
      %and3A_763 = arith.andi %eq3A_761, %lt3A_762 : vector<16xi1>
      %or3A_764 = arith.ori %gt3A_760, %and3A_763 : vector<16xi1>
      %select_n3A_765 = arith.select %or3A_764, %select_n3A_756, %select_n3A_725 : vector<16xi1>, vector<16xf32>
      %select_n3A_766 = arith.select %or3A_764, %select_n3A_757, %select_n3A_726 : vector<16xi1>, vector<16xi32>
      %broadcast_in_dim3A_767 = arith.constant 19 : i32
      %broadcast_in_dim3A_768 = vector.broadcast %broadcast_in_dim3A_767 : i32 to vector<16xi32>
      %add3A_769 = arith.addi %iota3A, %broadcast_in_dim3A_768 : vector<16xi32>
      %broadcast_in_dim3A_770 = arith.constant 63 : i32
      %broadcast_in_dim3A_771 = vector.broadcast %broadcast_in_dim3A_770 : i32 to vector<16xi32>
      %and3A_772 = arith.andi %add3A_769, %broadcast_in_dim3A_771 : vector<16xi32>
      %gather3A_773 = tpu.vector_load_idx %arg6[%add3A_15, %and3A_772] : memref<256x128xf32, #tpu.memory_space<vmem>>[vector<16xi32>, vector<16xi32>], vector<16xf32>,
      %bitcast3A_774 = vector.bitcast %gather3A_773 : vector<16xf32> to vector<16xi32>
      %broadcast_in_dim3A_775 = arith.constant 32767 : i32
      %broadcast_in_dim3A_776 = vector.broadcast %broadcast_in_dim3A_775 : i32 to vector<16xi32>
      %add3A_777 = arith.addi %bitcast3A_774, %broadcast_in_dim3A_776 : vector<16xi32>
      %broadcast_in_dim3A_778 = arith.constant 16 : i32
      %broadcast_in_dim3A_779 = vector.broadcast %broadcast_in_dim3A_778 : i32 to vector<16xi32>
      %shift_right_arithmetic3A_780 = arith.shrsi %bitcast3A_774, %broadcast_in_dim3A_779 : vector<16xi32>
      %broadcast_in_dim3A_781 = arith.constant 1 : i32
      %broadcast_in_dim3A_782 = vector.broadcast %broadcast_in_dim3A_781 : i32 to vector<16xi32>
      %and3A_783 = arith.andi %shift_right_arithmetic3A_780, %broadcast_in_dim3A_782 : vector<16xi32>
      %add3A_784 = arith.addi %add3A_777, %and3A_783 : vector<16xi32>
      %broadcast_in_dim3A_785 = arith.constant -65536 : i32
      %broadcast_in_dim3A_786 = vector.broadcast %broadcast_in_dim3A_785 : i32 to vector<16xi32>
      %and3A_787 = arith.andi %add3A_784, %broadcast_in_dim3A_786 : vector<16xi32>
      %bitcast3A_788 = vector.bitcast %and3A_787 : vector<16xi32> to vector<16xf32>
      %gather3A_789 = tpu.vector_load_idx %arg7[%and3A_772] : memref<64xf32, #tpu.memory_space<vmem>>[vector<16xi32>], vector<16xf32>,
      %add3A_790 = arith.addf %bitcast3A_788, %gather3A_789 : vector<16xf32>
      %gt3A_791 = arith.cmpf ogt, %add3A_790, %select_n3A_758 : vector<16xf32>
      %eq3A_792 = arith.cmpf oeq, %add3A_790, %select_n3A_758 : vector<16xf32>
      %lt3A_793 = arith.cmpi slt, %and3A_772, %select_n3A_759 : vector<16xi32>
      %and3A_794 = arith.andi %eq3A_792, %lt3A_793 : vector<16xi1>
      %or3A_795 = arith.ori %gt3A_791, %and3A_794 : vector<16xi1>
      %select_n3A_796 = arith.select %or3A_795, %select_n3A_758, %add3A_790 : vector<16xi1>, vector<16xf32>
      %select_n3A_797 = arith.select %or3A_795, %select_n3A_759, %and3A_772 : vector<16xi1>, vector<16xi32>
      %select_n3A_798 = arith.select %or3A_795, %add3A_790, %select_n3A_758 : vector<16xi1>, vector<16xf32>
      %select_n3A_799 = arith.select %or3A_795, %and3A_772, %select_n3A_759 : vector<16xi1>, vector<16xi32>
      %gt3A_800 = arith.cmpf ogt, %select_n3A_796, %select_n3A_765 : vector<16xf32>
      %eq3A_801 = arith.cmpf oeq, %select_n3A_796, %select_n3A_765 : vector<16xf32>
      %lt3A_802 = arith.cmpi slt, %select_n3A_797, %select_n3A_766 : vector<16xi32>
      %and3A_803 = arith.andi %eq3A_801, %lt3A_802 : vector<16xi1>
      %or3A_804 = arith.ori %gt3A_800, %and3A_803 : vector<16xi1>
      %select_n3A_805 = arith.select %or3A_804, %select_n3A_796, %select_n3A_765 : vector<16xi1>, vector<16xf32>
      %select_n3A_806 = arith.select %or3A_804, %select_n3A_797, %select_n3A_766 : vector<16xi1>, vector<16xi32>
      %broadcast_in_dim3A_807 = arith.constant 20 : i32
      %broadcast_in_dim3A_808 = vector.broadcast %broadcast_in_dim3A_807 : i32 to vector<16xi32>
      %add3A_809 = arith.addi %iota3A, %broadcast_in_dim3A_808 : vector<16xi32>
      %broadcast_in_dim3A_810 = arith.constant 63 : i32
      %broadcast_in_dim3A_811 = vector.broadcast %broadcast_in_dim3A_810 : i32 to vector<16xi32>
      %and3A_812 = arith.andi %add3A_809, %broadcast_in_dim3A_811 : vector<16xi32>
      %gather3A_813 = tpu.vector_load_idx %arg6[%add3A_15, %and3A_812] : memref<256x128xf32, #tpu.memory_space<vmem>>[vector<16xi32>, vector<16xi32>], vector<16xf32>,
      %bitcast3A_814 = vector.bitcast %gather3A_813 : vector<16xf32> to vector<16xi32>
      %broadcast_in_dim3A_815 = arith.constant 32767 : i32
      %broadcast_in_dim3A_816 = vector.broadcast %broadcast_in_dim3A_815 : i32 to vector<16xi32>
      %add3A_817 = arith.addi %bitcast3A_814, %broadcast_in_dim3A_816 : vector<16xi32>
      %broadcast_in_dim3A_818 = arith.constant 16 : i32
      %broadcast_in_dim3A_819 = vector.broadcast %broadcast_in_dim3A_818 : i32 to vector<16xi32>
      %shift_right_arithmetic3A_820 = arith.shrsi %bitcast3A_814, %broadcast_in_dim3A_819 : vector<16xi32>
      %broadcast_in_dim3A_821 = arith.constant 1 : i32
      %broadcast_in_dim3A_822 = vector.broadcast %broadcast_in_dim3A_821 : i32 to vector<16xi32>
      %and3A_823 = arith.andi %shift_right_arithmetic3A_820, %broadcast_in_dim3A_822 : vector<16xi32>
      %add3A_824 = arith.addi %add3A_817, %and3A_823 : vector<16xi32>
      %broadcast_in_dim3A_825 = arith.constant -65536 : i32
      %broadcast_in_dim3A_826 = vector.broadcast %broadcast_in_dim3A_825 : i32 to vector<16xi32>
      %and3A_827 = arith.andi %add3A_824, %broadcast_in_dim3A_826 : vector<16xi32>
      %bitcast3A_828 = vector.bitcast %and3A_827 : vector<16xi32> to vector<16xf32>
      %gather3A_829 = tpu.vector_load_idx %arg7[%and3A_812] : memref<64xf32, #tpu.memory_space<vmem>>[vector<16xi32>], vector<16xf32>,
      %add3A_830 = arith.addf %bitcast3A_828, %gather3A_829 : vector<16xf32>
      %gt3A_831 = arith.cmpf ogt, %add3A_830, %select_n3A_798 : vector<16xf32>
      %eq3A_832 = arith.cmpf oeq, %add3A_830, %select_n3A_798 : vector<16xf32>
      %lt3A_833 = arith.cmpi slt, %and3A_812, %select_n3A_799 : vector<16xi32>
      %and3A_834 = arith.andi %eq3A_832, %lt3A_833 : vector<16xi1>
      %or3A_835 = arith.ori %gt3A_831, %and3A_834 : vector<16xi1>
      %select_n3A_836 = arith.select %or3A_835, %select_n3A_798, %add3A_830 : vector<16xi1>, vector<16xf32>
      %select_n3A_837 = arith.select %or3A_835, %select_n3A_799, %and3A_812 : vector<16xi1>, vector<16xi32>
      %select_n3A_838 = arith.select %or3A_835, %add3A_830, %select_n3A_798 : vector<16xi1>, vector<16xf32>
      %select_n3A_839 = arith.select %or3A_835, %and3A_812, %select_n3A_799 : vector<16xi1>, vector<16xi32>
      %gt3A_840 = arith.cmpf ogt, %select_n3A_836, %select_n3A_805 : vector<16xf32>
      %eq3A_841 = arith.cmpf oeq, %select_n3A_836, %select_n3A_805 : vector<16xf32>
      %lt3A_842 = arith.cmpi slt, %select_n3A_837, %select_n3A_806 : vector<16xi32>
      %and3A_843 = arith.andi %eq3A_841, %lt3A_842 : vector<16xi1>
      %or3A_844 = arith.ori %gt3A_840, %and3A_843 : vector<16xi1>
      %select_n3A_845 = arith.select %or3A_844, %select_n3A_836, %select_n3A_805 : vector<16xi1>, vector<16xf32>
      %select_n3A_846 = arith.select %or3A_844, %select_n3A_837, %select_n3A_806 : vector<16xi1>, vector<16xi32>
      %broadcast_in_dim3A_847 = arith.constant 21 : i32
      %broadcast_in_dim3A_848 = vector.broadcast %broadcast_in_dim3A_847 : i32 to vector<16xi32>
      %add3A_849 = arith.addi %iota3A, %broadcast_in_dim3A_848 : vector<16xi32>
      %broadcast_in_dim3A_850 = arith.constant 63 : i32
      %broadcast_in_dim3A_851 = vector.broadcast %broadcast_in_dim3A_850 : i32 to vector<16xi32>
      %and3A_852 = arith.andi %add3A_849, %broadcast_in_dim3A_851 : vector<16xi32>
      %gather3A_853 = tpu.vector_load_idx %arg6[%add3A_15, %and3A_852] : memref<256x128xf32, #tpu.memory_space<vmem>>[vector<16xi32>, vector<16xi32>], vector<16xf32>,
      %bitcast3A_854 = vector.bitcast %gather3A_853 : vector<16xf32> to vector<16xi32>
      %broadcast_in_dim3A_855 = arith.constant 32767 : i32
      %broadcast_in_dim3A_856 = vector.broadcast %broadcast_in_dim3A_855 : i32 to vector<16xi32>
      %add3A_857 = arith.addi %bitcast3A_854, %broadcast_in_dim3A_856 : vector<16xi32>
      %broadcast_in_dim3A_858 = arith.constant 16 : i32
      %broadcast_in_dim3A_859 = vector.broadcast %broadcast_in_dim3A_858 : i32 to vector<16xi32>
      %shift_right_arithmetic3A_860 = arith.shrsi %bitcast3A_854, %broadcast_in_dim3A_859 : vector<16xi32>
      %broadcast_in_dim3A_861 = arith.constant 1 : i32
      %broadcast_in_dim3A_862 = vector.broadcast %broadcast_in_dim3A_861 : i32 to vector<16xi32>
      %and3A_863 = arith.andi %shift_right_arithmetic3A_860, %broadcast_in_dim3A_862 : vector<16xi32>
      %add3A_864 = arith.addi %add3A_857, %and3A_863 : vector<16xi32>
      %broadcast_in_dim3A_865 = arith.constant -65536 : i32
      %broadcast_in_dim3A_866 = vector.broadcast %broadcast_in_dim3A_865 : i32 to vector<16xi32>
      %and3A_867 = arith.andi %add3A_864, %broadcast_in_dim3A_866 : vector<16xi32>
      %bitcast3A_868 = vector.bitcast %and3A_867 : vector<16xi32> to vector<16xf32>
      %gather3A_869 = tpu.vector_load_idx %arg7[%and3A_852] : memref<64xf32, #tpu.memory_space<vmem>>[vector<16xi32>], vector<16xf32>,
      %add3A_870 = arith.addf %bitcast3A_868, %gather3A_869 : vector<16xf32>
      %gt3A_871 = arith.cmpf ogt, %add3A_870, %select_n3A_838 : vector<16xf32>
      %eq3A_872 = arith.cmpf oeq, %add3A_870, %select_n3A_838 : vector<16xf32>
      %lt3A_873 = arith.cmpi slt, %and3A_852, %select_n3A_839 : vector<16xi32>
      %and3A_874 = arith.andi %eq3A_872, %lt3A_873 : vector<16xi1>
      %or3A_875 = arith.ori %gt3A_871, %and3A_874 : vector<16xi1>
      %select_n3A_876 = arith.select %or3A_875, %select_n3A_838, %add3A_870 : vector<16xi1>, vector<16xf32>
      %select_n3A_877 = arith.select %or3A_875, %select_n3A_839, %and3A_852 : vector<16xi1>, vector<16xi32>
      %select_n3A_878 = arith.select %or3A_875, %add3A_870, %select_n3A_838 : vector<16xi1>, vector<16xf32>
      %select_n3A_879 = arith.select %or3A_875, %and3A_852, %select_n3A_839 : vector<16xi1>, vector<16xi32>
      %gt3A_880 = arith.cmpf ogt, %select_n3A_876, %select_n3A_845 : vector<16xf32>
      %eq3A_881 = arith.cmpf oeq, %select_n3A_876, %select_n3A_845 : vector<16xf32>
      %lt3A_882 = arith.cmpi slt, %select_n3A_877, %select_n3A_846 : vector<16xi32>
      %and3A_883 = arith.andi %eq3A_881, %lt3A_882 : vector<16xi1>
      %or3A_884 = arith.ori %gt3A_880, %and3A_883 : vector<16xi1>
      %select_n3A_885 = arith.select %or3A_884, %select_n3A_876, %select_n3A_845 : vector<16xi1>, vector<16xf32>
      %select_n3A_886 = arith.select %or3A_884, %select_n3A_877, %select_n3A_846 : vector<16xi1>, vector<16xi32>
      %broadcast_in_dim3A_887 = arith.constant 22 : i32
      %broadcast_in_dim3A_888 = vector.broadcast %broadcast_in_dim3A_887 : i32 to vector<16xi32>
      %add3A_889 = arith.addi %iota3A, %broadcast_in_dim3A_888 : vector<16xi32>
      %broadcast_in_dim3A_890 = arith.constant 63 : i32
      %broadcast_in_dim3A_891 = vector.broadcast %broadcast_in_dim3A_890 : i32 to vector<16xi32>
      %and3A_892 = arith.andi %add3A_889, %broadcast_in_dim3A_891 : vector<16xi32>
      %gather3A_893 = tpu.vector_load_idx %arg6[%add3A_15, %and3A_892] : memref<256x128xf32, #tpu.memory_space<vmem>>[vector<16xi32>, vector<16xi32>], vector<16xf32>,
      %bitcast3A_894 = vector.bitcast %gather3A_893 : vector<16xf32> to vector<16xi32>
      %broadcast_in_dim3A_895 = arith.constant 32767 : i32
      %broadcast_in_dim3A_896 = vector.broadcast %broadcast_in_dim3A_895 : i32 to vector<16xi32>
      %add3A_897 = arith.addi %bitcast3A_894, %broadcast_in_dim3A_896 : vector<16xi32>
      %broadcast_in_dim3A_898 = arith.constant 16 : i32
      %broadcast_in_dim3A_899 = vector.broadcast %broadcast_in_dim3A_898 : i32 to vector<16xi32>
      %shift_right_arithmetic3A_900 = arith.shrsi %bitcast3A_894, %broadcast_in_dim3A_899 : vector<16xi32>
      %broadcast_in_dim3A_901 = arith.constant 1 : i32
      %broadcast_in_dim3A_902 = vector.broadcast %broadcast_in_dim3A_901 : i32 to vector<16xi32>
      %and3A_903 = arith.andi %shift_right_arithmetic3A_900, %broadcast_in_dim3A_902 : vector<16xi32>
      %add3A_904 = arith.addi %add3A_897, %and3A_903 : vector<16xi32>
      %broadcast_in_dim3A_905 = arith.constant -65536 : i32
      %broadcast_in_dim3A_906 = vector.broadcast %broadcast_in_dim3A_905 : i32 to vector<16xi32>
      %and3A_907 = arith.andi %add3A_904, %broadcast_in_dim3A_906 : vector<16xi32>
      %bitcast3A_908 = vector.bitcast %and3A_907 : vector<16xi32> to vector<16xf32>
      %gather3A_909 = tpu.vector_load_idx %arg7[%and3A_892] : memref<64xf32, #tpu.memory_space<vmem>>[vector<16xi32>], vector<16xf32>,
      %add3A_910 = arith.addf %bitcast3A_908, %gather3A_909 : vector<16xf32>
      %gt3A_911 = arith.cmpf ogt, %add3A_910, %select_n3A_878 : vector<16xf32>
      %eq3A_912 = arith.cmpf oeq, %add3A_910, %select_n3A_878 : vector<16xf32>
      %lt3A_913 = arith.cmpi slt, %and3A_892, %select_n3A_879 : vector<16xi32>
      %and3A_914 = arith.andi %eq3A_912, %lt3A_913 : vector<16xi1>
      %or3A_915 = arith.ori %gt3A_911, %and3A_914 : vector<16xi1>
      %select_n3A_916 = arith.select %or3A_915, %select_n3A_878, %add3A_910 : vector<16xi1>, vector<16xf32>
      %select_n3A_917 = arith.select %or3A_915, %select_n3A_879, %and3A_892 : vector<16xi1>, vector<16xi32>
      %select_n3A_918 = arith.select %or3A_915, %add3A_910, %select_n3A_878 : vector<16xi1>, vector<16xf32>
      %select_n3A_919 = arith.select %or3A_915, %and3A_892, %select_n3A_879 : vector<16xi1>, vector<16xi32>
      %gt3A_920 = arith.cmpf ogt, %select_n3A_916, %select_n3A_885 : vector<16xf32>
      %eq3A_921 = arith.cmpf oeq, %select_n3A_916, %select_n3A_885 : vector<16xf32>
      %lt3A_922 = arith.cmpi slt, %select_n3A_917, %select_n3A_886 : vector<16xi32>
      %and3A_923 = arith.andi %eq3A_921, %lt3A_922 : vector<16xi1>
      %or3A_924 = arith.ori %gt3A_920, %and3A_923 : vector<16xi1>
      %select_n3A_925 = arith.select %or3A_924, %select_n3A_916, %select_n3A_885 : vector<16xi1>, vector<16xf32>
      %select_n3A_926 = arith.select %or3A_924, %select_n3A_917, %select_n3A_886 : vector<16xi1>, vector<16xi32>
      %broadcast_in_dim3A_927 = arith.constant 23 : i32
      %broadcast_in_dim3A_928 = vector.broadcast %broadcast_in_dim3A_927 : i32 to vector<16xi32>
      %add3A_929 = arith.addi %iota3A, %broadcast_in_dim3A_928 : vector<16xi32>
      %broadcast_in_dim3A_930 = arith.constant 63 : i32
      %broadcast_in_dim3A_931 = vector.broadcast %broadcast_in_dim3A_930 : i32 to vector<16xi32>
      %and3A_932 = arith.andi %add3A_929, %broadcast_in_dim3A_931 : vector<16xi32>
      %gather3A_933 = tpu.vector_load_idx %arg6[%add3A_15, %and3A_932] : memref<256x128xf32, #tpu.memory_space<vmem>>[vector<16xi32>, vector<16xi32>], vector<16xf32>,
      %bitcast3A_934 = vector.bitcast %gather3A_933 : vector<16xf32> to vector<16xi32>
      %broadcast_in_dim3A_935 = arith.constant 32767 : i32
      %broadcast_in_dim3A_936 = vector.broadcast %broadcast_in_dim3A_935 : i32 to vector<16xi32>
      %add3A_937 = arith.addi %bitcast3A_934, %broadcast_in_dim3A_936 : vector<16xi32>
      %broadcast_in_dim3A_938 = arith.constant 16 : i32
      %broadcast_in_dim3A_939 = vector.broadcast %broadcast_in_dim3A_938 : i32 to vector<16xi32>
      %shift_right_arithmetic3A_940 = arith.shrsi %bitcast3A_934, %broadcast_in_dim3A_939 : vector<16xi32>
      %broadcast_in_dim3A_941 = arith.constant 1 : i32
      %broadcast_in_dim3A_942 = vector.broadcast %broadcast_in_dim3A_941 : i32 to vector<16xi32>
      %and3A_943 = arith.andi %shift_right_arithmetic3A_940, %broadcast_in_dim3A_942 : vector<16xi32>
      %add3A_944 = arith.addi %add3A_937, %and3A_943 : vector<16xi32>
      %broadcast_in_dim3A_945 = arith.constant -65536 : i32
      %broadcast_in_dim3A_946 = vector.broadcast %broadcast_in_dim3A_945 : i32 to vector<16xi32>
      %and3A_947 = arith.andi %add3A_944, %broadcast_in_dim3A_946 : vector<16xi32>
      %bitcast3A_948 = vector.bitcast %and3A_947 : vector<16xi32> to vector<16xf32>
      %gather3A_949 = tpu.vector_load_idx %arg7[%and3A_932] : memref<64xf32, #tpu.memory_space<vmem>>[vector<16xi32>], vector<16xf32>,
      %add3A_950 = arith.addf %bitcast3A_948, %gather3A_949 : vector<16xf32>
      %gt3A_951 = arith.cmpf ogt, %add3A_950, %select_n3A_918 : vector<16xf32>
      %eq3A_952 = arith.cmpf oeq, %add3A_950, %select_n3A_918 : vector<16xf32>
      %lt3A_953 = arith.cmpi slt, %and3A_932, %select_n3A_919 : vector<16xi32>
      %and3A_954 = arith.andi %eq3A_952, %lt3A_953 : vector<16xi1>
      %or3A_955 = arith.ori %gt3A_951, %and3A_954 : vector<16xi1>
      %select_n3A_956 = arith.select %or3A_955, %select_n3A_918, %add3A_950 : vector<16xi1>, vector<16xf32>
      %select_n3A_957 = arith.select %or3A_955, %select_n3A_919, %and3A_932 : vector<16xi1>, vector<16xi32>
      %select_n3A_958 = arith.select %or3A_955, %add3A_950, %select_n3A_918 : vector<16xi1>, vector<16xf32>
      %select_n3A_959 = arith.select %or3A_955, %and3A_932, %select_n3A_919 : vector<16xi1>, vector<16xi32>
      %gt3A_960 = arith.cmpf ogt, %select_n3A_956, %select_n3A_925 : vector<16xf32>
      %eq3A_961 = arith.cmpf oeq, %select_n3A_956, %select_n3A_925 : vector<16xf32>
      %lt3A_962 = arith.cmpi slt, %select_n3A_957, %select_n3A_926 : vector<16xi32>
      %and3A_963 = arith.andi %eq3A_961, %lt3A_962 : vector<16xi1>
      %or3A_964 = arith.ori %gt3A_960, %and3A_963 : vector<16xi1>
      %select_n3A_965 = arith.select %or3A_964, %select_n3A_956, %select_n3A_925 : vector<16xi1>, vector<16xf32>
      %select_n3A_966 = arith.select %or3A_964, %select_n3A_957, %select_n3A_926 : vector<16xi1>, vector<16xi32>
      %broadcast_in_dim3A_967 = arith.constant 24 : i32
      %broadcast_in_dim3A_968 = vector.broadcast %broadcast_in_dim3A_967 : i32 to vector<16xi32>
      %add3A_969 = arith.addi %iota3A, %broadcast_in_dim3A_968 : vector<16xi32>
      %broadcast_in_dim3A_970 = arith.constant 63 : i32
      %broadcast_in_dim3A_971 = vector.broadcast %broadcast_in_dim3A_970 : i32 to vector<16xi32>
      %and3A_972 = arith.andi %add3A_969, %broadcast_in_dim3A_971 : vector<16xi32>
      %gather3A_973 = tpu.vector_load_idx %arg6[%add3A_15, %and3A_972] : memref<256x128xf32, #tpu.memory_space<vmem>>[vector<16xi32>, vector<16xi32>], vector<16xf32>,
      %bitcast3A_974 = vector.bitcast %gather3A_973 : vector<16xf32> to vector<16xi32>
      %broadcast_in_dim3A_975 = arith.constant 32767 : i32
      %broadcast_in_dim3A_976 = vector.broadcast %broadcast_in_dim3A_975 : i32 to vector<16xi32>
      %add3A_977 = arith.addi %bitcast3A_974, %broadcast_in_dim3A_976 : vector<16xi32>
      %broadcast_in_dim3A_978 = arith.constant 16 : i32
      %broadcast_in_dim3A_979 = vector.broadcast %broadcast_in_dim3A_978 : i32 to vector<16xi32>
      %shift_right_arithmetic3A_980 = arith.shrsi %bitcast3A_974, %broadcast_in_dim3A_979 : vector<16xi32>
      %broadcast_in_dim3A_981 = arith.constant 1 : i32
      %broadcast_in_dim3A_982 = vector.broadcast %broadcast_in_dim3A_981 : i32 to vector<16xi32>
      %and3A_983 = arith.andi %shift_right_arithmetic3A_980, %broadcast_in_dim3A_982 : vector<16xi32>
      %add3A_984 = arith.addi %add3A_977, %and3A_983 : vector<16xi32>
      %broadcast_in_dim3A_985 = arith.constant -65536 : i32
      %broadcast_in_dim3A_986 = vector.broadcast %broadcast_in_dim3A_985 : i32 to vector<16xi32>
      %and3A_987 = arith.andi %add3A_984, %broadcast_in_dim3A_986 : vector<16xi32>
      %bitcast3A_988 = vector.bitcast %and3A_987 : vector<16xi32> to vector<16xf32>
      %gather3A_989 = tpu.vector_load_idx %arg7[%and3A_972] : memref<64xf32, #tpu.memory_space<vmem>>[vector<16xi32>], vector<16xf32>,
      %add3A_990 = arith.addf %bitcast3A_988, %gather3A_989 : vector<16xf32>
      %gt3A_991 = arith.cmpf ogt, %add3A_990, %select_n3A_958 : vector<16xf32>
      %eq3A_992 = arith.cmpf oeq, %add3A_990, %select_n3A_958 : vector<16xf32>
      %lt3A_993 = arith.cmpi slt, %and3A_972, %select_n3A_959 : vector<16xi32>
      %and3A_994 = arith.andi %eq3A_992, %lt3A_993 : vector<16xi1>
      %or3A_995 = arith.ori %gt3A_991, %and3A_994 : vector<16xi1>
      %select_n3A_996 = arith.select %or3A_995, %select_n3A_958, %add3A_990 : vector<16xi1>, vector<16xf32>
      %select_n3A_997 = arith.select %or3A_995, %select_n3A_959, %and3A_972 : vector<16xi1>, vector<16xi32>
      %select_n3A_998 = arith.select %or3A_995, %add3A_990, %select_n3A_958 : vector<16xi1>, vector<16xf32>
      %select_n3A_999 = arith.select %or3A_995, %and3A_972, %select_n3A_959 : vector<16xi1>, vector<16xi32>
      %gt3A_1000 = arith.cmpf ogt, %select_n3A_996, %select_n3A_965 : vector<16xf32>
      %eq3A_1001 = arith.cmpf oeq, %select_n3A_996, %select_n3A_965 : vector<16xf32>
      %lt3A_1002 = arith.cmpi slt, %select_n3A_997, %select_n3A_966 : vector<16xi32>
      %and3A_1003 = arith.andi %eq3A_1001, %lt3A_1002 : vector<16xi1>
      %or3A_1004 = arith.ori %gt3A_1000, %and3A_1003 : vector<16xi1>
      %select_n3A_1005 = arith.select %or3A_1004, %select_n3A_996, %select_n3A_965 : vector<16xi1>, vector<16xf32>
      %select_n3A_1006 = arith.select %or3A_1004, %select_n3A_997, %select_n3A_966 : vector<16xi1>, vector<16xi32>
      %broadcast_in_dim3A_1007 = arith.constant 25 : i32
      %broadcast_in_dim3A_1008 = vector.broadcast %broadcast_in_dim3A_1007 : i32 to vector<16xi32>
      %add3A_1009 = arith.addi %iota3A, %broadcast_in_dim3A_1008 : vector<16xi32>
      %broadcast_in_dim3A_1010 = arith.constant 63 : i32
      %broadcast_in_dim3A_1011 = vector.broadcast %broadcast_in_dim3A_1010 : i32 to vector<16xi32>
      %and3A_1012 = arith.andi %add3A_1009, %broadcast_in_dim3A_1011 : vector<16xi32>
      %gather3A_1013 = tpu.vector_load_idx %arg6[%add3A_15, %and3A_1012] : memref<256x128xf32, #tpu.memory_space<vmem>>[vector<16xi32>, vector<16xi32>], vector<16xf32>,
      %bitcast3A_1014 = vector.bitcast %gather3A_1013 : vector<16xf32> to vector<16xi32>
      %broadcast_in_dim3A_1015 = arith.constant 32767 : i32
      %broadcast_in_dim3A_1016 = vector.broadcast %broadcast_in_dim3A_1015 : i32 to vector<16xi32>
      %add3A_1017 = arith.addi %bitcast3A_1014, %broadcast_in_dim3A_1016 : vector<16xi32>
      %broadcast_in_dim3A_1018 = arith.constant 16 : i32
      %broadcast_in_dim3A_1019 = vector.broadcast %broadcast_in_dim3A_1018 : i32 to vector<16xi32>
      %shift_right_arithmetic3A_1020 = arith.shrsi %bitcast3A_1014, %broadcast_in_dim3A_1019 : vector<16xi32>
      %broadcast_in_dim3A_1021 = arith.constant 1 : i32
      %broadcast_in_dim3A_1022 = vector.broadcast %broadcast_in_dim3A_1021 : i32 to vector<16xi32>
      %and3A_1023 = arith.andi %shift_right_arithmetic3A_1020, %broadcast_in_dim3A_1022 : vector<16xi32>
      %add3A_1024 = arith.addi %add3A_1017, %and3A_1023 : vector<16xi32>
      %broadcast_in_dim3A_1025 = arith.constant -65536 : i32
      %broadcast_in_dim3A_1026 = vector.broadcast %broadcast_in_dim3A_1025 : i32 to vector<16xi32>
      %and3A_1027 = arith.andi %add3A_1024, %broadcast_in_dim3A_1026 : vector<16xi32>
      %bitcast3A_1028 = vector.bitcast %and3A_1027 : vector<16xi32> to vector<16xf32>
      %gather3A_1029 = tpu.vector_load_idx %arg7[%and3A_1012] : memref<64xf32, #tpu.memory_space<vmem>>[vector<16xi32>], vector<16xf32>,
      %add3A_1030 = arith.addf %bitcast3A_1028, %gather3A_1029 : vector<16xf32>
      %gt3A_1031 = arith.cmpf ogt, %add3A_1030, %select_n3A_998 : vector<16xf32>
      %eq3A_1032 = arith.cmpf oeq, %add3A_1030, %select_n3A_998 : vector<16xf32>
      %lt3A_1033 = arith.cmpi slt, %and3A_1012, %select_n3A_999 : vector<16xi32>
      %and3A_1034 = arith.andi %eq3A_1032, %lt3A_1033 : vector<16xi1>
      %or3A_1035 = arith.ori %gt3A_1031, %and3A_1034 : vector<16xi1>
      %select_n3A_1036 = arith.select %or3A_1035, %select_n3A_998, %add3A_1030 : vector<16xi1>, vector<16xf32>
      %select_n3A_1037 = arith.select %or3A_1035, %select_n3A_999, %and3A_1012 : vector<16xi1>, vector<16xi32>
      %select_n3A_1038 = arith.select %or3A_1035, %add3A_1030, %select_n3A_998 : vector<16xi1>, vector<16xf32>
      %select_n3A_1039 = arith.select %or3A_1035, %and3A_1012, %select_n3A_999 : vector<16xi1>, vector<16xi32>
      %gt3A_1040 = arith.cmpf ogt, %select_n3A_1036, %select_n3A_1005 : vector<16xf32>
      %eq3A_1041 = arith.cmpf oeq, %select_n3A_1036, %select_n3A_1005 : vector<16xf32>
      %lt3A_1042 = arith.cmpi slt, %select_n3A_1037, %select_n3A_1006 : vector<16xi32>
      %and3A_1043 = arith.andi %eq3A_1041, %lt3A_1042 : vector<16xi1>
      %or3A_1044 = arith.ori %gt3A_1040, %and3A_1043 : vector<16xi1>
      %select_n3A_1045 = arith.select %or3A_1044, %select_n3A_1036, %select_n3A_1005 : vector<16xi1>, vector<16xf32>
      %select_n3A_1046 = arith.select %or3A_1044, %select_n3A_1037, %select_n3A_1006 : vector<16xi1>, vector<16xi32>
      %broadcast_in_dim3A_1047 = arith.constant 26 : i32
      %broadcast_in_dim3A_1048 = vector.broadcast %broadcast_in_dim3A_1047 : i32 to vector<16xi32>
      %add3A_1049 = arith.addi %iota3A, %broadcast_in_dim3A_1048 : vector<16xi32>
      %broadcast_in_dim3A_1050 = arith.constant 63 : i32
      %broadcast_in_dim3A_1051 = vector.broadcast %broadcast_in_dim3A_1050 : i32 to vector<16xi32>
      %and3A_1052 = arith.andi %add3A_1049, %broadcast_in_dim3A_1051 : vector<16xi32>
      %gather3A_1053 = tpu.vector_load_idx %arg6[%add3A_15, %and3A_1052] : memref<256x128xf32, #tpu.memory_space<vmem>>[vector<16xi32>, vector<16xi32>], vector<16xf32>,
      %bitcast3A_1054 = vector.bitcast %gather3A_1053 : vector<16xf32> to vector<16xi32>
      %broadcast_in_dim3A_1055 = arith.constant 32767 : i32
      %broadcast_in_dim3A_1056 = vector.broadcast %broadcast_in_dim3A_1055 : i32 to vector<16xi32>
      %add3A_1057 = arith.addi %bitcast3A_1054, %broadcast_in_dim3A_1056 : vector<16xi32>
      %broadcast_in_dim3A_1058 = arith.constant 16 : i32
      %broadcast_in_dim3A_1059 = vector.broadcast %broadcast_in_dim3A_1058 : i32 to vector<16xi32>
      %shift_right_arithmetic3A_1060 = arith.shrsi %bitcast3A_1054, %broadcast_in_dim3A_1059 : vector<16xi32>
      %broadcast_in_dim3A_1061 = arith.constant 1 : i32
      %broadcast_in_dim3A_1062 = vector.broadcast %broadcast_in_dim3A_1061 : i32 to vector<16xi32>
      %and3A_1063 = arith.andi %shift_right_arithmetic3A_1060, %broadcast_in_dim3A_1062 : vector<16xi32>
      %add3A_1064 = arith.addi %add3A_1057, %and3A_1063 : vector<16xi32>
      %broadcast_in_dim3A_1065 = arith.constant -65536 : i32
      %broadcast_in_dim3A_1066 = vector.broadcast %broadcast_in_dim3A_1065 : i32 to vector<16xi32>
      %and3A_1067 = arith.andi %add3A_1064, %broadcast_in_dim3A_1066 : vector<16xi32>
      %bitcast3A_1068 = vector.bitcast %and3A_1067 : vector<16xi32> to vector<16xf32>
      %gather3A_1069 = tpu.vector_load_idx %arg7[%and3A_1052] : memref<64xf32, #tpu.memory_space<vmem>>[vector<16xi32>], vector<16xf32>,
      %add3A_1070 = arith.addf %bitcast3A_1068, %gather3A_1069 : vector<16xf32>
      %gt3A_1071 = arith.cmpf ogt, %add3A_1070, %select_n3A_1038 : vector<16xf32>
      %eq3A_1072 = arith.cmpf oeq, %add3A_1070, %select_n3A_1038 : vector<16xf32>
      %lt3A_1073 = arith.cmpi slt, %and3A_1052, %select_n3A_1039 : vector<16xi32>
      %and3A_1074 = arith.andi %eq3A_1072, %lt3A_1073 : vector<16xi1>
      %or3A_1075 = arith.ori %gt3A_1071, %and3A_1074 : vector<16xi1>
      %select_n3A_1076 = arith.select %or3A_1075, %select_n3A_1038, %add3A_1070 : vector<16xi1>, vector<16xf32>
      %select_n3A_1077 = arith.select %or3A_1075, %select_n3A_1039, %and3A_1052 : vector<16xi1>, vector<16xi32>
      %select_n3A_1078 = arith.select %or3A_1075, %add3A_1070, %select_n3A_1038 : vector<16xi1>, vector<16xf32>
      %select_n3A_1079 = arith.select %or3A_1075, %and3A_1052, %select_n3A_1039 : vector<16xi1>, vector<16xi32>
      %gt3A_1080 = arith.cmpf ogt, %select_n3A_1076, %select_n3A_1045 : vector<16xf32>
      %eq3A_1081 = arith.cmpf oeq, %select_n3A_1076, %select_n3A_1045 : vector<16xf32>
      %lt3A_1082 = arith.cmpi slt, %select_n3A_1077, %select_n3A_1046 : vector<16xi32>
      %and3A_1083 = arith.andi %eq3A_1081, %lt3A_1082 : vector<16xi1>
      %or3A_1084 = arith.ori %gt3A_1080, %and3A_1083 : vector<16xi1>
      %select_n3A_1085 = arith.select %or3A_1084, %select_n3A_1076, %select_n3A_1045 : vector<16xi1>, vector<16xf32>
      %select_n3A_1086 = arith.select %or3A_1084, %select_n3A_1077, %select_n3A_1046 : vector<16xi1>, vector<16xi32>
      %broadcast_in_dim3A_1087 = arith.constant 27 : i32
      %broadcast_in_dim3A_1088 = vector.broadcast %broadcast_in_dim3A_1087 : i32 to vector<16xi32>
      %add3A_1089 = arith.addi %iota3A, %broadcast_in_dim3A_1088 : vector<16xi32>
      %broadcast_in_dim3A_1090 = arith.constant 63 : i32
      %broadcast_in_dim3A_1091 = vector.broadcast %broadcast_in_dim3A_1090 : i32 to vector<16xi32>
      %and3A_1092 = arith.andi %add3A_1089, %broadcast_in_dim3A_1091 : vector<16xi32>
      %gather3A_1093 = tpu.vector_load_idx %arg6[%add3A_15, %and3A_1092] : memref<256x128xf32, #tpu.memory_space<vmem>>[vector<16xi32>, vector<16xi32>], vector<16xf32>,
      %bitcast3A_1094 = vector.bitcast %gather3A_1093 : vector<16xf32> to vector<16xi32>
      %broadcast_in_dim3A_1095 = arith.constant 32767 : i32
      %broadcast_in_dim3A_1096 = vector.broadcast %broadcast_in_dim3A_1095 : i32 to vector<16xi32>
      %add3A_1097 = arith.addi %bitcast3A_1094, %broadcast_in_dim3A_1096 : vector<16xi32>
      %broadcast_in_dim3A_1098 = arith.constant 16 : i32
      %broadcast_in_dim3A_1099 = vector.broadcast %broadcast_in_dim3A_1098 : i32 to vector<16xi32>
      %shift_right_arithmetic3A_1100 = arith.shrsi %bitcast3A_1094, %broadcast_in_dim3A_1099 : vector<16xi32>
      %broadcast_in_dim3A_1101 = arith.constant 1 : i32
      %broadcast_in_dim3A_1102 = vector.broadcast %broadcast_in_dim3A_1101 : i32 to vector<16xi32>
      %and3A_1103 = arith.andi %shift_right_arithmetic3A_1100, %broadcast_in_dim3A_1102 : vector<16xi32>
      %add3A_1104 = arith.addi %add3A_1097, %and3A_1103 : vector<16xi32>
      %broadcast_in_dim3A_1105 = arith.constant -65536 : i32
      %broadcast_in_dim3A_1106 = vector.broadcast %broadcast_in_dim3A_1105 : i32 to vector<16xi32>
      %and3A_1107 = arith.andi %add3A_1104, %broadcast_in_dim3A_1106 : vector<16xi32>
      %bitcast3A_1108 = vector.bitcast %and3A_1107 : vector<16xi32> to vector<16xf32>
      %gather3A_1109 = tpu.vector_load_idx %arg7[%and3A_1092] : memref<64xf32, #tpu.memory_space<vmem>>[vector<16xi32>], vector<16xf32>,
      %add3A_1110 = arith.addf %bitcast3A_1108, %gather3A_1109 : vector<16xf32>
      %gt3A_1111 = arith.cmpf ogt, %add3A_1110, %select_n3A_1078 : vector<16xf32>
      %eq3A_1112 = arith.cmpf oeq, %add3A_1110, %select_n3A_1078 : vector<16xf32>
      %lt3A_1113 = arith.cmpi slt, %and3A_1092, %select_n3A_1079 : vector<16xi32>
      %and3A_1114 = arith.andi %eq3A_1112, %lt3A_1113 : vector<16xi1>
      %or3A_1115 = arith.ori %gt3A_1111, %and3A_1114 : vector<16xi1>
      %select_n3A_1116 = arith.select %or3A_1115, %select_n3A_1078, %add3A_1110 : vector<16xi1>, vector<16xf32>
      %select_n3A_1117 = arith.select %or3A_1115, %select_n3A_1079, %and3A_1092 : vector<16xi1>, vector<16xi32>
      %select_n3A_1118 = arith.select %or3A_1115, %add3A_1110, %select_n3A_1078 : vector<16xi1>, vector<16xf32>
      %select_n3A_1119 = arith.select %or3A_1115, %and3A_1092, %select_n3A_1079 : vector<16xi1>, vector<16xi32>
      %gt3A_1120 = arith.cmpf ogt, %select_n3A_1116, %select_n3A_1085 : vector<16xf32>
      %eq3A_1121 = arith.cmpf oeq, %select_n3A_1116, %select_n3A_1085 : vector<16xf32>
      %lt3A_1122 = arith.cmpi slt, %select_n3A_1117, %select_n3A_1086 : vector<16xi32>
      %and3A_1123 = arith.andi %eq3A_1121, %lt3A_1122 : vector<16xi1>
      %or3A_1124 = arith.ori %gt3A_1120, %and3A_1123 : vector<16xi1>
      %select_n3A_1125 = arith.select %or3A_1124, %select_n3A_1116, %select_n3A_1085 : vector<16xi1>, vector<16xf32>
      %select_n3A_1126 = arith.select %or3A_1124, %select_n3A_1117, %select_n3A_1086 : vector<16xi1>, vector<16xi32>
      %broadcast_in_dim3A_1127 = arith.constant 28 : i32
      %broadcast_in_dim3A_1128 = vector.broadcast %broadcast_in_dim3A_1127 : i32 to vector<16xi32>
      %add3A_1129 = arith.addi %iota3A, %broadcast_in_dim3A_1128 : vector<16xi32>
      %broadcast_in_dim3A_1130 = arith.constant 63 : i32
      %broadcast_in_dim3A_1131 = vector.broadcast %broadcast_in_dim3A_1130 : i32 to vector<16xi32>
      %and3A_1132 = arith.andi %add3A_1129, %broadcast_in_dim3A_1131 : vector<16xi32>
      %gather3A_1133 = tpu.vector_load_idx %arg6[%add3A_15, %and3A_1132] : memref<256x128xf32, #tpu.memory_space<vmem>>[vector<16xi32>, vector<16xi32>], vector<16xf32>,
      %bitcast3A_1134 = vector.bitcast %gather3A_1133 : vector<16xf32> to vector<16xi32>
      %broadcast_in_dim3A_1135 = arith.constant 32767 : i32
      %broadcast_in_dim3A_1136 = vector.broadcast %broadcast_in_dim3A_1135 : i32 to vector<16xi32>
      %add3A_1137 = arith.addi %bitcast3A_1134, %broadcast_in_dim3A_1136 : vector<16xi32>
      %broadcast_in_dim3A_1138 = arith.constant 16 : i32
      %broadcast_in_dim3A_1139 = vector.broadcast %broadcast_in_dim3A_1138 : i32 to vector<16xi32>
      %shift_right_arithmetic3A_1140 = arith.shrsi %bitcast3A_1134, %broadcast_in_dim3A_1139 : vector<16xi32>
      %broadcast_in_dim3A_1141 = arith.constant 1 : i32
      %broadcast_in_dim3A_1142 = vector.broadcast %broadcast_in_dim3A_1141 : i32 to vector<16xi32>
      %and3A_1143 = arith.andi %shift_right_arithmetic3A_1140, %broadcast_in_dim3A_1142 : vector<16xi32>
      %add3A_1144 = arith.addi %add3A_1137, %and3A_1143 : vector<16xi32>
      %broadcast_in_dim3A_1145 = arith.constant -65536 : i32
      %broadcast_in_dim3A_1146 = vector.broadcast %broadcast_in_dim3A_1145 : i32 to vector<16xi32>
      %and3A_1147 = arith.andi %add3A_1144, %broadcast_in_dim3A_1146 : vector<16xi32>
      %bitcast3A_1148 = vector.bitcast %and3A_1147 : vector<16xi32> to vector<16xf32>
      %gather3A_1149 = tpu.vector_load_idx %arg7[%and3A_1132] : memref<64xf32, #tpu.memory_space<vmem>>[vector<16xi32>], vector<16xf32>,
      %add3A_1150 = arith.addf %bitcast3A_1148, %gather3A_1149 : vector<16xf32>
      %gt3A_1151 = arith.cmpf ogt, %add3A_1150, %select_n3A_1118 : vector<16xf32>
      %eq3A_1152 = arith.cmpf oeq, %add3A_1150, %select_n3A_1118 : vector<16xf32>
      %lt3A_1153 = arith.cmpi slt, %and3A_1132, %select_n3A_1119 : vector<16xi32>
      %and3A_1154 = arith.andi %eq3A_1152, %lt3A_1153 : vector<16xi1>
      %or3A_1155 = arith.ori %gt3A_1151, %and3A_1154 : vector<16xi1>
      %select_n3A_1156 = arith.select %or3A_1155, %select_n3A_1118, %add3A_1150 : vector<16xi1>, vector<16xf32>
      %select_n3A_1157 = arith.select %or3A_1155, %select_n3A_1119, %and3A_1132 : vector<16xi1>, vector<16xi32>
      %select_n3A_1158 = arith.select %or3A_1155, %add3A_1150, %select_n3A_1118 : vector<16xi1>, vector<16xf32>
      %select_n3A_1159 = arith.select %or3A_1155, %and3A_1132, %select_n3A_1119 : vector<16xi1>, vector<16xi32>
      %gt3A_1160 = arith.cmpf ogt, %select_n3A_1156, %select_n3A_1125 : vector<16xf32>
      %eq3A_1161 = arith.cmpf oeq, %select_n3A_1156, %select_n3A_1125 : vector<16xf32>
      %lt3A_1162 = arith.cmpi slt, %select_n3A_1157, %select_n3A_1126 : vector<16xi32>
      %and3A_1163 = arith.andi %eq3A_1161, %lt3A_1162 : vector<16xi1>
      %or3A_1164 = arith.ori %gt3A_1160, %and3A_1163 : vector<16xi1>
      %select_n3A_1165 = arith.select %or3A_1164, %select_n3A_1156, %select_n3A_1125 : vector<16xi1>, vector<16xf32>
      %select_n3A_1166 = arith.select %or3A_1164, %select_n3A_1157, %select_n3A_1126 : vector<16xi1>, vector<16xi32>
      %broadcast_in_dim3A_1167 = arith.constant 29 : i32
      %broadcast_in_dim3A_1168 = vector.broadcast %broadcast_in_dim3A_1167 : i32 to vector<16xi32>
      %add3A_1169 = arith.addi %iota3A, %broadcast_in_dim3A_1168 : vector<16xi32>
      %broadcast_in_dim3A_1170 = arith.constant 63 : i32
      %broadcast_in_dim3A_1171 = vector.broadcast %broadcast_in_dim3A_1170 : i32 to vector<16xi32>
      %and3A_1172 = arith.andi %add3A_1169, %broadcast_in_dim3A_1171 : vector<16xi32>
      %gather3A_1173 = tpu.vector_load_idx %arg6[%add3A_15, %and3A_1172] : memref<256x128xf32, #tpu.memory_space<vmem>>[vector<16xi32>, vector<16xi32>], vector<16xf32>,
      %bitcast3A_1174 = vector.bitcast %gather3A_1173 : vector<16xf32> to vector<16xi32>
      %broadcast_in_dim3A_1175 = arith.constant 32767 : i32
      %broadcast_in_dim3A_1176 = vector.broadcast %broadcast_in_dim3A_1175 : i32 to vector<16xi32>
      %add3A_1177 = arith.addi %bitcast3A_1174, %broadcast_in_dim3A_1176 : vector<16xi32>
      %broadcast_in_dim3A_1178 = arith.constant 16 : i32
      %broadcast_in_dim3A_1179 = vector.broadcast %broadcast_in_dim3A_1178 : i32 to vector<16xi32>
      %shift_right_arithmetic3A_1180 = arith.shrsi %bitcast3A_1174, %broadcast_in_dim3A_1179 : vector<16xi32>
      %broadcast_in_dim3A_1181 = arith.constant 1 : i32
      %broadcast_in_dim3A_1182 = vector.broadcast %broadcast_in_dim3A_1181 : i32 to vector<16xi32>
      %and3A_1183 = arith.andi %shift_right_arithmetic3A_1180, %broadcast_in_dim3A_1182 : vector<16xi32>
      %add3A_1184 = arith.addi %add3A_1177, %and3A_1183 : vector<16xi32>
      %broadcast_in_dim3A_1185 = arith.constant -65536 : i32
      %broadcast_in_dim3A_1186 = vector.broadcast %broadcast_in_dim3A_1185 : i32 to vector<16xi32>
      %and3A_1187 = arith.andi %add3A_1184, %broadcast_in_dim3A_1186 : vector<16xi32>
      %bitcast3A_1188 = vector.bitcast %and3A_1187 : vector<16xi32> to vector<16xf32>
      %gather3A_1189 = tpu.vector_load_idx %arg7[%and3A_1172] : memref<64xf32, #tpu.memory_space<vmem>>[vector<16xi32>], vector<16xf32>,
      %add3A_1190 = arith.addf %bitcast3A_1188, %gather3A_1189 : vector<16xf32>
      %gt3A_1191 = arith.cmpf ogt, %add3A_1190, %select_n3A_1158 : vector<16xf32>
      %eq3A_1192 = arith.cmpf oeq, %add3A_1190, %select_n3A_1158 : vector<16xf32>
      %lt3A_1193 = arith.cmpi slt, %and3A_1172, %select_n3A_1159 : vector<16xi32>
      %and3A_1194 = arith.andi %eq3A_1192, %lt3A_1193 : vector<16xi1>
      %or3A_1195 = arith.ori %gt3A_1191, %and3A_1194 : vector<16xi1>
      %select_n3A_1196 = arith.select %or3A_1195, %select_n3A_1158, %add3A_1190 : vector<16xi1>, vector<16xf32>
      %select_n3A_1197 = arith.select %or3A_1195, %select_n3A_1159, %and3A_1172 : vector<16xi1>, vector<16xi32>
      %select_n3A_1198 = arith.select %or3A_1195, %add3A_1190, %select_n3A_1158 : vector<16xi1>, vector<16xf32>
      %select_n3A_1199 = arith.select %or3A_1195, %and3A_1172, %select_n3A_1159 : vector<16xi1>, vector<16xi32>
      %gt3A_1200 = arith.cmpf ogt, %select_n3A_1196, %select_n3A_1165 : vector<16xf32>
      %eq3A_1201 = arith.cmpf oeq, %select_n3A_1196, %select_n3A_1165 : vector<16xf32>
      %lt3A_1202 = arith.cmpi slt, %select_n3A_1197, %select_n3A_1166 : vector<16xi32>
      %and3A_1203 = arith.andi %eq3A_1201, %lt3A_1202 : vector<16xi1>
      %or3A_1204 = arith.ori %gt3A_1200, %and3A_1203 : vector<16xi1>
      %select_n3A_1205 = arith.select %or3A_1204, %select_n3A_1196, %select_n3A_1165 : vector<16xi1>, vector<16xf32>
      %select_n3A_1206 = arith.select %or3A_1204, %select_n3A_1197, %select_n3A_1166 : vector<16xi1>, vector<16xi32>
      %broadcast_in_dim3A_1207 = arith.constant 30 : i32
      %broadcast_in_dim3A_1208 = vector.broadcast %broadcast_in_dim3A_1207 : i32 to vector<16xi32>
      %add3A_1209 = arith.addi %iota3A, %broadcast_in_dim3A_1208 : vector<16xi32>
      %broadcast_in_dim3A_1210 = arith.constant 63 : i32
      %broadcast_in_dim3A_1211 = vector.broadcast %broadcast_in_dim3A_1210 : i32 to vector<16xi32>
      %and3A_1212 = arith.andi %add3A_1209, %broadcast_in_dim3A_1211 : vector<16xi32>
      %gather3A_1213 = tpu.vector_load_idx %arg6[%add3A_15, %and3A_1212] : memref<256x128xf32, #tpu.memory_space<vmem>>[vector<16xi32>, vector<16xi32>], vector<16xf32>,
      %bitcast3A_1214 = vector.bitcast %gather3A_1213 : vector<16xf32> to vector<16xi32>
      %broadcast_in_dim3A_1215 = arith.constant 32767 : i32
      %broadcast_in_dim3A_1216 = vector.broadcast %broadcast_in_dim3A_1215 : i32 to vector<16xi32>
      %add3A_1217 = arith.addi %bitcast3A_1214, %broadcast_in_dim3A_1216 : vector<16xi32>
      %broadcast_in_dim3A_1218 = arith.constant 16 : i32
      %broadcast_in_dim3A_1219 = vector.broadcast %broadcast_in_dim3A_1218 : i32 to vector<16xi32>
      %shift_right_arithmetic3A_1220 = arith.shrsi %bitcast3A_1214, %broadcast_in_dim3A_1219 : vector<16xi32>
      %broadcast_in_dim3A_1221 = arith.constant 1 : i32
      %broadcast_in_dim3A_1222 = vector.broadcast %broadcast_in_dim3A_1221 : i32 to vector<16xi32>
      %and3A_1223 = arith.andi %shift_right_arithmetic3A_1220, %broadcast_in_dim3A_1222 : vector<16xi32>
      %add3A_1224 = arith.addi %add3A_1217, %and3A_1223 : vector<16xi32>
      %broadcast_in_dim3A_1225 = arith.constant -65536 : i32
      %broadcast_in_dim3A_1226 = vector.broadcast %broadcast_in_dim3A_1225 : i32 to vector<16xi32>
      %and3A_1227 = arith.andi %add3A_1224, %broadcast_in_dim3A_1226 : vector<16xi32>
      %bitcast3A_1228 = vector.bitcast %and3A_1227 : vector<16xi32> to vector<16xf32>
      %gather3A_1229 = tpu.vector_load_idx %arg7[%and3A_1212] : memref<64xf32, #tpu.memory_space<vmem>>[vector<16xi32>], vector<16xf32>,
      %add3A_1230 = arith.addf %bitcast3A_1228, %gather3A_1229 : vector<16xf32>
      %gt3A_1231 = arith.cmpf ogt, %add3A_1230, %select_n3A_1198 : vector<16xf32>
      %eq3A_1232 = arith.cmpf oeq, %add3A_1230, %select_n3A_1198 : vector<16xf32>
      %lt3A_1233 = arith.cmpi slt, %and3A_1212, %select_n3A_1199 : vector<16xi32>
      %and3A_1234 = arith.andi %eq3A_1232, %lt3A_1233 : vector<16xi1>
      %or3A_1235 = arith.ori %gt3A_1231, %and3A_1234 : vector<16xi1>
      %select_n3A_1236 = arith.select %or3A_1235, %select_n3A_1198, %add3A_1230 : vector<16xi1>, vector<16xf32>
      %select_n3A_1237 = arith.select %or3A_1235, %select_n3A_1199, %and3A_1212 : vector<16xi1>, vector<16xi32>
      %select_n3A_1238 = arith.select %or3A_1235, %add3A_1230, %select_n3A_1198 : vector<16xi1>, vector<16xf32>
      %select_n3A_1239 = arith.select %or3A_1235, %and3A_1212, %select_n3A_1199 : vector<16xi1>, vector<16xi32>
      %gt3A_1240 = arith.cmpf ogt, %select_n3A_1236, %select_n3A_1205 : vector<16xf32>
      %eq3A_1241 = arith.cmpf oeq, %select_n3A_1236, %select_n3A_1205 : vector<16xf32>
      %lt3A_1242 = arith.cmpi slt, %select_n3A_1237, %select_n3A_1206 : vector<16xi32>
      %and3A_1243 = arith.andi %eq3A_1241, %lt3A_1242 : vector<16xi1>
      %or3A_1244 = arith.ori %gt3A_1240, %and3A_1243 : vector<16xi1>
      %select_n3A_1245 = arith.select %or3A_1244, %select_n3A_1236, %select_n3A_1205 : vector<16xi1>, vector<16xf32>
      %select_n3A_1246 = arith.select %or3A_1244, %select_n3A_1237, %select_n3A_1206 : vector<16xi1>, vector<16xi32>
      %broadcast_in_dim3A_1247 = arith.constant 31 : i32
      %broadcast_in_dim3A_1248 = vector.broadcast %broadcast_in_dim3A_1247 : i32 to vector<16xi32>
      %add3A_1249 = arith.addi %iota3A, %broadcast_in_dim3A_1248 : vector<16xi32>
      %broadcast_in_dim3A_1250 = arith.constant 63 : i32
      %broadcast_in_dim3A_1251 = vector.broadcast %broadcast_in_dim3A_1250 : i32 to vector<16xi32>
      %and3A_1252 = arith.andi %add3A_1249, %broadcast_in_dim3A_1251 : vector<16xi32>
      %gather3A_1253 = tpu.vector_load_idx %arg6[%add3A_15, %and3A_1252] : memref<256x128xf32, #tpu.memory_space<vmem>>[vector<16xi32>, vector<16xi32>], vector<16xf32>,
      %bitcast3A_1254 = vector.bitcast %gather3A_1253 : vector<16xf32> to vector<16xi32>
      %broadcast_in_dim3A_1255 = arith.constant 32767 : i32
      %broadcast_in_dim3A_1256 = vector.broadcast %broadcast_in_dim3A_1255 : i32 to vector<16xi32>
      %add3A_1257 = arith.addi %bitcast3A_1254, %broadcast_in_dim3A_1256 : vector<16xi32>
      %broadcast_in_dim3A_1258 = arith.constant 16 : i32
      %broadcast_in_dim3A_1259 = vector.broadcast %broadcast_in_dim3A_1258 : i32 to vector<16xi32>
      %shift_right_arithmetic3A_1260 = arith.shrsi %bitcast3A_1254, %broadcast_in_dim3A_1259 : vector<16xi32>
      %broadcast_in_dim3A_1261 = arith.constant 1 : i32
      %broadcast_in_dim3A_1262 = vector.broadcast %broadcast_in_dim3A_1261 : i32 to vector<16xi32>
      %and3A_1263 = arith.andi %shift_right_arithmetic3A_1260, %broadcast_in_dim3A_1262 : vector<16xi32>
      %add3A_1264 = arith.addi %add3A_1257, %and3A_1263 : vector<16xi32>
      %broadcast_in_dim3A_1265 = arith.constant -65536 : i32
      %broadcast_in_dim3A_1266 = vector.broadcast %broadcast_in_dim3A_1265 : i32 to vector<16xi32>
      %and3A_1267 = arith.andi %add3A_1264, %broadcast_in_dim3A_1266 : vector<16xi32>
      %bitcast3A_1268 = vector.bitcast %and3A_1267 : vector<16xi32> to vector<16xf32>
      %gather3A_1269 = tpu.vector_load_idx %arg7[%and3A_1252] : memref<64xf32, #tpu.memory_space<vmem>>[vector<16xi32>], vector<16xf32>,
      %add3A_1270 = arith.addf %bitcast3A_1268, %gather3A_1269 : vector<16xf32>
      %gt3A_1271 = arith.cmpf ogt, %add3A_1270, %select_n3A_1238 : vector<16xf32>
      %eq3A_1272 = arith.cmpf oeq, %add3A_1270, %select_n3A_1238 : vector<16xf32>
      %lt3A_1273 = arith.cmpi slt, %and3A_1252, %select_n3A_1239 : vector<16xi32>
      %and3A_1274 = arith.andi %eq3A_1272, %lt3A_1273 : vector<16xi1>
      %or3A_1275 = arith.ori %gt3A_1271, %and3A_1274 : vector<16xi1>
      %select_n3A_1276 = arith.select %or3A_1275, %select_n3A_1238, %add3A_1270 : vector<16xi1>, vector<16xf32>
      %select_n3A_1277 = arith.select %or3A_1275, %select_n3A_1239, %and3A_1252 : vector<16xi1>, vector<16xi32>
      %select_n3A_1278 = arith.select %or3A_1275, %add3A_1270, %select_n3A_1238 : vector<16xi1>, vector<16xf32>
      %select_n3A_1279 = arith.select %or3A_1275, %and3A_1252, %select_n3A_1239 : vector<16xi1>, vector<16xi32>
      %gt3A_1280 = arith.cmpf ogt, %select_n3A_1276, %select_n3A_1245 : vector<16xf32>
      %eq3A_1281 = arith.cmpf oeq, %select_n3A_1276, %select_n3A_1245 : vector<16xf32>
      %lt3A_1282 = arith.cmpi slt, %select_n3A_1277, %select_n3A_1246 : vector<16xi32>
      %and3A_1283 = arith.andi %eq3A_1281, %lt3A_1282 : vector<16xi1>
      %or3A_1284 = arith.ori %gt3A_1280, %and3A_1283 : vector<16xi1>
      %select_n3A_1285 = arith.select %or3A_1284, %select_n3A_1276, %select_n3A_1245 : vector<16xi1>, vector<16xf32>
      %select_n3A_1286 = arith.select %or3A_1284, %select_n3A_1277, %select_n3A_1246 : vector<16xi1>, vector<16xi32>
      %broadcast_in_dim3A_1287 = arith.constant 32 : i32
      %broadcast_in_dim3A_1288 = vector.broadcast %broadcast_in_dim3A_1287 : i32 to vector<16xi32>
      %add3A_1289 = arith.addi %iota3A, %broadcast_in_dim3A_1288 : vector<16xi32>
      %broadcast_in_dim3A_1290 = arith.constant 63 : i32
      %broadcast_in_dim3A_1291 = vector.broadcast %broadcast_in_dim3A_1290 : i32 to vector<16xi32>
      %and3A_1292 = arith.andi %add3A_1289, %broadcast_in_dim3A_1291 : vector<16xi32>
      %gather3A_1293 = tpu.vector_load_idx %arg6[%add3A_15, %and3A_1292] : memref<256x128xf32, #tpu.memory_space<vmem>>[vector<16xi32>, vector<16xi32>], vector<16xf32>,
      %bitcast3A_1294 = vector.bitcast %gather3A_1293 : vector<16xf32> to vector<16xi32>
      %broadcast_in_dim3A_1295 = arith.constant 32767 : i32
      %broadcast_in_dim3A_1296 = vector.broadcast %broadcast_in_dim3A_1295 : i32 to vector<16xi32>
      %add3A_1297 = arith.addi %bitcast3A_1294, %broadcast_in_dim3A_1296 : vector<16xi32>
      %broadcast_in_dim3A_1298 = arith.constant 16 : i32
      %broadcast_in_dim3A_1299 = vector.broadcast %broadcast_in_dim3A_1298 : i32 to vector<16xi32>
      %shift_right_arithmetic3A_1300 = arith.shrsi %bitcast3A_1294, %broadcast_in_dim3A_1299 : vector<16xi32>
      %broadcast_in_dim3A_1301 = arith.constant 1 : i32
      %broadcast_in_dim3A_1302 = vector.broadcast %broadcast_in_dim3A_1301 : i32 to vector<16xi32>
      %and3A_1303 = arith.andi %shift_right_arithmetic3A_1300, %broadcast_in_dim3A_1302 : vector<16xi32>
      %add3A_1304 = arith.addi %add3A_1297, %and3A_1303 : vector<16xi32>
      %broadcast_in_dim3A_1305 = arith.constant -65536 : i32
      %broadcast_in_dim3A_1306 = vector.broadcast %broadcast_in_dim3A_1305 : i32 to vector<16xi32>
      %and3A_1307 = arith.andi %add3A_1304, %broadcast_in_dim3A_1306 : vector<16xi32>
      %bitcast3A_1308 = vector.bitcast %and3A_1307 : vector<16xi32> to vector<16xf32>
      %gather3A_1309 = tpu.vector_load_idx %arg7[%and3A_1292] : memref<64xf32, #tpu.memory_space<vmem>>[vector<16xi32>], vector<16xf32>,
      %add3A_1310 = arith.addf %bitcast3A_1308, %gather3A_1309 : vector<16xf32>
      %gt3A_1311 = arith.cmpf ogt, %add3A_1310, %select_n3A_1278 : vector<16xf32>
      %eq3A_1312 = arith.cmpf oeq, %add3A_1310, %select_n3A_1278 : vector<16xf32>
      %lt3A_1313 = arith.cmpi slt, %and3A_1292, %select_n3A_1279 : vector<16xi32>
      %and3A_1314 = arith.andi %eq3A_1312, %lt3A_1313 : vector<16xi1>
      %or3A_1315 = arith.ori %gt3A_1311, %and3A_1314 : vector<16xi1>
      %select_n3A_1316 = arith.select %or3A_1315, %select_n3A_1278, %add3A_1310 : vector<16xi1>, vector<16xf32>
      %select_n3A_1317 = arith.select %or3A_1315, %select_n3A_1279, %and3A_1292 : vector<16xi1>, vector<16xi32>
      %select_n3A_1318 = arith.select %or3A_1315, %add3A_1310, %select_n3A_1278 : vector<16xi1>, vector<16xf32>
      %select_n3A_1319 = arith.select %or3A_1315, %and3A_1292, %select_n3A_1279 : vector<16xi1>, vector<16xi32>
      %gt3A_1320 = arith.cmpf ogt, %select_n3A_1316, %select_n3A_1285 : vector<16xf32>
      %eq3A_1321 = arith.cmpf oeq, %select_n3A_1316, %select_n3A_1285 : vector<16xf32>
      %lt3A_1322 = arith.cmpi slt, %select_n3A_1317, %select_n3A_1286 : vector<16xi32>
      %and3A_1323 = arith.andi %eq3A_1321, %lt3A_1322 : vector<16xi1>
      %or3A_1324 = arith.ori %gt3A_1320, %and3A_1323 : vector<16xi1>
      %select_n3A_1325 = arith.select %or3A_1324, %select_n3A_1316, %select_n3A_1285 : vector<16xi1>, vector<16xf32>
      %select_n3A_1326 = arith.select %or3A_1324, %select_n3A_1317, %select_n3A_1286 : vector<16xi1>, vector<16xi32>
      %broadcast_in_dim3A_1327 = arith.constant 33 : i32
      %broadcast_in_dim3A_1328 = vector.broadcast %broadcast_in_dim3A_1327 : i32 to vector<16xi32>
      %add3A_1329 = arith.addi %iota3A, %broadcast_in_dim3A_1328 : vector<16xi32>
      %broadcast_in_dim3A_1330 = arith.constant 63 : i32
      %broadcast_in_dim3A_1331 = vector.broadcast %broadcast_in_dim3A_1330 : i32 to vector<16xi32>
      %and3A_1332 = arith.andi %add3A_1329, %broadcast_in_dim3A_1331 : vector<16xi32>
      %gather3A_1333 = tpu.vector_load_idx %arg6[%add3A_15, %and3A_1332] : memref<256x128xf32, #tpu.memory_space<vmem>>[vector<16xi32>, vector<16xi32>], vector<16xf32>,
      %bitcast3A_1334 = vector.bitcast %gather3A_1333 : vector<16xf32> to vector<16xi32>
      %broadcast_in_dim3A_1335 = arith.constant 32767 : i32
      %broadcast_in_dim3A_1336 = vector.broadcast %broadcast_in_dim3A_1335 : i32 to vector<16xi32>
      %add3A_1337 = arith.addi %bitcast3A_1334, %broadcast_in_dim3A_1336 : vector<16xi32>
      %broadcast_in_dim3A_1338 = arith.constant 16 : i32
      %broadcast_in_dim3A_1339 = vector.broadcast %broadcast_in_dim3A_1338 : i32 to vector<16xi32>
      %shift_right_arithmetic3A_1340 = arith.shrsi %bitcast3A_1334, %broadcast_in_dim3A_1339 : vector<16xi32>
      %broadcast_in_dim3A_1341 = arith.constant 1 : i32
      %broadcast_in_dim3A_1342 = vector.broadcast %broadcast_in_dim3A_1341 : i32 to vector<16xi32>
      %and3A_1343 = arith.andi %shift_right_arithmetic3A_1340, %broadcast_in_dim3A_1342 : vector<16xi32>
      %add3A_1344 = arith.addi %add3A_1337, %and3A_1343 : vector<16xi32>
      %broadcast_in_dim3A_1345 = arith.constant -65536 : i32
      %broadcast_in_dim3A_1346 = vector.broadcast %broadcast_in_dim3A_1345 : i32 to vector<16xi32>
      %and3A_1347 = arith.andi %add3A_1344, %broadcast_in_dim3A_1346 : vector<16xi32>
      %bitcast3A_1348 = vector.bitcast %and3A_1347 : vector<16xi32> to vector<16xf32>
      %gather3A_1349 = tpu.vector_load_idx %arg7[%and3A_1332] : memref<64xf32, #tpu.memory_space<vmem>>[vector<16xi32>], vector<16xf32>,
      %add3A_1350 = arith.addf %bitcast3A_1348, %gather3A_1349 : vector<16xf32>
      %gt3A_1351 = arith.cmpf ogt, %add3A_1350, %select_n3A_1318 : vector<16xf32>
      %eq3A_1352 = arith.cmpf oeq, %add3A_1350, %select_n3A_1318 : vector<16xf32>
      %lt3A_1353 = arith.cmpi slt, %and3A_1332, %select_n3A_1319 : vector<16xi32>
      %and3A_1354 = arith.andi %eq3A_1352, %lt3A_1353 : vector<16xi1>
      %or3A_1355 = arith.ori %gt3A_1351, %and3A_1354 : vector<16xi1>
      %select_n3A_1356 = arith.select %or3A_1355, %select_n3A_1318, %add3A_1350 : vector<16xi1>, vector<16xf32>
      %select_n3A_1357 = arith.select %or3A_1355, %select_n3A_1319, %and3A_1332 : vector<16xi1>, vector<16xi32>
      %select_n3A_1358 = arith.select %or3A_1355, %add3A_1350, %select_n3A_1318 : vector<16xi1>, vector<16xf32>
      %select_n3A_1359 = arith.select %or3A_1355, %and3A_1332, %select_n3A_1319 : vector<16xi1>, vector<16xi32>
      %gt3A_1360 = arith.cmpf ogt, %select_n3A_1356, %select_n3A_1325 : vector<16xf32>
      %eq3A_1361 = arith.cmpf oeq, %select_n3A_1356, %select_n3A_1325 : vector<16xf32>
      %lt3A_1362 = arith.cmpi slt, %select_n3A_1357, %select_n3A_1326 : vector<16xi32>
      %and3A_1363 = arith.andi %eq3A_1361, %lt3A_1362 : vector<16xi1>
      %or3A_1364 = arith.ori %gt3A_1360, %and3A_1363 : vector<16xi1>
      %select_n3A_1365 = arith.select %or3A_1364, %select_n3A_1356, %select_n3A_1325 : vector<16xi1>, vector<16xf32>
      %select_n3A_1366 = arith.select %or3A_1364, %select_n3A_1357, %select_n3A_1326 : vector<16xi1>, vector<16xi32>
      %broadcast_in_dim3A_1367 = arith.constant 34 : i32
      %broadcast_in_dim3A_1368 = vector.broadcast %broadcast_in_dim3A_1367 : i32 to vector<16xi32>
      %add3A_1369 = arith.addi %iota3A, %broadcast_in_dim3A_1368 : vector<16xi32>
      %broadcast_in_dim3A_1370 = arith.constant 63 : i32
      %broadcast_in_dim3A_1371 = vector.broadcast %broadcast_in_dim3A_1370 : i32 to vector<16xi32>
      %and3A_1372 = arith.andi %add3A_1369, %broadcast_in_dim3A_1371 : vector<16xi32>
      %gather3A_1373 = tpu.vector_load_idx %arg6[%add3A_15, %and3A_1372] : memref<256x128xf32, #tpu.memory_space<vmem>>[vector<16xi32>, vector<16xi32>], vector<16xf32>,
      %bitcast3A_1374 = vector.bitcast %gather3A_1373 : vector<16xf32> to vector<16xi32>
      %broadcast_in_dim3A_1375 = arith.constant 32767 : i32
      %broadcast_in_dim3A_1376 = vector.broadcast %broadcast_in_dim3A_1375 : i32 to vector<16xi32>
      %add3A_1377 = arith.addi %bitcast3A_1374, %broadcast_in_dim3A_1376 : vector<16xi32>
      %broadcast_in_dim3A_1378 = arith.constant 16 : i32
      %broadcast_in_dim3A_1379 = vector.broadcast %broadcast_in_dim3A_1378 : i32 to vector<16xi32>
      %shift_right_arithmetic3A_1380 = arith.shrsi %bitcast3A_1374, %broadcast_in_dim3A_1379 : vector<16xi32>
      %broadcast_in_dim3A_1381 = arith.constant 1 : i32
      %broadcast_in_dim3A_1382 = vector.broadcast %broadcast_in_dim3A_1381 : i32 to vector<16xi32>
      %and3A_1383 = arith.andi %shift_right_arithmetic3A_1380, %broadcast_in_dim3A_1382 : vector<16xi32>
      %add3A_1384 = arith.addi %add3A_1377, %and3A_1383 : vector<16xi32>
      %broadcast_in_dim3A_1385 = arith.constant -65536 : i32
      %broadcast_in_dim3A_1386 = vector.broadcast %broadcast_in_dim3A_1385 : i32 to vector<16xi32>
      %and3A_1387 = arith.andi %add3A_1384, %broadcast_in_dim3A_1386 : vector<16xi32>
      %bitcast3A_1388 = vector.bitcast %and3A_1387 : vector<16xi32> to vector<16xf32>
      %gather3A_1389 = tpu.vector_load_idx %arg7[%and3A_1372] : memref<64xf32, #tpu.memory_space<vmem>>[vector<16xi32>], vector<16xf32>,
      %add3A_1390 = arith.addf %bitcast3A_1388, %gather3A_1389 : vector<16xf32>
      %gt3A_1391 = arith.cmpf ogt, %add3A_1390, %select_n3A_1358 : vector<16xf32>
      %eq3A_1392 = arith.cmpf oeq, %add3A_1390, %select_n3A_1358 : vector<16xf32>
      %lt3A_1393 = arith.cmpi slt, %and3A_1372, %select_n3A_1359 : vector<16xi32>
      %and3A_1394 = arith.andi %eq3A_1392, %lt3A_1393 : vector<16xi1>
      %or3A_1395 = arith.ori %gt3A_1391, %and3A_1394 : vector<16xi1>
      %select_n3A_1396 = arith.select %or3A_1395, %select_n3A_1358, %add3A_1390 : vector<16xi1>, vector<16xf32>
      %select_n3A_1397 = arith.select %or3A_1395, %select_n3A_1359, %and3A_1372 : vector<16xi1>, vector<16xi32>
      %select_n3A_1398 = arith.select %or3A_1395, %add3A_1390, %select_n3A_1358 : vector<16xi1>, vector<16xf32>
      %select_n3A_1399 = arith.select %or3A_1395, %and3A_1372, %select_n3A_1359 : vector<16xi1>, vector<16xi32>
      %gt3A_1400 = arith.cmpf ogt, %select_n3A_1396, %select_n3A_1365 : vector<16xf32>
      %eq3A_1401 = arith.cmpf oeq, %select_n3A_1396, %select_n3A_1365 : vector<16xf32>
      %lt3A_1402 = arith.cmpi slt, %select_n3A_1397, %select_n3A_1366 : vector<16xi32>
      %and3A_1403 = arith.andi %eq3A_1401, %lt3A_1402 : vector<16xi1>
      %or3A_1404 = arith.ori %gt3A_1400, %and3A_1403 : vector<16xi1>
      %select_n3A_1405 = arith.select %or3A_1404, %select_n3A_1396, %select_n3A_1365 : vector<16xi1>, vector<16xf32>
      %select_n3A_1406 = arith.select %or3A_1404, %select_n3A_1397, %select_n3A_1366 : vector<16xi1>, vector<16xi32>
      %broadcast_in_dim3A_1407 = arith.constant 35 : i32
      %broadcast_in_dim3A_1408 = vector.broadcast %broadcast_in_dim3A_1407 : i32 to vector<16xi32>
      %add3A_1409 = arith.addi %iota3A, %broadcast_in_dim3A_1408 : vector<16xi32>
      %broadcast_in_dim3A_1410 = arith.constant 63 : i32
      %broadcast_in_dim3A_1411 = vector.broadcast %broadcast_in_dim3A_1410 : i32 to vector<16xi32>
      %and3A_1412 = arith.andi %add3A_1409, %broadcast_in_dim3A_1411 : vector<16xi32>
      %gather3A_1413 = tpu.vector_load_idx %arg6[%add3A_15, %and3A_1412] : memref<256x128xf32, #tpu.memory_space<vmem>>[vector<16xi32>, vector<16xi32>], vector<16xf32>,
      %bitcast3A_1414 = vector.bitcast %gather3A_1413 : vector<16xf32> to vector<16xi32>
      %broadcast_in_dim3A_1415 = arith.constant 32767 : i32
      %broadcast_in_dim3A_1416 = vector.broadcast %broadcast_in_dim3A_1415 : i32 to vector<16xi32>
      %add3A_1417 = arith.addi %bitcast3A_1414, %broadcast_in_dim3A_1416 : vector<16xi32>
      %broadcast_in_dim3A_1418 = arith.constant 16 : i32
      %broadcast_in_dim3A_1419 = vector.broadcast %broadcast_in_dim3A_1418 : i32 to vector<16xi32>
      %shift_right_arithmetic3A_1420 = arith.shrsi %bitcast3A_1414, %broadcast_in_dim3A_1419 : vector<16xi32>
      %broadcast_in_dim3A_1421 = arith.constant 1 : i32
      %broadcast_in_dim3A_1422 = vector.broadcast %broadcast_in_dim3A_1421 : i32 to vector<16xi32>
      %and3A_1423 = arith.andi %shift_right_arithmetic3A_1420, %broadcast_in_dim3A_1422 : vector<16xi32>
      %add3A_1424 = arith.addi %add3A_1417, %and3A_1423 : vector<16xi32>
      %broadcast_in_dim3A_1425 = arith.constant -65536 : i32
      %broadcast_in_dim3A_1426 = vector.broadcast %broadcast_in_dim3A_1425 : i32 to vector<16xi32>
      %and3A_1427 = arith.andi %add3A_1424, %broadcast_in_dim3A_1426 : vector<16xi32>
      %bitcast3A_1428 = vector.bitcast %and3A_1427 : vector<16xi32> to vector<16xf32>
      %gather3A_1429 = tpu.vector_load_idx %arg7[%and3A_1412] : memref<64xf32, #tpu.memory_space<vmem>>[vector<16xi32>], vector<16xf32>,
      %add3A_1430 = arith.addf %bitcast3A_1428, %gather3A_1429 : vector<16xf32>
      %gt3A_1431 = arith.cmpf ogt, %add3A_1430, %select_n3A_1398 : vector<16xf32>
      %eq3A_1432 = arith.cmpf oeq, %add3A_1430, %select_n3A_1398 : vector<16xf32>
      %lt3A_1433 = arith.cmpi slt, %and3A_1412, %select_n3A_1399 : vector<16xi32>
      %and3A_1434 = arith.andi %eq3A_1432, %lt3A_1433 : vector<16xi1>
      %or3A_1435 = arith.ori %gt3A_1431, %and3A_1434 : vector<16xi1>
      %select_n3A_1436 = arith.select %or3A_1435, %select_n3A_1398, %add3A_1430 : vector<16xi1>, vector<16xf32>
      %select_n3A_1437 = arith.select %or3A_1435, %select_n3A_1399, %and3A_1412 : vector<16xi1>, vector<16xi32>
      %select_n3A_1438 = arith.select %or3A_1435, %add3A_1430, %select_n3A_1398 : vector<16xi1>, vector<16xf32>
      %select_n3A_1439 = arith.select %or3A_1435, %and3A_1412, %select_n3A_1399 : vector<16xi1>, vector<16xi32>
      %gt3A_1440 = arith.cmpf ogt, %select_n3A_1436, %select_n3A_1405 : vector<16xf32>
      %eq3A_1441 = arith.cmpf oeq, %select_n3A_1436, %select_n3A_1405 : vector<16xf32>
      %lt3A_1442 = arith.cmpi slt, %select_n3A_1437, %select_n3A_1406 : vector<16xi32>
      %and3A_1443 = arith.andi %eq3A_1441, %lt3A_1442 : vector<16xi1>
      %or3A_1444 = arith.ori %gt3A_1440, %and3A_1443 : vector<16xi1>
      %select_n3A_1445 = arith.select %or3A_1444, %select_n3A_1436, %select_n3A_1405 : vector<16xi1>, vector<16xf32>
      %select_n3A_1446 = arith.select %or3A_1444, %select_n3A_1437, %select_n3A_1406 : vector<16xi1>, vector<16xi32>
      %broadcast_in_dim3A_1447 = arith.constant 36 : i32
      %broadcast_in_dim3A_1448 = vector.broadcast %broadcast_in_dim3A_1447 : i32 to vector<16xi32>
      %add3A_1449 = arith.addi %iota3A, %broadcast_in_dim3A_1448 : vector<16xi32>
      %broadcast_in_dim3A_1450 = arith.constant 63 : i32
      %broadcast_in_dim3A_1451 = vector.broadcast %broadcast_in_dim3A_1450 : i32 to vector<16xi32>
      %and3A_1452 = arith.andi %add3A_1449, %broadcast_in_dim3A_1451 : vector<16xi32>
      %gather3A_1453 = tpu.vector_load_idx %arg6[%add3A_15, %and3A_1452] : memref<256x128xf32, #tpu.memory_space<vmem>>[vector<16xi32>, vector<16xi32>], vector<16xf32>,
      %bitcast3A_1454 = vector.bitcast %gather3A_1453 : vector<16xf32> to vector<16xi32>
      %broadcast_in_dim3A_1455 = arith.constant 32767 : i32
      %broadcast_in_dim3A_1456 = vector.broadcast %broadcast_in_dim3A_1455 : i32 to vector<16xi32>
      %add3A_1457 = arith.addi %bitcast3A_1454, %broadcast_in_dim3A_1456 : vector<16xi32>
      %broadcast_in_dim3A_1458 = arith.constant 16 : i32
      %broadcast_in_dim3A_1459 = vector.broadcast %broadcast_in_dim3A_1458 : i32 to vector<16xi32>
      %shift_right_arithmetic3A_1460 = arith.shrsi %bitcast3A_1454, %broadcast_in_dim3A_1459 : vector<16xi32>
      %broadcast_in_dim3A_1461 = arith.constant 1 : i32
      %broadcast_in_dim3A_1462 = vector.broadcast %broadcast_in_dim3A_1461 : i32 to vector<16xi32>
      %and3A_1463 = arith.andi %shift_right_arithmetic3A_1460, %broadcast_in_dim3A_1462 : vector<16xi32>
      %add3A_1464 = arith.addi %add3A_1457, %and3A_1463 : vector<16xi32>
      %broadcast_in_dim3A_1465 = arith.constant -65536 : i32
      %broadcast_in_dim3A_1466 = vector.broadcast %broadcast_in_dim3A_1465 : i32 to vector<16xi32>
      %and3A_1467 = arith.andi %add3A_1464, %broadcast_in_dim3A_1466 : vector<16xi32>
      %bitcast3A_1468 = vector.bitcast %and3A_1467 : vector<16xi32> to vector<16xf32>
      %gather3A_1469 = tpu.vector_load_idx %arg7[%and3A_1452] : memref<64xf32, #tpu.memory_space<vmem>>[vector<16xi32>], vector<16xf32>,
      %add3A_1470 = arith.addf %bitcast3A_1468, %gather3A_1469 : vector<16xf32>
      %gt3A_1471 = arith.cmpf ogt, %add3A_1470, %select_n3A_1438 : vector<16xf32>
      %eq3A_1472 = arith.cmpf oeq, %add3A_1470, %select_n3A_1438 : vector<16xf32>
      %lt3A_1473 = arith.cmpi slt, %and3A_1452, %select_n3A_1439 : vector<16xi32>
      %and3A_1474 = arith.andi %eq3A_1472, %lt3A_1473 : vector<16xi1>
      %or3A_1475 = arith.ori %gt3A_1471, %and3A_1474 : vector<16xi1>
      %select_n3A_1476 = arith.select %or3A_1475, %select_n3A_1438, %add3A_1470 : vector<16xi1>, vector<16xf32>
      %select_n3A_1477 = arith.select %or3A_1475, %select_n3A_1439, %and3A_1452 : vector<16xi1>, vector<16xi32>
      %select_n3A_1478 = arith.select %or3A_1475, %add3A_1470, %select_n3A_1438 : vector<16xi1>, vector<16xf32>
      %select_n3A_1479 = arith.select %or3A_1475, %and3A_1452, %select_n3A_1439 : vector<16xi1>, vector<16xi32>
      %gt3A_1480 = arith.cmpf ogt, %select_n3A_1476, %select_n3A_1445 : vector<16xf32>
      %eq3A_1481 = arith.cmpf oeq, %select_n3A_1476, %select_n3A_1445 : vector<16xf32>
      %lt3A_1482 = arith.cmpi slt, %select_n3A_1477, %select_n3A_1446 : vector<16xi32>
      %and3A_1483 = arith.andi %eq3A_1481, %lt3A_1482 : vector<16xi1>
      %or3A_1484 = arith.ori %gt3A_1480, %and3A_1483 : vector<16xi1>
      %select_n3A_1485 = arith.select %or3A_1484, %select_n3A_1476, %select_n3A_1445 : vector<16xi1>, vector<16xf32>
      %select_n3A_1486 = arith.select %or3A_1484, %select_n3A_1477, %select_n3A_1446 : vector<16xi1>, vector<16xi32>
      %broadcast_in_dim3A_1487 = arith.constant 37 : i32
      %broadcast_in_dim3A_1488 = vector.broadcast %broadcast_in_dim3A_1487 : i32 to vector<16xi32>
      %add3A_1489 = arith.addi %iota3A, %broadcast_in_dim3A_1488 : vector<16xi32>
      %broadcast_in_dim3A_1490 = arith.constant 63 : i32
      %broadcast_in_dim3A_1491 = vector.broadcast %broadcast_in_dim3A_1490 : i32 to vector<16xi32>
      %and3A_1492 = arith.andi %add3A_1489, %broadcast_in_dim3A_1491 : vector<16xi32>
      %gather3A_1493 = tpu.vector_load_idx %arg6[%add3A_15, %and3A_1492] : memref<256x128xf32, #tpu.memory_space<vmem>>[vector<16xi32>, vector<16xi32>], vector<16xf32>,
      %bitcast3A_1494 = vector.bitcast %gather3A_1493 : vector<16xf32> to vector<16xi32>
      %broadcast_in_dim3A_1495 = arith.constant 32767 : i32
      %broadcast_in_dim3A_1496 = vector.broadcast %broadcast_in_dim3A_1495 : i32 to vector<16xi32>
      %add3A_1497 = arith.addi %bitcast3A_1494, %broadcast_in_dim3A_1496 : vector<16xi32>
      %broadcast_in_dim3A_1498 = arith.constant 16 : i32
      %broadcast_in_dim3A_1499 = vector.broadcast %broadcast_in_dim3A_1498 : i32 to vector<16xi32>
      %shift_right_arithmetic3A_1500 = arith.shrsi %bitcast3A_1494, %broadcast_in_dim3A_1499 : vector<16xi32>
      %broadcast_in_dim3A_1501 = arith.constant 1 : i32
      %broadcast_in_dim3A_1502 = vector.broadcast %broadcast_in_dim3A_1501 : i32 to vector<16xi32>
      %and3A_1503 = arith.andi %shift_right_arithmetic3A_1500, %broadcast_in_dim3A_1502 : vector<16xi32>
      %add3A_1504 = arith.addi %add3A_1497, %and3A_1503 : vector<16xi32>
      %broadcast_in_dim3A_1505 = arith.constant -65536 : i32
      %broadcast_in_dim3A_1506 = vector.broadcast %broadcast_in_dim3A_1505 : i32 to vector<16xi32>
      %and3A_1507 = arith.andi %add3A_1504, %broadcast_in_dim3A_1506 : vector<16xi32>
      %bitcast3A_1508 = vector.bitcast %and3A_1507 : vector<16xi32> to vector<16xf32>
      %gather3A_1509 = tpu.vector_load_idx %arg7[%and3A_1492] : memref<64xf32, #tpu.memory_space<vmem>>[vector<16xi32>], vector<16xf32>,
      %add3A_1510 = arith.addf %bitcast3A_1508, %gather3A_1509 : vector<16xf32>
      %gt3A_1511 = arith.cmpf ogt, %add3A_1510, %select_n3A_1478 : vector<16xf32>
      %eq3A_1512 = arith.cmpf oeq, %add3A_1510, %select_n3A_1478 : vector<16xf32>
      %lt3A_1513 = arith.cmpi slt, %and3A_1492, %select_n3A_1479 : vector<16xi32>
      %and3A_1514 = arith.andi %eq3A_1512, %lt3A_1513 : vector<16xi1>
      %or3A_1515 = arith.ori %gt3A_1511, %and3A_1514 : vector<16xi1>
      %select_n3A_1516 = arith.select %or3A_1515, %select_n3A_1478, %add3A_1510 : vector<16xi1>, vector<16xf32>
      %select_n3A_1517 = arith.select %or3A_1515, %select_n3A_1479, %and3A_1492 : vector<16xi1>, vector<16xi32>
      %select_n3A_1518 = arith.select %or3A_1515, %add3A_1510, %select_n3A_1478 : vector<16xi1>, vector<16xf32>
      %select_n3A_1519 = arith.select %or3A_1515, %and3A_1492, %select_n3A_1479 : vector<16xi1>, vector<16xi32>
      %gt3A_1520 = arith.cmpf ogt, %select_n3A_1516, %select_n3A_1485 : vector<16xf32>
      %eq3A_1521 = arith.cmpf oeq, %select_n3A_1516, %select_n3A_1485 : vector<16xf32>
      %lt3A_1522 = arith.cmpi slt, %select_n3A_1517, %select_n3A_1486 : vector<16xi32>
      %and3A_1523 = arith.andi %eq3A_1521, %lt3A_1522 : vector<16xi1>
      %or3A_1524 = arith.ori %gt3A_1520, %and3A_1523 : vector<16xi1>
      %select_n3A_1525 = arith.select %or3A_1524, %select_n3A_1516, %select_n3A_1485 : vector<16xi1>, vector<16xf32>
      %select_n3A_1526 = arith.select %or3A_1524, %select_n3A_1517, %select_n3A_1486 : vector<16xi1>, vector<16xi32>
      %broadcast_in_dim3A_1527 = arith.constant 38 : i32
      %broadcast_in_dim3A_1528 = vector.broadcast %broadcast_in_dim3A_1527 : i32 to vector<16xi32>
      %add3A_1529 = arith.addi %iota3A, %broadcast_in_dim3A_1528 : vector<16xi32>
      %broadcast_in_dim3A_1530 = arith.constant 63 : i32
      %broadcast_in_dim3A_1531 = vector.broadcast %broadcast_in_dim3A_1530 : i32 to vector<16xi32>
      %and3A_1532 = arith.andi %add3A_1529, %broadcast_in_dim3A_1531 : vector<16xi32>
      %gather3A_1533 = tpu.vector_load_idx %arg6[%add3A_15, %and3A_1532] : memref<256x128xf32, #tpu.memory_space<vmem>>[vector<16xi32>, vector<16xi32>], vector<16xf32>,
      %bitcast3A_1534 = vector.bitcast %gather3A_1533 : vector<16xf32> to vector<16xi32>
      %broadcast_in_dim3A_1535 = arith.constant 32767 : i32
      %broadcast_in_dim3A_1536 = vector.broadcast %broadcast_in_dim3A_1535 : i32 to vector<16xi32>
      %add3A_1537 = arith.addi %bitcast3A_1534, %broadcast_in_dim3A_1536 : vector<16xi32>
      %broadcast_in_dim3A_1538 = arith.constant 16 : i32
      %broadcast_in_dim3A_1539 = vector.broadcast %broadcast_in_dim3A_1538 : i32 to vector<16xi32>
      %shift_right_arithmetic3A_1540 = arith.shrsi %bitcast3A_1534, %broadcast_in_dim3A_1539 : vector<16xi32>
      %broadcast_in_dim3A_1541 = arith.constant 1 : i32
      %broadcast_in_dim3A_1542 = vector.broadcast %broadcast_in_dim3A_1541 : i32 to vector<16xi32>
      %and3A_1543 = arith.andi %shift_right_arithmetic3A_1540, %broadcast_in_dim3A_1542 : vector<16xi32>
      %add3A_1544 = arith.addi %add3A_1537, %and3A_1543 : vector<16xi32>
      %broadcast_in_dim3A_1545 = arith.constant -65536 : i32
      %broadcast_in_dim3A_1546 = vector.broadcast %broadcast_in_dim3A_1545 : i32 to vector<16xi32>
      %and3A_1547 = arith.andi %add3A_1544, %broadcast_in_dim3A_1546 : vector<16xi32>
      %bitcast3A_1548 = vector.bitcast %and3A_1547 : vector<16xi32> to vector<16xf32>
      %gather3A_1549 = tpu.vector_load_idx %arg7[%and3A_1532] : memref<64xf32, #tpu.memory_space<vmem>>[vector<16xi32>], vector<16xf32>,
      %add3A_1550 = arith.addf %bitcast3A_1548, %gather3A_1549 : vector<16xf32>
      %gt3A_1551 = arith.cmpf ogt, %add3A_1550, %select_n3A_1518 : vector<16xf32>
      %eq3A_1552 = arith.cmpf oeq, %add3A_1550, %select_n3A_1518 : vector<16xf32>
      %lt3A_1553 = arith.cmpi slt, %and3A_1532, %select_n3A_1519 : vector<16xi32>
      %and3A_1554 = arith.andi %eq3A_1552, %lt3A_1553 : vector<16xi1>
      %or3A_1555 = arith.ori %gt3A_1551, %and3A_1554 : vector<16xi1>
      %select_n3A_1556 = arith.select %or3A_1555, %select_n3A_1518, %add3A_1550 : vector<16xi1>, vector<16xf32>
      %select_n3A_1557 = arith.select %or3A_1555, %select_n3A_1519, %and3A_1532 : vector<16xi1>, vector<16xi32>
      %select_n3A_1558 = arith.select %or3A_1555, %add3A_1550, %select_n3A_1518 : vector<16xi1>, vector<16xf32>
      %select_n3A_1559 = arith.select %or3A_1555, %and3A_1532, %select_n3A_1519 : vector<16xi1>, vector<16xi32>
      %gt3A_1560 = arith.cmpf ogt, %select_n3A_1556, %select_n3A_1525 : vector<16xf32>
      %eq3A_1561 = arith.cmpf oeq, %select_n3A_1556, %select_n3A_1525 : vector<16xf32>
      %lt3A_1562 = arith.cmpi slt, %select_n3A_1557, %select_n3A_1526 : vector<16xi32>
      %and3A_1563 = arith.andi %eq3A_1561, %lt3A_1562 : vector<16xi1>
      %or3A_1564 = arith.ori %gt3A_1560, %and3A_1563 : vector<16xi1>
      %select_n3A_1565 = arith.select %or3A_1564, %select_n3A_1556, %select_n3A_1525 : vector<16xi1>, vector<16xf32>
      %select_n3A_1566 = arith.select %or3A_1564, %select_n3A_1557, %select_n3A_1526 : vector<16xi1>, vector<16xi32>
      %broadcast_in_dim3A_1567 = arith.constant 39 : i32
      %broadcast_in_dim3A_1568 = vector.broadcast %broadcast_in_dim3A_1567 : i32 to vector<16xi32>
      %add3A_1569 = arith.addi %iota3A, %broadcast_in_dim3A_1568 : vector<16xi32>
      %broadcast_in_dim3A_1570 = arith.constant 63 : i32
      %broadcast_in_dim3A_1571 = vector.broadcast %broadcast_in_dim3A_1570 : i32 to vector<16xi32>
      %and3A_1572 = arith.andi %add3A_1569, %broadcast_in_dim3A_1571 : vector<16xi32>
      %gather3A_1573 = tpu.vector_load_idx %arg6[%add3A_15, %and3A_1572] : memref<256x128xf32, #tpu.memory_space<vmem>>[vector<16xi32>, vector<16xi32>], vector<16xf32>,
      %bitcast3A_1574 = vector.bitcast %gather3A_1573 : vector<16xf32> to vector<16xi32>
      %broadcast_in_dim3A_1575 = arith.constant 32767 : i32
      %broadcast_in_dim3A_1576 = vector.broadcast %broadcast_in_dim3A_1575 : i32 to vector<16xi32>
      %add3A_1577 = arith.addi %bitcast3A_1574, %broadcast_in_dim3A_1576 : vector<16xi32>
      %broadcast_in_dim3A_1578 = arith.constant 16 : i32
      %broadcast_in_dim3A_1579 = vector.broadcast %broadcast_in_dim3A_1578 : i32 to vector<16xi32>
      %shift_right_arithmetic3A_1580 = arith.shrsi %bitcast3A_1574, %broadcast_in_dim3A_1579 : vector<16xi32>
      %broadcast_in_dim3A_1581 = arith.constant 1 : i32
      %broadcast_in_dim3A_1582 = vector.broadcast %broadcast_in_dim3A_1581 : i32 to vector<16xi32>
      %and3A_1583 = arith.andi %shift_right_arithmetic3A_1580, %broadcast_in_dim3A_1582 : vector<16xi32>
      %add3A_1584 = arith.addi %add3A_1577, %and3A_1583 : vector<16xi32>
      %broadcast_in_dim3A_1585 = arith.constant -65536 : i32
      %broadcast_in_dim3A_1586 = vector.broadcast %broadcast_in_dim3A_1585 : i32 to vector<16xi32>
      %and3A_1587 = arith.andi %add3A_1584, %broadcast_in_dim3A_1586 : vector<16xi32>
      %bitcast3A_1588 = vector.bitcast %and3A_1587 : vector<16xi32> to vector<16xf32>
      %gather3A_1589 = tpu.vector_load_idx %arg7[%and3A_1572] : memref<64xf32, #tpu.memory_space<vmem>>[vector<16xi32>], vector<16xf32>,
      %add3A_1590 = arith.addf %bitcast3A_1588, %gather3A_1589 : vector<16xf32>
      %gt3A_1591 = arith.cmpf ogt, %add3A_1590, %select_n3A_1558 : vector<16xf32>
      %eq3A_1592 = arith.cmpf oeq, %add3A_1590, %select_n3A_1558 : vector<16xf32>
      %lt3A_1593 = arith.cmpi slt, %and3A_1572, %select_n3A_1559 : vector<16xi32>
      %and3A_1594 = arith.andi %eq3A_1592, %lt3A_1593 : vector<16xi1>
      %or3A_1595 = arith.ori %gt3A_1591, %and3A_1594 : vector<16xi1>
      %select_n3A_1596 = arith.select %or3A_1595, %select_n3A_1558, %add3A_1590 : vector<16xi1>, vector<16xf32>
      %select_n3A_1597 = arith.select %or3A_1595, %select_n3A_1559, %and3A_1572 : vector<16xi1>, vector<16xi32>
      %select_n3A_1598 = arith.select %or3A_1595, %add3A_1590, %select_n3A_1558 : vector<16xi1>, vector<16xf32>
      %select_n3A_1599 = arith.select %or3A_1595, %and3A_1572, %select_n3A_1559 : vector<16xi1>, vector<16xi32>
      %gt3A_1600 = arith.cmpf ogt, %select_n3A_1596, %select_n3A_1565 : vector<16xf32>
      %eq3A_1601 = arith.cmpf oeq, %select_n3A_1596, %select_n3A_1565 : vector<16xf32>
      %lt3A_1602 = arith.cmpi slt, %select_n3A_1597, %select_n3A_1566 : vector<16xi32>
      %and3A_1603 = arith.andi %eq3A_1601, %lt3A_1602 : vector<16xi1>
      %or3A_1604 = arith.ori %gt3A_1600, %and3A_1603 : vector<16xi1>
      %select_n3A_1605 = arith.select %or3A_1604, %select_n3A_1596, %select_n3A_1565 : vector<16xi1>, vector<16xf32>
      %select_n3A_1606 = arith.select %or3A_1604, %select_n3A_1597, %select_n3A_1566 : vector<16xi1>, vector<16xi32>
      %broadcast_in_dim3A_1607 = arith.constant 40 : i32
      %broadcast_in_dim3A_1608 = vector.broadcast %broadcast_in_dim3A_1607 : i32 to vector<16xi32>
      %add3A_1609 = arith.addi %iota3A, %broadcast_in_dim3A_1608 : vector<16xi32>
      %broadcast_in_dim3A_1610 = arith.constant 63 : i32
      %broadcast_in_dim3A_1611 = vector.broadcast %broadcast_in_dim3A_1610 : i32 to vector<16xi32>
      %and3A_1612 = arith.andi %add3A_1609, %broadcast_in_dim3A_1611 : vector<16xi32>
      %gather3A_1613 = tpu.vector_load_idx %arg6[%add3A_15, %and3A_1612] : memref<256x128xf32, #tpu.memory_space<vmem>>[vector<16xi32>, vector<16xi32>], vector<16xf32>,
      %bitcast3A_1614 = vector.bitcast %gather3A_1613 : vector<16xf32> to vector<16xi32>
      %broadcast_in_dim3A_1615 = arith.constant 32767 : i32
      %broadcast_in_dim3A_1616 = vector.broadcast %broadcast_in_dim3A_1615 : i32 to vector<16xi32>
      %add3A_1617 = arith.addi %bitcast3A_1614, %broadcast_in_dim3A_1616 : vector<16xi32>
      %broadcast_in_dim3A_1618 = arith.constant 16 : i32
      %broadcast_in_dim3A_1619 = vector.broadcast %broadcast_in_dim3A_1618 : i32 to vector<16xi32>
      %shift_right_arithmetic3A_1620 = arith.shrsi %bitcast3A_1614, %broadcast_in_dim3A_1619 : vector<16xi32>
      %broadcast_in_dim3A_1621 = arith.constant 1 : i32
      %broadcast_in_dim3A_1622 = vector.broadcast %broadcast_in_dim3A_1621 : i32 to vector<16xi32>
      %and3A_1623 = arith.andi %shift_right_arithmetic3A_1620, %broadcast_in_dim3A_1622 : vector<16xi32>
      %add3A_1624 = arith.addi %add3A_1617, %and3A_1623 : vector<16xi32>
      %broadcast_in_dim3A_1625 = arith.constant -65536 : i32
      %broadcast_in_dim3A_1626 = vector.broadcast %broadcast_in_dim3A_1625 : i32 to vector<16xi32>
      %and3A_1627 = arith.andi %add3A_1624, %broadcast_in_dim3A_1626 : vector<16xi32>
      %bitcast3A_1628 = vector.bitcast %and3A_1627 : vector<16xi32> to vector<16xf32>
      %gather3A_1629 = tpu.vector_load_idx %arg7[%and3A_1612] : memref<64xf32, #tpu.memory_space<vmem>>[vector<16xi32>], vector<16xf32>,
      %add3A_1630 = arith.addf %bitcast3A_1628, %gather3A_1629 : vector<16xf32>
      %gt3A_1631 = arith.cmpf ogt, %add3A_1630, %select_n3A_1598 : vector<16xf32>
      %eq3A_1632 = arith.cmpf oeq, %add3A_1630, %select_n3A_1598 : vector<16xf32>
      %lt3A_1633 = arith.cmpi slt, %and3A_1612, %select_n3A_1599 : vector<16xi32>
      %and3A_1634 = arith.andi %eq3A_1632, %lt3A_1633 : vector<16xi1>
      %or3A_1635 = arith.ori %gt3A_1631, %and3A_1634 : vector<16xi1>
      %select_n3A_1636 = arith.select %or3A_1635, %select_n3A_1598, %add3A_1630 : vector<16xi1>, vector<16xf32>
      %select_n3A_1637 = arith.select %or3A_1635, %select_n3A_1599, %and3A_1612 : vector<16xi1>, vector<16xi32>
      %select_n3A_1638 = arith.select %or3A_1635, %add3A_1630, %select_n3A_1598 : vector<16xi1>, vector<16xf32>
      %select_n3A_1639 = arith.select %or3A_1635, %and3A_1612, %select_n3A_1599 : vector<16xi1>, vector<16xi32>
      %gt3A_1640 = arith.cmpf ogt, %select_n3A_1636, %select_n3A_1605 : vector<16xf32>
      %eq3A_1641 = arith.cmpf oeq, %select_n3A_1636, %select_n3A_1605 : vector<16xf32>
      %lt3A_1642 = arith.cmpi slt, %select_n3A_1637, %select_n3A_1606 : vector<16xi32>
      %and3A_1643 = arith.andi %eq3A_1641, %lt3A_1642 : vector<16xi1>
      %or3A_1644 = arith.ori %gt3A_1640, %and3A_1643 : vector<16xi1>
      %select_n3A_1645 = arith.select %or3A_1644, %select_n3A_1636, %select_n3A_1605 : vector<16xi1>, vector<16xf32>
      %select_n3A_1646 = arith.select %or3A_1644, %select_n3A_1637, %select_n3A_1606 : vector<16xi1>, vector<16xi32>
      %broadcast_in_dim3A_1647 = arith.constant 41 : i32
      %broadcast_in_dim3A_1648 = vector.broadcast %broadcast_in_dim3A_1647 : i32 to vector<16xi32>
      %add3A_1649 = arith.addi %iota3A, %broadcast_in_dim3A_1648 : vector<16xi32>
      %broadcast_in_dim3A_1650 = arith.constant 63 : i32
      %broadcast_in_dim3A_1651 = vector.broadcast %broadcast_in_dim3A_1650 : i32 to vector<16xi32>
      %and3A_1652 = arith.andi %add3A_1649, %broadcast_in_dim3A_1651 : vector<16xi32>
      %gather3A_1653 = tpu.vector_load_idx %arg6[%add3A_15, %and3A_1652] : memref<256x128xf32, #tpu.memory_space<vmem>>[vector<16xi32>, vector<16xi32>], vector<16xf32>,
      %bitcast3A_1654 = vector.bitcast %gather3A_1653 : vector<16xf32> to vector<16xi32>
      %broadcast_in_dim3A_1655 = arith.constant 32767 : i32
      %broadcast_in_dim3A_1656 = vector.broadcast %broadcast_in_dim3A_1655 : i32 to vector<16xi32>
      %add3A_1657 = arith.addi %bitcast3A_1654, %broadcast_in_dim3A_1656 : vector<16xi32>
      %broadcast_in_dim3A_1658 = arith.constant 16 : i32
      %broadcast_in_dim3A_1659 = vector.broadcast %broadcast_in_dim3A_1658 : i32 to vector<16xi32>
      %shift_right_arithmetic3A_1660 = arith.shrsi %bitcast3A_1654, %broadcast_in_dim3A_1659 : vector<16xi32>
      %broadcast_in_dim3A_1661 = arith.constant 1 : i32
      %broadcast_in_dim3A_1662 = vector.broadcast %broadcast_in_dim3A_1661 : i32 to vector<16xi32>
      %and3A_1663 = arith.andi %shift_right_arithmetic3A_1660, %broadcast_in_dim3A_1662 : vector<16xi32>
      %add3A_1664 = arith.addi %add3A_1657, %and3A_1663 : vector<16xi32>
      %broadcast_in_dim3A_1665 = arith.constant -65536 : i32
      %broadcast_in_dim3A_1666 = vector.broadcast %broadcast_in_dim3A_1665 : i32 to vector<16xi32>
      %and3A_1667 = arith.andi %add3A_1664, %broadcast_in_dim3A_1666 : vector<16xi32>
      %bitcast3A_1668 = vector.bitcast %and3A_1667 : vector<16xi32> to vector<16xf32>
      %gather3A_1669 = tpu.vector_load_idx %arg7[%and3A_1652] : memref<64xf32, #tpu.memory_space<vmem>>[vector<16xi32>], vector<16xf32>,
      %add3A_1670 = arith.addf %bitcast3A_1668, %gather3A_1669 : vector<16xf32>
      %gt3A_1671 = arith.cmpf ogt, %add3A_1670, %select_n3A_1638 : vector<16xf32>
      %eq3A_1672 = arith.cmpf oeq, %add3A_1670, %select_n3A_1638 : vector<16xf32>
      %lt3A_1673 = arith.cmpi slt, %and3A_1652, %select_n3A_1639 : vector<16xi32>
      %and3A_1674 = arith.andi %eq3A_1672, %lt3A_1673 : vector<16xi1>
      %or3A_1675 = arith.ori %gt3A_1671, %and3A_1674 : vector<16xi1>
      %select_n3A_1676 = arith.select %or3A_1675, %select_n3A_1638, %add3A_1670 : vector<16xi1>, vector<16xf32>
      %select_n3A_1677 = arith.select %or3A_1675, %select_n3A_1639, %and3A_1652 : vector<16xi1>, vector<16xi32>
      %select_n3A_1678 = arith.select %or3A_1675, %add3A_1670, %select_n3A_1638 : vector<16xi1>, vector<16xf32>
      %select_n3A_1679 = arith.select %or3A_1675, %and3A_1652, %select_n3A_1639 : vector<16xi1>, vector<16xi32>
      %gt3A_1680 = arith.cmpf ogt, %select_n3A_1676, %select_n3A_1645 : vector<16xf32>
      %eq3A_1681 = arith.cmpf oeq, %select_n3A_1676, %select_n3A_1645 : vector<16xf32>
      %lt3A_1682 = arith.cmpi slt, %select_n3A_1677, %select_n3A_1646 : vector<16xi32>
      %and3A_1683 = arith.andi %eq3A_1681, %lt3A_1682 : vector<16xi1>
      %or3A_1684 = arith.ori %gt3A_1680, %and3A_1683 : vector<16xi1>
      %select_n3A_1685 = arith.select %or3A_1684, %select_n3A_1676, %select_n3A_1645 : vector<16xi1>, vector<16xf32>
      %select_n3A_1686 = arith.select %or3A_1684, %select_n3A_1677, %select_n3A_1646 : vector<16xi1>, vector<16xi32>
      %broadcast_in_dim3A_1687 = arith.constant 42 : i32
      %broadcast_in_dim3A_1688 = vector.broadcast %broadcast_in_dim3A_1687 : i32 to vector<16xi32>
      %add3A_1689 = arith.addi %iota3A, %broadcast_in_dim3A_1688 : vector<16xi32>
      %broadcast_in_dim3A_1690 = arith.constant 63 : i32
      %broadcast_in_dim3A_1691 = vector.broadcast %broadcast_in_dim3A_1690 : i32 to vector<16xi32>
      %and3A_1692 = arith.andi %add3A_1689, %broadcast_in_dim3A_1691 : vector<16xi32>
      %gather3A_1693 = tpu.vector_load_idx %arg6[%add3A_15, %and3A_1692] : memref<256x128xf32, #tpu.memory_space<vmem>>[vector<16xi32>, vector<16xi32>], vector<16xf32>,
      %bitcast3A_1694 = vector.bitcast %gather3A_1693 : vector<16xf32> to vector<16xi32>
      %broadcast_in_dim3A_1695 = arith.constant 32767 : i32
      %broadcast_in_dim3A_1696 = vector.broadcast %broadcast_in_dim3A_1695 : i32 to vector<16xi32>
      %add3A_1697 = arith.addi %bitcast3A_1694, %broadcast_in_dim3A_1696 : vector<16xi32>
      %broadcast_in_dim3A_1698 = arith.constant 16 : i32
      %broadcast_in_dim3A_1699 = vector.broadcast %broadcast_in_dim3A_1698 : i32 to vector<16xi32>
      %shift_right_arithmetic3A_1700 = arith.shrsi %bitcast3A_1694, %broadcast_in_dim3A_1699 : vector<16xi32>
      %broadcast_in_dim3A_1701 = arith.constant 1 : i32
      %broadcast_in_dim3A_1702 = vector.broadcast %broadcast_in_dim3A_1701 : i32 to vector<16xi32>
      %and3A_1703 = arith.andi %shift_right_arithmetic3A_1700, %broadcast_in_dim3A_1702 : vector<16xi32>
      %add3A_1704 = arith.addi %add3A_1697, %and3A_1703 : vector<16xi32>
      %broadcast_in_dim3A_1705 = arith.constant -65536 : i32
      %broadcast_in_dim3A_1706 = vector.broadcast %broadcast_in_dim3A_1705 : i32 to vector<16xi32>
      %and3A_1707 = arith.andi %add3A_1704, %broadcast_in_dim3A_1706 : vector<16xi32>
      %bitcast3A_1708 = vector.bitcast %and3A_1707 : vector<16xi32> to vector<16xf32>
      %gather3A_1709 = tpu.vector_load_idx %arg7[%and3A_1692] : memref<64xf32, #tpu.memory_space<vmem>>[vector<16xi32>], vector<16xf32>,
      %add3A_1710 = arith.addf %bitcast3A_1708, %gather3A_1709 : vector<16xf32>
      %gt3A_1711 = arith.cmpf ogt, %add3A_1710, %select_n3A_1678 : vector<16xf32>
      %eq3A_1712 = arith.cmpf oeq, %add3A_1710, %select_n3A_1678 : vector<16xf32>
      %lt3A_1713 = arith.cmpi slt, %and3A_1692, %select_n3A_1679 : vector<16xi32>
      %and3A_1714 = arith.andi %eq3A_1712, %lt3A_1713 : vector<16xi1>
      %or3A_1715 = arith.ori %gt3A_1711, %and3A_1714 : vector<16xi1>
      %select_n3A_1716 = arith.select %or3A_1715, %select_n3A_1678, %add3A_1710 : vector<16xi1>, vector<16xf32>
      %select_n3A_1717 = arith.select %or3A_1715, %select_n3A_1679, %and3A_1692 : vector<16xi1>, vector<16xi32>
      %select_n3A_1718 = arith.select %or3A_1715, %add3A_1710, %select_n3A_1678 : vector<16xi1>, vector<16xf32>
      %select_n3A_1719 = arith.select %or3A_1715, %and3A_1692, %select_n3A_1679 : vector<16xi1>, vector<16xi32>
      %gt3A_1720 = arith.cmpf ogt, %select_n3A_1716, %select_n3A_1685 : vector<16xf32>
      %eq3A_1721 = arith.cmpf oeq, %select_n3A_1716, %select_n3A_1685 : vector<16xf32>
      %lt3A_1722 = arith.cmpi slt, %select_n3A_1717, %select_n3A_1686 : vector<16xi32>
      %and3A_1723 = arith.andi %eq3A_1721, %lt3A_1722 : vector<16xi1>
      %or3A_1724 = arith.ori %gt3A_1720, %and3A_1723 : vector<16xi1>
      %select_n3A_1725 = arith.select %or3A_1724, %select_n3A_1716, %select_n3A_1685 : vector<16xi1>, vector<16xf32>
      %select_n3A_1726 = arith.select %or3A_1724, %select_n3A_1717, %select_n3A_1686 : vector<16xi1>, vector<16xi32>
      %broadcast_in_dim3A_1727 = arith.constant 43 : i32
      %broadcast_in_dim3A_1728 = vector.broadcast %broadcast_in_dim3A_1727 : i32 to vector<16xi32>
      %add3A_1729 = arith.addi %iota3A, %broadcast_in_dim3A_1728 : vector<16xi32>
      %broadcast_in_dim3A_1730 = arith.constant 63 : i32
      %broadcast_in_dim3A_1731 = vector.broadcast %broadcast_in_dim3A_1730 : i32 to vector<16xi32>
      %and3A_1732 = arith.andi %add3A_1729, %broadcast_in_dim3A_1731 : vector<16xi32>
      %gather3A_1733 = tpu.vector_load_idx %arg6[%add3A_15, %and3A_1732] : memref<256x128xf32, #tpu.memory_space<vmem>>[vector<16xi32>, vector<16xi32>], vector<16xf32>,
      %bitcast3A_1734 = vector.bitcast %gather3A_1733 : vector<16xf32> to vector<16xi32>
      %broadcast_in_dim3A_1735 = arith.constant 32767 : i32
      %broadcast_in_dim3A_1736 = vector.broadcast %broadcast_in_dim3A_1735 : i32 to vector<16xi32>
      %add3A_1737 = arith.addi %bitcast3A_1734, %broadcast_in_dim3A_1736 : vector<16xi32>
      %broadcast_in_dim3A_1738 = arith.constant 16 : i32
      %broadcast_in_dim3A_1739 = vector.broadcast %broadcast_in_dim3A_1738 : i32 to vector<16xi32>
      %shift_right_arithmetic3A_1740 = arith.shrsi %bitcast3A_1734, %broadcast_in_dim3A_1739 : vector<16xi32>
      %broadcast_in_dim3A_1741 = arith.constant 1 : i32
      %broadcast_in_dim3A_1742 = vector.broadcast %broadcast_in_dim3A_1741 : i32 to vector<16xi32>
      %and3A_1743 = arith.andi %shift_right_arithmetic3A_1740, %broadcast_in_dim3A_1742 : vector<16xi32>
      %add3A_1744 = arith.addi %add3A_1737, %and3A_1743 : vector<16xi32>
      %broadcast_in_dim3A_1745 = arith.constant -65536 : i32
      %broadcast_in_dim3A_1746 = vector.broadcast %broadcast_in_dim3A_1745 : i32 to vector<16xi32>
      %and3A_1747 = arith.andi %add3A_1744, %broadcast_in_dim3A_1746 : vector<16xi32>
      %bitcast3A_1748 = vector.bitcast %and3A_1747 : vector<16xi32> to vector<16xf32>
      %gather3A_1749 = tpu.vector_load_idx %arg7[%and3A_1732] : memref<64xf32, #tpu.memory_space<vmem>>[vector<16xi32>], vector<16xf32>,
      %add3A_1750 = arith.addf %bitcast3A_1748, %gather3A_1749 : vector<16xf32>
      %gt3A_1751 = arith.cmpf ogt, %add3A_1750, %select_n3A_1718 : vector<16xf32>
      %eq3A_1752 = arith.cmpf oeq, %add3A_1750, %select_n3A_1718 : vector<16xf32>
      %lt3A_1753 = arith.cmpi slt, %and3A_1732, %select_n3A_1719 : vector<16xi32>
      %and3A_1754 = arith.andi %eq3A_1752, %lt3A_1753 : vector<16xi1>
      %or3A_1755 = arith.ori %gt3A_1751, %and3A_1754 : vector<16xi1>
      %select_n3A_1756 = arith.select %or3A_1755, %select_n3A_1718, %add3A_1750 : vector<16xi1>, vector<16xf32>
      %select_n3A_1757 = arith.select %or3A_1755, %select_n3A_1719, %and3A_1732 : vector<16xi1>, vector<16xi32>
      %select_n3A_1758 = arith.select %or3A_1755, %add3A_1750, %select_n3A_1718 : vector<16xi1>, vector<16xf32>
      %select_n3A_1759 = arith.select %or3A_1755, %and3A_1732, %select_n3A_1719 : vector<16xi1>, vector<16xi32>
      %gt3A_1760 = arith.cmpf ogt, %select_n3A_1756, %select_n3A_1725 : vector<16xf32>
      %eq3A_1761 = arith.cmpf oeq, %select_n3A_1756, %select_n3A_1725 : vector<16xf32>
      %lt3A_1762 = arith.cmpi slt, %select_n3A_1757, %select_n3A_1726 : vector<16xi32>
      %and3A_1763 = arith.andi %eq3A_1761, %lt3A_1762 : vector<16xi1>
      %or3A_1764 = arith.ori %gt3A_1760, %and3A_1763 : vector<16xi1>
      %select_n3A_1765 = arith.select %or3A_1764, %select_n3A_1756, %select_n3A_1725 : vector<16xi1>, vector<16xf32>
      %select_n3A_1766 = arith.select %or3A_1764, %select_n3A_1757, %select_n3A_1726 : vector<16xi1>, vector<16xi32>
      %broadcast_in_dim3A_1767 = arith.constant 44 : i32
      %broadcast_in_dim3A_1768 = vector.broadcast %broadcast_in_dim3A_1767 : i32 to vector<16xi32>
      %add3A_1769 = arith.addi %iota3A, %broadcast_in_dim3A_1768 : vector<16xi32>
      %broadcast_in_dim3A_1770 = arith.constant 63 : i32
      %broadcast_in_dim3A_1771 = vector.broadcast %broadcast_in_dim3A_1770 : i32 to vector<16xi32>
      %and3A_1772 = arith.andi %add3A_1769, %broadcast_in_dim3A_1771 : vector<16xi32>
      %gather3A_1773 = tpu.vector_load_idx %arg6[%add3A_15, %and3A_1772] : memref<256x128xf32, #tpu.memory_space<vmem>>[vector<16xi32>, vector<16xi32>], vector<16xf32>,
      %bitcast3A_1774 = vector.bitcast %gather3A_1773 : vector<16xf32> to vector<16xi32>
      %broadcast_in_dim3A_1775 = arith.constant 32767 : i32
      %broadcast_in_dim3A_1776 = vector.broadcast %broadcast_in_dim3A_1775 : i32 to vector<16xi32>
      %add3A_1777 = arith.addi %bitcast3A_1774, %broadcast_in_dim3A_1776 : vector<16xi32>
      %broadcast_in_dim3A_1778 = arith.constant 16 : i32
      %broadcast_in_dim3A_1779 = vector.broadcast %broadcast_in_dim3A_1778 : i32 to vector<16xi32>
      %shift_right_arithmetic3A_1780 = arith.shrsi %bitcast3A_1774, %broadcast_in_dim3A_1779 : vector<16xi32>
      %broadcast_in_dim3A_1781 = arith.constant 1 : i32
      %broadcast_in_dim3A_1782 = vector.broadcast %broadcast_in_dim3A_1781 : i32 to vector<16xi32>
      %and3A_1783 = arith.andi %shift_right_arithmetic3A_1780, %broadcast_in_dim3A_1782 : vector<16xi32>
      %add3A_1784 = arith.addi %add3A_1777, %and3A_1783 : vector<16xi32>
      %broadcast_in_dim3A_1785 = arith.constant -65536 : i32
      %broadcast_in_dim3A_1786 = vector.broadcast %broadcast_in_dim3A_1785 : i32 to vector<16xi32>
      %and3A_1787 = arith.andi %add3A_1784, %broadcast_in_dim3A_1786 : vector<16xi32>
      %bitcast3A_1788 = vector.bitcast %and3A_1787 : vector<16xi32> to vector<16xf32>
      %gather3A_1789 = tpu.vector_load_idx %arg7[%and3A_1772] : memref<64xf32, #tpu.memory_space<vmem>>[vector<16xi32>], vector<16xf32>,
      %add3A_1790 = arith.addf %bitcast3A_1788, %gather3A_1789 : vector<16xf32>
      %gt3A_1791 = arith.cmpf ogt, %add3A_1790, %select_n3A_1758 : vector<16xf32>
      %eq3A_1792 = arith.cmpf oeq, %add3A_1790, %select_n3A_1758 : vector<16xf32>
      %lt3A_1793 = arith.cmpi slt, %and3A_1772, %select_n3A_1759 : vector<16xi32>
      %and3A_1794 = arith.andi %eq3A_1792, %lt3A_1793 : vector<16xi1>
      %or3A_1795 = arith.ori %gt3A_1791, %and3A_1794 : vector<16xi1>
      %select_n3A_1796 = arith.select %or3A_1795, %select_n3A_1758, %add3A_1790 : vector<16xi1>, vector<16xf32>
      %select_n3A_1797 = arith.select %or3A_1795, %select_n3A_1759, %and3A_1772 : vector<16xi1>, vector<16xi32>
      %select_n3A_1798 = arith.select %or3A_1795, %add3A_1790, %select_n3A_1758 : vector<16xi1>, vector<16xf32>
      %select_n3A_1799 = arith.select %or3A_1795, %and3A_1772, %select_n3A_1759 : vector<16xi1>, vector<16xi32>
      %gt3A_1800 = arith.cmpf ogt, %select_n3A_1796, %select_n3A_1765 : vector<16xf32>
      %eq3A_1801 = arith.cmpf oeq, %select_n3A_1796, %select_n3A_1765 : vector<16xf32>
      %lt3A_1802 = arith.cmpi slt, %select_n3A_1797, %select_n3A_1766 : vector<16xi32>
      %and3A_1803 = arith.andi %eq3A_1801, %lt3A_1802 : vector<16xi1>
      %or3A_1804 = arith.ori %gt3A_1800, %and3A_1803 : vector<16xi1>
      %select_n3A_1805 = arith.select %or3A_1804, %select_n3A_1796, %select_n3A_1765 : vector<16xi1>, vector<16xf32>
      %select_n3A_1806 = arith.select %or3A_1804, %select_n3A_1797, %select_n3A_1766 : vector<16xi1>, vector<16xi32>
      %broadcast_in_dim3A_1807 = arith.constant 45 : i32
      %broadcast_in_dim3A_1808 = vector.broadcast %broadcast_in_dim3A_1807 : i32 to vector<16xi32>
      %add3A_1809 = arith.addi %iota3A, %broadcast_in_dim3A_1808 : vector<16xi32>
      %broadcast_in_dim3A_1810 = arith.constant 63 : i32
      %broadcast_in_dim3A_1811 = vector.broadcast %broadcast_in_dim3A_1810 : i32 to vector<16xi32>
      %and3A_1812 = arith.andi %add3A_1809, %broadcast_in_dim3A_1811 : vector<16xi32>
      %gather3A_1813 = tpu.vector_load_idx %arg6[%add3A_15, %and3A_1812] : memref<256x128xf32, #tpu.memory_space<vmem>>[vector<16xi32>, vector<16xi32>], vector<16xf32>,
      %bitcast3A_1814 = vector.bitcast %gather3A_1813 : vector<16xf32> to vector<16xi32>
      %broadcast_in_dim3A_1815 = arith.constant 32767 : i32
      %broadcast_in_dim3A_1816 = vector.broadcast %broadcast_in_dim3A_1815 : i32 to vector<16xi32>
      %add3A_1817 = arith.addi %bitcast3A_1814, %broadcast_in_dim3A_1816 : vector<16xi32>
      %broadcast_in_dim3A_1818 = arith.constant 16 : i32
      %broadcast_in_dim3A_1819 = vector.broadcast %broadcast_in_dim3A_1818 : i32 to vector<16xi32>
      %shift_right_arithmetic3A_1820 = arith.shrsi %bitcast3A_1814, %broadcast_in_dim3A_1819 : vector<16xi32>
      %broadcast_in_dim3A_1821 = arith.constant 1 : i32
      %broadcast_in_dim3A_1822 = vector.broadcast %broadcast_in_dim3A_1821 : i32 to vector<16xi32>
      %and3A_1823 = arith.andi %shift_right_arithmetic3A_1820, %broadcast_in_dim3A_1822 : vector<16xi32>
      %add3A_1824 = arith.addi %add3A_1817, %and3A_1823 : vector<16xi32>
      %broadcast_in_dim3A_1825 = arith.constant -65536 : i32
      %broadcast_in_dim3A_1826 = vector.broadcast %broadcast_in_dim3A_1825 : i32 to vector<16xi32>
      %and3A_1827 = arith.andi %add3A_1824, %broadcast_in_dim3A_1826 : vector<16xi32>
      %bitcast3A_1828 = vector.bitcast %and3A_1827 : vector<16xi32> to vector<16xf32>
      %gather3A_1829 = tpu.vector_load_idx %arg7[%and3A_1812] : memref<64xf32, #tpu.memory_space<vmem>>[vector<16xi32>], vector<16xf32>,
      %add3A_1830 = arith.addf %bitcast3A_1828, %gather3A_1829 : vector<16xf32>
      %gt3A_1831 = arith.cmpf ogt, %add3A_1830, %select_n3A_1798 : vector<16xf32>
      %eq3A_1832 = arith.cmpf oeq, %add3A_1830, %select_n3A_1798 : vector<16xf32>
      %lt3A_1833 = arith.cmpi slt, %and3A_1812, %select_n3A_1799 : vector<16xi32>
      %and3A_1834 = arith.andi %eq3A_1832, %lt3A_1833 : vector<16xi1>
      %or3A_1835 = arith.ori %gt3A_1831, %and3A_1834 : vector<16xi1>
      %select_n3A_1836 = arith.select %or3A_1835, %select_n3A_1798, %add3A_1830 : vector<16xi1>, vector<16xf32>
      %select_n3A_1837 = arith.select %or3A_1835, %select_n3A_1799, %and3A_1812 : vector<16xi1>, vector<16xi32>
      %select_n3A_1838 = arith.select %or3A_1835, %add3A_1830, %select_n3A_1798 : vector<16xi1>, vector<16xf32>
      %select_n3A_1839 = arith.select %or3A_1835, %and3A_1812, %select_n3A_1799 : vector<16xi1>, vector<16xi32>
      %gt3A_1840 = arith.cmpf ogt, %select_n3A_1836, %select_n3A_1805 : vector<16xf32>
      %eq3A_1841 = arith.cmpf oeq, %select_n3A_1836, %select_n3A_1805 : vector<16xf32>
      %lt3A_1842 = arith.cmpi slt, %select_n3A_1837, %select_n3A_1806 : vector<16xi32>
      %and3A_1843 = arith.andi %eq3A_1841, %lt3A_1842 : vector<16xi1>
      %or3A_1844 = arith.ori %gt3A_1840, %and3A_1843 : vector<16xi1>
      %select_n3A_1845 = arith.select %or3A_1844, %select_n3A_1836, %select_n3A_1805 : vector<16xi1>, vector<16xf32>
      %select_n3A_1846 = arith.select %or3A_1844, %select_n3A_1837, %select_n3A_1806 : vector<16xi1>, vector<16xi32>
      %broadcast_in_dim3A_1847 = arith.constant 46 : i32
      %broadcast_in_dim3A_1848 = vector.broadcast %broadcast_in_dim3A_1847 : i32 to vector<16xi32>
      %add3A_1849 = arith.addi %iota3A, %broadcast_in_dim3A_1848 : vector<16xi32>
      %broadcast_in_dim3A_1850 = arith.constant 63 : i32
      %broadcast_in_dim3A_1851 = vector.broadcast %broadcast_in_dim3A_1850 : i32 to vector<16xi32>
      %and3A_1852 = arith.andi %add3A_1849, %broadcast_in_dim3A_1851 : vector<16xi32>
      %gather3A_1853 = tpu.vector_load_idx %arg6[%add3A_15, %and3A_1852] : memref<256x128xf32, #tpu.memory_space<vmem>>[vector<16xi32>, vector<16xi32>], vector<16xf32>,
      %bitcast3A_1854 = vector.bitcast %gather3A_1853 : vector<16xf32> to vector<16xi32>
      %broadcast_in_dim3A_1855 = arith.constant 32767 : i32
      %broadcast_in_dim3A_1856 = vector.broadcast %broadcast_in_dim3A_1855 : i32 to vector<16xi32>
      %add3A_1857 = arith.addi %bitcast3A_1854, %broadcast_in_dim3A_1856 : vector<16xi32>
      %broadcast_in_dim3A_1858 = arith.constant 16 : i32
      %broadcast_in_dim3A_1859 = vector.broadcast %broadcast_in_dim3A_1858 : i32 to vector<16xi32>
      %shift_right_arithmetic3A_1860 = arith.shrsi %bitcast3A_1854, %broadcast_in_dim3A_1859 : vector<16xi32>
      %broadcast_in_dim3A_1861 = arith.constant 1 : i32
      %broadcast_in_dim3A_1862 = vector.broadcast %broadcast_in_dim3A_1861 : i32 to vector<16xi32>
      %and3A_1863 = arith.andi %shift_right_arithmetic3A_1860, %broadcast_in_dim3A_1862 : vector<16xi32>
      %add3A_1864 = arith.addi %add3A_1857, %and3A_1863 : vector<16xi32>
      %broadcast_in_dim3A_1865 = arith.constant -65536 : i32
      %broadcast_in_dim3A_1866 = vector.broadcast %broadcast_in_dim3A_1865 : i32 to vector<16xi32>
      %and3A_1867 = arith.andi %add3A_1864, %broadcast_in_dim3A_1866 : vector<16xi32>
      %bitcast3A_1868 = vector.bitcast %and3A_1867 : vector<16xi32> to vector<16xf32>
      %gather3A_1869 = tpu.vector_load_idx %arg7[%and3A_1852] : memref<64xf32, #tpu.memory_space<vmem>>[vector<16xi32>], vector<16xf32>,
      %add3A_1870 = arith.addf %bitcast3A_1868, %gather3A_1869 : vector<16xf32>
      %gt3A_1871 = arith.cmpf ogt, %add3A_1870, %select_n3A_1838 : vector<16xf32>
      %eq3A_1872 = arith.cmpf oeq, %add3A_1870, %select_n3A_1838 : vector<16xf32>
      %lt3A_1873 = arith.cmpi slt, %and3A_1852, %select_n3A_1839 : vector<16xi32>
      %and3A_1874 = arith.andi %eq3A_1872, %lt3A_1873 : vector<16xi1>
      %or3A_1875 = arith.ori %gt3A_1871, %and3A_1874 : vector<16xi1>
      %select_n3A_1876 = arith.select %or3A_1875, %select_n3A_1838, %add3A_1870 : vector<16xi1>, vector<16xf32>
      %select_n3A_1877 = arith.select %or3A_1875, %select_n3A_1839, %and3A_1852 : vector<16xi1>, vector<16xi32>
      %select_n3A_1878 = arith.select %or3A_1875, %add3A_1870, %select_n3A_1838 : vector<16xi1>, vector<16xf32>
      %select_n3A_1879 = arith.select %or3A_1875, %and3A_1852, %select_n3A_1839 : vector<16xi1>, vector<16xi32>
      %gt3A_1880 = arith.cmpf ogt, %select_n3A_1876, %select_n3A_1845 : vector<16xf32>
      %eq3A_1881 = arith.cmpf oeq, %select_n3A_1876, %select_n3A_1845 : vector<16xf32>
      %lt3A_1882 = arith.cmpi slt, %select_n3A_1877, %select_n3A_1846 : vector<16xi32>
      %and3A_1883 = arith.andi %eq3A_1881, %lt3A_1882 : vector<16xi1>
      %or3A_1884 = arith.ori %gt3A_1880, %and3A_1883 : vector<16xi1>
      %select_n3A_1885 = arith.select %or3A_1884, %select_n3A_1876, %select_n3A_1845 : vector<16xi1>, vector<16xf32>
      %select_n3A_1886 = arith.select %or3A_1884, %select_n3A_1877, %select_n3A_1846 : vector<16xi1>, vector<16xi32>
      %broadcast_in_dim3A_1887 = arith.constant 47 : i32
      %broadcast_in_dim3A_1888 = vector.broadcast %broadcast_in_dim3A_1887 : i32 to vector<16xi32>
      %add3A_1889 = arith.addi %iota3A, %broadcast_in_dim3A_1888 : vector<16xi32>
      %broadcast_in_dim3A_1890 = arith.constant 63 : i32
      %broadcast_in_dim3A_1891 = vector.broadcast %broadcast_in_dim3A_1890 : i32 to vector<16xi32>
      %and3A_1892 = arith.andi %add3A_1889, %broadcast_in_dim3A_1891 : vector<16xi32>
      %gather3A_1893 = tpu.vector_load_idx %arg6[%add3A_15, %and3A_1892] : memref<256x128xf32, #tpu.memory_space<vmem>>[vector<16xi32>, vector<16xi32>], vector<16xf32>,
      %bitcast3A_1894 = vector.bitcast %gather3A_1893 : vector<16xf32> to vector<16xi32>
      %broadcast_in_dim3A_1895 = arith.constant 32767 : i32
      %broadcast_in_dim3A_1896 = vector.broadcast %broadcast_in_dim3A_1895 : i32 to vector<16xi32>
      %add3A_1897 = arith.addi %bitcast3A_1894, %broadcast_in_dim3A_1896 : vector<16xi32>
      %broadcast_in_dim3A_1898 = arith.constant 16 : i32
      %broadcast_in_dim3A_1899 = vector.broadcast %broadcast_in_dim3A_1898 : i32 to vector<16xi32>
      %shift_right_arithmetic3A_1900 = arith.shrsi %bitcast3A_1894, %broadcast_in_dim3A_1899 : vector<16xi32>
      %broadcast_in_dim3A_1901 = arith.constant 1 : i32
      %broadcast_in_dim3A_1902 = vector.broadcast %broadcast_in_dim3A_1901 : i32 to vector<16xi32>
      %and3A_1903 = arith.andi %shift_right_arithmetic3A_1900, %broadcast_in_dim3A_1902 : vector<16xi32>
      %add3A_1904 = arith.addi %add3A_1897, %and3A_1903 : vector<16xi32>
      %broadcast_in_dim3A_1905 = arith.constant -65536 : i32
      %broadcast_in_dim3A_1906 = vector.broadcast %broadcast_in_dim3A_1905 : i32 to vector<16xi32>
      %and3A_1907 = arith.andi %add3A_1904, %broadcast_in_dim3A_1906 : vector<16xi32>
      %bitcast3A_1908 = vector.bitcast %and3A_1907 : vector<16xi32> to vector<16xf32>
      %gather3A_1909 = tpu.vector_load_idx %arg7[%and3A_1892] : memref<64xf32, #tpu.memory_space<vmem>>[vector<16xi32>], vector<16xf32>,
      %add3A_1910 = arith.addf %bitcast3A_1908, %gather3A_1909 : vector<16xf32>
      %gt3A_1911 = arith.cmpf ogt, %add3A_1910, %select_n3A_1878 : vector<16xf32>
      %eq3A_1912 = arith.cmpf oeq, %add3A_1910, %select_n3A_1878 : vector<16xf32>
      %lt3A_1913 = arith.cmpi slt, %and3A_1892, %select_n3A_1879 : vector<16xi32>
      %and3A_1914 = arith.andi %eq3A_1912, %lt3A_1913 : vector<16xi1>
      %or3A_1915 = arith.ori %gt3A_1911, %and3A_1914 : vector<16xi1>
      %select_n3A_1916 = arith.select %or3A_1915, %select_n3A_1878, %add3A_1910 : vector<16xi1>, vector<16xf32>
      %select_n3A_1917 = arith.select %or3A_1915, %select_n3A_1879, %and3A_1892 : vector<16xi1>, vector<16xi32>
      %select_n3A_1918 = arith.select %or3A_1915, %add3A_1910, %select_n3A_1878 : vector<16xi1>, vector<16xf32>
      %select_n3A_1919 = arith.select %or3A_1915, %and3A_1892, %select_n3A_1879 : vector<16xi1>, vector<16xi32>
      %gt3A_1920 = arith.cmpf ogt, %select_n3A_1916, %select_n3A_1885 : vector<16xf32>
      %eq3A_1921 = arith.cmpf oeq, %select_n3A_1916, %select_n3A_1885 : vector<16xf32>
      %lt3A_1922 = arith.cmpi slt, %select_n3A_1917, %select_n3A_1886 : vector<16xi32>
      %and3A_1923 = arith.andi %eq3A_1921, %lt3A_1922 : vector<16xi1>
      %or3A_1924 = arith.ori %gt3A_1920, %and3A_1923 : vector<16xi1>
      %select_n3A_1925 = arith.select %or3A_1924, %select_n3A_1916, %select_n3A_1885 : vector<16xi1>, vector<16xf32>
      %select_n3A_1926 = arith.select %or3A_1924, %select_n3A_1917, %select_n3A_1886 : vector<16xi1>, vector<16xi32>
      %broadcast_in_dim3A_1927 = arith.constant 48 : i32
      %broadcast_in_dim3A_1928 = vector.broadcast %broadcast_in_dim3A_1927 : i32 to vector<16xi32>
      %add3A_1929 = arith.addi %iota3A, %broadcast_in_dim3A_1928 : vector<16xi32>
      %broadcast_in_dim3A_1930 = arith.constant 63 : i32
      %broadcast_in_dim3A_1931 = vector.broadcast %broadcast_in_dim3A_1930 : i32 to vector<16xi32>
      %and3A_1932 = arith.andi %add3A_1929, %broadcast_in_dim3A_1931 : vector<16xi32>
      %gather3A_1933 = tpu.vector_load_idx %arg6[%add3A_15, %and3A_1932] : memref<256x128xf32, #tpu.memory_space<vmem>>[vector<16xi32>, vector<16xi32>], vector<16xf32>,
      %bitcast3A_1934 = vector.bitcast %gather3A_1933 : vector<16xf32> to vector<16xi32>
      %broadcast_in_dim3A_1935 = arith.constant 32767 : i32
      %broadcast_in_dim3A_1936 = vector.broadcast %broadcast_in_dim3A_1935 : i32 to vector<16xi32>
      %add3A_1937 = arith.addi %bitcast3A_1934, %broadcast_in_dim3A_1936 : vector<16xi32>
      %broadcast_in_dim3A_1938 = arith.constant 16 : i32
      %broadcast_in_dim3A_1939 = vector.broadcast %broadcast_in_dim3A_1938 : i32 to vector<16xi32>
      %shift_right_arithmetic3A_1940 = arith.shrsi %bitcast3A_1934, %broadcast_in_dim3A_1939 : vector<16xi32>
      %broadcast_in_dim3A_1941 = arith.constant 1 : i32
      %broadcast_in_dim3A_1942 = vector.broadcast %broadcast_in_dim3A_1941 : i32 to vector<16xi32>
      %and3A_1943 = arith.andi %shift_right_arithmetic3A_1940, %broadcast_in_dim3A_1942 : vector<16xi32>
      %add3A_1944 = arith.addi %add3A_1937, %and3A_1943 : vector<16xi32>
      %broadcast_in_dim3A_1945 = arith.constant -65536 : i32
      %broadcast_in_dim3A_1946 = vector.broadcast %broadcast_in_dim3A_1945 : i32 to vector<16xi32>
      %and3A_1947 = arith.andi %add3A_1944, %broadcast_in_dim3A_1946 : vector<16xi32>
      %bitcast3A_1948 = vector.bitcast %and3A_1947 : vector<16xi32> to vector<16xf32>
      %gather3A_1949 = tpu.vector_load_idx %arg7[%and3A_1932] : memref<64xf32, #tpu.memory_space<vmem>>[vector<16xi32>], vector<16xf32>,
      %add3A_1950 = arith.addf %bitcast3A_1948, %gather3A_1949 : vector<16xf32>
      %gt3A_1951 = arith.cmpf ogt, %add3A_1950, %select_n3A_1918 : vector<16xf32>
      %eq3A_1952 = arith.cmpf oeq, %add3A_1950, %select_n3A_1918 : vector<16xf32>
      %lt3A_1953 = arith.cmpi slt, %and3A_1932, %select_n3A_1919 : vector<16xi32>
      %and3A_1954 = arith.andi %eq3A_1952, %lt3A_1953 : vector<16xi1>
      %or3A_1955 = arith.ori %gt3A_1951, %and3A_1954 : vector<16xi1>
      %select_n3A_1956 = arith.select %or3A_1955, %select_n3A_1918, %add3A_1950 : vector<16xi1>, vector<16xf32>
      %select_n3A_1957 = arith.select %or3A_1955, %select_n3A_1919, %and3A_1932 : vector<16xi1>, vector<16xi32>
      %select_n3A_1958 = arith.select %or3A_1955, %add3A_1950, %select_n3A_1918 : vector<16xi1>, vector<16xf32>
      %select_n3A_1959 = arith.select %or3A_1955, %and3A_1932, %select_n3A_1919 : vector<16xi1>, vector<16xi32>
      %gt3A_1960 = arith.cmpf ogt, %select_n3A_1956, %select_n3A_1925 : vector<16xf32>
      %eq3A_1961 = arith.cmpf oeq, %select_n3A_1956, %select_n3A_1925 : vector<16xf32>
      %lt3A_1962 = arith.cmpi slt, %select_n3A_1957, %select_n3A_1926 : vector<16xi32>
      %and3A_1963 = arith.andi %eq3A_1961, %lt3A_1962 : vector<16xi1>
      %or3A_1964 = arith.ori %gt3A_1960, %and3A_1963 : vector<16xi1>
      %select_n3A_1965 = arith.select %or3A_1964, %select_n3A_1956, %select_n3A_1925 : vector<16xi1>, vector<16xf32>
      %select_n3A_1966 = arith.select %or3A_1964, %select_n3A_1957, %select_n3A_1926 : vector<16xi1>, vector<16xi32>
      %broadcast_in_dim3A_1967 = arith.constant 49 : i32
      %broadcast_in_dim3A_1968 = vector.broadcast %broadcast_in_dim3A_1967 : i32 to vector<16xi32>
      %add3A_1969 = arith.addi %iota3A, %broadcast_in_dim3A_1968 : vector<16xi32>
      %broadcast_in_dim3A_1970 = arith.constant 63 : i32
      %broadcast_in_dim3A_1971 = vector.broadcast %broadcast_in_dim3A_1970 : i32 to vector<16xi32>
      %and3A_1972 = arith.andi %add3A_1969, %broadcast_in_dim3A_1971 : vector<16xi32>
      %gather3A_1973 = tpu.vector_load_idx %arg6[%add3A_15, %and3A_1972] : memref<256x128xf32, #tpu.memory_space<vmem>>[vector<16xi32>, vector<16xi32>], vector<16xf32>,
      %bitcast3A_1974 = vector.bitcast %gather3A_1973 : vector<16xf32> to vector<16xi32>
      %broadcast_in_dim3A_1975 = arith.constant 32767 : i32
      %broadcast_in_dim3A_1976 = vector.broadcast %broadcast_in_dim3A_1975 : i32 to vector<16xi32>
      %add3A_1977 = arith.addi %bitcast3A_1974, %broadcast_in_dim3A_1976 : vector<16xi32>
      %broadcast_in_dim3A_1978 = arith.constant 16 : i32
      %broadcast_in_dim3A_1979 = vector.broadcast %broadcast_in_dim3A_1978 : i32 to vector<16xi32>
      %shift_right_arithmetic3A_1980 = arith.shrsi %bitcast3A_1974, %broadcast_in_dim3A_1979 : vector<16xi32>
      %broadcast_in_dim3A_1981 = arith.constant 1 : i32
      %broadcast_in_dim3A_1982 = vector.broadcast %broadcast_in_dim3A_1981 : i32 to vector<16xi32>
      %and3A_1983 = arith.andi %shift_right_arithmetic3A_1980, %broadcast_in_dim3A_1982 : vector<16xi32>
      %add3A_1984 = arith.addi %add3A_1977, %and3A_1983 : vector<16xi32>
      %broadcast_in_dim3A_1985 = arith.constant -65536 : i32
      %broadcast_in_dim3A_1986 = vector.broadcast %broadcast_in_dim3A_1985 : i32 to vector<16xi32>
      %and3A_1987 = arith.andi %add3A_1984, %broadcast_in_dim3A_1986 : vector<16xi32>
      %bitcast3A_1988 = vector.bitcast %and3A_1987 : vector<16xi32> to vector<16xf32>
      %gather3A_1989 = tpu.vector_load_idx %arg7[%and3A_1972] : memref<64xf32, #tpu.memory_space<vmem>>[vector<16xi32>], vector<16xf32>,
      %add3A_1990 = arith.addf %bitcast3A_1988, %gather3A_1989 : vector<16xf32>
      %gt3A_1991 = arith.cmpf ogt, %add3A_1990, %select_n3A_1958 : vector<16xf32>
      %eq3A_1992 = arith.cmpf oeq, %add3A_1990, %select_n3A_1958 : vector<16xf32>
      %lt3A_1993 = arith.cmpi slt, %and3A_1972, %select_n3A_1959 : vector<16xi32>
      %and3A_1994 = arith.andi %eq3A_1992, %lt3A_1993 : vector<16xi1>
      %or3A_1995 = arith.ori %gt3A_1991, %and3A_1994 : vector<16xi1>
      %select_n3A_1996 = arith.select %or3A_1995, %select_n3A_1958, %add3A_1990 : vector<16xi1>, vector<16xf32>
      %select_n3A_1997 = arith.select %or3A_1995, %select_n3A_1959, %and3A_1972 : vector<16xi1>, vector<16xi32>
      %select_n3A_1998 = arith.select %or3A_1995, %add3A_1990, %select_n3A_1958 : vector<16xi1>, vector<16xf32>
      %select_n3A_1999 = arith.select %or3A_1995, %and3A_1972, %select_n3A_1959 : vector<16xi1>, vector<16xi32>
      %gt3A_2000 = arith.cmpf ogt, %select_n3A_1996, %select_n3A_1965 : vector<16xf32>
      %eq3A_2001 = arith.cmpf oeq, %select_n3A_1996, %select_n3A_1965 : vector<16xf32>
      %lt3A_2002 = arith.cmpi slt, %select_n3A_1997, %select_n3A_1966 : vector<16xi32>
      %and3A_2003 = arith.andi %eq3A_2001, %lt3A_2002 : vector<16xi1>
      %or3A_2004 = arith.ori %gt3A_2000, %and3A_2003 : vector<16xi1>
      %select_n3A_2005 = arith.select %or3A_2004, %select_n3A_1996, %select_n3A_1965 : vector<16xi1>, vector<16xf32>
      %select_n3A_2006 = arith.select %or3A_2004, %select_n3A_1997, %select_n3A_1966 : vector<16xi1>, vector<16xi32>
      %broadcast_in_dim3A_2007 = arith.constant 50 : i32
      %broadcast_in_dim3A_2008 = vector.broadcast %broadcast_in_dim3A_2007 : i32 to vector<16xi32>
      %add3A_2009 = arith.addi %iota3A, %broadcast_in_dim3A_2008 : vector<16xi32>
      %broadcast_in_dim3A_2010 = arith.constant 63 : i32
      %broadcast_in_dim3A_2011 = vector.broadcast %broadcast_in_dim3A_2010 : i32 to vector<16xi32>
      %and3A_2012 = arith.andi %add3A_2009, %broadcast_in_dim3A_2011 : vector<16xi32>
      %gather3A_2013 = tpu.vector_load_idx %arg6[%add3A_15, %and3A_2012] : memref<256x128xf32, #tpu.memory_space<vmem>>[vector<16xi32>, vector<16xi32>], vector<16xf32>,
      %bitcast3A_2014 = vector.bitcast %gather3A_2013 : vector<16xf32> to vector<16xi32>
      %broadcast_in_dim3A_2015 = arith.constant 32767 : i32
      %broadcast_in_dim3A_2016 = vector.broadcast %broadcast_in_dim3A_2015 : i32 to vector<16xi32>
      %add3A_2017 = arith.addi %bitcast3A_2014, %broadcast_in_dim3A_2016 : vector<16xi32>
      %broadcast_in_dim3A_2018 = arith.constant 16 : i32
      %broadcast_in_dim3A_2019 = vector.broadcast %broadcast_in_dim3A_2018 : i32 to vector<16xi32>
      %shift_right_arithmetic3A_2020 = arith.shrsi %bitcast3A_2014, %broadcast_in_dim3A_2019 : vector<16xi32>
      %broadcast_in_dim3A_2021 = arith.constant 1 : i32
      %broadcast_in_dim3A_2022 = vector.broadcast %broadcast_in_dim3A_2021 : i32 to vector<16xi32>
      %and3A_2023 = arith.andi %shift_right_arithmetic3A_2020, %broadcast_in_dim3A_2022 : vector<16xi32>
      %add3A_2024 = arith.addi %add3A_2017, %and3A_2023 : vector<16xi32>
      %broadcast_in_dim3A_2025 = arith.constant -65536 : i32
      %broadcast_in_dim3A_2026 = vector.broadcast %broadcast_in_dim3A_2025 : i32 to vector<16xi32>
      %and3A_2027 = arith.andi %add3A_2024, %broadcast_in_dim3A_2026 : vector<16xi32>
      %bitcast3A_2028 = vector.bitcast %and3A_2027 : vector<16xi32> to vector<16xf32>
      %gather3A_2029 = tpu.vector_load_idx %arg7[%and3A_2012] : memref<64xf32, #tpu.memory_space<vmem>>[vector<16xi32>], vector<16xf32>,
      %add3A_2030 = arith.addf %bitcast3A_2028, %gather3A_2029 : vector<16xf32>
      %gt3A_2031 = arith.cmpf ogt, %add3A_2030, %select_n3A_1998 : vector<16xf32>
      %eq3A_2032 = arith.cmpf oeq, %add3A_2030, %select_n3A_1998 : vector<16xf32>
      %lt3A_2033 = arith.cmpi slt, %and3A_2012, %select_n3A_1999 : vector<16xi32>
      %and3A_2034 = arith.andi %eq3A_2032, %lt3A_2033 : vector<16xi1>
      %or3A_2035 = arith.ori %gt3A_2031, %and3A_2034 : vector<16xi1>
      %select_n3A_2036 = arith.select %or3A_2035, %select_n3A_1998, %add3A_2030 : vector<16xi1>, vector<16xf32>
      %select_n3A_2037 = arith.select %or3A_2035, %select_n3A_1999, %and3A_2012 : vector<16xi1>, vector<16xi32>
      %select_n3A_2038 = arith.select %or3A_2035, %add3A_2030, %select_n3A_1998 : vector<16xi1>, vector<16xf32>
      %select_n3A_2039 = arith.select %or3A_2035, %and3A_2012, %select_n3A_1999 : vector<16xi1>, vector<16xi32>
      %gt3A_2040 = arith.cmpf ogt, %select_n3A_2036, %select_n3A_2005 : vector<16xf32>
      %eq3A_2041 = arith.cmpf oeq, %select_n3A_2036, %select_n3A_2005 : vector<16xf32>
      %lt3A_2042 = arith.cmpi slt, %select_n3A_2037, %select_n3A_2006 : vector<16xi32>
      %and3A_2043 = arith.andi %eq3A_2041, %lt3A_2042 : vector<16xi1>
      %or3A_2044 = arith.ori %gt3A_2040, %and3A_2043 : vector<16xi1>
      %select_n3A_2045 = arith.select %or3A_2044, %select_n3A_2036, %select_n3A_2005 : vector<16xi1>, vector<16xf32>
      %select_n3A_2046 = arith.select %or3A_2044, %select_n3A_2037, %select_n3A_2006 : vector<16xi1>, vector<16xi32>
      %broadcast_in_dim3A_2047 = arith.constant 51 : i32
      %broadcast_in_dim3A_2048 = vector.broadcast %broadcast_in_dim3A_2047 : i32 to vector<16xi32>
      %add3A_2049 = arith.addi %iota3A, %broadcast_in_dim3A_2048 : vector<16xi32>
      %broadcast_in_dim3A_2050 = arith.constant 63 : i32
      %broadcast_in_dim3A_2051 = vector.broadcast %broadcast_in_dim3A_2050 : i32 to vector<16xi32>
      %and3A_2052 = arith.andi %add3A_2049, %broadcast_in_dim3A_2051 : vector<16xi32>
      %gather3A_2053 = tpu.vector_load_idx %arg6[%add3A_15, %and3A_2052] : memref<256x128xf32, #tpu.memory_space<vmem>>[vector<16xi32>, vector<16xi32>], vector<16xf32>,
      %bitcast3A_2054 = vector.bitcast %gather3A_2053 : vector<16xf32> to vector<16xi32>
      %broadcast_in_dim3A_2055 = arith.constant 32767 : i32
      %broadcast_in_dim3A_2056 = vector.broadcast %broadcast_in_dim3A_2055 : i32 to vector<16xi32>
      %add3A_2057 = arith.addi %bitcast3A_2054, %broadcast_in_dim3A_2056 : vector<16xi32>
      %broadcast_in_dim3A_2058 = arith.constant 16 : i32
      %broadcast_in_dim3A_2059 = vector.broadcast %broadcast_in_dim3A_2058 : i32 to vector<16xi32>
      %shift_right_arithmetic3A_2060 = arith.shrsi %bitcast3A_2054, %broadcast_in_dim3A_2059 : vector<16xi32>
      %broadcast_in_dim3A_2061 = arith.constant 1 : i32
      %broadcast_in_dim3A_2062 = vector.broadcast %broadcast_in_dim3A_2061 : i32 to vector<16xi32>
      %and3A_2063 = arith.andi %shift_right_arithmetic3A_2060, %broadcast_in_dim3A_2062 : vector<16xi32>
      %add3A_2064 = arith.addi %add3A_2057, %and3A_2063 : vector<16xi32>
      %broadcast_in_dim3A_2065 = arith.constant -65536 : i32
      %broadcast_in_dim3A_2066 = vector.broadcast %broadcast_in_dim3A_2065 : i32 to vector<16xi32>
      %and3A_2067 = arith.andi %add3A_2064, %broadcast_in_dim3A_2066 : vector<16xi32>
      %bitcast3A_2068 = vector.bitcast %and3A_2067 : vector<16xi32> to vector<16xf32>
      %gather3A_2069 = tpu.vector_load_idx %arg7[%and3A_2052] : memref<64xf32, #tpu.memory_space<vmem>>[vector<16xi32>], vector<16xf32>,
      %add3A_2070 = arith.addf %bitcast3A_2068, %gather3A_2069 : vector<16xf32>
      %gt3A_2071 = arith.cmpf ogt, %add3A_2070, %select_n3A_2038 : vector<16xf32>
      %eq3A_2072 = arith.cmpf oeq, %add3A_2070, %select_n3A_2038 : vector<16xf32>
      %lt3A_2073 = arith.cmpi slt, %and3A_2052, %select_n3A_2039 : vector<16xi32>
      %and3A_2074 = arith.andi %eq3A_2072, %lt3A_2073 : vector<16xi1>
      %or3A_2075 = arith.ori %gt3A_2071, %and3A_2074 : vector<16xi1>
      %select_n3A_2076 = arith.select %or3A_2075, %select_n3A_2038, %add3A_2070 : vector<16xi1>, vector<16xf32>
      %select_n3A_2077 = arith.select %or3A_2075, %select_n3A_2039, %and3A_2052 : vector<16xi1>, vector<16xi32>
      %select_n3A_2078 = arith.select %or3A_2075, %add3A_2070, %select_n3A_2038 : vector<16xi1>, vector<16xf32>
      %select_n3A_2079 = arith.select %or3A_2075, %and3A_2052, %select_n3A_2039 : vector<16xi1>, vector<16xi32>
      %gt3A_2080 = arith.cmpf ogt, %select_n3A_2076, %select_n3A_2045 : vector<16xf32>
      %eq3A_2081 = arith.cmpf oeq, %select_n3A_2076, %select_n3A_2045 : vector<16xf32>
      %lt3A_2082 = arith.cmpi slt, %select_n3A_2077, %select_n3A_2046 : vector<16xi32>
      %and3A_2083 = arith.andi %eq3A_2081, %lt3A_2082 : vector<16xi1>
      %or3A_2084 = arith.ori %gt3A_2080, %and3A_2083 : vector<16xi1>
      %select_n3A_2085 = arith.select %or3A_2084, %select_n3A_2076, %select_n3A_2045 : vector<16xi1>, vector<16xf32>
      %select_n3A_2086 = arith.select %or3A_2084, %select_n3A_2077, %select_n3A_2046 : vector<16xi1>, vector<16xi32>
      %broadcast_in_dim3A_2087 = arith.constant 52 : i32
      %broadcast_in_dim3A_2088 = vector.broadcast %broadcast_in_dim3A_2087 : i32 to vector<16xi32>
      %add3A_2089 = arith.addi %iota3A, %broadcast_in_dim3A_2088 : vector<16xi32>
      %broadcast_in_dim3A_2090 = arith.constant 63 : i32
      %broadcast_in_dim3A_2091 = vector.broadcast %broadcast_in_dim3A_2090 : i32 to vector<16xi32>
      %and3A_2092 = arith.andi %add3A_2089, %broadcast_in_dim3A_2091 : vector<16xi32>
      %gather3A_2093 = tpu.vector_load_idx %arg6[%add3A_15, %and3A_2092] : memref<256x128xf32, #tpu.memory_space<vmem>>[vector<16xi32>, vector<16xi32>], vector<16xf32>,
      %bitcast3A_2094 = vector.bitcast %gather3A_2093 : vector<16xf32> to vector<16xi32>
      %broadcast_in_dim3A_2095 = arith.constant 32767 : i32
      %broadcast_in_dim3A_2096 = vector.broadcast %broadcast_in_dim3A_2095 : i32 to vector<16xi32>
      %add3A_2097 = arith.addi %bitcast3A_2094, %broadcast_in_dim3A_2096 : vector<16xi32>
      %broadcast_in_dim3A_2098 = arith.constant 16 : i32
      %broadcast_in_dim3A_2099 = vector.broadcast %broadcast_in_dim3A_2098 : i32 to vector<16xi32>
      %shift_right_arithmetic3A_2100 = arith.shrsi %bitcast3A_2094, %broadcast_in_dim3A_2099 : vector<16xi32>
      %broadcast_in_dim3A_2101 = arith.constant 1 : i32
      %broadcast_in_dim3A_2102 = vector.broadcast %broadcast_in_dim3A_2101 : i32 to vector<16xi32>
      %and3A_2103 = arith.andi %shift_right_arithmetic3A_2100, %broadcast_in_dim3A_2102 : vector<16xi32>
      %add3A_2104 = arith.addi %add3A_2097, %and3A_2103 : vector<16xi32>
      %broadcast_in_dim3A_2105 = arith.constant -65536 : i32
      %broadcast_in_dim3A_2106 = vector.broadcast %broadcast_in_dim3A_2105 : i32 to vector<16xi32>
      %and3A_2107 = arith.andi %add3A_2104, %broadcast_in_dim3A_2106 : vector<16xi32>
      %bitcast3A_2108 = vector.bitcast %and3A_2107 : vector<16xi32> to vector<16xf32>
      %gather3A_2109 = tpu.vector_load_idx %arg7[%and3A_2092] : memref<64xf32, #tpu.memory_space<vmem>>[vector<16xi32>], vector<16xf32>,
      %add3A_2110 = arith.addf %bitcast3A_2108, %gather3A_2109 : vector<16xf32>
      %gt3A_2111 = arith.cmpf ogt, %add3A_2110, %select_n3A_2078 : vector<16xf32>
      %eq3A_2112 = arith.cmpf oeq, %add3A_2110, %select_n3A_2078 : vector<16xf32>
      %lt3A_2113 = arith.cmpi slt, %and3A_2092, %select_n3A_2079 : vector<16xi32>
      %and3A_2114 = arith.andi %eq3A_2112, %lt3A_2113 : vector<16xi1>
      %or3A_2115 = arith.ori %gt3A_2111, %and3A_2114 : vector<16xi1>
      %select_n3A_2116 = arith.select %or3A_2115, %select_n3A_2078, %add3A_2110 : vector<16xi1>, vector<16xf32>
      %select_n3A_2117 = arith.select %or3A_2115, %select_n3A_2079, %and3A_2092 : vector<16xi1>, vector<16xi32>
      %select_n3A_2118 = arith.select %or3A_2115, %add3A_2110, %select_n3A_2078 : vector<16xi1>, vector<16xf32>
      %select_n3A_2119 = arith.select %or3A_2115, %and3A_2092, %select_n3A_2079 : vector<16xi1>, vector<16xi32>
      %gt3A_2120 = arith.cmpf ogt, %select_n3A_2116, %select_n3A_2085 : vector<16xf32>
      %eq3A_2121 = arith.cmpf oeq, %select_n3A_2116, %select_n3A_2085 : vector<16xf32>
      %lt3A_2122 = arith.cmpi slt, %select_n3A_2117, %select_n3A_2086 : vector<16xi32>
      %and3A_2123 = arith.andi %eq3A_2121, %lt3A_2122 : vector<16xi1>
      %or3A_2124 = arith.ori %gt3A_2120, %and3A_2123 : vector<16xi1>
      %select_n3A_2125 = arith.select %or3A_2124, %select_n3A_2116, %select_n3A_2085 : vector<16xi1>, vector<16xf32>
      %select_n3A_2126 = arith.select %or3A_2124, %select_n3A_2117, %select_n3A_2086 : vector<16xi1>, vector<16xi32>
      %broadcast_in_dim3A_2127 = arith.constant 53 : i32
      %broadcast_in_dim3A_2128 = vector.broadcast %broadcast_in_dim3A_2127 : i32 to vector<16xi32>
      %add3A_2129 = arith.addi %iota3A, %broadcast_in_dim3A_2128 : vector<16xi32>
      %broadcast_in_dim3A_2130 = arith.constant 63 : i32
      %broadcast_in_dim3A_2131 = vector.broadcast %broadcast_in_dim3A_2130 : i32 to vector<16xi32>
      %and3A_2132 = arith.andi %add3A_2129, %broadcast_in_dim3A_2131 : vector<16xi32>
      %gather3A_2133 = tpu.vector_load_idx %arg6[%add3A_15, %and3A_2132] : memref<256x128xf32, #tpu.memory_space<vmem>>[vector<16xi32>, vector<16xi32>], vector<16xf32>,
      %bitcast3A_2134 = vector.bitcast %gather3A_2133 : vector<16xf32> to vector<16xi32>
      %broadcast_in_dim3A_2135 = arith.constant 32767 : i32
      %broadcast_in_dim3A_2136 = vector.broadcast %broadcast_in_dim3A_2135 : i32 to vector<16xi32>
      %add3A_2137 = arith.addi %bitcast3A_2134, %broadcast_in_dim3A_2136 : vector<16xi32>
      %broadcast_in_dim3A_2138 = arith.constant 16 : i32
      %broadcast_in_dim3A_2139 = vector.broadcast %broadcast_in_dim3A_2138 : i32 to vector<16xi32>
      %shift_right_arithmetic3A_2140 = arith.shrsi %bitcast3A_2134, %broadcast_in_dim3A_2139 : vector<16xi32>
      %broadcast_in_dim3A_2141 = arith.constant 1 : i32
      %broadcast_in_dim3A_2142 = vector.broadcast %broadcast_in_dim3A_2141 : i32 to vector<16xi32>
      %and3A_2143 = arith.andi %shift_right_arithmetic3A_2140, %broadcast_in_dim3A_2142 : vector<16xi32>
      %add3A_2144 = arith.addi %add3A_2137, %and3A_2143 : vector<16xi32>
      %broadcast_in_dim3A_2145 = arith.constant -65536 : i32
      %broadcast_in_dim3A_2146 = vector.broadcast %broadcast_in_dim3A_2145 : i32 to vector<16xi32>
      %and3A_2147 = arith.andi %add3A_2144, %broadcast_in_dim3A_2146 : vector<16xi32>
      %bitcast3A_2148 = vector.bitcast %and3A_2147 : vector<16xi32> to vector<16xf32>
      %gather3A_2149 = tpu.vector_load_idx %arg7[%and3A_2132] : memref<64xf32, #tpu.memory_space<vmem>>[vector<16xi32>], vector<16xf32>,
      %add3A_2150 = arith.addf %bitcast3A_2148, %gather3A_2149 : vector<16xf32>
      %gt3A_2151 = arith.cmpf ogt, %add3A_2150, %select_n3A_2118 : vector<16xf32>
      %eq3A_2152 = arith.cmpf oeq, %add3A_2150, %select_n3A_2118 : vector<16xf32>
      %lt3A_2153 = arith.cmpi slt, %and3A_2132, %select_n3A_2119 : vector<16xi32>
      %and3A_2154 = arith.andi %eq3A_2152, %lt3A_2153 : vector<16xi1>
      %or3A_2155 = arith.ori %gt3A_2151, %and3A_2154 : vector<16xi1>
      %select_n3A_2156 = arith.select %or3A_2155, %select_n3A_2118, %add3A_2150 : vector<16xi1>, vector<16xf32>
      %select_n3A_2157 = arith.select %or3A_2155, %select_n3A_2119, %and3A_2132 : vector<16xi1>, vector<16xi32>
      %select_n3A_2158 = arith.select %or3A_2155, %add3A_2150, %select_n3A_2118 : vector<16xi1>, vector<16xf32>
      %select_n3A_2159 = arith.select %or3A_2155, %and3A_2132, %select_n3A_2119 : vector<16xi1>, vector<16xi32>
      %gt3A_2160 = arith.cmpf ogt, %select_n3A_2156, %select_n3A_2125 : vector<16xf32>
      %eq3A_2161 = arith.cmpf oeq, %select_n3A_2156, %select_n3A_2125 : vector<16xf32>
      %lt3A_2162 = arith.cmpi slt, %select_n3A_2157, %select_n3A_2126 : vector<16xi32>
      %and3A_2163 = arith.andi %eq3A_2161, %lt3A_2162 : vector<16xi1>
      %or3A_2164 = arith.ori %gt3A_2160, %and3A_2163 : vector<16xi1>
      %select_n3A_2165 = arith.select %or3A_2164, %select_n3A_2156, %select_n3A_2125 : vector<16xi1>, vector<16xf32>
      %select_n3A_2166 = arith.select %or3A_2164, %select_n3A_2157, %select_n3A_2126 : vector<16xi1>, vector<16xi32>
      %broadcast_in_dim3A_2167 = arith.constant 54 : i32
      %broadcast_in_dim3A_2168 = vector.broadcast %broadcast_in_dim3A_2167 : i32 to vector<16xi32>
      %add3A_2169 = arith.addi %iota3A, %broadcast_in_dim3A_2168 : vector<16xi32>
      %broadcast_in_dim3A_2170 = arith.constant 63 : i32
      %broadcast_in_dim3A_2171 = vector.broadcast %broadcast_in_dim3A_2170 : i32 to vector<16xi32>
      %and3A_2172 = arith.andi %add3A_2169, %broadcast_in_dim3A_2171 : vector<16xi32>
      %gather3A_2173 = tpu.vector_load_idx %arg6[%add3A_15, %and3A_2172] : memref<256x128xf32, #tpu.memory_space<vmem>>[vector<16xi32>, vector<16xi32>], vector<16xf32>,
      %bitcast3A_2174 = vector.bitcast %gather3A_2173 : vector<16xf32> to vector<16xi32>
      %broadcast_in_dim3A_2175 = arith.constant 32767 : i32
      %broadcast_in_dim3A_2176 = vector.broadcast %broadcast_in_dim3A_2175 : i32 to vector<16xi32>
      %add3A_2177 = arith.addi %bitcast3A_2174, %broadcast_in_dim3A_2176 : vector<16xi32>
      %broadcast_in_dim3A_2178 = arith.constant 16 : i32
      %broadcast_in_dim3A_2179 = vector.broadcast %broadcast_in_dim3A_2178 : i32 to vector<16xi32>
      %shift_right_arithmetic3A_2180 = arith.shrsi %bitcast3A_2174, %broadcast_in_dim3A_2179 : vector<16xi32>
      %broadcast_in_dim3A_2181 = arith.constant 1 : i32
      %broadcast_in_dim3A_2182 = vector.broadcast %broadcast_in_dim3A_2181 : i32 to vector<16xi32>
      %and3A_2183 = arith.andi %shift_right_arithmetic3A_2180, %broadcast_in_dim3A_2182 : vector<16xi32>
      %add3A_2184 = arith.addi %add3A_2177, %and3A_2183 : vector<16xi32>
      %broadcast_in_dim3A_2185 = arith.constant -65536 : i32
      %broadcast_in_dim3A_2186 = vector.broadcast %broadcast_in_dim3A_2185 : i32 to vector<16xi32>
      %and3A_2187 = arith.andi %add3A_2184, %broadcast_in_dim3A_2186 : vector<16xi32>
      %bitcast3A_2188 = vector.bitcast %and3A_2187 : vector<16xi32> to vector<16xf32>
      %gather3A_2189 = tpu.vector_load_idx %arg7[%and3A_2172] : memref<64xf32, #tpu.memory_space<vmem>>[vector<16xi32>], vector<16xf32>,
      %add3A_2190 = arith.addf %bitcast3A_2188, %gather3A_2189 : vector<16xf32>
      %gt3A_2191 = arith.cmpf ogt, %add3A_2190, %select_n3A_2158 : vector<16xf32>
      %eq3A_2192 = arith.cmpf oeq, %add3A_2190, %select_n3A_2158 : vector<16xf32>
      %lt3A_2193 = arith.cmpi slt, %and3A_2172, %select_n3A_2159 : vector<16xi32>
      %and3A_2194 = arith.andi %eq3A_2192, %lt3A_2193 : vector<16xi1>
      %or3A_2195 = arith.ori %gt3A_2191, %and3A_2194 : vector<16xi1>
      %select_n3A_2196 = arith.select %or3A_2195, %select_n3A_2158, %add3A_2190 : vector<16xi1>, vector<16xf32>
      %select_n3A_2197 = arith.select %or3A_2195, %select_n3A_2159, %and3A_2172 : vector<16xi1>, vector<16xi32>
      %select_n3A_2198 = arith.select %or3A_2195, %add3A_2190, %select_n3A_2158 : vector<16xi1>, vector<16xf32>
      %select_n3A_2199 = arith.select %or3A_2195, %and3A_2172, %select_n3A_2159 : vector<16xi1>, vector<16xi32>
      %gt3A_2200 = arith.cmpf ogt, %select_n3A_2196, %select_n3A_2165 : vector<16xf32>
      %eq3A_2201 = arith.cmpf oeq, %select_n3A_2196, %select_n3A_2165 : vector<16xf32>
      %lt3A_2202 = arith.cmpi slt, %select_n3A_2197, %select_n3A_2166 : vector<16xi32>
      %and3A_2203 = arith.andi %eq3A_2201, %lt3A_2202 : vector<16xi1>
      %or3A_2204 = arith.ori %gt3A_2200, %and3A_2203 : vector<16xi1>
      %select_n3A_2205 = arith.select %or3A_2204, %select_n3A_2196, %select_n3A_2165 : vector<16xi1>, vector<16xf32>
      %select_n3A_2206 = arith.select %or3A_2204, %select_n3A_2197, %select_n3A_2166 : vector<16xi1>, vector<16xi32>
      %broadcast_in_dim3A_2207 = arith.constant 55 : i32
      %broadcast_in_dim3A_2208 = vector.broadcast %broadcast_in_dim3A_2207 : i32 to vector<16xi32>
      %add3A_2209 = arith.addi %iota3A, %broadcast_in_dim3A_2208 : vector<16xi32>
      %broadcast_in_dim3A_2210 = arith.constant 63 : i32
      %broadcast_in_dim3A_2211 = vector.broadcast %broadcast_in_dim3A_2210 : i32 to vector<16xi32>
      %and3A_2212 = arith.andi %add3A_2209, %broadcast_in_dim3A_2211 : vector<16xi32>
      %gather3A_2213 = tpu.vector_load_idx %arg6[%add3A_15, %and3A_2212] : memref<256x128xf32, #tpu.memory_space<vmem>>[vector<16xi32>, vector<16xi32>], vector<16xf32>,
      %bitcast3A_2214 = vector.bitcast %gather3A_2213 : vector<16xf32> to vector<16xi32>
      %broadcast_in_dim3A_2215 = arith.constant 32767 : i32
      %broadcast_in_dim3A_2216 = vector.broadcast %broadcast_in_dim3A_2215 : i32 to vector<16xi32>
      %add3A_2217 = arith.addi %bitcast3A_2214, %broadcast_in_dim3A_2216 : vector<16xi32>
      %broadcast_in_dim3A_2218 = arith.constant 16 : i32
      %broadcast_in_dim3A_2219 = vector.broadcast %broadcast_in_dim3A_2218 : i32 to vector<16xi32>
      %shift_right_arithmetic3A_2220 = arith.shrsi %bitcast3A_2214, %broadcast_in_dim3A_2219 : vector<16xi32>
      %broadcast_in_dim3A_2221 = arith.constant 1 : i32
      %broadcast_in_dim3A_2222 = vector.broadcast %broadcast_in_dim3A_2221 : i32 to vector<16xi32>
      %and3A_2223 = arith.andi %shift_right_arithmetic3A_2220, %broadcast_in_dim3A_2222 : vector<16xi32>
      %add3A_2224 = arith.addi %add3A_2217, %and3A_2223 : vector<16xi32>
      %broadcast_in_dim3A_2225 = arith.constant -65536 : i32
      %broadcast_in_dim3A_2226 = vector.broadcast %broadcast_in_dim3A_2225 : i32 to vector<16xi32>
      %and3A_2227 = arith.andi %add3A_2224, %broadcast_in_dim3A_2226 : vector<16xi32>
      %bitcast3A_2228 = vector.bitcast %and3A_2227 : vector<16xi32> to vector<16xf32>
      %gather3A_2229 = tpu.vector_load_idx %arg7[%and3A_2212] : memref<64xf32, #tpu.memory_space<vmem>>[vector<16xi32>], vector<16xf32>,
      %add3A_2230 = arith.addf %bitcast3A_2228, %gather3A_2229 : vector<16xf32>
      %gt3A_2231 = arith.cmpf ogt, %add3A_2230, %select_n3A_2198 : vector<16xf32>
      %eq3A_2232 = arith.cmpf oeq, %add3A_2230, %select_n3A_2198 : vector<16xf32>
      %lt3A_2233 = arith.cmpi slt, %and3A_2212, %select_n3A_2199 : vector<16xi32>
      %and3A_2234 = arith.andi %eq3A_2232, %lt3A_2233 : vector<16xi1>
      %or3A_2235 = arith.ori %gt3A_2231, %and3A_2234 : vector<16xi1>
      %select_n3A_2236 = arith.select %or3A_2235, %select_n3A_2198, %add3A_2230 : vector<16xi1>, vector<16xf32>
      %select_n3A_2237 = arith.select %or3A_2235, %select_n3A_2199, %and3A_2212 : vector<16xi1>, vector<16xi32>
      %select_n3A_2238 = arith.select %or3A_2235, %add3A_2230, %select_n3A_2198 : vector<16xi1>, vector<16xf32>
      %select_n3A_2239 = arith.select %or3A_2235, %and3A_2212, %select_n3A_2199 : vector<16xi1>, vector<16xi32>
      %gt3A_2240 = arith.cmpf ogt, %select_n3A_2236, %select_n3A_2205 : vector<16xf32>
      %eq3A_2241 = arith.cmpf oeq, %select_n3A_2236, %select_n3A_2205 : vector<16xf32>
      %lt3A_2242 = arith.cmpi slt, %select_n3A_2237, %select_n3A_2206 : vector<16xi32>
      %and3A_2243 = arith.andi %eq3A_2241, %lt3A_2242 : vector<16xi1>
      %or3A_2244 = arith.ori %gt3A_2240, %and3A_2243 : vector<16xi1>
      %select_n3A_2245 = arith.select %or3A_2244, %select_n3A_2236, %select_n3A_2205 : vector<16xi1>, vector<16xf32>
      %select_n3A_2246 = arith.select %or3A_2244, %select_n3A_2237, %select_n3A_2206 : vector<16xi1>, vector<16xi32>
      %broadcast_in_dim3A_2247 = arith.constant 56 : i32
      %broadcast_in_dim3A_2248 = vector.broadcast %broadcast_in_dim3A_2247 : i32 to vector<16xi32>
      %add3A_2249 = arith.addi %iota3A, %broadcast_in_dim3A_2248 : vector<16xi32>
      %broadcast_in_dim3A_2250 = arith.constant 63 : i32
      %broadcast_in_dim3A_2251 = vector.broadcast %broadcast_in_dim3A_2250 : i32 to vector<16xi32>
      %and3A_2252 = arith.andi %add3A_2249, %broadcast_in_dim3A_2251 : vector<16xi32>
      %gather3A_2253 = tpu.vector_load_idx %arg6[%add3A_15, %and3A_2252] : memref<256x128xf32, #tpu.memory_space<vmem>>[vector<16xi32>, vector<16xi32>], vector<16xf32>,
      %bitcast3A_2254 = vector.bitcast %gather3A_2253 : vector<16xf32> to vector<16xi32>
      %broadcast_in_dim3A_2255 = arith.constant 32767 : i32
      %broadcast_in_dim3A_2256 = vector.broadcast %broadcast_in_dim3A_2255 : i32 to vector<16xi32>
      %add3A_2257 = arith.addi %bitcast3A_2254, %broadcast_in_dim3A_2256 : vector<16xi32>
      %broadcast_in_dim3A_2258 = arith.constant 16 : i32
      %broadcast_in_dim3A_2259 = vector.broadcast %broadcast_in_dim3A_2258 : i32 to vector<16xi32>
      %shift_right_arithmetic3A_2260 = arith.shrsi %bitcast3A_2254, %broadcast_in_dim3A_2259 : vector<16xi32>
      %broadcast_in_dim3A_2261 = arith.constant 1 : i32
      %broadcast_in_dim3A_2262 = vector.broadcast %broadcast_in_dim3A_2261 : i32 to vector<16xi32>
      %and3A_2263 = arith.andi %shift_right_arithmetic3A_2260, %broadcast_in_dim3A_2262 : vector<16xi32>
      %add3A_2264 = arith.addi %add3A_2257, %and3A_2263 : vector<16xi32>
      %broadcast_in_dim3A_2265 = arith.constant -65536 : i32
      %broadcast_in_dim3A_2266 = vector.broadcast %broadcast_in_dim3A_2265 : i32 to vector<16xi32>
      %and3A_2267 = arith.andi %add3A_2264, %broadcast_in_dim3A_2266 : vector<16xi32>
      %bitcast3A_2268 = vector.bitcast %and3A_2267 : vector<16xi32> to vector<16xf32>
      %gather3A_2269 = tpu.vector_load_idx %arg7[%and3A_2252] : memref<64xf32, #tpu.memory_space<vmem>>[vector<16xi32>], vector<16xf32>,
      %add3A_2270 = arith.addf %bitcast3A_2268, %gather3A_2269 : vector<16xf32>
      %gt3A_2271 = arith.cmpf ogt, %add3A_2270, %select_n3A_2238 : vector<16xf32>
      %eq3A_2272 = arith.cmpf oeq, %add3A_2270, %select_n3A_2238 : vector<16xf32>
      %lt3A_2273 = arith.cmpi slt, %and3A_2252, %select_n3A_2239 : vector<16xi32>
      %and3A_2274 = arith.andi %eq3A_2272, %lt3A_2273 : vector<16xi1>
      %or3A_2275 = arith.ori %gt3A_2271, %and3A_2274 : vector<16xi1>
      %select_n3A_2276 = arith.select %or3A_2275, %select_n3A_2238, %add3A_2270 : vector<16xi1>, vector<16xf32>
      %select_n3A_2277 = arith.select %or3A_2275, %select_n3A_2239, %and3A_2252 : vector<16xi1>, vector<16xi32>
      %select_n3A_2278 = arith.select %or3A_2275, %add3A_2270, %select_n3A_2238 : vector<16xi1>, vector<16xf32>
      %select_n3A_2279 = arith.select %or3A_2275, %and3A_2252, %select_n3A_2239 : vector<16xi1>, vector<16xi32>
      %gt3A_2280 = arith.cmpf ogt, %select_n3A_2276, %select_n3A_2245 : vector<16xf32>
      %eq3A_2281 = arith.cmpf oeq, %select_n3A_2276, %select_n3A_2245 : vector<16xf32>
      %lt3A_2282 = arith.cmpi slt, %select_n3A_2277, %select_n3A_2246 : vector<16xi32>
      %and3A_2283 = arith.andi %eq3A_2281, %lt3A_2282 : vector<16xi1>
      %or3A_2284 = arith.ori %gt3A_2280, %and3A_2283 : vector<16xi1>
      %select_n3A_2285 = arith.select %or3A_2284, %select_n3A_2276, %select_n3A_2245 : vector<16xi1>, vector<16xf32>
      %select_n3A_2286 = arith.select %or3A_2284, %select_n3A_2277, %select_n3A_2246 : vector<16xi1>, vector<16xi32>
      %broadcast_in_dim3A_2287 = arith.constant 57 : i32
      %broadcast_in_dim3A_2288 = vector.broadcast %broadcast_in_dim3A_2287 : i32 to vector<16xi32>
      %add3A_2289 = arith.addi %iota3A, %broadcast_in_dim3A_2288 : vector<16xi32>
      %broadcast_in_dim3A_2290 = arith.constant 63 : i32
      %broadcast_in_dim3A_2291 = vector.broadcast %broadcast_in_dim3A_2290 : i32 to vector<16xi32>
      %and3A_2292 = arith.andi %add3A_2289, %broadcast_in_dim3A_2291 : vector<16xi32>
      %gather3A_2293 = tpu.vector_load_idx %arg6[%add3A_15, %and3A_2292] : memref<256x128xf32, #tpu.memory_space<vmem>>[vector<16xi32>, vector<16xi32>], vector<16xf32>,
      %bitcast3A_2294 = vector.bitcast %gather3A_2293 : vector<16xf32> to vector<16xi32>
      %broadcast_in_dim3A_2295 = arith.constant 32767 : i32
      %broadcast_in_dim3A_2296 = vector.broadcast %broadcast_in_dim3A_2295 : i32 to vector<16xi32>
      %add3A_2297 = arith.addi %bitcast3A_2294, %broadcast_in_dim3A_2296 : vector<16xi32>
      %broadcast_in_dim3A_2298 = arith.constant 16 : i32
      %broadcast_in_dim3A_2299 = vector.broadcast %broadcast_in_dim3A_2298 : i32 to vector<16xi32>
      %shift_right_arithmetic3A_2300 = arith.shrsi %bitcast3A_2294, %broadcast_in_dim3A_2299 : vector<16xi32>
      %broadcast_in_dim3A_2301 = arith.constant 1 : i32
      %broadcast_in_dim3A_2302 = vector.broadcast %broadcast_in_dim3A_2301 : i32 to vector<16xi32>
      %and3A_2303 = arith.andi %shift_right_arithmetic3A_2300, %broadcast_in_dim3A_2302 : vector<16xi32>
      %add3A_2304 = arith.addi %add3A_2297, %and3A_2303 : vector<16xi32>
      %broadcast_in_dim3A_2305 = arith.constant -65536 : i32
      %broadcast_in_dim3A_2306 = vector.broadcast %broadcast_in_dim3A_2305 : i32 to vector<16xi32>
      %and3A_2307 = arith.andi %add3A_2304, %broadcast_in_dim3A_2306 : vector<16xi32>
      %bitcast3A_2308 = vector.bitcast %and3A_2307 : vector<16xi32> to vector<16xf32>
      %gather3A_2309 = tpu.vector_load_idx %arg7[%and3A_2292] : memref<64xf32, #tpu.memory_space<vmem>>[vector<16xi32>], vector<16xf32>,
      %add3A_2310 = arith.addf %bitcast3A_2308, %gather3A_2309 : vector<16xf32>
      %gt3A_2311 = arith.cmpf ogt, %add3A_2310, %select_n3A_2278 : vector<16xf32>
      %eq3A_2312 = arith.cmpf oeq, %add3A_2310, %select_n3A_2278 : vector<16xf32>
      %lt3A_2313 = arith.cmpi slt, %and3A_2292, %select_n3A_2279 : vector<16xi32>
      %and3A_2314 = arith.andi %eq3A_2312, %lt3A_2313 : vector<16xi1>
      %or3A_2315 = arith.ori %gt3A_2311, %and3A_2314 : vector<16xi1>
      %select_n3A_2316 = arith.select %or3A_2315, %select_n3A_2278, %add3A_2310 : vector<16xi1>, vector<16xf32>
      %select_n3A_2317 = arith.select %or3A_2315, %select_n3A_2279, %and3A_2292 : vector<16xi1>, vector<16xi32>
      %select_n3A_2318 = arith.select %or3A_2315, %add3A_2310, %select_n3A_2278 : vector<16xi1>, vector<16xf32>
      %select_n3A_2319 = arith.select %or3A_2315, %and3A_2292, %select_n3A_2279 : vector<16xi1>, vector<16xi32>
      %gt3A_2320 = arith.cmpf ogt, %select_n3A_2316, %select_n3A_2285 : vector<16xf32>
      %eq3A_2321 = arith.cmpf oeq, %select_n3A_2316, %select_n3A_2285 : vector<16xf32>
      %lt3A_2322 = arith.cmpi slt, %select_n3A_2317, %select_n3A_2286 : vector<16xi32>
      %and3A_2323 = arith.andi %eq3A_2321, %lt3A_2322 : vector<16xi1>
      %or3A_2324 = arith.ori %gt3A_2320, %and3A_2323 : vector<16xi1>
      %select_n3A_2325 = arith.select %or3A_2324, %select_n3A_2316, %select_n3A_2285 : vector<16xi1>, vector<16xf32>
      %select_n3A_2326 = arith.select %or3A_2324, %select_n3A_2317, %select_n3A_2286 : vector<16xi1>, vector<16xi32>
      %broadcast_in_dim3A_2327 = arith.constant 58 : i32
      %broadcast_in_dim3A_2328 = vector.broadcast %broadcast_in_dim3A_2327 : i32 to vector<16xi32>
      %add3A_2329 = arith.addi %iota3A, %broadcast_in_dim3A_2328 : vector<16xi32>
      %broadcast_in_dim3A_2330 = arith.constant 63 : i32
      %broadcast_in_dim3A_2331 = vector.broadcast %broadcast_in_dim3A_2330 : i32 to vector<16xi32>
      %and3A_2332 = arith.andi %add3A_2329, %broadcast_in_dim3A_2331 : vector<16xi32>
      %gather3A_2333 = tpu.vector_load_idx %arg6[%add3A_15, %and3A_2332] : memref<256x128xf32, #tpu.memory_space<vmem>>[vector<16xi32>, vector<16xi32>], vector<16xf32>,
      %bitcast3A_2334 = vector.bitcast %gather3A_2333 : vector<16xf32> to vector<16xi32>
      %broadcast_in_dim3A_2335 = arith.constant 32767 : i32
      %broadcast_in_dim3A_2336 = vector.broadcast %broadcast_in_dim3A_2335 : i32 to vector<16xi32>
      %add3A_2337 = arith.addi %bitcast3A_2334, %broadcast_in_dim3A_2336 : vector<16xi32>
      %broadcast_in_dim3A_2338 = arith.constant 16 : i32
      %broadcast_in_dim3A_2339 = vector.broadcast %broadcast_in_dim3A_2338 : i32 to vector<16xi32>
      %shift_right_arithmetic3A_2340 = arith.shrsi %bitcast3A_2334, %broadcast_in_dim3A_2339 : vector<16xi32>
      %broadcast_in_dim3A_2341 = arith.constant 1 : i32
      %broadcast_in_dim3A_2342 = vector.broadcast %broadcast_in_dim3A_2341 : i32 to vector<16xi32>
      %and3A_2343 = arith.andi %shift_right_arithmetic3A_2340, %broadcast_in_dim3A_2342 : vector<16xi32>
      %add3A_2344 = arith.addi %add3A_2337, %and3A_2343 : vector<16xi32>
      %broadcast_in_dim3A_2345 = arith.constant -65536 : i32
      %broadcast_in_dim3A_2346 = vector.broadcast %broadcast_in_dim3A_2345 : i32 to vector<16xi32>
      %and3A_2347 = arith.andi %add3A_2344, %broadcast_in_dim3A_2346 : vector<16xi32>
      %bitcast3A_2348 = vector.bitcast %and3A_2347 : vector<16xi32> to vector<16xf32>
      %gather3A_2349 = tpu.vector_load_idx %arg7[%and3A_2332] : memref<64xf32, #tpu.memory_space<vmem>>[vector<16xi32>], vector<16xf32>,
      %add3A_2350 = arith.addf %bitcast3A_2348, %gather3A_2349 : vector<16xf32>
      %gt3A_2351 = arith.cmpf ogt, %add3A_2350, %select_n3A_2318 : vector<16xf32>
      %eq3A_2352 = arith.cmpf oeq, %add3A_2350, %select_n3A_2318 : vector<16xf32>
      %lt3A_2353 = arith.cmpi slt, %and3A_2332, %select_n3A_2319 : vector<16xi32>
      %and3A_2354 = arith.andi %eq3A_2352, %lt3A_2353 : vector<16xi1>
      %or3A_2355 = arith.ori %gt3A_2351, %and3A_2354 : vector<16xi1>
      %select_n3A_2356 = arith.select %or3A_2355, %select_n3A_2318, %add3A_2350 : vector<16xi1>, vector<16xf32>
      %select_n3A_2357 = arith.select %or3A_2355, %select_n3A_2319, %and3A_2332 : vector<16xi1>, vector<16xi32>
      %select_n3A_2358 = arith.select %or3A_2355, %add3A_2350, %select_n3A_2318 : vector<16xi1>, vector<16xf32>
      %select_n3A_2359 = arith.select %or3A_2355, %and3A_2332, %select_n3A_2319 : vector<16xi1>, vector<16xi32>
      %gt3A_2360 = arith.cmpf ogt, %select_n3A_2356, %select_n3A_2325 : vector<16xf32>
      %eq3A_2361 = arith.cmpf oeq, %select_n3A_2356, %select_n3A_2325 : vector<16xf32>
      %lt3A_2362 = arith.cmpi slt, %select_n3A_2357, %select_n3A_2326 : vector<16xi32>
      %and3A_2363 = arith.andi %eq3A_2361, %lt3A_2362 : vector<16xi1>
      %or3A_2364 = arith.ori %gt3A_2360, %and3A_2363 : vector<16xi1>
      %select_n3A_2365 = arith.select %or3A_2364, %select_n3A_2356, %select_n3A_2325 : vector<16xi1>, vector<16xf32>
      %select_n3A_2366 = arith.select %or3A_2364, %select_n3A_2357, %select_n3A_2326 : vector<16xi1>, vector<16xi32>
      %broadcast_in_dim3A_2367 = arith.constant 59 : i32
      %broadcast_in_dim3A_2368 = vector.broadcast %broadcast_in_dim3A_2367 : i32 to vector<16xi32>
      %add3A_2369 = arith.addi %iota3A, %broadcast_in_dim3A_2368 : vector<16xi32>
      %broadcast_in_dim3A_2370 = arith.constant 63 : i32
      %broadcast_in_dim3A_2371 = vector.broadcast %broadcast_in_dim3A_2370 : i32 to vector<16xi32>
      %and3A_2372 = arith.andi %add3A_2369, %broadcast_in_dim3A_2371 : vector<16xi32>
      %gather3A_2373 = tpu.vector_load_idx %arg6[%add3A_15, %and3A_2372] : memref<256x128xf32, #tpu.memory_space<vmem>>[vector<16xi32>, vector<16xi32>], vector<16xf32>,
      %bitcast3A_2374 = vector.bitcast %gather3A_2373 : vector<16xf32> to vector<16xi32>
      %broadcast_in_dim3A_2375 = arith.constant 32767 : i32
      %broadcast_in_dim3A_2376 = vector.broadcast %broadcast_in_dim3A_2375 : i32 to vector<16xi32>
      %add3A_2377 = arith.addi %bitcast3A_2374, %broadcast_in_dim3A_2376 : vector<16xi32>
      %broadcast_in_dim3A_2378 = arith.constant 16 : i32
      %broadcast_in_dim3A_2379 = vector.broadcast %broadcast_in_dim3A_2378 : i32 to vector<16xi32>
      %shift_right_arithmetic3A_2380 = arith.shrsi %bitcast3A_2374, %broadcast_in_dim3A_2379 : vector<16xi32>
      %broadcast_in_dim3A_2381 = arith.constant 1 : i32
      %broadcast_in_dim3A_2382 = vector.broadcast %broadcast_in_dim3A_2381 : i32 to vector<16xi32>
      %and3A_2383 = arith.andi %shift_right_arithmetic3A_2380, %broadcast_in_dim3A_2382 : vector<16xi32>
      %add3A_2384 = arith.addi %add3A_2377, %and3A_2383 : vector<16xi32>
      %broadcast_in_dim3A_2385 = arith.constant -65536 : i32
      %broadcast_in_dim3A_2386 = vector.broadcast %broadcast_in_dim3A_2385 : i32 to vector<16xi32>
      %and3A_2387 = arith.andi %add3A_2384, %broadcast_in_dim3A_2386 : vector<16xi32>
      %bitcast3A_2388 = vector.bitcast %and3A_2387 : vector<16xi32> to vector<16xf32>
      %gather3A_2389 = tpu.vector_load_idx %arg7[%and3A_2372] : memref<64xf32, #tpu.memory_space<vmem>>[vector<16xi32>], vector<16xf32>,
      %add3A_2390 = arith.addf %bitcast3A_2388, %gather3A_2389 : vector<16xf32>
      %gt3A_2391 = arith.cmpf ogt, %add3A_2390, %select_n3A_2358 : vector<16xf32>
      %eq3A_2392 = arith.cmpf oeq, %add3A_2390, %select_n3A_2358 : vector<16xf32>
      %lt3A_2393 = arith.cmpi slt, %and3A_2372, %select_n3A_2359 : vector<16xi32>
      %and3A_2394 = arith.andi %eq3A_2392, %lt3A_2393 : vector<16xi1>
      %or3A_2395 = arith.ori %gt3A_2391, %and3A_2394 : vector<16xi1>
      %select_n3A_2396 = arith.select %or3A_2395, %select_n3A_2358, %add3A_2390 : vector<16xi1>, vector<16xf32>
      %select_n3A_2397 = arith.select %or3A_2395, %select_n3A_2359, %and3A_2372 : vector<16xi1>, vector<16xi32>
      %select_n3A_2398 = arith.select %or3A_2395, %add3A_2390, %select_n3A_2358 : vector<16xi1>, vector<16xf32>
      %select_n3A_2399 = arith.select %or3A_2395, %and3A_2372, %select_n3A_2359 : vector<16xi1>, vector<16xi32>
      %gt3A_2400 = arith.cmpf ogt, %select_n3A_2396, %select_n3A_2365 : vector<16xf32>
      %eq3A_2401 = arith.cmpf oeq, %select_n3A_2396, %select_n3A_2365 : vector<16xf32>
      %lt3A_2402 = arith.cmpi slt, %select_n3A_2397, %select_n3A_2366 : vector<16xi32>
      %and3A_2403 = arith.andi %eq3A_2401, %lt3A_2402 : vector<16xi1>
      %or3A_2404 = arith.ori %gt3A_2400, %and3A_2403 : vector<16xi1>
      %select_n3A_2405 = arith.select %or3A_2404, %select_n3A_2396, %select_n3A_2365 : vector<16xi1>, vector<16xf32>
      %select_n3A_2406 = arith.select %or3A_2404, %select_n3A_2397, %select_n3A_2366 : vector<16xi1>, vector<16xi32>
      %broadcast_in_dim3A_2407 = arith.constant 60 : i32
      %broadcast_in_dim3A_2408 = vector.broadcast %broadcast_in_dim3A_2407 : i32 to vector<16xi32>
      %add3A_2409 = arith.addi %iota3A, %broadcast_in_dim3A_2408 : vector<16xi32>
      %broadcast_in_dim3A_2410 = arith.constant 63 : i32
      %broadcast_in_dim3A_2411 = vector.broadcast %broadcast_in_dim3A_2410 : i32 to vector<16xi32>
      %and3A_2412 = arith.andi %add3A_2409, %broadcast_in_dim3A_2411 : vector<16xi32>
      %gather3A_2413 = tpu.vector_load_idx %arg6[%add3A_15, %and3A_2412] : memref<256x128xf32, #tpu.memory_space<vmem>>[vector<16xi32>, vector<16xi32>], vector<16xf32>,
      %bitcast3A_2414 = vector.bitcast %gather3A_2413 : vector<16xf32> to vector<16xi32>
      %broadcast_in_dim3A_2415 = arith.constant 32767 : i32
      %broadcast_in_dim3A_2416 = vector.broadcast %broadcast_in_dim3A_2415 : i32 to vector<16xi32>
      %add3A_2417 = arith.addi %bitcast3A_2414, %broadcast_in_dim3A_2416 : vector<16xi32>
      %broadcast_in_dim3A_2418 = arith.constant 16 : i32
      %broadcast_in_dim3A_2419 = vector.broadcast %broadcast_in_dim3A_2418 : i32 to vector<16xi32>
      %shift_right_arithmetic3A_2420 = arith.shrsi %bitcast3A_2414, %broadcast_in_dim3A_2419 : vector<16xi32>
      %broadcast_in_dim3A_2421 = arith.constant 1 : i32
      %broadcast_in_dim3A_2422 = vector.broadcast %broadcast_in_dim3A_2421 : i32 to vector<16xi32>
      %and3A_2423 = arith.andi %shift_right_arithmetic3A_2420, %broadcast_in_dim3A_2422 : vector<16xi32>
      %add3A_2424 = arith.addi %add3A_2417, %and3A_2423 : vector<16xi32>
      %broadcast_in_dim3A_2425 = arith.constant -65536 : i32
      %broadcast_in_dim3A_2426 = vector.broadcast %broadcast_in_dim3A_2425 : i32 to vector<16xi32>
      %and3A_2427 = arith.andi %add3A_2424, %broadcast_in_dim3A_2426 : vector<16xi32>
      %bitcast3A_2428 = vector.bitcast %and3A_2427 : vector<16xi32> to vector<16xf32>
      %gather3A_2429 = tpu.vector_load_idx %arg7[%and3A_2412] : memref<64xf32, #tpu.memory_space<vmem>>[vector<16xi32>], vector<16xf32>,
      %add3A_2430 = arith.addf %bitcast3A_2428, %gather3A_2429 : vector<16xf32>
      %gt3A_2431 = arith.cmpf ogt, %add3A_2430, %select_n3A_2398 : vector<16xf32>
      %eq3A_2432 = arith.cmpf oeq, %add3A_2430, %select_n3A_2398 : vector<16xf32>
      %lt3A_2433 = arith.cmpi slt, %and3A_2412, %select_n3A_2399 : vector<16xi32>
      %and3A_2434 = arith.andi %eq3A_2432, %lt3A_2433 : vector<16xi1>
      %or3A_2435 = arith.ori %gt3A_2431, %and3A_2434 : vector<16xi1>
      %select_n3A_2436 = arith.select %or3A_2435, %select_n3A_2398, %add3A_2430 : vector<16xi1>, vector<16xf32>
      %select_n3A_2437 = arith.select %or3A_2435, %select_n3A_2399, %and3A_2412 : vector<16xi1>, vector<16xi32>
      %select_n3A_2438 = arith.select %or3A_2435, %add3A_2430, %select_n3A_2398 : vector<16xi1>, vector<16xf32>
      %select_n3A_2439 = arith.select %or3A_2435, %and3A_2412, %select_n3A_2399 : vector<16xi1>, vector<16xi32>
      %gt3A_2440 = arith.cmpf ogt, %select_n3A_2436, %select_n3A_2405 : vector<16xf32>
      %eq3A_2441 = arith.cmpf oeq, %select_n3A_2436, %select_n3A_2405 : vector<16xf32>
      %lt3A_2442 = arith.cmpi slt, %select_n3A_2437, %select_n3A_2406 : vector<16xi32>
      %and3A_2443 = arith.andi %eq3A_2441, %lt3A_2442 : vector<16xi1>
      %or3A_2444 = arith.ori %gt3A_2440, %and3A_2443 : vector<16xi1>
      %select_n3A_2445 = arith.select %or3A_2444, %select_n3A_2436, %select_n3A_2405 : vector<16xi1>, vector<16xf32>
      %select_n3A_2446 = arith.select %or3A_2444, %select_n3A_2437, %select_n3A_2406 : vector<16xi1>, vector<16xi32>
      %broadcast_in_dim3A_2447 = arith.constant 61 : i32
      %broadcast_in_dim3A_2448 = vector.broadcast %broadcast_in_dim3A_2447 : i32 to vector<16xi32>
      %add3A_2449 = arith.addi %iota3A, %broadcast_in_dim3A_2448 : vector<16xi32>
      %broadcast_in_dim3A_2450 = arith.constant 63 : i32
      %broadcast_in_dim3A_2451 = vector.broadcast %broadcast_in_dim3A_2450 : i32 to vector<16xi32>
      %and3A_2452 = arith.andi %add3A_2449, %broadcast_in_dim3A_2451 : vector<16xi32>
      %gather3A_2453 = tpu.vector_load_idx %arg6[%add3A_15, %and3A_2452] : memref<256x128xf32, #tpu.memory_space<vmem>>[vector<16xi32>, vector<16xi32>], vector<16xf32>,
      %bitcast3A_2454 = vector.bitcast %gather3A_2453 : vector<16xf32> to vector<16xi32>
      %broadcast_in_dim3A_2455 = arith.constant 32767 : i32
      %broadcast_in_dim3A_2456 = vector.broadcast %broadcast_in_dim3A_2455 : i32 to vector<16xi32>
      %add3A_2457 = arith.addi %bitcast3A_2454, %broadcast_in_dim3A_2456 : vector<16xi32>
      %broadcast_in_dim3A_2458 = arith.constant 16 : i32
      %broadcast_in_dim3A_2459 = vector.broadcast %broadcast_in_dim3A_2458 : i32 to vector<16xi32>
      %shift_right_arithmetic3A_2460 = arith.shrsi %bitcast3A_2454, %broadcast_in_dim3A_2459 : vector<16xi32>
      %broadcast_in_dim3A_2461 = arith.constant 1 : i32
      %broadcast_in_dim3A_2462 = vector.broadcast %broadcast_in_dim3A_2461 : i32 to vector<16xi32>
      %and3A_2463 = arith.andi %shift_right_arithmetic3A_2460, %broadcast_in_dim3A_2462 : vector<16xi32>
      %add3A_2464 = arith.addi %add3A_2457, %and3A_2463 : vector<16xi32>
      %broadcast_in_dim3A_2465 = arith.constant -65536 : i32
      %broadcast_in_dim3A_2466 = vector.broadcast %broadcast_in_dim3A_2465 : i32 to vector<16xi32>
      %and3A_2467 = arith.andi %add3A_2464, %broadcast_in_dim3A_2466 : vector<16xi32>
      %bitcast3A_2468 = vector.bitcast %and3A_2467 : vector<16xi32> to vector<16xf32>
      %gather3A_2469 = tpu.vector_load_idx %arg7[%and3A_2452] : memref<64xf32, #tpu.memory_space<vmem>>[vector<16xi32>], vector<16xf32>,
      %add3A_2470 = arith.addf %bitcast3A_2468, %gather3A_2469 : vector<16xf32>
      %gt3A_2471 = arith.cmpf ogt, %add3A_2470, %select_n3A_2438 : vector<16xf32>
      %eq3A_2472 = arith.cmpf oeq, %add3A_2470, %select_n3A_2438 : vector<16xf32>
      %lt3A_2473 = arith.cmpi slt, %and3A_2452, %select_n3A_2439 : vector<16xi32>
      %and3A_2474 = arith.andi %eq3A_2472, %lt3A_2473 : vector<16xi1>
      %or3A_2475 = arith.ori %gt3A_2471, %and3A_2474 : vector<16xi1>
      %select_n3A_2476 = arith.select %or3A_2475, %select_n3A_2438, %add3A_2470 : vector<16xi1>, vector<16xf32>
      %select_n3A_2477 = arith.select %or3A_2475, %select_n3A_2439, %and3A_2452 : vector<16xi1>, vector<16xi32>
      %select_n3A_2478 = arith.select %or3A_2475, %add3A_2470, %select_n3A_2438 : vector<16xi1>, vector<16xf32>
      %select_n3A_2479 = arith.select %or3A_2475, %and3A_2452, %select_n3A_2439 : vector<16xi1>, vector<16xi32>
      %gt3A_2480 = arith.cmpf ogt, %select_n3A_2476, %select_n3A_2445 : vector<16xf32>
      %eq3A_2481 = arith.cmpf oeq, %select_n3A_2476, %select_n3A_2445 : vector<16xf32>
      %lt3A_2482 = arith.cmpi slt, %select_n3A_2477, %select_n3A_2446 : vector<16xi32>
      %and3A_2483 = arith.andi %eq3A_2481, %lt3A_2482 : vector<16xi1>
      %or3A_2484 = arith.ori %gt3A_2480, %and3A_2483 : vector<16xi1>
      %select_n3A_2485 = arith.select %or3A_2484, %select_n3A_2476, %select_n3A_2445 : vector<16xi1>, vector<16xf32>
      %select_n3A_2486 = arith.select %or3A_2484, %select_n3A_2477, %select_n3A_2446 : vector<16xi1>, vector<16xi32>
      %broadcast_in_dim3A_2487 = arith.constant 62 : i32
      %broadcast_in_dim3A_2488 = vector.broadcast %broadcast_in_dim3A_2487 : i32 to vector<16xi32>
      %add3A_2489 = arith.addi %iota3A, %broadcast_in_dim3A_2488 : vector<16xi32>
      %broadcast_in_dim3A_2490 = arith.constant 63 : i32
      %broadcast_in_dim3A_2491 = vector.broadcast %broadcast_in_dim3A_2490 : i32 to vector<16xi32>
      %and3A_2492 = arith.andi %add3A_2489, %broadcast_in_dim3A_2491 : vector<16xi32>
      %gather3A_2493 = tpu.vector_load_idx %arg6[%add3A_15, %and3A_2492] : memref<256x128xf32, #tpu.memory_space<vmem>>[vector<16xi32>, vector<16xi32>], vector<16xf32>,
      %bitcast3A_2494 = vector.bitcast %gather3A_2493 : vector<16xf32> to vector<16xi32>
      %broadcast_in_dim3A_2495 = arith.constant 32767 : i32
      %broadcast_in_dim3A_2496 = vector.broadcast %broadcast_in_dim3A_2495 : i32 to vector<16xi32>
      %add3A_2497 = arith.addi %bitcast3A_2494, %broadcast_in_dim3A_2496 : vector<16xi32>
      %broadcast_in_dim3A_2498 = arith.constant 16 : i32
      %broadcast_in_dim3A_2499 = vector.broadcast %broadcast_in_dim3A_2498 : i32 to vector<16xi32>
      %shift_right_arithmetic3A_2500 = arith.shrsi %bitcast3A_2494, %broadcast_in_dim3A_2499 : vector<16xi32>
      %broadcast_in_dim3A_2501 = arith.constant 1 : i32
      %broadcast_in_dim3A_2502 = vector.broadcast %broadcast_in_dim3A_2501 : i32 to vector<16xi32>
      %and3A_2503 = arith.andi %shift_right_arithmetic3A_2500, %broadcast_in_dim3A_2502 : vector<16xi32>
      %add3A_2504 = arith.addi %add3A_2497, %and3A_2503 : vector<16xi32>
      %broadcast_in_dim3A_2505 = arith.constant -65536 : i32
      %broadcast_in_dim3A_2506 = vector.broadcast %broadcast_in_dim3A_2505 : i32 to vector<16xi32>
      %and3A_2507 = arith.andi %add3A_2504, %broadcast_in_dim3A_2506 : vector<16xi32>
      %bitcast3A_2508 = vector.bitcast %and3A_2507 : vector<16xi32> to vector<16xf32>
      %gather3A_2509 = tpu.vector_load_idx %arg7[%and3A_2492] : memref<64xf32, #tpu.memory_space<vmem>>[vector<16xi32>], vector<16xf32>,
      %add3A_2510 = arith.addf %bitcast3A_2508, %gather3A_2509 : vector<16xf32>
      %gt3A_2511 = arith.cmpf ogt, %add3A_2510, %select_n3A_2478 : vector<16xf32>
      %eq3A_2512 = arith.cmpf oeq, %add3A_2510, %select_n3A_2478 : vector<16xf32>
      %lt3A_2513 = arith.cmpi slt, %and3A_2492, %select_n3A_2479 : vector<16xi32>
      %and3A_2514 = arith.andi %eq3A_2512, %lt3A_2513 : vector<16xi1>
      %or3A_2515 = arith.ori %gt3A_2511, %and3A_2514 : vector<16xi1>
      %select_n3A_2516 = arith.select %or3A_2515, %select_n3A_2478, %add3A_2510 : vector<16xi1>, vector<16xf32>
      %select_n3A_2517 = arith.select %or3A_2515, %select_n3A_2479, %and3A_2492 : vector<16xi1>, vector<16xi32>
      %select_n3A_2518 = arith.select %or3A_2515, %add3A_2510, %select_n3A_2478 : vector<16xi1>, vector<16xf32>
      %select_n3A_2519 = arith.select %or3A_2515, %and3A_2492, %select_n3A_2479 : vector<16xi1>, vector<16xi32>
      %gt3A_2520 = arith.cmpf ogt, %select_n3A_2516, %select_n3A_2485 : vector<16xf32>
      %eq3A_2521 = arith.cmpf oeq, %select_n3A_2516, %select_n3A_2485 : vector<16xf32>
      %lt3A_2522 = arith.cmpi slt, %select_n3A_2517, %select_n3A_2486 : vector<16xi32>
      %and3A_2523 = arith.andi %eq3A_2521, %lt3A_2522 : vector<16xi1>
      %or3A_2524 = arith.ori %gt3A_2520, %and3A_2523 : vector<16xi1>
      %select_n3A_2525 = arith.select %or3A_2524, %select_n3A_2516, %select_n3A_2485 : vector<16xi1>, vector<16xf32>
      %select_n3A_2526 = arith.select %or3A_2524, %select_n3A_2517, %select_n3A_2486 : vector<16xi1>, vector<16xi32>
      %broadcast_in_dim3A_2527 = arith.constant 63 : i32
      %broadcast_in_dim3A_2528 = vector.broadcast %broadcast_in_dim3A_2527 : i32 to vector<16xi32>
      %add3A_2529 = arith.addi %iota3A, %broadcast_in_dim3A_2528 : vector<16xi32>
      %broadcast_in_dim3A_2530 = arith.constant 63 : i32
      %broadcast_in_dim3A_2531 = vector.broadcast %broadcast_in_dim3A_2530 : i32 to vector<16xi32>
      %and3A_2532 = arith.andi %add3A_2529, %broadcast_in_dim3A_2531 : vector<16xi32>
      %gather3A_2533 = tpu.vector_load_idx %arg6[%add3A_15, %and3A_2532] : memref<256x128xf32, #tpu.memory_space<vmem>>[vector<16xi32>, vector<16xi32>], vector<16xf32>,
      %bitcast3A_2534 = vector.bitcast %gather3A_2533 : vector<16xf32> to vector<16xi32>
      %broadcast_in_dim3A_2535 = arith.constant 32767 : i32
      %broadcast_in_dim3A_2536 = vector.broadcast %broadcast_in_dim3A_2535 : i32 to vector<16xi32>
      %add3A_2537 = arith.addi %bitcast3A_2534, %broadcast_in_dim3A_2536 : vector<16xi32>
      %broadcast_in_dim3A_2538 = arith.constant 16 : i32
      %broadcast_in_dim3A_2539 = vector.broadcast %broadcast_in_dim3A_2538 : i32 to vector<16xi32>
      %shift_right_arithmetic3A_2540 = arith.shrsi %bitcast3A_2534, %broadcast_in_dim3A_2539 : vector<16xi32>
      %broadcast_in_dim3A_2541 = arith.constant 1 : i32
      %broadcast_in_dim3A_2542 = vector.broadcast %broadcast_in_dim3A_2541 : i32 to vector<16xi32>
      %and3A_2543 = arith.andi %shift_right_arithmetic3A_2540, %broadcast_in_dim3A_2542 : vector<16xi32>
      %add3A_2544 = arith.addi %add3A_2537, %and3A_2543 : vector<16xi32>
      %broadcast_in_dim3A_2545 = arith.constant -65536 : i32
      %broadcast_in_dim3A_2546 = vector.broadcast %broadcast_in_dim3A_2545 : i32 to vector<16xi32>
      %and3A_2547 = arith.andi %add3A_2544, %broadcast_in_dim3A_2546 : vector<16xi32>
      %bitcast3A_2548 = vector.bitcast %and3A_2547 : vector<16xi32> to vector<16xf32>
      %gather3A_2549 = tpu.vector_load_idx %arg7[%and3A_2532] : memref<64xf32, #tpu.memory_space<vmem>>[vector<16xi32>], vector<16xf32>,
      %add3A_2550 = arith.addf %bitcast3A_2548, %gather3A_2549 : vector<16xf32>
      %gt3A_2551 = arith.cmpf ogt, %add3A_2550, %select_n3A_2518 : vector<16xf32>
      %eq3A_2552 = arith.cmpf oeq, %add3A_2550, %select_n3A_2518 : vector<16xf32>
      %lt3A_2553 = arith.cmpi slt, %and3A_2532, %select_n3A_2519 : vector<16xi32>
      %and3A_2554 = arith.andi %eq3A_2552, %lt3A_2553 : vector<16xi1>
      %or3A_2555 = arith.ori %gt3A_2551, %and3A_2554 : vector<16xi1>
      %select_n3A_2556 = arith.select %or3A_2555, %select_n3A_2518, %add3A_2550 : vector<16xi1>, vector<16xf32>
      %select_n3A_2557 = arith.select %or3A_2555, %select_n3A_2519, %and3A_2532 : vector<16xi1>, vector<16xi32>
      %select_n3A_2558 = arith.select %or3A_2555, %add3A_2550, %select_n3A_2518 : vector<16xi1>, vector<16xf32>
      %select_n3A_2559 = arith.select %or3A_2555, %and3A_2532, %select_n3A_2519 : vector<16xi1>, vector<16xi32>
      %gt3A_2560 = arith.cmpf ogt, %select_n3A_2556, %select_n3A_2525 : vector<16xf32>
      %eq3A_2561 = arith.cmpf oeq, %select_n3A_2556, %select_n3A_2525 : vector<16xf32>
      %lt3A_2562 = arith.cmpi slt, %select_n3A_2557, %select_n3A_2526 : vector<16xi32>
      %and3A_2563 = arith.andi %eq3A_2561, %lt3A_2562 : vector<16xi1>
      %or3A_2564 = arith.ori %gt3A_2560, %and3A_2563 : vector<16xi1>
      %select_n3A_2565 = arith.select %or3A_2564, %select_n3A_2556, %select_n3A_2525 : vector<16xi1>, vector<16xf32>
      %select_n3A_2566 = arith.select %or3A_2564, %select_n3A_2557, %select_n3A_2526 : vector<16xi1>, vector<16xi32>
      %broadcast_in_dim3A_2567 = arith.constant 1 : i32
      %broadcast_in_dim3A_2568 = vector.broadcast %broadcast_in_dim3A_2567 : i32 to vector<16xi32>
      tpu.vector_store_idx %arg9[%add3A_15, %broadcast_in_dim3A_5], %select_n3A_2558 : memref<256x2xf32, #tpu.memory_space<vmem>>[vector<16xi32>, vector<16xi32>], vector<16xf32>,
      tpu.vector_store_idx %arg9[%add3A_15, %broadcast_in_dim3A_2568], %select_n3A_2565 : memref<256x2xf32, #tpu.memory_space<vmem>>[vector<16xi32>, vector<16xi32>], vector<16xf32>,
      tpu.vector_store_idx %arg8[%add3A_15, %broadcast_in_dim3A_5], %select_n3A_2559 : memref<256x2xi32, #tpu.memory_space<vmem>>[vector<16xi32>, vector<16xi32>], vector<16xi32>,
      tpu.vector_store_idx %arg8[%add3A_15, %broadcast_in_dim3A_2568], %select_n3A_2566 : memref<256x2xi32, #tpu.memory_space<vmem>>[vector<16xi32>, vector<16xi32>], vector<16xi32>,
    }
    %scan3A_10 = arith.constant 16 : i32
    "tpu.region"() ({
      %run_scoped3A = tpu.sem_alloc : memref<!tpu.dma_semaphore, #tpu.memory_space<semaphore_mem>>
      %dma_start3A = arith.constant 0 : i32
      %dma_start3A_11 = tpu.memref_slice %arg4[%mul3A_2, %dma_start3A] : memref<8192x2xi32, #tpu.memory_space<hbm>> -> memref<256x2xi32, #tpu.memory_space<hbm>>
      %dma_start3A_12 = arith.constant 0 : i32
      %dma_start3A_13 = tpu.memref_slice %arg4[%mul3A_2, %dma_start3A_12] : memref<8192x2xi32, #tpu.memory_space<hbm>> -> memref<256x2xi32, #tpu.memory_space<hbm>>
      tpu.enqueue_dma source(%arg8 : memref<256x2xi32, #tpu.memory_space<vmem>>) target(%dma_start3A_13 : memref<256x2xi32, #tpu.memory_space<hbm>>) target_semaphore(%run_scoped3A : memref<!tpu.dma_semaphore, #tpu.memory_space<semaphore_mem>>)
      %dma_wait3A = arith.constant 0 : i32
      %dma_wait3A_14 = tpu.memref_slice %arg4[%mul3A_2, %dma_wait3A] : memref<8192x2xi32, #tpu.memory_space<hbm>> -> memref<256x2xi32, #tpu.memory_space<hbm>>
      %dma_wait3A_15 = arith.constant 0 : i32
      %dma_wait3A_16 = tpu.memref_slice %arg4[%mul3A_2, %dma_wait3A_15] : memref<8192x2xi32, #tpu.memory_space<hbm>> -> memref<256x2xi32, #tpu.memory_space<hbm>>
      tpu.wait_dma2 semaphore(%run_scoped3A : memref<!tpu.dma_semaphore, #tpu.memory_space<semaphore_mem>>) src(%arg8 : memref<256x2xi32, #tpu.memory_space<vmem>>) dst(%dma_wait3A_16 : memref<256x2xi32, #tpu.memory_space<hbm>>)
      tpu.yield
    }) : () -> ()
    "tpu.region"() ({
      %run_scoped3A = tpu.sem_alloc : memref<!tpu.dma_semaphore, #tpu.memory_space<semaphore_mem>>
      %dma_start3A = arith.constant 0 : i32
      %dma_start3A_11 = tpu.memref_slice %arg5[%mul3A_2, %dma_start3A] : memref<8192x2xf32, #tpu.memory_space<hbm>> -> memref<256x2xf32, #tpu.memory_space<hbm>>
      %dma_start3A_12 = arith.constant 0 : i32
      %dma_start3A_13 = tpu.memref_slice %arg5[%mul3A_2, %dma_start3A_12] : memref<8192x2xf32, #tpu.memory_space<hbm>> -> memref<256x2xf32, #tpu.memory_space<hbm>>
      tpu.enqueue_dma source(%arg9 : memref<256x2xf32, #tpu.memory_space<vmem>>) target(%dma_start3A_13 : memref<256x2xf32, #tpu.memory_space<hbm>>) target_semaphore(%run_scoped3A : memref<!tpu.dma_semaphore, #tpu.memory_space<semaphore_mem>>)
      %dma_wait3A = arith.constant 0 : i32
      %dma_wait3A_14 = tpu.memref_slice %arg5[%mul3A_2, %dma_wait3A] : memref<8192x2xf32, #tpu.memory_space<hbm>> -> memref<256x2xf32, #tpu.memory_space<hbm>>
      %dma_wait3A_15 = arith.constant 0 : i32
      %dma_wait3A_16 = tpu.memref_slice %arg5[%mul3A_2, %dma_wait3A_15] : memref<8192x2xf32, #tpu.memory_space<hbm>> -> memref<256x2xf32, #tpu.memory_space<hbm>>
      tpu.wait_dma2 semaphore(%run_scoped3A : memref<!tpu.dma_semaphore, #tpu.memory_space<semaphore_mem>>) src(%arg9 : memref<256x2xf32, #tpu.memory_space<vmem>>) dst(%dma_wait3A_16 : memref<256x2xf32, #tpu.memory_space<hbm>>)
      tpu.yield
    }) : () -> ()
    return
  }
}

</mosaic_0001>

<sc_bundles>
// kernel: kernel.3.cloned.1.call-start
scs
__scs_entry_jumppad:
0x0: {  	(pc) =	sbr.rel $0x88, $3  }
0x1: {  	(tag) =	ssettag $0x0;
	lr =	simm.s32 $0x1  }
0x2: {  	[smem:$0x3F9F] =	sst lr;
	_ =	strace $0xD0000000  }
0x3: {  	_ = 	snop  }
0x4: {  	_ = 	snop  }
0x5: {  	_ = 	snop  }
0x6: {  	_ = 	snop  }
0x7: {  	_ = 	snop  }
__scs_overlays_trampoline_lowered:
0x8: {  	[smem:$0x3FAE] =	sst s0  }
0x9: {  	[smem:$0x3FAF] =	sst s1  }
0xa: {  	[smem:$0x3FB0] =	sst s2  }
0xb: {  	[smem:$0x3FB1] =	sst s3  }
0xc: {  	[smem:$0x3FB2] =	sst s4  }
0xd: {  	[smem:$0x3FB3] =	sst s5  }
0xe: {  	[smem:$0x3FB4] =	sst s6  }
0xf: {  	[smem:$0x3FB5] =	sst s7  }
0x10: {  	[smem:$0x3FB6] =	sst s8  }
0x11: {  	[smem:$0x3FB7] =	sst s9;
	s0 =	simm.s32 @!p0 $0x0  }
0x12: {  	s1 =	sld [smem:$0x3F9D];
	s0 =	simm.s32 @p0 $0x1  }
0x13: {  	[smem:$0x3FB8] =	sst s0;
	s0 =	simm.s32 @!p1 $0x0  }
0x14: {  	s2 =	sld [smem:$0x3F9C];
	s0 =	simm.s32 @p1 $0x1  }
0x15: {  	[smem:$0x3FB9] =	sst s0;
	s0 =	simm.s32 @!p2 $0x0  }
0x16: {  	s3 =	sld [smem:$0x3FDB];
	s0 =	simm.s32 @p2 $0x1  }
0x17: {  	s4 =	simm.s32 $0x1BF5;
	[smem:$0x3FBB] =	sst s0  }
0x18: {  	s0 =	sld [smem:$0x3F9E];
	_ =	swait.ge [sflag:s4], $0x0  }
0x19: {  	s7 =	sld [smem:$0x3F9F]  }
0x1a: {  	s8 =	sadd.s32 $0xFFFFE003, lr  }
0x1b: {  	s9 =	sadd.s32 $0xFFFFFEF7, lr;
	s5 =	simm.s32 $0xFFFFFFFF;
	p2 =	slt.u32 s8, $0xFFFFF086  }
0x1c: {  	p1 =	slt.u32 s9, $0xF7A;
	s5 =	simm.s32 @!p2 $0x0  }
0x1d: {  	s5 =	simm.s32 @p1 $0x1;
	p0 =	seq.s32 s7, s2  }
0x1e: {  	s7 =	smul.u32 @!p0 $0xF7A, s2;
	p2 =	seq.s32 @!p0 s5, $0x0  }
0x1f: {  	s9 =	smul.u32 $0xF7A, s1;
	s8 =	simm.s32 @!p0 $0x1BF5;
	p2 =	por !p2, p0  }
0x20: {  	[sflag:s8] =	ssyncset.s32 @!p0 $0xFFFFF086;
	s6 =	sadd.s32 @!p0 s3, s7;
	s7 =	simm.s32 @!p0 $0x108  }
0x21: {  	s3 =	sadd.s32 s3, s9;
	s6 =	sadd.s32 @!p0 $0x88, s6;
	s7 =	simm.s32 @p2 $0x1082  }
0x22: {  	[simem:s7], [sflag:s8] =	dma.local @!p0 [hbm:s6], $0xF7A  }
0x23: {  	s9 =	sor.u32 $0xD0000000, s2;
	s6 =	simm.s32 $0x108;
	_ =	swait.ge @!p0 [sflag:s8], $0x0  }
0x24: {  	s3 =	sadd.s32 $0x88, s3;
	s6 =	simm.s32 @!p1 $0x1082;
	[sflag:s4] =	ssyncset.s32 $0xFFFFF086  }
0x25: {  	[simem:s6], [sflag:s4] =	dma.local [hbm:s3], $0xF7A  }
0x26: {  	[smem:$0x3F9F] =	sst s1;
	(tag) =	ssettag s2;
	_ =	strace s9  }
0x27: {  	s1 =	sld [smem:$0x3FAF]  }
0x28: {  	s2 =	sld [smem:$0x3FB0]  }
0x29: {  	s4 =	sld [smem:$0x3FB2]  }
0x2a: {  	p0 =	seq.s32 s5, $0x0;
	s5 =	sld [smem:$0x3FB3]  }
0x2b: {  	s6 =	sld [smem:$0x3FB4]  }
0x2c: {  	s7 =	sld [smem:$0x3FB5]  }
0x2d: {  	s3 =	simm.s32 $0x108;
	s8 =	sld [smem:$0x3FB6]  }
0x2e: {  	s3 =	simm.s32 @!p0 $0x1082;
	s9 =	sld [smem:$0x3FB7]  }
0x2f: {  	lr =	sadd.s32 s0, s3;
	s0 =	sld [smem:$0x3FAE]  }
0x30: {  	s3 =	sld [smem:$0x3FB1]  }
0x31: {  	[smem:$0x3FBA] =	sst s10  }
0x32: {  	s10 =	sld [smem:$0x3FB8];
	_ =	sdelay $0x3  }
0x33: {  	p0 =	seq.s32 s10, $0x1;
	s10 =	sld [smem:$0x3FBA];
	_ =	sdelay $0x3  }
0x34: {  	[smem:$0x3FBA] =	sst s10  }
0x35: {  	s10 =	sld [smem:$0x3FB9];
	_ =	sdelay $0x3  }
0x36: {  	p1 =	seq.s32 s10, $0x1;
	s10 =	sld [smem:$0x3FBA];
	_ =	sdelay $0x3  }
0x37: {  	[smem:$0x3FBA] =	sst s10  }
0x38: {  	s10 =	sld [smem:$0x3FBB]  }
0x39: {  	_ = 	snop;
	(pc) =	sbr.ind lr, $3  }
0x3a: {  	_ = 	snop  }
0x3b: {  	_ = 	snop  }
0x3c: {  	p2 =	seq.s32 s10, $0x1;
	s10 =	sld [smem:$0x3FBA]  }
0x3d: {  	_ =	shalt  }
0x3e: {  	_ =	shalt  }
0x3f: {  	_ =	shalt  }
0x40: {  	_ =	shalt  }
0x41: {  	_ =	shalt  }
0x42: {  	_ =	shalt  }
0x43: {  	_ =	shalt  }
0x44: {  	_ =	shalt  }
0x45: {  	_ =	shalt  }
0x46: {  	_ =	shalt  }
0x47: {  	_ =	shalt  }
0x48: {  	_ =	shalt  }
0x49: {  	_ =	shalt  }
0x4a: {  	_ =	shalt  }
0x4b: {  	_ =	shalt  }
0x4c: {  	_ =	shalt  }
0x4d: {  	_ =	shalt  }
0x4e: {  	_ =	shalt  }
0x4f: {  	_ =	shalt  }
0x50: {  	_ =	shalt  }
0x51: {  	_ =	shalt  }
0x52: {  	_ =	shalt  }
0x53: {  	_ =	shalt  }
0x54: {  	_ =	shalt  }
0x55: {  	_ =	shalt  }
0x56: {  	_ =	shalt  }
0x57: {  	_ =	shalt  }
0x58: {  	_ =	shalt  }
0x59: {  	_ =	shalt  }
0x5a: {  	_ =	shalt  }
0x5b: {  	_ =	shalt  }
0x5c: {  	_ =	shalt  }
0x5d: {  	_ =	shalt  }
0x5e: {  	_ =	shalt  }
0x5f: {  	_ =	shalt  }
0x60: {  	_ =	shalt  }
0x61: {  	_ =	shalt  }
0x62: {  	_ =	shalt  }
0x63: {  	_ =	shalt  }
0x64: {  	_ =	shalt  }
0x65: {  	_ =	shalt  }
0x66: {  	_ =	shalt  }
0x67: {  	_ =	shalt  }
0x68: {  	_ =	shalt  }
0x69: {  	_ =	shalt  }
0x6a: {  	_ =	shalt  }
0x6b: {  	_ =	shalt  }
0x6c: {  	_ =	shalt  }
0x6d: {  	_ =	shalt  }
0x6e: {  	_ =	shalt  }
0x6f: {  	_ =	shalt  }
0x70: {  	_ =	shalt  }
0x71: {  	_ =	shalt  }
0x72: {  	_ =	shalt  }
0x73: {  	_ =	shalt  }
0x74: {  	_ =	shalt  }
0x75: {  	_ =	shalt  }
0x76: {  	_ =	shalt  }
0x77: {  	_ =	shalt  }
0x78: {  	_ =	shalt  }
0x79: {  	_ =	shalt  }
0x7a: {  	_ =	shalt  }
0x7b: {  	_ =	shalt  }
0x7c: {  	_ =	shalt  }
0x7d: {  	_ =	shalt  }
0x7e: {  	_ =	shalt  }
0x7f: {  	_ =	shalt  }
0x80: {  	_ =	shalt  }
0x81: {  	_ =	shalt  }
0x82: {  	_ =	shalt  }
0x83: {  	_ =	shalt  }
0x84: {  	_ =	shalt  }
0x85: {  	_ =	shalt  }
0x86: {  	_ =	shalt  }
0x87: {  	_ =	shalt  }
.Lfunc_end0:
.L_simem_size_0:
called_computation_lowered:
.L_overlay_start_0:
0x88: {  	s2 =	sld [smem:$0x3FD9]  }
0x89: {  	s3 =	sld [smem:$0x3FFE];
	_ =	sdelay $0x1  }
0x8a: {  	s1 =	srdreg.scid  }
0x8b: {  	s0 =	sand.u32 $0x1, s1  }
0x8c: {  	s17 =	sshll.u32 s0, $0xA;
	s2 =	sadd.s32 s3, s2  }
0x8d: {  	s2 =	sadd.s32 s2, s17  }
0x8e: {  	[smem:$0x3FC6] =	sst s2  }
0x8f: {  	_ = 	snop  }
0x90: {  	s2 =	sld [smem:$0x3FC9]  }
0x91: {  	s18 =	sld [smem:$0x3FC8];
	(tm) =	ssettm $0x1  }
0x92: {  	s4 =	sld [smem:$0x3FFB];
	_ =	sdelay $0x3  }
0x93: {  	_ =	strace s4  }
0x94: {  	s4 =	sld [smem:$0x3FFC];
	_ =	sdelay $0x3  }
0x95: {  	_ =	strace s4  }
0x96: {  	s4 =	sld [smem:$0x3FFD];
	_ =	sdelay $0x3  }
0x97: {  	_ =	strace s4  }
0x98: {  	_ =	strace $0x8FFFFFFF  }
0x99: {  	s19 =	sld [smem:$0x3FDB];
	_ =	sdelay $0x1  }
0x9a: {  	s5 =	simm.s32 $_scs_section_size  }
0x9b: {  	s6 =	simm.s32 $_size__tile_overlayer_lowered;
	s7 =	simm.s32 $_tile_overlayer_lowered  }
0x9c: {  	s22 =	simm.s32 $0x1BFF;
	s21 =	sshll.u32 s7, $0x1;
	s4 =	sadd.s32 s5, s19  }
0x9d: {  	s8 =	simm.s32 $0x0;
	s20 =	sshll.u32 s6, $0x1;
	s6 =	sadd.s32 s21, s4  }
0x9e: {  	[timem:s8], [sflag:s22] =	dma.local [hbm:s6], s20  }
0x9f: {  	_ =	swait.ge [sflag:s22], s20  }
0xa0: {  	s5 =	ssub.s32 $0x0, s20;
	[sflag:s22] =	ssyncset.done $0x0  }
0xa1: {  	[sflag:s22] =	ssyncadd.s32 s5;
	_ =	sdelay $0x1  }
0xa2: {  	s23 =	simm.s32 $0x1B8B  }
0xa3: {  	_ =	swait.ge [sflag:s23], $0x1  }
0xa4: {  	[sflag:s23] =	ssyncset.done $0x0  }
0xa5: {  	s25 =	simm.s32 $0x1B8E;
	s24 =	sld [smem:$0x3FFE];
	[sflag:s23] =	ssyncadd.s32 $0xFFFFFFFF  }
0xa6: {  	s26 =	simm.s32 $execute0_lowered;
	[smem:$0x3FD2] =	sst s25  }
0xa7: {  	s6 =	sshll.u32 s26, $0x1;
	_ =	strace $0x80000046;
	[dreg:$0x1] =	wrdreg $0xFFFFFFFF  }
0xa8: {  	s28 =	simm.s32 $_size_execute0_lowered;
	s4 =	sadd.s32 s4, s6;
	[dreg:$0x0] =	wrdreg $0x0  }
0xa9: {  	s6 =	sshll.u32 s28, $0x1;
	[dreg:$0x2] =	wrdreg s4  }
0xaa: {  	[dreg:$0x3] =	wrdreg s6  }
0xab: {  	[dreg:$0x4] =	wrdreg $0xC0  }
0xac: {  	_ =	task [dreg:s8], $0x5FFFF  }
0xad: {  	[dreg:$0x1] =	wrdreg $0xFFFFFFFF  }
0xae: {  	[dreg:$0x0] =	wrdreg $0x60  }
0xaf: {  	[dreg:$0x2] =	wrdreg s2  }
0xb0: {  	[dreg:$0x3] =	wrdreg s18  }
0xb1: {  	[dreg:$0x4] =	wrdreg s24  }
0xb2: {  	[dreg:$0x5] =	wrdreg $0x9  }
0xb3: {  	_ =	task.clear_ibuf [dreg:s8], $0x6FFFF;
	_ =	strace $0x90000046  }
0xb4: {  	s29 =	simm.s32 $0x9;
	_ =	strace $0x80000048  }
0xb5: {  	_ =	swait.ge [sflag:s29], $0x1  }
0xb6: {  	[sflag:s29] =	ssyncadd.s32 $0xFFFFFFFF  }
0xb7: {  	_ =	strace $0x90000048  }
0xb8: {  	_ =	sfence  }
0xb9: {  	s30 =	sld [smem:$0x0];
	_ =	sdelay $0x2  }
0xba: {  	s31 =	sshll.u32 s1, $0xD;
	s1 =	sshrl.u32 s1, $0x2  }
0xbb: {  	s3 =	sand.u32 $0x4000, s31;
	s1 =	sadd.s32 s1, s30  }
0xbc: {  	s0 =	sor.u32 s3, s0;
	s1 =	sshll.u32 s1, $0x11  }
0xbd: {  	s0 =	sor.u32 s1, s0  }
0xbe: {  	s0 =	sadd.s32 $0x8F2B, s0  }
0xbf: {  	[sflag:s0] =	ssyncadd.remote.s32 $0x1  }
0xc0: {  	_ =	sfence.sel $0xFFFF  }
0xc1: {  	[dreg:$0x0] =	wrdreg $0xFFFFFFFF;
	(pc) =	sbr.abs _section_cstart, $3  }
0xc2: {  	[dreg:$0x1] =	wrdreg $0xFFFFFFFF  }
0xc3: {  	_ =	task.clear_ibuf [dreg:s8], $0x2FFFF;
	_ =	strace $0x9FFFFFFF  }
0xc4: {  	(tm) =	ssettm $0x7FFFFFFF  }
0xc5: {  	_ =	shalt  }
tec
execute0_lowered:
.L_overlay_start_1:
0x0: {  	(tag) =	ssettag $0x1  }
0x1: {  	v3 =	vlaneseq.u32;
	v1 =	vimm.s32 $0x34333231;
	v37 =	vimm.s32 $0x38373635  }
0x2: {  	v38 =	vimm.s32 $0x3C3B3A39;
	v39 =	vimm.s32 $0x3F3E3D;
	vm0 =	vcmask $0x1F10  }
0x3: {  	v60 =	vimm.s32 $0x35343332;
	v41 =	vimm.s32 $0x39383736;
	v42 =	vimm.s32 $0x3D3C3B3A  }
0x4: {  	v43 =	vimm.s32 $0x1003F3E;
	v46 =	vimm.s32 $0x36353433;
	v61 =	vimm.s32 $0x3020100  }
0x5: {  	v47 =	vimm.s32 $0x3A393837;
	v48 =	vimm.s32 $0x201003F;
	v49 =	vimm.s32 $0x3F3E3D3C  }
0x6: {  	v50 =	vimm.s32 $0x37363534;
	v51 =	vimm.s32 $0x3B3A3938;
	v63 =	vimm.s32 $0x87654321  }
0x7: {  	v52 =	vimm.s32 $0x4030201;
	v53 =	vimm.s32 $0x32107654;
	v54 =	vimm.s32 $0x5040302  }
0x8: {  	v58 =	vimm.s32 $0x98765432;
	vm1 =	vcmask $0x2F10;
	vm2 =	vcmask $0x3F30  }
0x9: {  	v0 =	vmul.u32 $0x80, v3;
	v5 =	vadd.s32 $0x1, v3;
	v7 =	vadd.s32 $0x2, v3  }
0xa: {  	v8 =	vadd.s32 $0x3, v3;
	v9 =	vadd.s32 $0x4, v3;
	v10 =	vadd.s32 $0x5, v3  }
0xb: {  	v11 =	vadd.s32 $0x6, v3;
	v12 =	vadd.s32 $0x7, v3;
	v13 =	vadd.s32 $0x8, v3  }
0xc: {  	v14 =	vadd.s32 $0x9, v3;
	v15 =	vadd.s32 $0xA, v3;
	v16 =	vadd.s32 $0xB, v3  }
0xd: {  	v17 =	vadd.s32 $0xC, v3;
	v18 =	vadd.s32 $0xD, v3;
	v19 =	vadd.s32 $0xE, v3  }
0xe: {  	v20 =	vadd.s32 $0xF, v3;
	v21 =	vor.u32 $0x10, v3;
	v22 =	vadd.s32 $0x11, v3  }
0xf: {  	v23 =	vadd.s32 $0x12, v3;
	v24 =	vadd.s32 $0x13, v3;
	v25 =	vadd.s32 $0x14, v3  }
0x10: {  	v26 =	vadd.s32 $0x15, v3;
	v27 =	vadd.s32 $0x16, v3;
	v28 =	vadd.s32 $0x17, v3  }
0x11: {  	v29 =	vadd.s32 $0x18, v3;
	v30 =	vadd.s32 $0x19, v3;
	v31 =	vadd.s32 $0x1A, v3  }
0x12: {  	v32 =	vadd.s32 $0x1B, v3;
	v33 =	vadd.s32 $0x1C, v3;
	v2 =	vadd.s32 $0x22, v3  }
0x13: {  	v34 =	vadd.s32 $0x1D, v3;
	v1 =	vunpack.c.0.s8.s32 v1;
	[tilespmem:$0x1FE40] =	vst v2;
	v2 =	vadd.s32 $0x23, v3  }
0x14: {  	v55 =	vunpack.c.0.s8.s32 v38;
	[tilespmem:$0x1FE50] =	vst v2;
	v2 =	vunpack.c.0.s8.s32 v37;
	v37 =	vunpack.c.0.s8.s32 v39  }
0x15: {  	v35 =	vadd.s32 $0x1E, v3;
	v38 =	vunpack.c.0.s8.s32 v60;
	v4 =	vunpack.c.0.s8.s32 v42  }
0x16: {  	v62 =	vunpack.c.0.s8.s32 v50;
	v1 =	vsel vm0, v2, v1;
	v40 =	vsel vm0, v37, v55  }
0x17: {  	v39 =	vmovc v2;
	v2 =	vunpack.c.0.s8.s32 v41;
	v41 =	vunpack.c.0.s8.s32 v43;
	v1 =	vcombine.low v1, v40  }
0x18: {  	v6 =	vunpack.c.0.s8.s32 v47;
	v50 =	vunpack.c.0.s8.s32 v48;
	v47 =	vunpack.c.l.s4.s8 v63  }
0x19: {  	v48 =	vunpack.c.l.s4.s8 v53;
	[tilespmem:$0x1FE60] =	vst v1;
	v1 =	vsel vm0, v2, v38;
	v38 =	vsel vm0, v41, v4  }
0x1a: {  	v36 =	vadd.s32 $0x1F, v3;
	v44 =	vor.u32 $0x20, v3;
	[tilespmem:$0x1FE80] =	vst v4;
	v1 =	vcombine.low v1, v38  }
0x1b: {  	v47 =	vunpack.c.0.s8.s32 v47;
	v48 =	vunpack.c.0.s8.s32 v48;
	[tilespmem:$0x1FE70] =	vst v2;
	v2 =	vunpack.c.0.s8.s32 v49  }
0x1c: {  	v4 =	vunpack.c.0.s8.s32 v51;
	[tilespmem:$0x1FE90] =	vst v1;
	v1 =	vunpack.c.0.s8.s32 v46;
	v46 =	vunpack.c.0.s8.s32 v61  }
0x1d: {  	v45 =	vadd.s32 $0x21, v3;
	v53 =	vimm.s32 $0xC0B0A09;
	v47 =	vand.u32 $0xF, v47  }
0x1e: {  	[tilespmem:$0x1FEA0] =	vst v6;
	v60 =	vand.u32 $0xF, v48;
	v42 =	vsel vm0, v4, v62;
	v46 =	vsel vm0, v46, v2  }
0x1f: {  	v51 =	vunpack.c.l.s4.s8 v58;
	[tilespmem:$0x1FEB0] =	vst v4;
	v4 =	vcombine.low v42, v46;
	v46 =	vunpack.c.0.s8.s32 v52  }
0x20: {  	s4 =	rddreg [dreg:$0x0];
	v63 =	vcombine.low v40, v47;
	v49 =	vunpack.c.0.s8.s32 v54;
	v54 =	vimm.s32 $0x6543A987;
	[tilespmem:$0x1FEF0] =	vst v2  }
0x21: {  	s0 =	rddreg [dreg:$0x1];
	s3 =	simm.s32 $0x0;
	v59 =	vunpack.c.0.s8.s32 v51;
	v61 =	vimm.s32 $0x43218765;
	[tilespmem:$0x1FEC0] =	vst v4;
	v4 =	vsel vm0, v46, v37  }
0x22: {  	[smem:$0x7FF] =	sst s3;
	v58 =	vimm.s32 $0x6050403;
	v47 =	vunpack.c.l.s4.s8 v61;
	[tilespmem:$0x1FED0] =	vst v4;
	v4 =	vsel vm0, v49, v41  }
0x23: {  	s5 =	rddreg [dreg:$0x2];
	v62 =	vimm.s32 $0xB0A0908;
	v40 =	vand.u32 $0xF, v59;
	v59 =	vimm.s32 $0xA9876543;
	[tilespmem:$0x1FEE0] =	vst v4  }
0x24: {  	s1 =	rddreg [dreg:$0x3];
	v48 =	vunpack.c.0.s8.s32 v62;
	v47 =	vunpack.c.0.s8.s32 v47;
	v42 =	vimm.s32 $0x54329876;
	_ =	strace $0x80000047;
	[tilespmem:$0x1FF50] =	vst v0  }
0x25: {  	v61 =	vcombine.low v38, v40;
	v51 =	vunpack.c.l.s4.s8 v42;
	v46 =	vsel vm1, v60, v2;
	[tilespmem:$0x1FF60] =	vst v5  }
0x26: {  	v52 =	vand.u32 $0xF, v47;
	v47 =	vunpack.c.l.s4.s8 v54;
	v60 =	vsel vm2, v48, v46;
	[tilespmem:$0x1FF70] =	vst v63  }
0x27: {  	v46 =	vunpack.c.0.s8.s32 v53;
	v38 =	vunpack.c.0.s8.s32 v51;
	v37 =	vsel vm1, v52, v37;
	[tilespmem:$0x1FF80] =	vst v61  }
0x28: {  	v48 =	vadd.s32 $0x2C, v3;
	v51 =	vunpack.c.0.s8.s32 v47;
	v47 =	vunpack.c.0.s8.s32 v58;
	[tilespmem:$0x1FF90] =	vst v60  }
0x29: {  	v52 =	vimm.s32 $0xD0C0B0A;
	v62 =	vsel vm2, v46, v37;
	v49 =	vand.u32 $0xF, v38;
	[tilespmem:$0x1FFD0] =	vst v48  }
0x2a: {  	v37 =	vsel vm1, v49, v41;
	v41 =	vunpack.c.0.s8.s32 v52;
	v2 =	vsel vm0, v47, v50;
	[tilespmem:$0x1FFA0] =	vst v62  }
0x2b: {  	v40 =	vunpack.c.l.s4.s8 v59;
	v54 =	vimm.s32 $0x76543210;
	v47 =	vadd.s32 $0x2B, v3;
	[tilespmem:$0x1FF00] =	vst v2  }
0x2c: {  	s6 =	srdreg.scid;
	v56 =	vadd.s32 $0x24, v3;
	[tilespmem:$0x1FFF0] =	vst v47;
	v59 =	vsel vm2, v41, v37;
	v37 =	vunpack.c.l.s4.s8 v54  }
0x2d: {  	s2 =	stileid.u32;
	s10 =	simm.s32 $0x1;
	v57 =	vadd.s32 $0x26, v3;
	s6 =	sand.u32 $0x1, s6;
	v40 =	vunpack.c.0.s8.s32 v40;
	v41 =	vadd.s32 $0x2A, v3;
	[tilespmem:$0x1FFB0] =	vst v59  }
0x2e: {  	s11 =	simm.s32 $0x10080;
	s7 =	sshll.u32 s2, $0x9;
	s8 =	sshll.u32 s6, $0x8;
	v53 =	vimm.s32 $0xE0D0C0B;
	[tilespmem:$0x1FFC0] =	vst v41;
	v2 =	vunpack.c.0.s8.s32 v37;
	v37 =	vadd.s32 $0x27, v3  }
0x2f: {  	s12 =	simm.s32 $0x8080;
	s6 =	ssub.s32 $0x2, s6;
	s7 =	sor.u32 s8, s7;
	v43 =	vadd.s32 $0x25, v3;
	v58 =	vimm.s32 $0x3E3D3C3B;
	v46 =	vunpack.c.0.s8.s32 v53;
	[tilespmem:$0x1FFE0] =	vst v37  }
0x30: {  	s9 =	sshrl.u32 s6, $0x1;
	s8 =	sshll.u32 s7, $0x4;
	s7 =	sshll.u32 s7, $0x9;
	v53 =	vadd.s32 $0x2D, v3;
	v38 =	vand.u32 $0xF, v51;
	[tilespmem:$0x1FF10] =	vst v2;
	v2 =	vand.u32 $0xF, v40  }
0x31: {  	s9 =	ssub.s32 s6, s9;
	s8 =	sadd.s32 s8, s5;
	s4 =	sadd.s32 s4, s7;
	v51 =	vsel vm0, v6, v1;
	v38 =	vsel vm1, v38, v50;
	[tilespmem:$0x1FF20] =	vst v2;
	v2 =	vadd.s32 $0x2F, v3  }
0x32: {  	s7 =	smax.u32 s9, $0x1;
	s9 =	simm.s32 $0x8000;
	s5 =	sadd.s32 $0xA00, s8;
	v1 =	vunpack.c.0.s8.s32 v58;
	v49 =	vsel vm2, v46, v38;
	[tilespmem:$0x1FF30] =	vst v2;
	v2 =	vor.u32 $0x30, v3  }
0x33: {  	s13 =	simm.s32 $0x0;
	s6 =	sadd.s32 $0x20A00, s8;
	s8 =	simm.s32 $0x400;
	v38 =	vadd.s32 $0x28, v3;
	v54 =	vadd.s32 $0x2E, v3;
	v40 =	vadd.s32 $0x29, v3;
	[tilespmem:$0x1FF40] =	vst v2  }
.LBB2_1:
0x34: {  	[tilespmem:s3], [sflag:$0x1] =	stream.strided.gather [hbm4b:s4+s8], $0x8000, s9, s8, $0x38;
	[tilespmem:$0x18080] =	vst v63  }
0x35: {  	_ =	swait.ge [sflag:s10], $0x8000  }
0x36: {  	[sflag:s10] =	ssyncset.done $0x0  }
0x37: {  	[sflag:s10] =	ssyncadd.s32 $0xFFFF8000  }
0x38: {  	[tilespmem:s9], [sflag:$0x1] =	stream.linear.gather [hbm4b:s0+s3], $0x80, $0x38;
	[tilespmem:$0x18080] =	vst v63  }
0x39: {  	_ =	swait.ge [sflag:s10], $0x80  }
0x3a: {  	[sflag:s10] =	ssyncset.done $0x0  }
0x3b: {  	s14 =	simm.s32 $0x0;
	[sflag:s10] =	ssyncadd.s32 $0xFFFFFF80  }
.LBB2_2:
0x3c: {  	_ =	sdelay $0x1  }
0x3d: {  	v52 =	vmov s14  }
0x3e: {  	v52 =	vshll.u32 v52, $0x7  }
0x3f: {  	v52 =	vor.u32 v0, v52  }
0x40: {  	v59 =	vor.u32 v3, v52;
	_ =	sdelay $0x2  }
0x41: {  	v61 =	vor.u32 v5, v52;
	_ =	sdelay $0x1  }
0x42: {  	v62 =	vor.u32 v7, v52;
	v59 =	vld.idx.msk [tilespmem:v59+s3+$0x0], $0xffff;
	_ =	sdelay $0x2  }
0x43: {  	v61 =	vld.idx.msk [tilespmem:v61+s3+$0x0], $0xffff  }
0x44: {  	v0 =	vld.idx.msk [tilespmem:v3+s9+$0x0], $0xffff  }
0x45: {  	v62 =	vld.idx.msk [tilespmem:v62+s3+$0x0], $0xffff;
	v63 =	vshrl.u32 v59, $0x10  }
0x46: {  	v63 =	vand.u32 $0x1, v63  }
0x47: {  	v59 =	vadd.s32 v63, v59  }
0x48: {  	v46 =	vld.idx.msk [tilespmem:v5+s9+$0x0], $0xffff;
	v2 =	vor.u32 v8, v52;
	v60 =	vshrl.u32 v61, $0x10;
	v59 =	vadd.s32 $0x7FFF, v59  }
0x49: {  	v60 =	vand.u32 $0x1, v60;
	v59 =	vand.u32 $0xFFFF0000, v59  }
0x4a: {  	v42 =	vshrl.u32 v62, $0x10;
	v61 =	vadd.s32 v60, v61;
	v0 =	vadd.f32 v59, v0  }
0x4b: {  	v60 =	vand.u32 $0x1, v42;
	v59 =	vadd.s32 $0x7FFF, v61  }
0x4c: {  	v61 =	vld.idx.msk [tilespmem:v7+s9+$0x0], $0xffff;
	v59 =	vand.u32 $0xFFFF0000, v59;
	vm1 =	vlt.f32 v0, $-Inf;
	vm2 =	vgt.f32 v0, $-Inf  }
0x4d: {  	v2 =	vld.idx.msk [tilespmem:v2+s3+$0x0], $0xffff;
	v60 =	vadd.s32 v60, v62;
	v59 =	vadd.f32 v59, v46;
	vm1 =	vmor vm2, vm1  }
0x4e: {  	v60 =	vadd.s32 $0x7FFF, v60;
	v0 =	vnsel vm1, $0xFF800000, v0  }
0x4f: {  	v42 =	vand.u32 $0xFFFF0000, v60;
	v46 =	vnsel vm1, $0x0, v3;
	vm1 =	vgt.f32 v59, v0  }
0x50: {  	v3 =	vor.u32 v9, v52;
	v62 =	vsel vm1, v0, v59;
	v4 =	vsel vm1, v46, v5  }
0x51: {  	v0 =	vsel vm1, v59, v0;
	v59 =	vadd.f32 v42, v61;
	v60 =	vsel vm1, v5, v46  }
0x52: {  	v46 =	vshrl.u32 v2, $0x10;
	vm2 =	vlt.f32 v62, $-Inf;
	vm3 =	vgt.f32 v62, $-Inf  }
0x53: {  	v58 =	vld.idx.msk [tilespmem:v8+s9+$0x0], $0xffff;
	v6 =	vor.u32 v10, v52;
	v61 =	vand.u32 $0x1, v46;
	vm1 =	vmor vm3, vm2  }
0x54: {  	vm2 =	vgt.f32 v59, v0;
	v2 =	vadd.s32 v61, v2;
	v62 =	vnsel vm1, $0xFF800000, v62  }
0x55: {  	v4 =	vnsel vm1, $0x0, v4;
	v5 =	vsel vm2, v0, v59;
	v3 =	vld.idx.msk [tilespmem:v3+s3+$0x0], $0xffff;
	v42 =	vsel vm2, v60, v7  }
0x56: {  	v2 =	vadd.s32 $0x7FFF, v2;
	vm1 =	veq.f32 v5, v62;
	vm3 =	vlt.u32 v42, v4  }
0x57: {  	v2 =	vand.u32 $0xFFFF0000, v2;
	vm4 =	vgt.f32 v5, v62;
	vm1 =	vmand vm1, vm3  }
0x58: {  	v2 =	vadd.f32 v2, v58;
	vm1 =	vmor vm4, vm1  }
0x59: {  	v6 =	vld.idx.msk [tilespmem:v6+s3+$0x0], $0xffff;
	v0 =	vsel vm2, v59, v0;
	v59 =	vsel vm2, v7, v60;
	v5 =	vsel vm1, v5, v62  }
0x5a: {  	v58 =	vld.idx.msk [tilespmem:v9+s9+$0x0], $0xffff;
	vm2 =	vgt.f32 v2, v0;
	v4 =	vsel vm1, v42, v4;
	v46 =	vshrl.u32 v3, $0x10  }
0x5b: {  	v42 =	vsel vm2, v0, v2;
	v63 =	vsel vm2, v59, v8;
	v60 =	vand.u32 $0x1, v46  }
0x5c: {  	v0 =	vsel vm2, v2, v0;
	vm1 =	veq.f32 v42, v5;
	v3 =	vadd.s32 v60, v3  }
0x5d: {  	vm3 =	vlt.u32 v63, v4;
	v60 =	vor.u32 v11, v52;
	v3 =	vadd.s32 $0x7FFF, v3  }
0x5e: {  	vm15 =	vgt.f32 v42, v5;
	vm1 =	vmand vm1, vm3;
	v3 =	vand.u32 $0xFFFF0000, v3  }
0x5f: {  	v46 =	vshrl.u32 v6, $0x10;
	vm1 =	vmor vm15, vm1;
	v2 =	vadd.f32 v3, v58  }
0x60: {  	v5 =	vsel vm1, v42, v5;
	v42 =	vld.idx.msk [tilespmem:v10+s9+$0x0], $0xffff;
	v3 =	vsel vm2, v8, v59;
	v59 =	vand.u32 $0x1, v46  }
0x61: {  	v4 =	vsel vm1, v63, v4;
	v6 =	vadd.s32 v59, v6;
	vm1 =	vgt.f32 v2, v0  }
0x62: {  	v46 =	vld.idx.msk [tilespmem:v60+s3+$0x0], $0xffff;
	v6 =	vadd.s32 $0x7FFF, v6;
	v60 =	vor.u32 v12, v52;
	v62 =	vsel vm1, v0, v2  }
0x63: {  	v63 =	vsel vm1, v3, v9;
	v6 =	vand.u32 $0xFFFF0000, v6;
	v0 =	vsel vm1, v2, v0  }
0x64: {  	v2 =	vsel vm1, v9, v3;
	vm2 =	veq.f32 v62, v5;
	vm3 =	vlt.u32 v63, v4  }
0x65: {  	vm8 =	vgt.f32 v62, v5;
	v6 =	vadd.f32 v6, v42;
	vm2 =	vmand vm2, vm3  }
0x66: {  	vm3 =	vgt.u32 v2, v10;
	vm2 =	vmor vm8, vm2  }
0x67: {  	vm1 =	veq.f32 v6, v0;
	v3 =	vsel vm2, v62, v5;
	v5 =	vshrl.u32 v46, $0x10  }
0x68: {  	v42 =	vld.idx.msk [tilespmem:v11+s9+$0x0], $0xffff;
	vm9 =	vgt.f32 v6, v0;
	vm1 =	vmand vm1, vm3;
	v5 =	vand.u32 $0x1, v5  }
0x69: {  	v4 =	vsel vm2, v63, v4;
	v60 =	vld.idx.msk [tilespmem:v60+s3+$0x0], $0xffff;
	vm1 =	vmor vm9, vm1;
	v5 =	vadd.s32 v5, v46  }
0x6a: {  	v46 =	vsel vm1, v0, v6;
	v62 =	vsel vm1, v2, v10;
	v0 =	vsel vm1, v6, v0  }
0x6b: {  	v2 =	vsel vm1, v10, v2;
	v6 =	vor.u32 v13, v52;
	v5 =	vadd.s32 $0x7FFF, v5  }
0x6c: {  	vm1 =	veq.f32 v46, v3;
	vm2 =	vlt.u32 v62, v4;
	v5 =	vand.u32 $0xFFFF0000, v5  }
0x6d: {  	vm3 =	vgt.f32 v46, v3;
	vm1 =	vmand vm1, vm2;
	v5 =	vadd.f32 v5, v42  }
0x6e: {  	v63 =	vld.idx.msk [tilespmem:v12+s9+$0x0], $0xffff;
	vm1 =	vmor vm3, vm1;
	vm3 =	vgt.u32 v2, v11;
	v42 =	vshrl.u32 v60, $0x10  }
0x6f: {  	v3 =	vsel vm1, v46, v3;
	v46 =	vand.u32 $0x1, v42;
	vm2 =	veq.f32 v5, v0  }
0x70: {  	vm10 =	vgt.f32 v5, v0;
	v59 =	vadd.s32 v46, v60;
	vm2 =	vmand vm2, vm3  }
0x71: {  	v4 =	vsel vm1, v62, v4;
	v6 =	vld.idx.msk [tilespmem:v6+s3+$0x0], $0xffff;
	v59 =	vadd.s32 $0x7FFF, v59;
	vm2 =	vmor vm10, vm2  }
0x72: {  	v46 =	vor.u32 v14, v52;
	v59 =	vand.u32 $0xFFFF0000, v59;
	v61 =	vsel vm2, v0, v5  }
0x73: {  	v42 =	vsel vm2, v2, v11;
	v59 =	vadd.f32 v59, v63;
	v0 =	vsel vm2, v5, v0  }
0x74: {  	v2 =	vsel vm2, v11, v2;
	vm3 =	veq.f32 v61, v3;
	vm11 =	vlt.u32 v42, v4  }
0x75: {  	vm1 =	vgt.f32 v61, v3;
	vm3 =	vmand vm3, vm11;
	vm2 =	veq.f32 v59, v0  }
0x76: {  	vm12 =	vgt.f32 v59, v0;
	v5 =	vshrl.u32 v6, $0x10;
	vm1 =	vmor vm1, vm3  }
0x77: {  	v58 =	vld.idx.msk [tilespmem:v13+s9+$0x0], $0xffff;
	vm3 =	vgt.u32 v2, v12;
	v5 =	vand.u32 $0x1, v5;
	v3 =	vsel vm1, v61, v3  }
0x78: {  	vm2 =	vmand vm2, vm3;
	v4 =	vsel vm1, v42, v4;
	v5 =	vadd.s32 v5, v6  }
0x79: {  	v6 =	vld.idx.msk [tilespmem:v46+s3+$0x0], $0xffff;
	v61 =	vor.u32 v15, v52;
	vm1 =	vmor vm12, vm2;
	v5 =	vadd.s32 $0x7FFF, v5  }
0x7a: {  	v42 =	vsel vm1, v0, v59;
	v63 =	vsel vm1, v2, v12;
	v5 =	vand.u32 $0xFFFF0000, v5  }
0x7b: {  	v2 =	vsel vm1, v12, v2;
	vm2 =	veq.f32 v42, v3;
	vm3 =	vlt.u32 v63, v4  }
0x7c: {  	vm13 =	vgt.f32 v42, v3;
	v5 =	vadd.f32 v5, v58;
	vm2 =	vmand vm2, vm3  }
0x7d: {  	v0 =	vsel vm1, v59, v0;
	vm3 =	vgt.u32 v2, v13;
	vm2 =	vmor vm13, vm2  }
0x7e: {  	vm1 =	veq.f32 v5, v0;
	v46 =	vshrl.u32 v6, $0x10;
	vm14 =	vgt.f32 v5, v0  }
0x7f: {  	v3 =	vsel vm2, v42, v3;
	v42 =	vld.idx.msk [tilespmem:v14+s9+$0x0], $0xffff;
	vm1 =	vmand vm1, vm3;
	v59 =	vand.u32 $0x1, v46  }
0x80: {  	v61 =	vld.idx.msk [tilespmem:v61+s3+$0x0], $0xffff;
	v4 =	vsel vm2, v63, v4;
	vm1 =	vmor vm14, vm1;
	v6 =	vadd.s32 v59, v6  }
0x81: {  	v46 =	vsel vm1, v0, v5;
	v62 =	vsel vm1, v2, v13;
	v6 =	vadd.s32 $0x7FFF, v6  }
0x82: {  	v0 =	vsel vm1, v5, v0;
	v2 =	vsel vm1, v13, v2;
	v5 =	vand.u32 $0xFFFF0000, v6  }
0x83: {  	vm1 =	veq.f32 v46, v3;
	vm2 =	vlt.u32 v62, v4;
	vm3 =	vgt.f32 v46, v3  }
0x84: {  	v6 =	vor.u32 v16, v52;
	vm1 =	vmand vm1, vm2;
	v5 =	vadd.f32 v5, v42  }
0x85: {  	v63 =	vld.idx.msk [tilespmem:v15+s9+$0x0], $0xffff;
	vm1 =	vmor vm3, vm1;
	vm3 =	vgt.u32 v2, v14;
	v42 =	vshrl.u32 v61, $0x10  }
0x86: {  	v3 =	vsel vm1, v46, v3;
	v46 =	vand.u32 $0x1, v42;
	vm2 =	veq.f32 v5, v0  }
0x87: {  	vm15 =	vgt.f32 v5, v0;
	v59 =	vadd.s32 v46, v61;
	vm2 =	vmand vm2, vm3  }
0x88: {  	v4 =	vsel vm1, v62, v4;
	v59 =	vadd.s32 $0x7FFF, v59;
	vm2 =	vmor vm15, vm2  }
0x89: {  	v46 =	vor.u32 v17, v52;
	v6 =	vld.idx.msk [tilespmem:v6+s3+$0x0], $0xffff;
	v59 =	vand.u32 $0xFFFF0000, v59;
	v60 =	vsel vm2, v0, v5  }
0x8a: {  	v42 =	vsel vm2, v2, v14;
	v59 =	vadd.f32 v59, v63;
	v0 =	vsel vm2, v5, v0  }
0x8b: {  	v2 =	vsel vm2, v14, v2;
	vm3 =	veq.f32 v60, v3;
	vm8 =	vlt.u32 v42, v4  }
0x8c: {  	vm1 =	vgt.f32 v60, v3;
	vm3 =	vmand vm3, vm8;
	vm2 =	veq.f32 v59, v0  }
0x8d: {  	vm9 =	vgt.f32 v59, v0;
	vm1 =	vmor vm1, vm3;
	vm3 =	vgt.u32 v2, v15  }
0x8e: {  	v58 =	vld.idx.msk [tilespmem:v16+s9+$0x0], $0xffff;
	v5 =	vshrl.u32 v6, $0x10;
	v3 =	vsel vm1, v60, v3;
	vm2 =	vmand vm2, vm3  }
0x8f: {  	v4 =	vsel vm1, v42, v4;
	v5 =	vand.u32 $0x1, v5;
	vm1 =	vmor vm9, vm2  }
0x90: {  	v60 =	vor.u32 v18, v52;
	v5 =	vadd.s32 v5, v6;
	v6 =	vld.idx.msk [tilespmem:v46+s3+$0x0], $0xffff;
	v42 =	vsel vm1, v0, v59  }
0x91: {  	v63 =	vsel vm1, v2, v15;
	v5 =	vadd.s32 $0x7FFF, v5;
	v2 =	vsel vm1, v15, v2  }
0x92: {  	vm2 =	veq.f32 v42, v3;
	vm3 =	vlt.u32 v63, v4;
	v5 =	vand.u32 $0xFFFF0000, v5  }
0x93: {  	vm10 =	vgt.f32 v42, v3;
	vm2 =	vmand vm2, vm3;
	v5 =	vadd.f32 v5, v58  }
0x94: {  	v0 =	vsel vm1, v59, v0;
	vm3 =	vgt.u32 v2, v16;
	vm2 =	vmor vm10, vm2  }
0x95: {  	v3 =	vsel vm2, v42, v3;
	vm1 =	veq.f32 v5, v0;
	v46 =	vshrl.u32 v6, $0x10  }
0x96: {  	v42 =	vld.idx.msk [tilespmem:v17+s9+$0x0], $0xffff;
	vm11 =	vgt.f32 v5, v0;
	vm1 =	vmand vm1, vm3;
	v59 =	vand.u32 $0x1, v46  }
0x97: {  	v60 =	vld.idx.msk [tilespmem:v60+s3+$0x0], $0xffff;
	v4 =	vsel vm2, v63, v4;
	vm1 =	vmor vm11, vm1;
	v6 =	vadd.s32 v59, v6  }
0x98: {  	v46 =	vsel vm1, v0, v5;
	v62 =	vsel vm1, v2, v16;
	v6 =	vadd.s32 $0x7FFF, v6  }
0x99: {  	v0 =	vsel vm1, v5, v0;
	v2 =	vsel vm1, v16, v2;
	v5 =	vand.u32 $0xFFFF0000, v6  }
0x9a: {  	vm1 =	veq.f32 v46, v3;
	vm2 =	vlt.u32 v62, v4;
	vm3 =	vgt.f32 v46, v3  }
0x9b: {  	v6 =	vor.u32 v19, v52;
	v5 =	vadd.f32 v5, v42;
	vm1 =	vmand vm1, vm2  }
0x9c: {  	v42 =	vshrl.u32 v60, $0x10;
	vm1 =	vmor vm3, vm1;
	vm3 =	vgt.u32 v2, v17  }
0x9d: {  	v63 =	vld.idx.msk [tilespmem:v18+s9+$0x0], $0xffff;
	vm2 =	veq.f32 v5, v0;
	vm12 =	vgt.f32 v5, v0;
	v3 =	vsel vm1, v46, v3  }
0x9e: {  	v46 =	vand.u32 $0x1, v42;
	v4 =	vsel vm1, v62, v4;
	vm2 =	vmand vm2, vm3  }
0x9f: {  	v59 =	vadd.s32 v46, v60;
	v46 =	vor.u32 v20, v52;
	vm2 =	vmor vm12, vm2  }
0xa0: {  	v59 =	vadd.s32 $0x7FFF, v59;
	v6 =	vld.idx.msk [tilespmem:v6+s3+$0x0], $0xffff;
	v61 =	vsel vm2, v0, v5;
	v42 =	vsel vm2, v2, v17  }
0xa1: {  	v59 =	vand.u32 $0xFFFF0000, v59;
	vm3 =	veq.f32 v61, v3;
	vm13 =	vlt.u32 v42, v4  }
0xa2: {  	vm1 =	vgt.f32 v61, v3;
	v59 =	vadd.f32 v59, v63;
	vm3 =	vmand vm3, vm13  }
0xa3: {  	v0 =	vsel vm2, v5, v0;
	v2 =	vsel vm2, v17, v2;
	vm1 =	vmor vm1, vm3  }
0xa4: {  	vm2 =	veq.f32 v59, v0;
	vm3 =	vgt.u32 v2, v18;
	vm14 =	vgt.f32 v59, v0  }
0xa5: {  	v58 =	vld.idx.msk [tilespmem:v19+s9+$0x0], $0xffff;
	v3 =	vsel vm1, v61, v3;
	vm2 =	vmand vm2, vm3;
	v5 =	vshrl.u32 v6, $0x10  }
0xa6: {  	v4 =	vsel vm1, v42, v4;
	vm1 =	vmor vm14, vm2;
	v5 =	vand.u32 $0x1, v5  }
0xa7: {  	v61 =	vor.u32 v21, v52;
	v42 =	vsel vm1, v0, v59;
	v5 =	vadd.s32 v5, v6;
	v6 =	vld.idx.msk [tilespmem:v46+s3+$0x0], $0xffff  }
0xa8: {  	v63 =	vsel vm1, v2, v18;
	v2 =	vsel vm1, v18, v2;
	v5 =	vadd.s32 $0x7FFF, v5  }
0xa9: {  	vm2 =	veq.f32 v42, v3;
	vm3 =	vlt.u32 v63, v4;
	v5 =	vand.u32 $0xFFFF0000, v5  }
0xaa: {  	vm15 =	vgt.f32 v42, v3;
	vm2 =	vmand vm2, vm3;
	v5 =	vadd.f32 v5, v58  }
0xab: {  	v0 =	vsel vm1, v59, v0;
	vm3 =	vgt.u32 v2, v19;
	vm2 =	vmor vm15, vm2  }
0xac: {  	v3 =	vsel vm2, v42, v3;
	vm1 =	veq.f32 v5, v0;
	v46 =	vshrl.u32 v6, $0x10  }
0xad: {  	v42 =	vld.idx.msk [tilespmem:v20+s9+$0x0], $0xffff;
	vm8 =	vgt.f32 v5, v0;
	vm1 =	vmand vm1, vm3;
	v59 =	vand.u32 $0x1, v46  }
0xae: {  	v61 =	vld.idx.msk [tilespmem:v61+s3+$0x0], $0xffff;
	v4 =	vsel vm2, v63, v4;
	vm1 =	vmor vm8, vm1;
	v6 =	vadd.s32 v59, v6  }
0xaf: {  	v46 =	vsel vm1, v0, v5;
	v62 =	vsel vm1, v2, v19;
	v6 =	vadd.s32 $0x7FFF, v6  }
0xb0: {  	v0 =	vsel vm1, v5, v0;
	v2 =	vsel vm1, v19, v2;
	v5 =	vand.u32 $0xFFFF0000, v6  }
0xb1: {  	vm1 =	veq.f32 v46, v3;
	vm2 =	vlt.u32 v62, v4;
	vm3 =	vgt.f32 v46, v3  }
0xb2: {  	v6 =	vor.u32 v22, v52;
	v5 =	vadd.f32 v5, v42;
	vm1 =	vmand vm1, vm2  }
0xb3: {  	v42 =	vshrl.u32 v61, $0x10;
	vm1 =	vmor vm3, vm1;
	vm3 =	vgt.u32 v2, v20  }
0xb4: {  	v63 =	vld.idx.msk [tilespmem:v21+s9+$0x0], $0xffff;
	vm2 =	veq.f32 v5, v0;
	vm9 =	vgt.f32 v5, v0;
	v3 =	vsel vm1, v46, v3  }
0xb5: {  	v46 =	vand.u32 $0x1, v42;
	v4 =	vsel vm1, v62, v4;
	vm2 =	vmand vm2, vm3  }
0xb6: {  	v59 =	vadd.s32 v46, v61;
	v46 =	vor.u32 v23, v52;
	vm2 =	vmor vm9, vm2  }
0xb7: {  	v59 =	vadd.s32 $0x7FFF, v59;
	v6 =	vld.idx.msk [tilespmem:v6+s3+$0x0], $0xffff;
	v60 =	vsel vm2, v0, v5;
	v42 =	vsel vm2, v2, v20  }
0xb8: {  	v59 =	vand.u32 $0xFFFF0000, v59;
	vm3 =	veq.f32 v60, v3;
	vm10 =	vlt.u32 v42, v4  }
0xb9: {  	vm1 =	vgt.f32 v60, v3;
	v59 =	vadd.f32 v59, v63;
	vm3 =	vmand vm3, vm10  }
0xba: {  	v0 =	vsel vm2, v5, v0;
	v2 =	vsel vm2, v20, v2;
	vm1 =	vmor vm1, vm3  }
0xbb: {  	vm2 =	veq.f32 v59, v0;
	vm3 =	vgt.u32 v2, v21;
	vm11 =	vgt.f32 v59, v0  }
0xbc: {  	v58 =	vld.idx.msk [tilespmem:v22+s9+$0x0], $0xffff;
	v3 =	vsel vm1, v60, v3;
	vm2 =	vmand vm2, vm3;
	v5 =	vshrl.u32 v6, $0x10  }
0xbd: {  	v4 =	vsel vm1, v42, v4;
	vm1 =	vmor vm11, vm2;
	v5 =	vand.u32 $0x1, v5  }
0xbe: {  	v60 =	vor.u32 v24, v52;
	v42 =	vsel vm1, v0, v59;
	v5 =	vadd.s32 v5, v6;
	v6 =	vld.idx.msk [tilespmem:v46+s3+$0x0], $0xffff  }
0xbf: {  	v63 =	vsel vm1, v2, v21;
	v2 =	vsel vm1, v21, v2;
	v5 =	vadd.s32 $0x7FFF, v5  }
0xc0: {  	vm2 =	veq.f32 v42, v3;
	vm3 =	vlt.u32 v63, v4;
	v5 =	vand.u32 $0xFFFF0000, v5  }
0xc1: {  	vm12 =	vgt.f32 v42, v3;
	vm2 =	vmand vm2, vm3;
	v5 =	vadd.f32 v5, v58  }
0xc2: {  	v0 =	vsel vm1, v59, v0;
	vm3 =	vgt.u32 v2, v22;
	vm2 =	vmor vm12, vm2  }
0xc3: {  	v3 =	vsel vm2, v42, v3;
	vm1 =	veq.f32 v5, v0;
	v46 =	vshrl.u32 v6, $0x10  }
0xc4: {  	v42 =	vld.idx.msk [tilespmem:v23+s9+$0x0], $0xffff;
	vm13 =	vgt.f32 v5, v0;
	vm1 =	vmand vm1, vm3;
	v59 =	vand.u32 $0x1, v46  }
0xc5: {  	v60 =	vld.idx.msk [tilespmem:v60+s3+$0x0], $0xffff;
	v4 =	vsel vm2, v63, v4;
	vm1 =	vmor vm13, vm1;
	v6 =	vadd.s32 v59, v6  }
0xc6: {  	v46 =	vsel vm1, v0, v5;
	v62 =	vsel vm1, v2, v22;
	v6 =	vadd.s32 $0x7FFF, v6  }
0xc7: {  	v0 =	vsel vm1, v5, v0;
	v2 =	vsel vm1, v22, v2;
	v5 =	vand.u32 $0xFFFF0000, v6  }
0xc8: {  	vm1 =	veq.f32 v46, v3;
	vm2 =	vlt.u32 v62, v4;
	vm3 =	vgt.f32 v46, v3  }
0xc9: {  	v6 =	vor.u32 v25, v52;
	v5 =	vadd.f32 v5, v42;
	vm1 =	vmand vm1, vm2  }
0xca: {  	v42 =	vshrl.u32 v60, $0x10;
	vm1 =	vmor vm3, vm1;
	vm3 =	vgt.u32 v2, v23  }
0xcb: {  	v63 =	vld.idx.msk [tilespmem:v24+s9+$0x0], $0xffff;
	vm2 =	veq.f32 v5, v0;
	vm14 =	vgt.f32 v5, v0;
	v3 =	vsel vm1, v46, v3  }
0xcc: {  	v46 =	vand.u32 $0x1, v42;
	v4 =	vsel vm1, v62, v4;
	vm2 =	vmand vm2, vm3  }
0xcd: {  	v59 =	vadd.s32 v46, v60;
	v46 =	vor.u32 v26, v52;
	vm2 =	vmor vm14, vm2  }
0xce: {  	v59 =	vadd.s32 $0x7FFF, v59;
	v6 =	vld.idx.msk [tilespmem:v6+s3+$0x0], $0xffff;
	v61 =	vsel vm2, v0, v5;
	v42 =	vsel vm2, v2, v23  }
0xcf: {  	v59 =	vand.u32 $0xFFFF0000, v59;
	vm3 =	veq.f32 v61, v3;
	vm15 =	vlt.u32 v42, v4  }
0xd0: {  	vm1 =	vgt.f32 v61, v3;
	v59 =	vadd.f32 v59, v63;
	vm3 =	vmand vm3, vm15  }
0xd1: {  	v0 =	vsel vm2, v5, v0;
	v2 =	vsel vm2, v23, v2;
	vm1 =	vmor vm1, vm3  }
0xd2: {  	vm2 =	veq.f32 v59, v0;
	vm3 =	vgt.u32 v2, v24;
	vm8 =	vgt.f32 v59, v0  }
0xd3: {  	v58 =	vld.idx.msk [tilespmem:v25+s9+$0x0], $0xffff;
	v3 =	vsel vm1, v61, v3;
	vm2 =	vmand vm2, vm3;
	v5 =	vshrl.u32 v6, $0x10  }
0xd4: {  	v4 =	vsel vm1, v42, v4;
	vm1 =	vmor vm8, vm2;
	v5 =	vand.u32 $0x1, v5  }
0xd5: {  	v61 =	vor.u32 v27, v52;
	v42 =	vsel vm1, v0, v59;
	v5 =	vadd.s32 v5, v6;
	v6 =	vld.idx.msk [tilespmem:v46+s3+$0x0], $0xffff  }
0xd6: {  	v63 =	vsel vm1, v2, v24;
	v2 =	vsel vm1, v24, v2;
	v5 =	vadd.s32 $0x7FFF, v5  }
0xd7: {  	vm2 =	veq.f32 v42, v3;
	vm3 =	vlt.u32 v63, v4;
	v5 =	vand.u32 $0xFFFF0000, v5  }
0xd8: {  	vm9 =	vgt.f32 v42, v3;
	vm2 =	vmand vm2, vm3;
	v5 =	vadd.f32 v5, v58  }
0xd9: {  	v0 =	vsel vm1, v59, v0;
	vm3 =	vgt.u32 v2, v25;
	vm2 =	vmor vm9, vm2  }
0xda: {  	v3 =	vsel vm2, v42, v3;
	vm1 =	veq.f32 v5, v0;
	v46 =	vshrl.u32 v6, $0x10  }
0xdb: {  	v42 =	vld.idx.msk [tilespmem:v26+s9+$0x0], $0xffff;
	vm10 =	vgt.f32 v5, v0;
	vm1 =	vmand vm1, vm3;
	v59 =	vand.u32 $0x1, v46  }
0xdc: {  	v61 =	vld.idx.msk [tilespmem:v61+s3+$0x0], $0xffff;
	v4 =	vsel vm2, v63, v4;
	vm1 =	vmor vm10, vm1;
	v6 =	vadd.s32 v59, v6  }
0xdd: {  	v46 =	vsel vm1, v0, v5;
	v62 =	vsel vm1, v2, v25;
	v6 =	vadd.s32 $0x7FFF, v6  }
0xde: {  	v0 =	vsel vm1, v5, v0;
	v2 =	vsel vm1, v25, v2;
	v5 =	vand.u32 $0xFFFF0000, v6  }
0xdf: {  	vm1 =	veq.f32 v46, v3;
	vm2 =	vlt.u32 v62, v4;
	vm3 =	vgt.f32 v46, v3  }
0xe0: {  	v6 =	vor.u32 v28, v52;
	v5 =	vadd.f32 v5, v42;
	vm1 =	vmand vm1, vm2  }
0xe1: {  	v42 =	vshrl.u32 v61, $0x10;
	vm1 =	vmor vm3, vm1;
	vm3 =	vgt.u32 v2, v26  }
0xe2: {  	v63 =	vld.idx.msk [tilespmem:v27+s9+$0x0], $0xffff;
	vm2 =	veq.f32 v5, v0;
	vm11 =	vgt.f32 v5, v0;
	v3 =	vsel vm1, v46, v3  }
0xe3: {  	v46 =	vand.u32 $0x1, v42;
	v4 =	vsel vm1, v62, v4;
	vm2 =	vmand vm2, vm3  }
0xe4: {  	v59 =	vadd.s32 v46, v61;
	v46 =	vor.u32 v29, v52;
	vm2 =	vmor vm11, vm2  }
0xe5: {  	v59 =	vadd.s32 $0x7FFF, v59;
	v6 =	vld.idx.msk [tilespmem:v6+s3+$0x0], $0xffff;
	v60 =	vsel vm2, v0, v5;
	v42 =	vsel vm2, v2, v26  }
0xe6: {  	v59 =	vand.u32 $0xFFFF0000, v59;
	vm3 =	veq.f32 v60, v3;
	vm12 =	vlt.u32 v42, v4  }
0xe7: {  	vm1 =	vgt.f32 v60, v3;
	v59 =	vadd.f32 v59, v63;
	vm3 =	vmand vm3, vm12  }
0xe8: {  	v0 =	vsel vm2, v5, v0;
	v2 =	vsel vm2, v26, v2;
	vm1 =	vmor vm1, vm3  }
0xe9: {  	vm2 =	veq.f32 v59, v0;
	vm3 =	vgt.u32 v2, v27;
	vm13 =	vgt.f32 v59, v0  }
0xea: {  	v58 =	vld.idx.msk [tilespmem:v28+s9+$0x0], $0xffff;
	v3 =	vsel vm1, v60, v3;
	vm2 =	vmand vm2, vm3;
	v5 =	vshrl.u32 v6, $0x10  }
0xeb: {  	v4 =	vsel vm1, v42, v4;
	vm1 =	vmor vm13, vm2;
	v5 =	vand.u32 $0x1, v5  }
0xec: {  	v60 =	vor.u32 v30, v52;
	v42 =	vsel vm1, v0, v59;
	v5 =	vadd.s32 v5, v6;
	v6 =	vld.idx.msk [tilespmem:v46+s3+$0x0], $0xffff  }
0xed: {  	v63 =	vsel vm1, v2, v27;
	v2 =	vsel vm1, v27, v2;
	v5 =	vadd.s32 $0x7FFF, v5  }
0xee: {  	vm2 =	veq.f32 v42, v3;
	vm3 =	vlt.u32 v63, v4;
	v5 =	vand.u32 $0xFFFF0000, v5  }
0xef: {  	vm14 =	vgt.f32 v42, v3;
	vm2 =	vmand vm2, vm3;
	v5 =	vadd.f32 v5, v58  }
0xf0: {  	v0 =	vsel vm1, v59, v0;
	vm3 =	vgt.u32 v2, v28;
	vm2 =	vmor vm14, vm2  }
0xf1: {  	v3 =	vsel vm2, v42, v3;
	vm1 =	veq.f32 v5, v0;
	v46 =	vshrl.u32 v6, $0x10  }
0xf2: {  	v42 =	vld.idx.msk [tilespmem:v29+s9+$0x0], $0xffff;
	vm15 =	vgt.f32 v5, v0;
	vm1 =	vmand vm1, vm3;
	v59 =	vand.u32 $0x1, v46  }
0xf3: {  	v60 =	vld.idx.msk [tilespmem:v60+s3+$0x0], $0xffff;
	v4 =	vsel vm2, v63, v4;
	vm1 =	vmor vm15, vm1;
	v6 =	vadd.s32 v59, v6  }
0xf4: {  	v46 =	vsel vm1, v0, v5;
	v62 =	vsel vm1, v2, v28;
	v6 =	vadd.s32 $0x7FFF, v6  }
0xf5: {  	v0 =	vsel vm1, v5, v0;
	v2 =	vsel vm1, v28, v2;
	v5 =	vand.u32 $0xFFFF0000, v6  }
0xf6: {  	vm1 =	veq.f32 v46, v3;
	vm2 =	vlt.u32 v62, v4;
	vm3 =	vgt.f32 v46, v3  }
0xf7: {  	v6 =	vor.u32 v31, v52;
	v5 =	vadd.f32 v5, v42;
	vm1 =	vmand vm1, vm2  }
0xf8: {  	v42 =	vshrl.u32 v60, $0x10;
	vm1 =	vmor vm3, vm1;
	vm3 =	vgt.u32 v2, v29  }
0xf9: {  	v63 =	vld.idx.msk [tilespmem:v30+s9+$0x0], $0xffff;
	vm2 =	veq.f32 v5, v0;
	vm8 =	vgt.f32 v5, v0;
	v3 =	vsel vm1, v46, v3  }
0xfa: {  	v46 =	vand.u32 $0x1, v42;
	v4 =	vsel vm1, v62, v4;
	vm2 =	vmand vm2, vm3  }
0xfb: {  	v59 =	vadd.s32 v46, v60;
	v46 =	vor.u32 v32, v52;
	vm2 =	vmor vm8, vm2  }
0xfc: {  	v59 =	vadd.s32 $0x7FFF, v59;
	v6 =	vld.idx.msk [tilespmem:v6+s3+$0x0], $0xffff;
	v61 =	vsel vm2, v0, v5;
	v42 =	vsel vm2, v2, v29  }
0xfd: {  	v59 =	vand.u32 $0xFFFF0000, v59;
	vm3 =	veq.f32 v61, v3;
	vm9 =	vlt.u32 v42, v4  }
0xfe: {  	vm1 =	vgt.f32 v61, v3;
	v59 =	vadd.f32 v59, v63;
	vm3 =	vmand vm3, vm9  }
0xff: {  	v0 =	vsel vm2, v5, v0;
	v2 =	vsel vm2, v29, v2;
	vm1 =	vmor vm1, vm3  }
0x100: {  	vm2 =	veq.f32 v59, v0;
	vm3 =	vgt.u32 v2, v30;
	vm10 =	vgt.f32 v59, v0  }
0x101: {  	v58 =	vld.idx.msk [tilespmem:v31+s9+$0x0], $0xffff;
	v3 =	vsel vm1, v61, v3;
	vm2 =	vmand vm2, vm3;
	v5 =	vshrl.u32 v6, $0x10  }
0x102: {  	v4 =	vsel vm1, v42, v4;
	vm1 =	vmor vm10, vm2;
	v5 =	vand.u32 $0x1, v5  }
0x103: {  	v61 =	vor.u32 v33, v52;
	v42 =	vsel vm1, v0, v59;
	v5 =	vadd.s32 v5, v6;
	v6 =	vld.idx.msk [tilespmem:v46+s3+$0x0], $0xffff  }
0x104: {  	v63 =	vsel vm1, v2, v30;
	v2 =	vsel vm1, v30, v2;
	v5 =	vadd.s32 $0x7FFF, v5  }
0x105: {  	vm2 =	veq.f32 v42, v3;
	vm3 =	vlt.u32 v63, v4;
	v5 =	vand.u32 $0xFFFF0000, v5  }
0x106: {  	vm11 =	vgt.f32 v42, v3;
	vm2 =	vmand vm2, vm3;
	v5 =	vadd.f32 v5, v58  }
0x107: {  	v0 =	vsel vm1, v59, v0;
	vm3 =	vgt.u32 v2, v31;
	vm2 =	vmor vm11, vm2  }
0x108: {  	v3 =	vsel vm2, v42, v3;
	vm1 =	veq.f32 v5, v0;
	v46 =	vshrl.u32 v6, $0x10  }
0x109: {  	v42 =	vld.idx.msk [tilespmem:v32+s9+$0x0], $0xffff;
	vm12 =	vgt.f32 v5, v0;
	vm1 =	vmand vm1, vm3;
	v59 =	vand.u32 $0x1, v46  }
0x10a: {  	v61 =	vld.idx.msk [tilespmem:v61+s3+$0x0], $0xffff;
	v4 =	vsel vm2, v63, v4;
	vm1 =	vmor vm12, vm1;
	v6 =	vadd.s32 v59, v6  }
0x10b: {  	v46 =	vsel vm1, v0, v5;
	v62 =	vsel vm1, v2, v31;
	v6 =	vadd.s32 $0x7FFF, v6  }
0x10c: {  	v0 =	vsel vm1, v5, v0;
	v2 =	vsel vm1, v31, v2;
	v5 =	vand.u32 $0xFFFF0000, v6  }
0x10d: {  	vm1 =	veq.f32 v46, v3;
	vm2 =	vlt.u32 v62, v4;
	vm3 =	vgt.f32 v46, v3  }
0x10e: {  	v6 =	vor.u32 v34, v52;
	v5 =	vadd.f32 v5, v42;
	vm1 =	vmand vm1, vm2  }
0x10f: {  	v42 =	vshrl.u32 v61, $0x10;
	vm1 =	vmor vm3, vm1;
	vm3 =	vgt.u32 v2, v32  }
0x110: {  	v63 =	vld.idx.msk [tilespmem:v33+s9+$0x0], $0xffff;
	vm2 =	veq.f32 v5, v0;
	vm13 =	vgt.f32 v5, v0;
	v3 =	vsel vm1, v46, v3  }
0x111: {  	v46 =	vand.u32 $0x1, v42;
	v4 =	vsel vm1, v62, v4;
	vm2 =	vmand vm2, vm3  }
0x112: {  	v59 =	vadd.s32 v46, v61;
	v46 =	vor.u32 v35, v52;
	vm2 =	vmor vm13, vm2  }
0x113: {  	v59 =	vadd.s32 $0x7FFF, v59;
	v6 =	vld.idx.msk [tilespmem:v6+s3+$0x0], $0xffff;
	v60 =	vsel vm2, v0, v5;
	v42 =	vsel vm2, v2, v32  }
0x114: {  	v59 =	vand.u32 $0xFFFF0000, v59;
	vm3 =	veq.f32 v60, v3;
	vm14 =	vlt.u32 v42, v4  }
0x115: {  	vm1 =	vgt.f32 v60, v3;
	v59 =	vadd.f32 v59, v63;
	vm3 =	vmand vm3, vm14  }
0x116: {  	v0 =	vsel vm2, v5, v0;
	v2 =	vsel vm2, v32, v2;
	vm1 =	vmor vm1, vm3  }
0x117: {  	vm2 =	veq.f32 v59, v0;
	vm3 =	vgt.u32 v2, v33;
	vm15 =	vgt.f32 v59, v0  }
0x118: {  	v58 =	vld.idx.msk [tilespmem:v34+s9+$0x0], $0xffff;
	v3 =	vsel vm1, v60, v3;
	vm2 =	vmand vm2, vm3;
	v5 =	vshrl.u32 v6, $0x10  }
0x119: {  	v4 =	vsel vm1, v42, v4;
	vm1 =	vmor vm15, vm2;
	v5 =	vand.u32 $0x1, v5  }
0x11a: {  	v60 =	vor.u32 v36, v52;
	v42 =	vsel vm1, v0, v59;
	v5 =	vadd.s32 v5, v6;
	v6 =	vld.idx.msk [tilespmem:v46+s3+$0x0], $0xffff  }
0x11b: {  	v63 =	vsel vm1, v2, v33;
	v2 =	vsel vm1, v33, v2;
	v5 =	vadd.s32 $0x7FFF, v5  }
0x11c: {  	vm2 =	veq.f32 v42, v3;
	vm3 =	vlt.u32 v63, v4;
	v5 =	vand.u32 $0xFFFF0000, v5  }
0x11d: {  	vm8 =	vgt.f32 v42, v3;
	vm2 =	vmand vm2, vm3;
	v5 =	vadd.f32 v5, v58  }
0x11e: {  	v0 =	vsel vm1, v59, v0;
	vm3 =	vgt.u32 v2, v34;
	vm2 =	vmor vm8, vm2  }
0x11f: {  	v3 =	vsel vm2, v42, v3;
	vm1 =	veq.f32 v5, v0;
	v46 =	vshrl.u32 v6, $0x10  }
0x120: {  	v42 =	vld.idx.msk [tilespmem:v35+s9+$0x0], $0xffff;
	vm9 =	vgt.f32 v5, v0;
	vm1 =	vmand vm1, vm3;
	v59 =	vand.u32 $0x1, v46  }
0x121: {  	v60 =	vld.idx.msk [tilespmem:v60+s3+$0x0], $0xffff;
	v4 =	vsel vm2, v63, v4;
	vm1 =	vmor vm9, vm1;
	v6 =	vadd.s32 v59, v6  }
0x122: {  	v46 =	vsel vm1, v0, v5;
	v62 =	vsel vm1, v2, v34;
	v6 =	vadd.s32 $0x7FFF, v6  }
0x123: {  	v0 =	vsel vm1, v5, v0;
	v2 =	vsel vm1, v34, v2;
	v5 =	vand.u32 $0xFFFF0000, v6  }
0x124: {  	vm1 =	veq.f32 v46, v3;
	vm2 =	vlt.u32 v62, v4;
	v6 =	vor.u32 v44, v52  }
0x125: {  	vm3 =	vgt.f32 v46, v3;
	v5 =	vadd.f32 v5, v42;
	vm1 =	vmand vm1, vm2  }
0x126: {  	v42 =	vshrl.u32 v60, $0x10;
	vm1 =	vmor vm3, vm1  }
0x127: {  	v63 =	vld.idx.msk [tilespmem:v36+s9+$0x0], $0xffff;
	vm3 =	vgt.u32 v2, v35;
	vm2 =	veq.f32 v5, v0;
	vm10 =	vgt.f32 v5, v0  }
0x128: {  	v3 =	vsel vm1, v46, v3;
	v46 =	vand.u32 $0x1, v42;
	vm2 =	vmand vm2, vm3  }
0x129: {  	v4 =	vsel vm1, v62, v4;
	v59 =	vadd.s32 v46, v60;
	vm2 =	vmor vm10, vm2;
	v6 =	vld.idx.msk [tilespmem:v6+s3+$0x0], $0xffff  }
0x12a: {  	v46 =	vor.u32 v45, v52;
	v59 =	vadd.s32 $0x7FFF, v59;
	v61 =	vsel vm2, v0, v5  }
0x12b: {  	v42 =	vsel vm2, v2, v35;
	v59 =	vand.u32 $0xFFFF0000, v59;
	v0 =	vsel vm2, v5, v0  }
0x12c: {  	vm3 =	veq.f32 v61, v3;
	vm11 =	vlt.u32 v42, v4;
	v59 =	vadd.f32 v59, v63  }
0x12d: {  	v2 =	vsel vm2, v35, v2;
	vm1 =	vgt.f32 v61, v3;
	vm3 =	vmand vm3, vm11  }
0x12e: {  	v58 =	vld.idx.msk [tilespmem:v44+s9+$0x0], $0xffff;
	vm1 =	vmor vm1, vm3;
	vm2 =	veq.f32 v59, v0;
	v5 =	vshrl.u32 v6, $0x10  }
0x12f: {  	vm3 =	vgt.u32 v2, v36;
	vm12 =	vgt.f32 v59, v0;
	v5 =	vand.u32 $0x1, v5  }
0x130: {  	v3 =	vsel vm1, v61, v3;
	vm2 =	vmand vm2, vm3;
	v5 =	vadd.s32 v5, v6  }
0x131: {  	v4 =	vsel vm1, v42, v4;
	vm1 =	vmor vm12, vm2;
	v6 =	vld.idx.msk [tilespmem:v46+s3+$0x0], $0xffff;
	v5 =	vadd.s32 $0x7FFF, v5  }
0x132: {  	v42 =	vsel vm1, v0, v59;
	v63 =	vsel vm1, v2, v36;
	v5 =	vand.u32 $0xFFFF0000, v5  }
0x133: {  	vm2 =	veq.f32 v42, v3;
	vm3 =	vlt.u32 v63, v4;
	v5 =	vadd.f32 v5, v58;
	v58 =	vld [tilespmem:$0x1FE40]  }
0x134: {  	vm13 =	vgt.f32 v42, v3;
	vm2 =	vmand vm2, vm3  }
0x135: {  	v0 =	vsel vm1, v59, v0;
	v2 =	vsel vm1, v36, v2;
	vm2 =	vmor vm13, vm2  }
0x136: {  	vm3 =	vgt.u32 v2, v44;
	v3 =	vsel vm2, v42, v3;
	v42 =	vld.idx.msk [tilespmem:v45+s9+$0x0], $0xffff;
	v46 =	vshrl.u32 v6, $0x10  }
0x137: {  	vm1 =	veq.f32 v5, v0;
	vm14 =	vgt.f32 v5, v0;
	v59 =	vand.u32 $0x1, v46  }
0x138: {  	vm1 =	vmand vm1, vm3;
	v6 =	vadd.s32 v59, v6;
	v61 =	vor.u32 v58, v52  }
0x139: {  	vm1 =	vmor vm14, vm1;
	v6 =	vadd.s32 $0x7FFF, v6  }
0x13a: {  	v59 =	vsel vm1, v0, v5;
	v0 =	vsel vm1, v5, v0;
	v5 =	vand.u32 $0xFFFF0000, v6  }
0x13b: {  	v5 =	vadd.f32 v5, v42;
	v42 =	vld [tilespmem:$0x1FE50];
	_ =	sdelay $0x1  }
0x13c: {  	v61 =	vld.idx.msk [tilespmem:v61+s3+$0x0], $0xffff  }
0x13d: {  	v4 =	vsel vm2, v63, v4;
	v62 =	vsel vm1, v2, v44  }
0x13e: {  	v2 =	vsel vm1, v44, v2;
	vm1 =	veq.f32 v59, v3;
	vm2 =	vlt.u32 v62, v4  }
0x13f: {  	vm3 =	vgt.f32 v59, v3;
	vm1 =	vmand vm1, vm2;
	v6 =	vor.u32 v42, v52  }
0x140: {  	vm1 =	vmor vm3, vm1;
	vm3 =	vgt.u32 v2, v45;
	vm2 =	veq.f32 v5, v0  }
0x141: {  	v63 =	vld.idx.msk [tilespmem:v58+s9+$0x0], $0xffff;
	vm15 =	vgt.f32 v5, v0;
	v3 =	vsel vm1, v59, v3;
	v46 =	vshrl.u32 v61, $0x10  }
0x142: {  	v4 =	vsel vm1, v62, v4;
	vm2 =	vmand vm2, vm3;
	v46 =	vand.u32 $0x1, v46  }
0x143: {  	v62 =	vor.u32 v56, v52;
	vm2 =	vmor vm15, vm2;
	v59 =	vadd.s32 v46, v61  }
0x144: {  	v60 =	vsel vm2, v0, v5;
	v46 =	vsel vm2, v2, v45;
	v6 =	vld.idx.msk [tilespmem:v6+s3+$0x0], $0xffff;
	v59 =	vadd.s32 $0x7FFF, v59  }
0x145: {  	vm3 =	veq.f32 v60, v3;
	vm8 =	vlt.u32 v46, v4;
	v59 =	vand.u32 $0xFFFF0000, v59  }
0x146: {  	vm1 =	vgt.f32 v60, v3;
	vm3 =	vmand vm3, vm8;
	v59 =	vadd.f32 v59, v63  }
0x147: {  	v0 =	vsel vm2, v5, v0;
	v2 =	vsel vm2, v45, v2;
	vm1 =	vmor vm1, vm3  }
0x148: {  	vm3 =	vgt.u32 v2, v58;
	v3 =	vsel vm1, v60, v3;
	vm2 =	veq.f32 v59, v0  }
0x149: {  	v60 =	vld.idx.msk [tilespmem:v42+s9+$0x0], $0xffff;
	vm9 =	vgt.f32 v59, v0;
	v5 =	vshrl.u32 v6, $0x10;
	vm2 =	vmand vm2, vm3  }
0x14a: {  	v4 =	vsel vm1, v46, v4;
	v5 =	vand.u32 $0x1, v5;
	vm1 =	vmor vm9, vm2  }
0x14b: {  	v5 =	vadd.s32 v5, v6;
	v6 =	vld.idx.msk [tilespmem:v62+s3+$0x0], $0xffff;
	v46 =	vsel vm1, v0, v59;
	v63 =	vsel vm1, v2, v58  }
0x14c: {  	v5 =	vadd.s32 $0x7FFF, v5;
	v0 =	vsel vm1, v59, v0;
	v2 =	vsel vm1, v58, v2  }
0x14d: {  	vm2 =	veq.f32 v46, v3;
	vm3 =	vlt.u32 v63, v4;
	v5 =	vand.u32 $0xFFFF0000, v5  }
0x14e: {  	vm10 =	vgt.f32 v46, v3;
	vm2 =	vmand vm2, vm3;
	v5 =	vadd.f32 v5, v60  }
0x14f: {  	v60 =	vor.u32 v43, v52;
	vm3 =	vgt.u32 v2, v42;
	vm2 =	vmor vm10, vm2  }
0x150: {  	v61 =	vld.idx.msk [tilespmem:v56+s9+$0x0], $0xffff;
	v3 =	vsel vm2, v46, v3;
	vm1 =	veq.f32 v5, v0;
	v46 =	vshrl.u32 v6, $0x10  }
0x151: {  	vm11 =	vgt.f32 v5, v0;
	vm1 =	vmand vm1, vm3;
	v59 =	vand.u32 $0x1, v46  }
0x152: {  	v4 =	vsel vm2, v63, v4;
	vm1 =	vmor vm11, vm1;
	v6 =	vadd.s32 v59, v6  }
0x153: {  	v46 =	vsel vm1, v0, v5;
	v62 =	vsel vm1, v2, v42;
	v6 =	vadd.s32 $0x7FFF, v6  }
0x154: {  	v60 =	vld.idx.msk [tilespmem:v60+s3+$0x0], $0xffff;
	v0 =	vsel vm1, v5, v0;
	v2 =	vsel vm1, v42, v2;
	v5 =	vand.u32 $0xFFFF0000, v6  }
0x155: {  	vm1 =	veq.f32 v46, v3;
	vm2 =	vlt.u32 v62, v4;
	v5 =	vadd.f32 v5, v61  }
0x156: {  	vm3 =	vgt.f32 v46, v3;
	v6 =	vor.u32 v57, v52;
	vm1 =	vmand vm1, vm2  }
0x157: {  	vm1 =	vmor vm3, vm1;
	vm3 =	vgt.u32 v2, v56;
	vm2 =	veq.f32 v5, v0  }
0x158: {  	vm12 =	vgt.f32 v5, v0;
	vm2 =	vmand vm2, vm3  }
0x159: {  	v63 =	vld.idx.msk [tilespmem:v43+s9+$0x0], $0xffff;
	v3 =	vsel vm1, v46, v3;
	v42 =	vshrl.u32 v60, $0x10;
	vm2 =	vmor vm12, vm2  }
0x15a: {  	v4 =	vsel vm1, v62, v4;
	v46 =	vand.u32 $0x1, v42;
	v61 =	vsel vm2, v0, v5  }
0x15b: {  	v6 =	vld.idx.msk [tilespmem:v6+s3+$0x0], $0xffff;
	v59 =	vadd.s32 v46, v60;
	v42 =	vsel vm2, v2, v56;
	v46 =	vor.u32 v37, v52  }
0x15c: {  	v59 =	vadd.s32 $0x7FFF, v59;
	vm3 =	veq.f32 v61, v3;
	vm13 =	vlt.u32 v42, v4  }
0x15d: {  	vm1 =	vgt.f32 v61, v3;
	v59 =	vand.u32 $0xFFFF0000, v59;
	vm3 =	vmand vm3, vm13  }
0x15e: {  	v2 =	vsel vm2, v56, v2;
	v59 =	vadd.f32 v59, v63;
	vm1 =	vmor vm1, vm3  }
0x15f: {  	v0 =	vsel vm2, v5, v0;
	vm3 =	vgt.u32 v2, v43;
	v3 =	vsel vm1, v61, v3  }
0x160: {  	v58 =	vld.idx.msk [tilespmem:v57+s9+$0x0], $0xffff;
	v5 =	vshrl.u32 v6, $0x10;
	v4 =	vsel vm1, v42, v4;
	vm2 =	veq.f32 v59, v0  }
0x161: {  	vm14 =	vgt.f32 v59, v0;
	v5 =	vand.u32 $0x1, v5;
	vm2 =	vmand vm2, vm3  }
0x162: {  	v61 =	vor.u32 v38, v52;
	v5 =	vadd.s32 v5, v6;
	v6 =	vld.idx.msk [tilespmem:v46+s3+$0x0], $0xffff;
	vm1 =	vmor vm14, vm2  }
0x163: {  	v5 =	vadd.s32 $0x7FFF, v5;
	v42 =	vsel vm1, v0, v59;
	v63 =	vsel vm1, v2, v43  }
0x164: {  	v5 =	vand.u32 $0xFFFF0000, v5;
	v0 =	vsel vm1, v59, v0;
	v2 =	vsel vm1, v43, v2  }
0x165: {  	vm2 =	veq.f32 v42, v3;
	vm3 =	vlt.u32 v63, v4;
	v5 =	vadd.f32 v5, v58  }
0x166: {  	vm15 =	vgt.f32 v42, v3;
	vm2 =	vmand vm2, vm3;
	vm3 =	vgt.u32 v2, v57  }
0x167: {  	vm2 =	vmor vm15, vm2;
	vm1 =	veq.f32 v5, v0;
	v46 =	vshrl.u32 v6, $0x10  }
0x168: {  	vm8 =	vgt.f32 v5, v0;
	v3 =	vsel vm2, v42, v3;
	vm1 =	vmand vm1, vm3  }
0x169: {  	v42 =	vld.idx.msk [tilespmem:v37+s9+$0x0], $0xffff;
	v59 =	vand.u32 $0x1, v46;
	v4 =	vsel vm2, v63, v4;
	vm1 =	vmor vm8, vm1  }
0x16a: {  	v61 =	vld.idx.msk [tilespmem:v61+s3+$0x0], $0xffff;
	v6 =	vadd.s32 v59, v6;
	v46 =	vsel vm1, v0, v5;
	v62 =	vsel vm1, v2, v57  }
0x16b: {  	v6 =	vadd.s32 $0x7FFF, v6;
	v0 =	vsel vm1, v5, v0;
	v2 =	vsel vm1, v57, v2  }
0x16c: {  	v5 =	vand.u32 $0xFFFF0000, v6;
	vm1 =	veq.f32 v46, v3;
	vm2 =	vlt.u32 v62, v4  }
0x16d: {  	vm3 =	vgt.f32 v46, v3;
	v6 =	vor.u32 v40, v52;
	vm1 =	vmand vm1, vm2  }
0x16e: {  	v5 =	vadd.f32 v5, v42;
	vm1 =	vmor vm3, vm1  }
0x16f: {  	v63 =	vld.idx.msk [tilespmem:v38+s9+$0x0], $0xffff;
	vm3 =	vgt.u32 v2, v37;
	v42 =	vshrl.u32 v61, $0x10;
	v3 =	vsel vm1, v46, v3  }
0x170: {  	v46 =	vand.u32 $0x1, v42;
	v4 =	vsel vm1, v62, v4;
	vm2 =	veq.f32 v5, v0  }
0x171: {  	vm9 =	vgt.f32 v5, v0;
	v59 =	vadd.s32 v46, v61;
	vm2 =	vmand vm2, vm3  }
0x172: {  	v46 =	vor.u32 v41, v52;
	v59 =	vadd.s32 $0x7FFF, v59;
	v6 =	vld.idx.msk [tilespmem:v6+s3+$0x0], $0xffff;
	vm2 =	vmor vm9, vm2  }
0x173: {  	v59 =	vand.u32 $0xFFFF0000, v59;
	v60 =	vsel vm2, v0, v5;
	v42 =	vsel vm2, v2, v37  }
0x174: {  	v59 =	vadd.f32 v59, v63;
	v0 =	vsel vm2, v5, v0;
	v2 =	vsel vm2, v37, v2  }
0x175: {  	vm1 =	vgt.f32 v60, v3;
	vm3 =	veq.f32 v60, v3;
	vm10 =	vlt.u32 v42, v4  }
0x176: {  	vm3 =	vmand vm3, vm10;
	vm2 =	veq.f32 v59, v0;
	vm11 =	vgt.f32 v59, v0  }
0x177: {  	v58 =	vld.idx.msk [tilespmem:v40+s9+$0x0], $0xffff;
	vm1 =	vmor vm1, vm3;
	vm3 =	vgt.u32 v2, v38;
	v5 =	vshrl.u32 v6, $0x10  }
0x178: {  	v3 =	vsel vm1, v60, v3;
	vm2 =	vmand vm2, vm3;
	v5 =	vand.u32 $0x1, v5  }
0x179: {  	v4 =	vsel vm1, v42, v4;
	vm1 =	vmor vm11, vm2;
	v5 =	vadd.s32 v5, v6  }
0x17a: {  	v60 =	vor.u32 v47, v52;
	v6 =	vld.idx.msk [tilespmem:v46+s3+$0x0], $0xffff;
	v37 =	vsel vm1, v0, v59;
	v5 =	vadd.s32 $0x7FFF, v5  }
0x17b: {  	v42 =	vsel vm1, v2, v38;
	v0 =	vsel vm1, v59, v0;
	v5 =	vand.u32 $0xFFFF0000, v5  }
0x17c: {  	vm2 =	veq.f32 v37, v3;
	vm3 =	vlt.u32 v42, v4;
	v5 =	vadd.f32 v5, v58  }
0x17d: {  	v2 =	vsel vm1, v38, v2;
	vm12 =	vgt.f32 v37, v3;
	vm2 =	vmand vm2, vm3  }
0x17e: {  	vm3 =	vgt.u32 v2, v40;
	vm2 =	vmor vm12, vm2;
	vm1 =	veq.f32 v5, v0  }
0x17f: {  	v60 =	vld.idx.msk [tilespmem:v60+s3+$0x0], $0xffff;
	v46 =	vshrl.u32 v6, $0x10;
	vm13 =	vgt.f32 v5, v0;
	vm1 =	vmand vm1, vm3  }
0x180: {  	v3 =	vsel vm2, v37, v3;
	v37 =	vld.idx.msk [tilespmem:v41+s9+$0x0], $0xffff;
	v59 =	vand.u32 $0x1, v46;
	vm1 =	vmor vm13, vm1  }
0x181: {  	v4 =	vsel vm2, v42, v4;
	v6 =	vadd.s32 v59, v6;
	v42 =	vsel vm1, v0, v5  }
0x182: {  	v46 =	vsel vm1, v2, v40;
	v6 =	vadd.s32 $0x7FFF, v6;
	v0 =	vsel vm1, v5, v0  }
0x183: {  	v2 =	vsel vm1, v40, v2;
	v5 =	vand.u32 $0xFFFF0000, v6;
	vm1 =	veq.f32 v42, v3  }
0x184: {  	vm2 =	vlt.u32 v46, v4;
	vm3 =	vgt.f32 v42, v3;
	v6 =	vor.u32 v48, v52  }
0x185: {  	v63 =	vld.idx.msk [tilespmem:v47+s9+$0x0], $0xffff;
	v58 =	vshrl.u32 v60, $0x10;
	v5 =	vadd.f32 v5, v37;
	vm1 =	vmand vm1, vm2  }
0x186: {  	v37 =	vand.u32 $0x1, v58;
	v58 =	vor.u32 v53, v52;
	vm1 =	vmor vm3, vm1  }
0x187: {  	vm3 =	vgt.u32 v2, v41;
	v59 =	vadd.s32 v37, v60;
	vm2 =	veq.f32 v5, v0  }
0x188: {  	vm14 =	vgt.f32 v5, v0;
	v59 =	vadd.s32 $0x7FFF, v59;
	vm2 =	vmand vm2, vm3  }
0x189: {  	v3 =	vsel vm1, v42, v3;
	v59 =	vand.u32 $0xFFFF0000, v59;
	vm2 =	vmor vm14, vm2;
	v6 =	vld.idx.msk [tilespmem:v6+s3+$0x0], $0xffff  }
0x18a: {  	v4 =	vsel vm1, v46, v4;
	v59 =	vadd.f32 v59, v63;
	v42 =	vsel vm2, v0, v5  }
0x18b: {  	v46 =	vsel vm2, v2, v41;
	v0 =	vsel vm2, v5, v0;
	v2 =	vsel vm2, v41, v2  }
0x18c: {  	vm1 =	vgt.f32 v42, v3;
	vm3 =	veq.f32 v42, v3;
	vm15 =	vlt.u32 v46, v4  }
0x18d: {  	vm2 =	veq.f32 v59, v0;
	vm8 =	vgt.f32 v59, v0;
	vm3 =	vmand vm3, vm15  }
0x18e: {  	vm1 =	vmor vm1, vm3;
	vm3 =	vgt.u32 v2, v47;
	v5 =	vshrl.u32 v6, $0x10  }
0x18f: {  	v37 =	vld.idx.msk [tilespmem:v48+s9+$0x0], $0xffff;
	v3 =	vsel vm1, v42, v3;
	vm2 =	vmand vm2, vm3;
	v5 =	vand.u32 $0x1, v5  }
0x190: {  	v4 =	vsel vm1, v46, v4;
	vm1 =	vmor vm8, vm2;
	v5 =	vadd.s32 v5, v6;
	v6 =	vld.idx.msk [tilespmem:v58+s3+$0x0], $0xffff  }
0x191: {  	v46 =	vor.u32 v54, v52;
	v41 =	vsel vm1, v0, v59  }
0x192: {  	v42 =	vsel vm1, v2, v47;
	v0 =	vsel vm1, v59, v0;
	v5 =	vadd.s32 $0x7FFF, v5  }
0x193: {  	v2 =	vsel vm1, v47, v2;
	vm2 =	veq.f32 v41, v3;
	v5 =	vand.u32 $0xFFFF0000, v5  }
0x194: {  	vm3 =	vlt.u32 v42, v4;
	vm9 =	vgt.f32 v41, v3;
	v5 =	vadd.f32 v5, v37  }
0x195: {  	vm2 =	vmand vm2, vm3;
	vm3 =	vgt.u32 v2, v48;
	v37 =	vld.idx.msk [tilespmem:v53+s9+$0x0], $0xffff;
	v47 =	vshrl.u32 v6, $0x10  }
0x196: {  	vm2 =	vmor vm9, vm2;
	vm1 =	veq.f32 v5, v0;
	v59 =	vand.u32 $0x1, v47  }
0x197: {  	vm10 =	vgt.f32 v5, v0;
	vm1 =	vmand vm1, vm3;
	v6 =	vadd.s32 v59, v6  }
0x198: {  	v3 =	vsel vm2, v41, v3;
	vm1 =	vmor vm10, vm1;
	v6 =	vadd.s32 $0x7FFF, v6  }
0x199: {  	v41 =	vsel vm1, v0, v5;
	v0 =	vsel vm1, v5, v0;
	v5 =	vand.u32 $0xFFFF0000, v6  }
0x19a: {  	v5 =	vadd.f32 v5, v37;
	v37 =	vld [tilespmem:$0x1FF30]  }
0x19b: {  	v61 =	vld.idx.msk [tilespmem:v46+s3+$0x0], $0xffff;
	_ =	sdelay $0x1  }
0x19c: {  	v4 =	vsel vm2, v42, v4;
	v42 =	vsel vm1, v2, v48  }
0x19d: {  	v2 =	vsel vm1, v48, v2;
	vm1 =	veq.f32 v41, v3;
	vm2 =	vlt.u32 v42, v4  }
0x19e: {  	vm3 =	vgt.f32 v41, v3;
	vm1 =	vmand vm1, vm2;
	v6 =	vor.u32 v37, v52  }
0x19f: {  	v47 =	vld.idx.msk [tilespmem:v54+s9+$0x0], $0xffff;
	v46 =	vshrl.u32 v61, $0x10;
	vm1 =	vmor vm3, vm1  }
0x1a0: {  	v3 =	vsel vm1, v41, v3;
	v41 =	vand.u32 $0x1, v46  }
0x1a1: {  	vm3 =	vgt.u32 v2, v53;
	vm2 =	veq.f32 v5, v0;
	v59 =	vadd.s32 v41, v61  }
0x1a2: {  	vm11 =	vgt.f32 v5, v0;
	vm2 =	vmand vm2, vm3;
	v59 =	vadd.s32 $0x7FFF, v59  }
0x1a3: {  	v4 =	vsel vm1, v42, v4;
	vm2 =	vmor vm11, vm2;
	v59 =	vand.u32 $0xFFFF0000, v59;
	v6 =	vld.idx.msk [tilespmem:v6+s3+$0x0], $0xffff  }
0x1a4: {  	v42 =	vsel vm2, v0, v5;
	v48 =	vsel vm2, v2, v53;
	v59 =	vadd.f32 v59, v47;
	v47 =	vld [tilespmem:$0x1FF40]  }
0x1a5: {  	vm3 =	veq.f32 v42, v3;
	vm12 =	vlt.u32 v48, v4  }
0x1a6: {  	vm1 =	vgt.f32 v42, v3;
	vm3 =	vmand vm3, vm12  }
0x1a7: {  	vm1 =	vmor vm1, vm3  }
0x1a8: {  	v0 =	vsel vm2, v5, v0;
	v3 =	vsel vm1, v42, v3;
	v42 =	vld.idx.msk [tilespmem:v37+s9+$0x0], $0xffff;
	v5 =	vshrl.u32 v6, $0x10  }
0x1a9: {  	v41 =	vor.u32 v47, v52;
	v5 =	vand.u32 $0x1, v5  }
0x1aa: {  	v2 =	vsel vm2, v53, v2;
	v5 =	vadd.s32 v5, v6  }
0x1ab: {  	vm2 =	veq.f32 v59, v0;
	vm3 =	vgt.u32 v2, v54;
	v5 =	vadd.s32 $0x7FFF, v5  }
0x1ac: {  	vm13 =	vgt.f32 v59, v0;
	vm2 =	vmand vm2, vm3;
	v5 =	vand.u32 $0xFFFF0000, v5  }
0x1ad: {  	v4 =	vsel vm1, v48, v4;
	vm1 =	vmor vm13, vm2;
	v5 =	vadd.f32 v5, v42;
	v42 =	vld [tilespmem:$0x1FE60]  }
0x1ae: {  	v46 =	vsel vm1, v0, v59;
	v48 =	vsel vm1, v2, v54;
	v6 =	vld.idx.msk [tilespmem:v41+s3+$0x0], $0xffff  }
0x1af: {  	vm2 =	veq.f32 v46, v3;
	vm3 =	vlt.u32 v48, v4  }
0x1b0: {  	v2 =	vsel vm1, v54, v2;
	vm14 =	vgt.f32 v46, v3;
	vm2 =	vmand vm2, vm3  }
0x1b1: {  	v0 =	vsel vm1, v59, v0;
	vm3 =	vgt.u32 v2, v37;
	vm2 =	vmor vm14, vm2  }
0x1b2: {  	v3 =	vsel vm2, v46, v3;
	vm1 =	veq.f32 v5, v0;
	v59 =	vor.u32 v42, v52  }
0x1b3: {  	v41 =	vld.idx.msk [tilespmem:v47+s9+$0x0], $0xffff;
	v58 =	vshrl.u32 v6, $0x10;
	vm15 =	vgt.f32 v5, v0;
	vm1 =	vmand vm1, vm3  }
0x1b4: {  	v4 =	vsel vm2, v48, v4;
	v60 =	vand.u32 $0x1, v58;
	v58 =	vld [tilespmem:$0x1FE90];
	vm1 =	vmor vm15, vm1  }
0x1b5: {  	v6 =	vadd.s32 v60, v6;
	v46 =	vsel vm1, v0, v5;
	v48 =	vsel vm1, v2, v37  }
0x1b6: {  	v6 =	vadd.s32 $0x7FFF, v6;
	v0 =	vsel vm1, v5, v0;
	v2 =	vsel vm1, v37, v2  }
0x1b7: {  	v5 =	vand.u32 $0xFFFF0000, v6;
	vm1 =	veq.f32 v46, v3;
	vm2 =	vlt.u32 v48, v4;
	v6 =	vld.idx.msk [tilespmem:v59+s3+$0x0], $0xffff  }
0x1b8: {  	vm3 =	vgt.f32 v46, v3;
	v5 =	vadd.f32 v5, v41;
	vm1 =	vmand vm1, vm2  }
0x1b9: {  	v37 =	vor.u32 v58, v52;
	vm1 =	vmor vm3, vm1  }
0x1ba: {  	vm3 =	vgt.u32 v2, v47;
	vm2 =	veq.f32 v5, v0;
	v3 =	vsel vm1, v46, v3  }
0x1bb: {  	vm8 =	vgt.f32 v5, v0;
	v4 =	vsel vm1, v48, v4;
	vm2 =	vmand vm2, vm3  }
0x1bc: {  	v46 =	vld.idx.msk [tilespmem:v42+s9+$0x0], $0xffff;
	v59 =	vsel vm0, v50, v1;
	vm1 =	vmor vm8, vm2;
	v41 =	vshrl.u32 v6, $0x10  }
0x1bd: {  	v48 =	vsel vm1, v0, v5;
	v63 =	vsel vm1, v2, v47;
	v60 =	vand.u32 $0x1, v41  }
0x1be: {  	vm2 =	veq.f32 v48, v3;
	v6 =	vadd.s32 v60, v6;
	v60 =	vld.idx.msk [tilespmem:v37+s3+$0x0], $0xffff;
	v37 =	vmov v31  }
0x1bf: {  	v31 =	vmovc v23;
	v23 =	vmovc v15;
	v15 =	vmov v7;
	v7 =	vcombine.low v51, v59;
	v6 =	vadd.s32 $0x7FFF, v6  }
0x1c0: {  	vm3 =	vlt.u32 v63, v4;
	vm9 =	vgt.f32 v48, v3;
	v6 =	vand.u32 $0xFFFF0000, v6  }
0x1c1: {  	vm2 =	vmand vm2, vm3;
	v6 =	vadd.f32 v6, v46;
	v46 =	vor.u32 v7, v52  }
0x1c2: {  	v0 =	vsel vm1, v5, v0;
	v2 =	vsel vm1, v47, v2;
	vm2 =	vmor vm9, vm2  }
0x1c3: {  	vm3 =	vgt.u32 v2, v42;
	v3 =	vsel vm2, v48, v3;
	vm1 =	veq.f32 v6, v0  }
0x1c4: {  	v48 =	vld.idx.msk [tilespmem:v58+s9+$0x0], $0xffff;
	v5 =	vshrl.u32 v60, $0x10;
	vm10 =	vgt.f32 v6, v0;
	vm1 =	vmand vm1, vm3  }
0x1c5: {  	v5 =	vand.u32 $0x1, v5;
	vm1 =	vmor vm10, vm1  }
0x1c6: {  	v4 =	vsel vm2, v63, v4;
	v5 =	vadd.s32 v5, v60;
	v60 =	vsel vm1, v0, v6;
	v61 =	vld.idx.msk [tilespmem:v46+s3+$0x0], $0xffff  }
0x1c7: {  	v63 =	vsel vm1, v2, v42;
	v5 =	vadd.s32 $0x7FFF, v5;
	v2 =	vsel vm1, v42, v2  }
0x1c8: {  	v46 =	vld [tilespmem:$0x1FEC0];
	vm2 =	veq.f32 v60, v3;
	vm3 =	vlt.u32 v63, v4;
	v5 =	vand.u32 $0xFFFF0000, v5  }
0x1c9: {  	v47 =	vmovc v36;
	v36 =	vmovc v28;
	vm11 =	vgt.f32 v60, v3;
	vm2 =	vmand vm2, vm3;
	v5 =	vadd.f32 v5, v48  }
0x1ca: {  	v28 =	vmovc v20;
	v20 =	vmovc v16;
	v0 =	vsel vm1, v6, v0;
	vm3 =	vgt.u32 v2, v58;
	vm1 =	vmor vm11, vm2  }
0x1cb: {  	v16 =	vmovc v8;
	v8 =	vld.idx.msk [tilespmem:v7+s9+$0x0], $0xffff;
	vm2 =	veq.f32 v5, v0;
	vm12 =	vgt.f32 v5, v0;
	v62 =	vshrl.u32 v61, $0x10  }
0x1cc: {  	v3 =	vsel vm1, v60, v3;
	vm2 =	vmand vm2, vm3;
	v42 =	vand.u32 $0x1, v62  }
0x1cd: {  	v6 =	vor.u32 v46, v52;
	vm2 =	vmor vm12, vm2;
	v60 =	vadd.s32 v42, v61  }
0x1ce: {  	v62 =	vsel vm2, v0, v5;
	v0 =	vsel vm2, v5, v0;
	v5 =	vadd.s32 $0x7FFF, v60  }
0x1cf: {  	v5 =	vand.u32 $0xFFFF0000, v5  }
0x1d0: {  	v5 =	vadd.f32 v5, v8;
	v8 =	vld [tilespmem:$0x1FED0];
	_ =	sdelay $0x1  }
0x1d1: {  	v41 =	vmov v43;
	v6 =	vld.idx.msk [tilespmem:v6+s3+$0x0], $0xffff  }
0x1d2: {  	v43 =	vmovc v35;
	v35 =	vmovc v27;
	v27 =	vmov v19;
	v19 =	vmov v11;
	v4 =	vsel vm1, v63, v4  }
0x1d3: {  	v48 =	vmovc v50;
	v61 =	vsel vm2, v2, v58;
	v42 =	vsel vm0, v55, v39;
	v2 =	vsel vm2, v58, v2  }
0x1d4: {  	v50 =	vmovc v45;
	vm1 =	veq.f32 v62, v3;
	vm3 =	vlt.u32 v61, v4;
	v8 =	vcombine.low v42, v8  }
0x1d5: {  	v45 =	vmovc v44;
	v44 =	vmovc v32;
	vm2 =	vgt.f32 v62, v3;
	vm13 =	vgt.u32 v2, v7;
	vm1 =	vmand vm1, vm3  }
0x1d6: {  	v32 =	vmovc v24;
	v24 =	vmovc v12;
	vm1 =	vmor vm2, vm1;
	v58 =	vshrl.u32 v6, $0x10;
	v60 =	vor.u32 v8, v52  }
0x1d7: {  	v11 =	vld [tilespmem:$0x1FE80];
	v12 =	vmovc v53;
	v53 =	vmovc v38;
	v3 =	vsel vm1, v62, v3;
	vm3 =	veq.f32 v5, v0;
	v62 =	vand.u32 $0x1, v58  }
0x1d8: {  	v38 =	vmovc v57;
	v57 =	vmovc v56;
	vm2 =	vgt.f32 v5, v0;
	vm3 =	vmand vm3, vm13;
	v6 =	vadd.s32 v62, v6;
	v62 =	vld [tilespmem:$0x1FE70]  }
0x1d9: {  	v56 =	vmovc v55;
	v55 =	vmovc v39;
	v39 =	vmov v33;
	v33 =	vmov v29;
	v63 =	vld.idx.msk [tilespmem:v46+s9+$0x0], $0xffff;
	vm2 =	vmor vm2, vm3  }
0x1da: {  	v29 =	vmovc v25;
	v25 =	vmovc v21;
	v21 =	vmov v17;
	v4 =	vsel vm1, v61, v4;
	v61 =	vsel vm2, v0, v5  }
0x1db: {  	v17 =	vmovc v13;
	v13 =	vmov v9;
	v9 =	vsel vm2, v2, v7;
	vm1 =	vgt.f32 v61, v3;
	v60 =	vld.idx.msk [tilespmem:v60+s3+$0x0], $0xffff  }
0x1dc: {  	vm3 =	veq.f32 v61, v3;
	vm14 =	vlt.u32 v9, v4;
	v6 =	vadd.s32 $0x7FFF, v6  }
0x1dd: {  	vm3 =	vmand vm3, vm14;
	v6 =	vand.u32 $0xFFFF0000, v6;
	v42 =	vsel vm0, v11, v62;
	v11 =	vld [tilespmem:$0x1FEE0]  }
0x1de: {  	v2 =	vsel vm2, v7, v2;
	vm1 =	vmor vm1, vm3;
	v6 =	vadd.f32 v6, v63  }
0x1df: {  	v0 =	vsel vm2, v5, v0;
	vm3 =	vgt.u32 v2, v46;
	v3 =	vsel vm1, v61, v3  }
0x1e0: {  	v4 =	vsel vm1, v9, v4;
	vm2 =	veq.f32 v6, v0;
	v7 =	vshrl.u32 v60, $0x10  }
0x1e1: {  	vm15 =	vgt.f32 v6, v0;
	vm2 =	vmand vm2, vm3;
	v7 =	vand.u32 $0x1, v7  }
0x1e2: {  	vm1 =	vmor vm15, vm2;
	v62 =	vcombine.low v42, v11;
	v7 =	vadd.s32 v7, v60  }
0x1e3: {  	v9 =	vsel vm1, v0, v6;
	v0 =	vsel vm1, v6, v0;
	v6 =	vadd.s32 $0x7FFF, v7;
	v7 =	vld [tilespmem:$0x1FEA0]  }
0x1e4: {  	v11 =	vld [tilespmem:$0x1FF00];
	v5 =	vor.u32 v62, v52;
	_ =	sdelay $0x1  }
0x1e5: {  	v58 =	vld.idx.msk [tilespmem:v8+s9+$0x0], $0xffff;
	_ =	sdelay $0x1  }
0x1e6: {  	v7 =	vsel vm0, v1, v7  }
0x1e7: {  	v42 =	vsel vm1, v2, v46;
	v5 =	vld.idx.msk [tilespmem:v5+s3+$0x0], $0xffff;
	v7 =	vcombine.low v7, v11  }
0x1e8: {  	v2 =	vsel vm1, v46, v2;
	vm1 =	veq.f32 v9, v3;
	v6 =	vand.u32 $0xFFFF0000, v6  }
0x1e9: {  	vm2 =	vlt.u32 v42, v4;
	v60 =	vld [tilespmem:$0x1FEB0];
	v6 =	vadd.f32 v6, v58;
	v58 =	vor.u32 v7, v52  }
0x1ea: {  	vm3 =	vgt.f32 v9, v3;
	vm1 =	vmand vm1, vm2;
	v11 =	vmovc v54;
	v54 =	vmovc v40;
	v40 =	vmov v1;
	v1 =	vld [tilespmem:$0x1FEF0]  }
0x1eb: {  	vm1 =	vmor vm3, vm1  }
0x1ec: {  	v3 =	vsel vm1, v9, v3;
	v9 =	vshrl.u32 v5, $0x10  }
0x1ed: {  	vm3 =	vgt.u32 v2, v8;
	v61 =	vld.idx.msk [tilespmem:v62+s9+$0x0], $0xffff;
	v9 =	vand.u32 $0x1, v9  }
0x1ee: {  	v4 =	vsel vm1, v42, v4;
	vm2 =	veq.f32 v6, v0;
	v5 =	vadd.s32 v9, v5;
	v9 =	vld.idx.msk [tilespmem:v58+s3+$0x0], $0xffff  }
0x1ef: {  	vm8 =	vgt.f32 v6, v0;
	vm2 =	vmand vm2, vm3;
	v58 =	vsel vm0, v1, v60;
	v1 =	vld [tilespmem:$0x1FF10]  }
0x1f0: {  	v42 =	vmovc v34;
	v34 =	vmovc v30;
	v30 =	vmov v26;
	v26 =	vmov v22;
	vm1 =	vmor vm8, vm2  }
0x1f1: {  	v22 =	vmovc v18;
	v18 =	vmovc v14;
	v14 =	vmov v10;
	v63 =	vsel vm1, v0, v6;
	v10 =	vsel vm1, v2, v8  }
0x1f2: {  	vm2 =	veq.f32 v63, v3;
	vm3 =	vlt.u32 v10, v4;
	v5 =	vadd.s32 $0x7FFF, v5  }
0x1f3: {  	v2 =	vsel vm1, v8, v2;
	vm2 =	vmand vm2, vm3;
	v5 =	vand.u32 $0xFFFF0000, v5  }
0x1f4: {  	vm3 =	vgt.f32 v63, v3;
	v5 =	vadd.f32 v5, v61;
	v60 =	vcombine.low v58, v1  }
0x1f5: {  	v0 =	vsel vm1, v6, v0;
	vm2 =	vmor vm3, vm2;
	vm3 =	vgt.u32 v2, v62  }
0x1f6: {  	v3 =	vsel vm2, v63, v3;
	v63 =	vld [tilespmem:$0x1FF70];
	vm1 =	veq.f32 v5, v0;
	v46 =	vor.u32 v60, v52  }
0x1f7: {  	v8 =	vld.idx.msk [tilespmem:v7+s9+$0x0], $0xffff;
	vm1 =	vmand vm1, vm3;
	vm3 =	vgt.f32 v5, v0;
	v6 =	vshrl.u32 v9, $0x10  }
0x1f8: {  	vm1 =	vmor vm3, vm1;
	v6 =	vand.u32 $0x1, v6  }
0x1f9: {  	v4 =	vsel vm2, v10, v4;
	v10 =	vsel vm1, v2, v62;
	v6 =	vadd.s32 v6, v9  }
0x1fa: {  	v2 =	vsel vm1, v62, v2;
	v9 =	vsel vm1, v0, v5;
	v6 =	vadd.s32 $0x7FFF, v6  }
0x1fb: {  	v0 =	vsel vm1, v5, v0;
	vm2 =	vlt.u32 v10, v4;
	v5 =	vand.u32 $0xFFFF0000, v6;
	v61 =	vld.idx.msk [tilespmem:v46+s3+$0x0], $0xffff  }
0x1fc: {  	vm1 =	veq.f32 v9, v3;
	v6 =	vor.u32 v63, v52;
	v5 =	vadd.f32 v5, v8  }
0x1fd: {  	vm3 =	vgt.f32 v9, v3;
	vm1 =	vmand vm1, vm2  }
0x1fe: {  	vm1 =	vmor vm3, vm1;
	vm3 =	vgt.u32 v2, v7;
	vm2 =	veq.f32 v5, v0  }
0x1ff: {  	vm9 =	vgt.f32 v5, v0;
	vm2 =	vmand vm2, vm3  }
0x200: {  	v58 =	vld.idx.msk [tilespmem:v60+s9+$0x0], $0xffff;
	v3 =	vsel vm1, v9, v3;
	vm2 =	vmor vm9, vm2;
	v8 =	vshrl.u32 v61, $0x10  }
0x201: {  	v4 =	vsel vm1, v10, v4;
	v6 =	vld.idx.msk [tilespmem:v6+s3+$0x0], $0xffff;
	v9 =	vsel vm2, v0, v5;
	v8 =	vand.u32 $0x1, v8  }
0x202: {  	v0 =	vsel vm2, v5, v0;
	v5 =	vsel vm2, v2, v7;
	v8 =	vadd.s32 v8, v61;
	v61 =	vld [tilespmem:$0x1FF80]  }
0x203: {  	vm1 =	veq.f32 v9, v3;
	vm3 =	vlt.u32 v5, v4  }
0x204: {  	vm1 =	vmand vm1, vm3;
	vm3 =	vgt.f32 v9, v3;
	v8 =	vadd.s32 $0x7FFF, v8  }
0x205: {  	v2 =	vsel vm2, v7, v2;
	vm1 =	vmor vm3, vm1;
	v8 =	vand.u32 $0xFFFF0000, v8  }
0x206: {  	v1 =	vld [tilespmem:$0x1FF20];
	v3 =	vsel vm1, v9, v3;
	v9 =	vshrl.u32 v6, $0x10;
	v8 =	vadd.f32 v8, v58  }
0x207: {  	v10 =	vld.idx.msk [tilespmem:v63+s9+$0x0], $0xffff;
	v4 =	vsel vm1, v5, v4;
	v5 =	vand.u32 $0x1, v9;
	v7 =	vor.u32 v61, v52  }
0x208: {  	vm3 =	vgt.u32 v2, v60;
	v5 =	vadd.s32 v5, v6;
	vm2 =	veq.f32 v8, v0  }
0x209: {  	v5 =	vadd.s32 $0x7FFF, v5;
	vm10 =	vgt.f32 v8, v0;
	vm2 =	vmand vm2, vm3  }
0x20a: {  	v5 =	vand.u32 $0xFFFF0000, v5;
	vm1 =	vmor vm10, vm2  }
0x20b: {  	v9 =	vsel vm1, v0, v8;
	v0 =	vsel vm1, v8, v0;
	v8 =	vcombine.low v59, v1  }
0x20c: {  	v5 =	vadd.f32 v5, v10;
	v6 =	vsel vm1, v2, v60;
	v7 =	vld.idx.msk [tilespmem:v7+s3+$0x0], $0xffff  }
0x20d: {  	vm2 =	veq.f32 v9, v3;
	vm3 =	vlt.u32 v6, v4;
	v10 =	vor.u32 v8, v52  }
0x20e: {  	v2 =	vsel vm1, v60, v2;
	vm2 =	vmand vm2, vm3;
	vm3 =	vgt.f32 v9, v3  }
0x20f: {  	vm1 =	vmor vm3, vm2;
	vm2 =	veq.f32 v5, v0;
	vm3 =	vgt.u32 v2, v63  }
0x210: {  	v60 =	vld [tilespmem:$0x1FF90];
	vm11 =	vgt.f32 v5, v0;
	v3 =	vsel vm1, v9, v3;
	vm2 =	vmand vm2, vm3  }
0x211: {  	v46 =	vld.idx.msk [tilespmem:v61+s9+$0x0], $0xffff;
	v4 =	vsel vm1, v6, v4;
	vm1 =	vmor vm11, vm2;
	v9 =	vshrl.u32 v7, $0x10  }
0x212: {  	v10 =	vld.idx.msk [tilespmem:v10+s3+$0x0], $0xffff;
	v6 =	vand.u32 $0x1, v9;
	v9 =	vsel vm1, v0, v5;
	v0 =	vsel vm1, v5, v0  }
0x213: {  	v6 =	vadd.s32 v6, v7;
	v7 =	vsel vm1, v2, v63;
	vm2 =	veq.f32 v9, v3  }
0x214: {  	v2 =	vsel vm1, v63, v2;
	vm3 =	vlt.u32 v7, v4;
	v6 =	vadd.s32 $0x7FFF, v6  }
0x215: {  	vm2 =	vmand vm2, vm3;
	v6 =	vand.u32 $0xFFFF0000, v6;
	vm3 =	vgt.f32 v9, v3  }
0x216: {  	v62 =	vld [tilespmem:$0x1FFA0];
	v6 =	vadd.f32 v6, v46;
	v46 =	vor.u32 v60, v52;
	vm1 =	vmor vm3, vm2  }
0x217: {  	v5 =	vshrl.u32 v10, $0x10;
	v3 =	vsel vm1, v9, v3;
	v9 =	vld.idx.msk [tilespmem:v8+s9+$0x0], $0xffff  }
0x218: {  	vm3 =	vgt.u32 v2, v61;
	v5 =	vand.u32 $0x1, v5;
	vm2 =	veq.f32 v6, v0  }
0x219: {  	vm12 =	vgt.f32 v6, v0;
	v5 =	vadd.s32 v5, v10;
	vm2 =	vmand vm2, vm3  }
0x21a: {  	v4 =	vsel vm1, v7, v4;
	v5 =	vadd.s32 $0x7FFF, v5;
	vm1 =	vmor vm12, vm2  }
0x21b: {  	v5 =	vand.u32 $0xFFFF0000, v5;
	v7 =	vsel vm1, v0, v6;
	v59 =	vld.idx.msk [tilespmem:v46+s3+$0x0], $0xffff  }
0x21c: {  	v10 =	vsel vm1, v2, v61;
	v5 =	vadd.f32 v5, v9;
	v9 =	vor.u32 v62, v52  }
0x21d: {  	vm2 =	veq.f32 v7, v3;
	vm3 =	vlt.u32 v10, v4  }
0x21e: {  	vm2 =	vmand vm2, vm3;
	vm3 =	vgt.f32 v7, v3  }
0x21f: {  	v0 =	vsel vm1, v6, v0;
	vm2 =	vmor vm3, vm2  }
0x220: {  	v2 =	vsel vm1, v61, v2;
	v3 =	vsel vm2, v7, v3;
	v7 =	vld.idx.msk [tilespmem:v60+s9+$0x0], $0xffff;
	v6 =	vshrl.u32 v59, $0x10  }
0x221: {  	vm1 =	veq.f32 v5, v0;
	vm3 =	vgt.u32 v2, v8;
	v6 =	vand.u32 $0x1, v6;
	v9 =	vld.idx.msk [tilespmem:v9+s3+$0x0], $0xffff  }
0x222: {  	vm1 =	vmand vm1, vm3;
	vm3 =	vgt.f32 v5, v0;
	v6 =	vadd.s32 v6, v59  }
0x223: {  	v4 =	vsel vm2, v10, v4;
	vm1 =	vmor vm3, vm1;
	v6 =	vadd.s32 $0x7FFF, v6  }
0x224: {  	v10 =	vsel vm1, v0, v5;
	v0 =	vsel vm1, v5, v0;
	v5 =	vand.u32 $0xFFFF0000, v6;
	v6 =	vld [tilespmem:$0x1FFB0]  }
0x225: {  	v46 =	vsel vm1, v2, v8  }
0x226: {  	v2 =	vsel vm1, v8, v2;
	v8 =	vld.idx.msk [tilespmem:v62+s9+$0x0], $0xffff;
	v5 =	vadd.f32 v5, v7;
	v7 =	vshrl.u32 v9, $0x10  }
0x227: {  	vm1 =	veq.f32 v10, v3;
	vm2 =	vlt.u32 v46, v4;
	v7 =	vand.u32 $0x1, v7  }
0x228: {  	vm3 =	vgt.f32 v10, v3;
	vm1 =	vmand vm1, vm2;
	v7 =	vadd.s32 v7, v9  }
0x229: {  	vm1 =	vmor vm3, vm1;
	v6 =	vor.u32 v6, v52;
	v7 =	vadd.s32 $0x7FFF, v7  }
0x22a: {  	vm3 =	vgt.u32 v2, v60;
	vm2 =	veq.f32 v5, v0;
	v7 =	vand.u32 $0xFFFF0000, v7  }
0x22b: {  	vm13 =	vgt.f32 v5, v0;
	vm2 =	vmand vm2, vm3;
	v7 =	vadd.f32 v7, v8;
	v8 =	vld [tilespmem:$0x1FFB0]  }
0x22c: {  	v61 =	vor.u32 v49, v52;
	v3 =	vsel vm1, v10, v3;
	vm2 =	vmor vm13, vm2  }
0x22d: {  	v4 =	vsel vm1, v46, v4;
	v10 =	vsel vm2, v0, v5;
	v9 =	vsel vm2, v2, v60  }
0x22e: {  	vm1 =	veq.f32 v10, v3;
	vm3 =	vlt.u32 v9, v4;
	v6 =	vld.idx.msk [tilespmem:v6+s3+$0x0], $0xffff  }
0x22f: {  	vm1 =	vmand vm1, vm3;
	vm3 =	vgt.f32 v10, v3  }
0x230: {  	vm1 =	vmor vm3, vm1  }
0x231: {  	v0 =	vsel vm2, v5, v0;
	v2 =	vsel vm2, v60, v2;
	v4 =	vsel vm1, v9, v4;
	v9 =	vld.idx.msk [tilespmem:v61+s3+$0x0], $0xffff  }
0x232: {  	vm2 =	veq.f32 v7, v0;
	vm3 =	vgt.u32 v2, v62  }
0x233: {  	vm14 =	vgt.f32 v7, v0;
	vm2 =	vmand vm2, vm3;
	v5 =	vshrl.u32 v6, $0x10;
	v8 =	vld.idx.msk [tilespmem:v8+s9+$0x0], $0xffff  }
0x234: {  	v3 =	vsel vm1, v10, v3;
	vm1 =	vmor vm14, vm2;
	v5 =	vand.u32 $0x1, v5  }
0x235: {  	v63 =	vld [tilespmem:$0x1FFB0];
	v10 =	vsel vm1, v0, v7;
	v0 =	vsel vm1, v7, v0;
	v5 =	vadd.s32 v5, v6  }
0x236: {  	vm2 =	veq.f32 v10, v3;
	v7 =	vshrl.u32 v9, $0x10;
	v5 =	vadd.s32 $0x7FFF, v5  }
0x237: {  	v7 =	vand.u32 $0x1, v7;
	v6 =	vsel vm1, v2, v62;
	v5 =	vand.u32 $0xFFFF0000, v5  }
0x238: {  	v2 =	vsel vm1, v62, v2;
	vm3 =	vlt.u32 v6, v4;
	v5 =	vadd.f32 v5, v8  }
0x239: {  	v7 =	vadd.s32 v7, v9;
	vm2 =	vmand vm2, vm3;
	vm3 =	vgt.f32 v10, v3;
	v8 =	vld.idx.msk [tilespmem:v49+s9+$0x0], $0xffff  }
0x23a: {  	vm2 =	vmor vm3, vm2;
	vm3 =	vgt.u32 v2, v63;
	vm1 =	veq.f32 v5, v0  }
0x23b: {  	v3 =	vsel vm2, v10, v3;
	vm1 =	vmand vm1, vm3;
	vm3 =	vgt.f32 v5, v0  }
0x23c: {  	v4 =	vsel vm2, v6, v4;
	v6 =	vadd.s32 $0x7FFF, v7;
	vm1 =	vmor vm3, vm1  }
0x23d: {  	v1 =	vmovc v40;
	v40 =	vmovc v54;
	v7 =	vsel vm1, v0, v5;
	v0 =	vsel vm1, v5, v0;
	v5 =	vand.u32 $0xFFFF0000, v6  }
0x23e: {  	v54 =	vmovc v11;
	v6 =	vsel vm1, v2, v63;
	v2 =	vsel vm1, v63, v2;
	v5 =	vadd.f32 v5, v8  }
0x23f: {  	v11 =	vmovc v19;
	vm1 =	vgt.f32 v7, v3;
	vm2 =	veq.f32 v7, v3;
	vm3 =	vlt.u32 v6, v4  }
0x240: {  	v19 =	vmovc v27;
	v27 =	vmovc v35;
	vm15 =	vgt.u32 v2, v49;
	vm2 =	vmand vm2, vm3;
	vm3 =	veq.f32 v5, v0  }
0x241: {  	v35 =	vmovc v43;
	v43 =	vmovc v41;
	vm1 =	vmor vm1, vm2;
	vm2 =	vmand vm3, vm15;
	vm3 =	vgt.f32 v5, v0  }
0x242: {  	v9 =	vmovc v13;
	v13 =	vmovc v17;
	v3 =	vsel vm1, v7, v3;
	v4 =	vsel vm1, v6, v4;
	vm1 =	vmor vm3, vm2  }
0x243: {  	v17 =	vmovc v21;
	v21 =	vmovc v25;
	v8 =	vor.u32 $0x1, v52;
	v6 =	vsel vm1, v0, v5;
	v7 =	vsel vm1, v2, v49  }
0x244: {  	v25 =	vmovc v29;
	v29 =	vmovc v33;
	v33 =	vmov v39;
	vm2 =	veq.f32 v6, v3;
	vm3 =	vlt.u32 v7, v4  }
0x245: {  	v39 =	vmovc v55;
	v55 =	vmovc v56;
	v56 =	vmov v57;
	vm2 =	vmand vm2, vm3;
	vm3 =	vgt.f32 v6, v3  }
0x246: {  	v57 =	vmovc v38;
	v38 =	vmovc v53;
	v53 =	vmov v12;
	v0 =	vsel vm1, v5, v0;
	vm2 =	vmor vm3, vm2  }
0x247: {  	p0 =	sne.s32 s14, $0xF0;
	v41 =	vld [tilespmem:$0x1FFC0];
	v12 =	vmovc v24;
	v24 =	vmov v32;
	v32 =	vmov v44;
	[tilespmem:v52+s11+$0x0] =	vst.idx.msk $0xffff, v0;
	v3 =	vsel vm2, v6, v3  }
.Ltmp0:
0x248: {  	v44 =	vmovc v45;
	v45 =	vmov v50;
	v50 =	vmov v48;
	v48 =	vld [tilespmem:$0x1FFD0];
	v0 =	vsel vm1, v49, v2;
	[tilespmem:v8+s11+$0x0] =	vst.idx.msk $0xffff, v3;
	(pc) =	sbr.rel @p0 .LBB2_2-.Ltmp0, $4  }
0x249: {  	v10 =	vmov v14;
	v14 =	vmov v18;
	v18 =	vmov v22;
	v5 =	vld [tilespmem:$0x1FF60];
	[tilespmem:v52+s12+$0x0] =	vst.idx.msk $0xffff, v0  }
0x24a: {  	v0 =	vsel vm2, v7, v4;
	v7 =	vmovc v15;
	v15 =	vmovc v23;
	v23 =	vmov v31;
	v31 =	vmov v37;
	v37 =	vld [tilespmem:$0x1FFE0]  }
0x24b: {  	[tilespmem:v8+s12+$0x0] =	vst.idx.msk $0xffff, v0;
	v8 =	vmovc v16;
	v16 =	vmovc v20;
	v20 =	vmov v28;
	v28 =	vmov v36;
	v36 =	vmov v47;
	v47 =	vld [tilespmem:$0x1FFF0]  }
0x24c: {  	s14 =	sadd.s32 $0x10, s14;
	v22 =	vmovc v26;
	v26 =	vmovc v30;
	v30 =	vmov v34;
	v34 =	vmov v42;
	v3 =	vlaneseq.u32;
	v0 =	vld [tilespmem:$0x1FF50]  }
0x24d: {  	[hbm4b:s5+s3] =	stream.linear.scatter [tilespmem:s12], [sflag:$0x1], $0x8000, $0x38;
	[tilespmem:$0x18080] =	vst v63  }
0x24e: {  	s13 =	sadd.s32 $0x1, s13;
	_ =	swait.ge [sflag:s10], $0x8000  }
0x24f: {  	p0 =	sne.s32 s13, s7;
	[sflag:s10] =	ssyncset.done $0x0  }
.Ltmp1:
0x250: {  	[sflag:s10] =	ssyncadd.s32 $0xFFFF8000;
	(pc) =	sbr.rel @p0 .LBB2_1-.Ltmp1, $4  }
0x251: {  	[hbm4b:s6+s3] =	stream.linear.scatter [tilespmem:s11], [sflag:$0x1], $0x8000, $0x38;
	[tilespmem:$0x18080] =	vst v63  }
0x252: {  	_ =	swait.ge [sflag:s10], $0x8000  }
0x253: {  	[sflag:s10] =	ssyncset.done $0x0  }
0x254: {  	[sflag:s10] =	ssyncadd.s32 $0xFFFF8000  }
0x255: {  	_ =	sfence.sel $0x180000  }
0x256: {  	[bflag:$0x0] =	sbarrier.arrive $0xFFFF  }
0x257: {  	p0 =	sne.s32 s2, $0x0;
	_ =	strace $0x90000047  }
0x258: {  	s0 =	sadd.s32 @!p0 $0x100000, s1;
	[bflag:$0x2] =	sbarrier.arrive $0xFFFF  }
0x259: {  	[sflag:s0] =	ssyncadd.tile.s32 @!p0 $0x1;
	_ =	shalt  }
.Lfunc_end2:
_tile_overlayer_lowered:
.L_overlay_start_2:
0x25a: {  	(tag) =	ssettag $0x2  }
0x25b: {  	s0 =	rddreg [dreg:$0x0];
	s2 =	stileid.u32  }
0x25c: {  	s1 =	rddreg [dreg:$0x1];
	p0 =	sne.s32 s2, $0x0  }
0x25d: {  	s3 =	rddreg [dreg:$0x2];
	[bflag:$0x3] =	sbarrier.arrive $0xFFFF;
	s2 =	simm.s32 @!p0 $0x1C01  }
0x25e: {  	[timem:s3], [sflag:s2] =	dma.local @!p0 [hbm:s0], s1  }
0x25f: {  	s0 =	simm.s32 @!p0 $0x1  }
0x260: {  	_ =	swait.ge @!p0 [sflag:s0], s1  }
0x261: {  	s1 =	ssub.s32 @!p0 $0x0, s1;
	[sflag:s0] =	ssyncset.done @!p0 $0x0  }
0x262: {  	[sflag:s0] =	ssyncadd.s32 @!p0 s1  }
0x263: {  	[bflag:$0x3] =	sbarrier.arrive $0xFFFF  }
0x264: {  	_ =	shalt  }

</sc_bundles>
